<compile_context>
chip_gen: v7x
topology: tpu7x:2x2x1
jax: 0.10.2.dev20260603
libtpu: 0.0.44.dev20260713+nightly
codegen_flags: <defaults>
</compile_context>

<pallas_src>
import functools

import jax
import jax.numpy as jnp
from jax import lax
from jax.experimental import pallas as pl
from jax.experimental.pallas import tpu as pltpu
from jax.experimental.pallas import tpu_sc as plsc

X = 512
Y = 512
NCELL = X * Y
B, V, C = 2, 20000, 64
VPAD = 20008
L = 16
NC, NS = 2, 16
SLAB = NCELL // NS
CCH = 2000
NCCH = V // CCH
CHUNK = 8192
NCHUNK = NCELL // CHUNK

_mesh = plsc.VectorSubcoreMesh(
    core_axis_name="c", subcore_axis_name="s", num_cores=NC, num_subcores=NS
)
_sc_params = pltpu.CompilerParams(
    needs_layout_passes=False, use_tc_tiling_on_sc=False
)


def _transpose_body(f_ref, o_ref):
    o_ref[...] = f_ref[...].T


def _transpose(feat_pad):
    return pl.pallas_call(
        _transpose_body,
        grid=(B,),
        in_specs=[pl.BlockSpec((None, VPAD, C), lambda b: (b, 0, 0))],
        out_specs=pl.BlockSpec((None, C, VPAD), lambda b: (b, 0, 0)),
        out_shape=jax.ShapeDtypeStruct((B, C, VPAD), jnp.float32),
    )(feat_pad)


@functools.partial(
    pl.kernel,
    out_type=jax.ShapeDtypeStruct((B, C, NCELL), jnp.float32),
    mesh=_mesh,
    compiler_params=_sc_params,
    scratch_types=[
        pltpu.VMEM((2, CCH * 3), jnp.int32),
        pltpu.VMEM((SLAB,), jnp.int32),
        pltpu.VMEM((SLAB,), jnp.int16),
        pltpu.VMEM((VPAD,), jnp.float32),
        pltpu.VMEM((VPAD,), jnp.float32),
        pltpu.VMEM((2, CHUNK), jnp.int16),
        pltpu.VMEM((2, 2, CHUNK), jnp.float32),
        pltpu.VMEM_SHARED((NCELL,), jnp.int16),
        pltpu.VMEM_SHARED((V * 3,), jnp.int32),
        pltpu.SemaphoreType.DMA,
        pltpu.SemaphoreType.DMA,
        pltpu.SemaphoreType.DMA,
        pltpu.SemaphoreType.DMA,
    ],
)
def _scatter_kernel(
    featT_hbm, coords_hbm, out_hbm,
    cbuf, wslab, wpack, ft0, ft1, wbuf, obuf, wshared, cshared,
    sem_c, sem_ft, sem_w, sem_o,
):
    cid = lax.axis_index("c")
    sid = lax.axis_index("s")
    ch0 = 2 * (cid * NS + sid)
    base = sid * SLAB
    lanes = lax.iota(jnp.int32, L)

    pltpu.async_copy(featT_hbm.at[0, ch0], ft0, sem_ft)
    pltpu.async_copy(featT_hbm.at[0, ch0 + 1], ft1, sem_ft)

    for b in range(B):
        @pl.when(sid < 12)
        def _():
            pltpu.sync_copy(
                coords_hbm.at[b, pl.ds(sid * 5000, 5000)],
                cshared.at[pl.ds(sid * 5000, 5000)],
            )

        @plsc.parallel_loop(0, SLAB, 8 * L, unroll=2)
        def _(o0):
            for u in range(8):
                wslab[pl.ds(o0 + u * L, L)] = jnp.full((L,), -1, jnp.int32)

        plsc.subcore_barrier()
        pltpu.async_copy(cshared.at[pl.ds(0, CCH * 3)], cbuf.at[0], sem_c)

        def coord_pair(q, carry):
            for s in range(2):
                k = q * 2 + s
                pltpu.make_async_copy(
                    cshared.at[pl.ds(0, CCH * 3)], cbuf.at[s], sem_c
                ).wait()

                @pl.when(k < NCCH - 1)
                def _():
                    pltpu.async_copy(
                        cshared.at[pl.ds((k + 1) * (CCH * 3), CCH * 3)],
                        cbuf.at[1 - s],
                        sem_c,
                    )

                def grp(i, c2):
                    vidx3 = (i * L + lanes) * 3
                    xs = plsc.load_gather(cbuf.at[s], [vidx3])
                    ys = plsc.load_gather(cbuf.at[s], [vidx3 + 1])
                    li = ys * X + xs - base
                    m = (li >= 0) & (li < SLAB)
                    li_safe = jnp.clip(li, 0, SLAB - 1)
                    vidx = (k * CCH + i * L) + lanes

                    @pl.when(jnp.any(m))
                    def _():
                        def body(_):
                            cur = plsc.load_gather(wslab, [li_safe])
                            need = m & (cur < vidx)
                            plsc.store_scatter(
                                wslab, [li_safe], jnp.maximum(cur, vidx),
                                mask=need,
                            )
                            return jnp.any(need)

                        lax.while_loop(lambda c3: c3, body, jnp.bool_(True))

                    return c2

                lax.fori_loop(0, CCH // L, grp, 0)
            return carry

        lax.fori_loop(0, NCCH // 2, coord_pair, 0)

        @plsc.parallel_loop(0, SLAB, 8 * L, unroll=2)
        def _(o0):
            for u in range(4):
                o = o0 + u * 2 * L
                w0 = wslab[pl.ds(o, L)]
                w1 = wslab[pl.ds(o + L, L)]
                w0 = jnp.where(w0 < 0, V, w0)
                w1 = jnp.where(w1 < 0, V, w1)
                wpack[pl.ds(o, 2 * L)] = plsc.pack(
                    w0, w1, format=plsc.PackFormat.INTERLEAVED
                )

        pltpu.sync_copy(wpack, wshared.at[pl.ds(base, SLAB)])

        plsc.subcore_barrier()

        pltpu.make_async_copy(featT_hbm.at[b, ch0], ft0, sem_ft).wait()
        pltpu.make_async_copy(featT_hbm.at[b, ch0 + 1], ft1, sem_ft).wait()

        pltpu.async_copy(wshared.at[pl.ds(0, CHUNK)], wbuf.at[0], sem_w)

        def emit_pair(q, carry):
            for s in range(2):
                k = q * 2 + s
                off = k * CHUNK
                t = b * NCHUNK + k
                pltpu.make_async_copy(
                    wshared.at[pl.ds(0, CHUNK)], wbuf.at[s], sem_w
                ).wait()

                @pl.when(k < NCHUNK - 1)
                def _():
                    pltpu.async_copy(
                        wshared.at[pl.ds(off + CHUNK, CHUNK)],
                        wbuf.at[1 - s],
                        sem_w,
                    )

                @pl.when(t >= 2)
                def _():
                    pltpu.make_async_copy(
                        obuf.at[s, 0], out_hbm.at[b, ch0, pl.ds(off, CHUNK)],
                        sem_o,
                    ).wait()
                    pltpu.make_async_copy(
                        obuf.at[s, 1], out_hbm.at[b, ch0, pl.ds(off, CHUNK)],
                        sem_o,
                    ).wait()

                @plsc.parallel_loop(0, CHUNK, 8 * L, unroll=2)
                def _(o0):
                    for u in range(4):
                        o = o0 + u * 2 * L
                        w16 = wbuf[s, pl.ds(o, 2 * L)]
                        g0, g1 = plsc.unpack(
                            w16, format=plsc.PackFormat.INTERLEAVED
                        )
                        obuf[s, 0, pl.ds(o, L)] = plsc.load_gather(ft0, [g0])
                        obuf[s, 0, pl.ds(o + L, L)] = plsc.load_gather(
                            ft0, [g1]
                        )
                        obuf[s, 1, pl.ds(o, L)] = plsc.load_gather(ft1, [g0])
                        obuf[s, 1, pl.ds(o + L, L)] = plsc.load_gather(
                            ft1, [g1]
                        )

                pltpu.async_copy(
                    obuf.at[s, 0], out_hbm.at[b, ch0, pl.ds(off, CHUNK)],
                    sem_o,
                )
                pltpu.async_copy(
                    obuf.at[s, 1], out_hbm.at[b, ch0 + 1, pl.ds(off, CHUNK)],
                    sem_o,
                )
            return carry

        lax.fori_loop(0, NCHUNK // 2, emit_pair, 0)

        if b == 0:
            pltpu.async_copy(featT_hbm.at[1, ch0], ft0, sem_ft)
            pltpu.async_copy(featT_hbm.at[1, ch0 + 1], ft1, sem_ft)
            plsc.subcore_barrier()

    for _ in range(4):
        pltpu.make_async_copy(
            obuf.at[0, 0], out_hbm.at[B - 1, ch0, pl.ds(0, CHUNK)], sem_o
        ).wait()


def kernel(pillar_features, coords):
    feat_pad = jnp.pad(pillar_features, ((0, 0), (0, VPAD - V), (0, 0)))
    featT = _transpose(feat_pad)
    out = _scatter_kernel(featT, coords.reshape(B, V * 3))
    return out.reshape(B, C, Y, X)

# --- scband reference (transcript-rebuilt; emitter-appended) ---
"""Pipeline reference for scband-pillar-scatter-62096637165639 (READ-ONLY COPY).

The authoritative reference and input builder live on the scoring server;
editing this copy changes nothing except your own understanding.
"""

import jax, jax.numpy as jnp
import numpy as np

IN_CHANNELS = 64
GRID = (512, 512, 1)  # X, Y, Z
B, V, C = 2, 20000, 64


def setup_inputs(seed: int = 0) -> dict:
    key = jax.random.key(seed)
    k1, k2 = jax.random.split(key)
    pillar_features = jax.random.normal(k1, (B, V, C), dtype=jnp.float32)
    coords = jax.random.randint(k2, (B, V, 3), 0, 512, dtype=jnp.int32)
    return {"pillar_features": pillar_features, "coords": coords}


def reference(pillar_features, coords):
    # Faithful translation of PillarScatter.forward:
    # scatter-overwrite pillar features into a [B, C, Y, X] BEV grid,
    # with last-write-wins semantics for duplicate (x, y) cells
    # (matching the sequential torch loop over v).
    X, Y = GRID[0], GRID[1]
    Bsz, Vn, Cn = pillar_features.shape
    x = coords[..., 0].astype(jnp.int32)
    y = coords[..., 1].astype(jnp.int32)
    valid = (x >= 0) & (x < X) & (y >= 0) & (y < Y)
    # linear index into flattened (Y, X) grid; invalid -> dump slot X*Y
    lin = jnp.where(valid, y * X + x, X * Y)

    def per_batch(lin_b, feat_b):
        v_ids = jnp.arange(Vn, dtype=jnp.int32)
        # For each cell, find the LAST pillar index v that writes to it
        # (last write wins, as in the sequential torch loop).
        winner = jnp.full((X * Y + 1,), -1, dtype=jnp.int32).at[lin_b].max(v_ids)
        winner = winner[: X * Y]
        has_val = winner >= 0
        safe_winner = jnp.clip(winner, 0, Vn - 1)
        gathered = jnp.where(has_val[:, None], feat_b[safe_winner], jnp.zeros((), feat_b.dtype))
        # lin = y*X + x is row-major over (Y, X)
        bev_b = gathered.reshape(Y, X, Cn).transpose(2, 0, 1)  # [C, Y, X]
        return bev_b

    bev = jax.vmap(per_batch)(lin, pillar_features)  # [B, C, Y, X]
    return bev

if __name__ == "__main__":
    import jax
    _d = setup_inputs()
    print(jax.jit(kernel)(*tuple(_d.values())))

</pallas_src>

<mosaic_0001>
#map = affine_map<(d0, d1) -> (0, 0, 0)>
#map1 = affine_map<(d0, d1) -> (0, 0)>
module attributes {stable_mosaic.version = 14 : i64} {
  func.func @_scatter_kernel(%arg0: i32, %arg1: i32, %arg2: memref<2x64x20008xf32, #tpu.memory_space<hbm>>, %arg3: memref<2x60000xi32, #tpu.memory_space<hbm>>, %arg4: memref<2x64x262144xf32, #tpu.memory_space<hbm>>, %arg5: memref<2x6000xi32, #tpu.memory_space<vmem>>, %arg6: memref<16384xi32, #tpu.memory_space<vmem>>, %arg7: memref<16384xi16, #tpu.memory_space<vmem>>, %arg8: memref<20008xf32, #tpu.memory_space<vmem>>, %arg9: memref<20008xf32, #tpu.memory_space<vmem>>, %arg10: memref<2x8192xi16, #tpu.memory_space<vmem>>, %arg11: memref<2x2x8192xf32, #tpu.memory_space<vmem>>, %arg12: memref<262144xi16, #tpu.memory_space<vmem_shared>>, %arg13: memref<60000xi32, #tpu.memory_space<vmem_shared>>, %arg14: memref<!tpu.dma_semaphore, #tpu.memory_space<semaphore_mem>>, %arg15: memref<!tpu.dma_semaphore, #tpu.memory_space<semaphore_mem>>, %arg16: memref<!tpu.dma_semaphore, #tpu.memory_space<semaphore_mem>>, %arg17: memref<!tpu.dma_semaphore, #tpu.memory_space<semaphore_mem>>) attributes {dimension_semantics = [#tpu.dimension_semantics<core_parallel>, #tpu.dimension_semantics<subcore_parallel>], iteration_bounds = array<i64: 2, 16>, scalar_prefetch = 0 : i64, scratch_operands = 13 : i64, tpu.core_type = #tpu.core_type<sc_vector_subcore>, window_params = [{transform_indices = #map}, {transform_indices = #map1}, {transform_indices = #map}]} {
    %mul3A = arith.constant 16 : i32
    %mul3A_0 = arith.muli %arg0, %mul3A : i32
    %add3A = arith.addi %mul3A_0, %arg1 : i32
    %mul3A_1 = arith.constant 2 : i32
    %mul3A_2 = arith.muli %mul3A_1, %add3A : i32
    %mul3A_3 = arith.constant 16384 : i32
    %mul3A_4 = arith.muli %arg1, %mul3A_3 : i32
    %iota3A = tpu.iota {dimensions = array<i32: 0>} : vector<16xi32>
    %dma_start3A = arith.constant 0 : i32
    %dma_start3A_5 = arith.constant 0 : i32
    %dma_start3A_6 = tpu.memref_slice %arg2[%dma_start3A, %mul3A_2, %dma_start3A_5] : memref<2x64x20008xf32, #tpu.memory_space<hbm>> -> memref<1x1x20008xf32, #tpu.memory_space<hbm>>
    %dma_start3A_7 = tpu.memref_squeeze %dma_start3A_6 : memref<1x1x20008xf32, #tpu.memory_space<hbm>> -> memref<20008xf32, #tpu.memory_space<hbm>>
    %dma_start3A_8 = arith.constant 0 : i32
    %dma_start3A_9 = tpu.memref_slice %arg2[%dma_start3A, %mul3A_2, %dma_start3A_8] : memref<2x64x20008xf32, #tpu.memory_space<hbm>> -> memref<1x1x20008xf32, #tpu.memory_space<hbm>>
    %dma_start3A_10 = tpu.memref_squeeze %dma_start3A_9 : memref<1x1x20008xf32, #tpu.memory_space<hbm>> -> memref<20008xf32, #tpu.memory_space<hbm>>
    tpu.enqueue_dma source(%dma_start3A_10 : memref<20008xf32, #tpu.memory_space<hbm>>) target(%arg8 : memref<20008xf32, #tpu.memory_space<vmem>>) target_semaphore(%arg15 : memref<!tpu.dma_semaphore, #tpu.memory_space<semaphore_mem>>)
    %add3A_11 = arith.constant 1 : i32
    %add3A_12 = arith.addi %mul3A_2, %add3A_11 : i32
    %dma_start3A_13 = arith.constant 0 : i32
    %dma_start3A_14 = arith.constant 0 : i32
    %dma_start3A_15 = tpu.memref_slice %arg2[%dma_start3A_13, %add3A_12, %dma_start3A_14] : memref<2x64x20008xf32, #tpu.memory_space<hbm>> -> memref<1x1x20008xf32, #tpu.memory_space<hbm>>
    %dma_start3A_16 = tpu.memref_squeeze %dma_start3A_15 : memref<1x1x20008xf32, #tpu.memory_space<hbm>> -> memref<20008xf32, #tpu.memory_space<hbm>>
    %dma_start3A_17 = arith.constant 0 : i32
    %dma_start3A_18 = tpu.memref_slice %arg2[%dma_start3A_13, %add3A_12, %dma_start3A_17] : memref<2x64x20008xf32, #tpu.memory_space<hbm>> -> memref<1x1x20008xf32, #tpu.memory_space<hbm>>
    %dma_start3A_19 = tpu.memref_squeeze %dma_start3A_18 : memref<1x1x20008xf32, #tpu.memory_space<hbm>> -> memref<20008xf32, #tpu.memory_space<hbm>>
    tpu.enqueue_dma source(%dma_start3A_19 : memref<20008xf32, #tpu.memory_space<hbm>>) target(%arg9 : memref<20008xf32, #tpu.memory_space<vmem>>) target_semaphore(%arg15 : memref<!tpu.dma_semaphore, #tpu.memory_space<semaphore_mem>>)
    %lt3A = arith.constant 12 : i32
    %lt3A_20 = arith.cmpi slt, %arg1, %lt3A : i32
    %convert_element_type3A = arith.extui %lt3A_20 : i1 to i32
    %cond3A = arith.constant 0 : i32
    %cond3A_21 = arith.cmpi ne, %convert_element_type3A, %cond3A : i32
    scf.if %cond3A_21 {
      %mul3A_216 = arith.constant 5000 : i32
      %mul3A_217 = arith.muli %arg1, %mul3A_216 : i32
      %mul3A_218 = arith.constant 5000 : i32
      %mul3A_219 = arith.muli %arg1, %mul3A_218 : i32
      %run_scoped3A = arith.constant 0 : i32
      "tpu.region"() ({
        %run_scoped3A_220 = tpu.sem_alloc : memref<!tpu.dma_semaphore, #tpu.memory_space<semaphore_mem>>
        %dma_start3A_221 = tpu.memref_slice %arg13[%mul3A_219] : memref<60000xi32, #tpu.memory_space<vmem_shared>> -> memref<5000xi32, #tpu.memory_space<vmem_shared>>
        %dma_start3A_222 = tpu.memref_slice %arg3[%run_scoped3A, %mul3A_217] : memref<2x60000xi32, #tpu.memory_space<hbm>> -> memref<1x5000xi32, #tpu.memory_space<hbm>>
        %dma_start3A_223 = tpu.memref_squeeze %dma_start3A_222 : memref<1x5000xi32, #tpu.memory_space<hbm>> -> memref<5000xi32, #tpu.memory_space<hbm>>
        tpu.enqueue_dma source(%dma_start3A_223 : memref<5000xi32, #tpu.memory_space<hbm>>) target(%dma_start3A_221 : memref<5000xi32, #tpu.memory_space<vmem_shared>>) target_semaphore(%run_scoped3A_220 : memref<!tpu.dma_semaphore, #tpu.memory_space<semaphore_mem>>)
        %dma_wait3A_224 = tpu.memref_slice %arg13[%mul3A_219] : memref<60000xi32, #tpu.memory_space<vmem_shared>> -> memref<5000xi32, #tpu.memory_space<vmem_shared>>
        %dma_wait3A_225 = tpu.memref_slice %arg3[%run_scoped3A, %mul3A_217] : memref<2x60000xi32, #tpu.memory_space<hbm>> -> memref<1x5000xi32, #tpu.memory_space<hbm>>
        %dma_wait3A_226 = tpu.memref_squeeze %dma_wait3A_225 : memref<1x5000xi32, #tpu.memory_space<hbm>> -> memref<5000xi32, #tpu.memory_space<hbm>>
        tpu.wait_dma2 semaphore(%run_scoped3A_220 : memref<!tpu.dma_semaphore, #tpu.memory_space<semaphore_mem>>) src(%dma_wait3A_226 : memref<5000xi32, #tpu.memory_space<hbm>>) dst(%dma_wait3A_224 : memref<5000xi32, #tpu.memory_space<vmem_shared>>)
        tpu.yield
      }) : () -> ()
    } else {
    }
    %parallel_loop3A = arith.constant 0 : i32
    %parallel_loop3A_22 = arith.constant 16384 : i32
    %parallel_loop3A_23 = arith.constant 128 : i32
    scf.for %parallel_loop3A_216 = %parallel_loop3A to %parallel_loop3A_22 step %parallel_loop3A_23  : i32 {
      %parallel_loop3A_217 = arith.constant -1 : i32
      %parallel_loop3A_218 = vector.broadcast %parallel_loop3A_217 : i32 to vector<16xi32>
      %parallel_loop3A_219 = arith.constant 0 : i32
      %parallel_loop3A_220 = arith.addi %parallel_loop3A_216, %parallel_loop3A_219 : i32
      %parallel_loop3A_221 = arith.index_cast %parallel_loop3A_220 : i32 to index
      %parallel_loop3A_222 = tpu.vector_load %arg6[%parallel_loop3A_221] {strides = array<i32>} : memref<16384xi32, #tpu.memory_space<vmem>>, vector<16xi32>,
      tpu.vector_store %arg6[%parallel_loop3A_221], %parallel_loop3A_218 {strides = array<i32>} : memref<16384xi32, #tpu.memory_space<vmem>>, vector<16xi32>,
      %parallel_loop3A_223 = arith.constant -1 : i32
      %parallel_loop3A_224 = vector.broadcast %parallel_loop3A_223 : i32 to vector<16xi32>
      %parallel_loop3A_225 = arith.constant 16 : i32
      %parallel_loop3A_226 = arith.addi %parallel_loop3A_216, %parallel_loop3A_225 : i32
      %parallel_loop3A_227 = arith.index_cast %parallel_loop3A_226 : i32 to index
      %parallel_loop3A_228 = tpu.vector_load %arg6[%parallel_loop3A_227] {strides = array<i32>} : memref<16384xi32, #tpu.memory_space<vmem>>, vector<16xi32>,
      tpu.vector_store %arg6[%parallel_loop3A_227], %parallel_loop3A_224 {strides = array<i32>} : memref<16384xi32, #tpu.memory_space<vmem>>, vector<16xi32>,
      %parallel_loop3A_229 = arith.constant -1 : i32
      %parallel_loop3A_230 = vector.broadcast %parallel_loop3A_229 : i32 to vector<16xi32>
      %parallel_loop3A_231 = arith.constant 32 : i32
      %parallel_loop3A_232 = arith.addi %parallel_loop3A_216, %parallel_loop3A_231 : i32
      %parallel_loop3A_233 = arith.index_cast %parallel_loop3A_232 : i32 to index
      %parallel_loop3A_234 = tpu.vector_load %arg6[%parallel_loop3A_233] {strides = array<i32>} : memref<16384xi32, #tpu.memory_space<vmem>>, vector<16xi32>,
      tpu.vector_store %arg6[%parallel_loop3A_233], %parallel_loop3A_230 {strides = array<i32>} : memref<16384xi32, #tpu.memory_space<vmem>>, vector<16xi32>,
      %parallel_loop3A_235 = arith.constant -1 : i32
      %parallel_loop3A_236 = vector.broadcast %parallel_loop3A_235 : i32 to vector<16xi32>
      %parallel_loop3A_237 = arith.constant 48 : i32
      %parallel_loop3A_238 = arith.addi %parallel_loop3A_216, %parallel_loop3A_237 : i32
      %parallel_loop3A_239 = arith.index_cast %parallel_loop3A_238 : i32 to index
      %parallel_loop3A_240 = tpu.vector_load %arg6[%parallel_loop3A_239] {strides = array<i32>} : memref<16384xi32, #tpu.memory_space<vmem>>, vector<16xi32>,
      tpu.vector_store %arg6[%parallel_loop3A_239], %parallel_loop3A_236 {strides = array<i32>} : memref<16384xi32, #tpu.memory_space<vmem>>, vector<16xi32>,
      %parallel_loop3A_241 = arith.constant -1 : i32
      %parallel_loop3A_242 = vector.broadcast %parallel_loop3A_241 : i32 to vector<16xi32>
      %parallel_loop3A_243 = arith.constant 64 : i32
      %parallel_loop3A_244 = arith.addi %parallel_loop3A_216, %parallel_loop3A_243 : i32
      %parallel_loop3A_245 = arith.index_cast %parallel_loop3A_244 : i32 to index
      %parallel_loop3A_246 = tpu.vector_load %arg6[%parallel_loop3A_245] {strides = array<i32>} : memref<16384xi32, #tpu.memory_space<vmem>>, vector<16xi32>,
      tpu.vector_store %arg6[%parallel_loop3A_245], %parallel_loop3A_242 {strides = array<i32>} : memref<16384xi32, #tpu.memory_space<vmem>>, vector<16xi32>,
      %parallel_loop3A_247 = arith.constant -1 : i32
      %parallel_loop3A_248 = vector.broadcast %parallel_loop3A_247 : i32 to vector<16xi32>
      %parallel_loop3A_249 = arith.constant 80 : i32
      %parallel_loop3A_250 = arith.addi %parallel_loop3A_216, %parallel_loop3A_249 : i32
      %parallel_loop3A_251 = arith.index_cast %parallel_loop3A_250 : i32 to index
      %parallel_loop3A_252 = tpu.vector_load %arg6[%parallel_loop3A_251] {strides = array<i32>} : memref<16384xi32, #tpu.memory_space<vmem>>, vector<16xi32>,
      tpu.vector_store %arg6[%parallel_loop3A_251], %parallel_loop3A_248 {strides = array<i32>} : memref<16384xi32, #tpu.memory_space<vmem>>, vector<16xi32>,
      %parallel_loop3A_253 = arith.constant -1 : i32
      %parallel_loop3A_254 = vector.broadcast %parallel_loop3A_253 : i32 to vector<16xi32>
      %parallel_loop3A_255 = arith.constant 96 : i32
      %parallel_loop3A_256 = arith.addi %parallel_loop3A_216, %parallel_loop3A_255 : i32
      %parallel_loop3A_257 = arith.index_cast %parallel_loop3A_256 : i32 to index
      %parallel_loop3A_258 = tpu.vector_load %arg6[%parallel_loop3A_257] {strides = array<i32>} : memref<16384xi32, #tpu.memory_space<vmem>>, vector<16xi32>,
      tpu.vector_store %arg6[%parallel_loop3A_257], %parallel_loop3A_254 {strides = array<i32>} : memref<16384xi32, #tpu.memory_space<vmem>>, vector<16xi32>,
      %parallel_loop3A_259 = arith.constant -1 : i32
      %parallel_loop3A_260 = vector.broadcast %parallel_loop3A_259 : i32 to vector<16xi32>
      %parallel_loop3A_261 = arith.constant 112 : i32
      %parallel_loop3A_262 = arith.addi %parallel_loop3A_216, %parallel_loop3A_261 : i32
      %parallel_loop3A_263 = arith.index_cast %parallel_loop3A_262 : i32 to index
      %parallel_loop3A_264 = tpu.vector_load %arg6[%parallel_loop3A_263] {strides = array<i32>} : memref<16384xi32, #tpu.memory_space<vmem>>, vector<16xi32>,
      tpu.vector_store %arg6[%parallel_loop3A_263], %parallel_loop3A_260 {strides = array<i32>} : memref<16384xi32, #tpu.memory_space<vmem>>, vector<16xi32>,
    } {sc.loop_unroll_factor = 2 : i64, sc.parallel_access}
    %barrier3A = arith.constant 0 : index
    tpu.barrier barrier_id(%barrier3A)
    %dma_start3A_24 = arith.constant 0 : i32
    %dma_start3A_25 = arith.constant 0 : i32
    %dma_start3A_26 = tpu.memref_slice %arg5[%dma_start3A_24, %dma_start3A_25] : memref<2x6000xi32, #tpu.memory_space<vmem>> -> memref<1x6000xi32, #tpu.memory_space<vmem>>
    %dma_start3A_27 = tpu.memref_squeeze %dma_start3A_26 : memref<1x6000xi32, #tpu.memory_space<vmem>> -> memref<6000xi32, #tpu.memory_space<vmem>>
    %dma_start3A_28 = arith.constant 0 : i32
    %dma_start3A_29 = tpu.memref_slice %arg13[%dma_start3A_28] : memref<60000xi32, #tpu.memory_space<vmem_shared>> -> memref<6000xi32, #tpu.memory_space<vmem_shared>>
    %dma_start3A_30 = arith.constant 0 : i32
    %dma_start3A_31 = tpu.memref_slice %arg5[%dma_start3A_24, %dma_start3A_30] : memref<2x6000xi32, #tpu.memory_space<vmem>> -> memref<1x6000xi32, #tpu.memory_space<vmem>>
    %dma_start3A_32 = tpu.memref_squeeze %dma_start3A_31 : memref<1x6000xi32, #tpu.memory_space<vmem>> -> memref<6000xi32, #tpu.memory_space<vmem>>
    %dma_start3A_33 = arith.constant 0 : i32
    %dma_start3A_34 = tpu.memref_slice %arg13[%dma_start3A_33] : memref<60000xi32, #tpu.memory_space<vmem_shared>> -> memref<6000xi32, #tpu.memory_space<vmem_shared>>
    tpu.enqueue_dma source(%dma_start3A_34 : memref<6000xi32, #tpu.memory_space<vmem_shared>>) target(%dma_start3A_32 : memref<6000xi32, #tpu.memory_space<vmem>>) target_semaphore(%arg14 : memref<!tpu.dma_semaphore, #tpu.memory_space<semaphore_mem>>)
    %scan3A = arith.constant 0 : i32
    %scan3A_35 = arith.constant 0 : i32
    %scan3A_36 = arith.constant 5 : i32
    %scan3A_37 = arith.addi %scan3A_35, %scan3A_36 : i32
    %scan3A_38 = arith.constant 1 : i32
    scf.for %scan3A_216 = %scan3A_35 to %scan3A_37 step %scan3A_38  : i32 {
      %mul3A_217 = arith.constant 2 : i32
      %mul3A_218 = arith.muli %scan3A_216, %mul3A_217 : i32
      %add3A_219 = arith.constant 0 : i32
      %add3A_220 = arith.addi %mul3A_218, %add3A_219 : i32
      %dma_wait3A_221 = arith.constant 0 : i32
      %dma_wait3A_222 = arith.constant 0 : i32
      %dma_wait3A_223 = tpu.memref_slice %arg5[%dma_wait3A_221, %dma_wait3A_222] : memref<2x6000xi32, #tpu.memory_space<vmem>> -> memref<1x6000xi32, #tpu.memory_space<vmem>>
      %dma_wait3A_224 = tpu.memref_squeeze %dma_wait3A_223 : memref<1x6000xi32, #tpu.memory_space<vmem>> -> memref<6000xi32, #tpu.memory_space<vmem>>
      %dma_wait3A_225 = arith.constant 0 : i32
      %dma_wait3A_226 = tpu.memref_slice %arg13[%dma_wait3A_225] : memref<60000xi32, #tpu.memory_space<vmem_shared>> -> memref<6000xi32, #tpu.memory_space<vmem_shared>>
      %dma_wait3A_227 = arith.constant 0 : i32
      %dma_wait3A_228 = tpu.memref_slice %arg5[%dma_wait3A_221, %dma_wait3A_227] : memref<2x6000xi32, #tpu.memory_space<vmem>> -> memref<1x6000xi32, #tpu.memory_space<vmem>>
      %dma_wait3A_229 = tpu.memref_squeeze %dma_wait3A_228 : memref<1x6000xi32, #tpu.memory_space<vmem>> -> memref<6000xi32, #tpu.memory_space<vmem>>
      %dma_wait3A_230 = arith.constant 0 : i32
      %dma_wait3A_231 = tpu.memref_slice %arg13[%dma_wait3A_230] : memref<60000xi32, #tpu.memory_space<vmem_shared>> -> memref<6000xi32, #tpu.memory_space<vmem_shared>>
      tpu.wait_dma2 semaphore(%arg14 : memref<!tpu.dma_semaphore, #tpu.memory_space<semaphore_mem>>) src(%dma_wait3A_231 : memref<6000xi32, #tpu.memory_space<vmem_shared>>) dst(%dma_wait3A_229 : memref<6000xi32, #tpu.memory_space<vmem>>)
      %lt3A_232 = arith.constant 9 : i32
      %lt3A_233 = arith.cmpi slt, %add3A_220, %lt3A_232 : i32
      %convert_element_type3A_234 = arith.extui %lt3A_233 : i1 to i32
      %cond3A_235 = arith.constant 0 : i32
      %cond3A_236 = arith.cmpi ne, %convert_element_type3A_234, %cond3A_235 : i32
      scf.if %cond3A_236 {
        %add3A_269 = arith.constant 1 : i32
        %add3A_270 = arith.addi %add3A_220, %add3A_269 : i32
        %mul3A_271 = arith.constant 6000 : i32
        %mul3A_272 = arith.muli %add3A_270, %mul3A_271 : i32
        %dma_start3A_273 = arith.constant 1 : i32
        %dma_start3A_274 = arith.constant 0 : i32
        %dma_start3A_275 = tpu.memref_slice %arg5[%dma_start3A_273, %dma_start3A_274] : memref<2x6000xi32, #tpu.memory_space<vmem>> -> memref<1x6000xi32, #tpu.memory_space<vmem>>
        %dma_start3A_276 = tpu.memref_squeeze %dma_start3A_275 : memref<1x6000xi32, #tpu.memory_space<vmem>> -> memref<6000xi32, #tpu.memory_space<vmem>>
        %dma_start3A_277 = tpu.memref_slice %arg13[%mul3A_272] : memref<60000xi32, #tpu.memory_space<vmem_shared>> -> memref<6000xi32, #tpu.memory_space<vmem_shared>>
        %dma_start3A_278 = arith.constant 0 : i32
        %dma_start3A_279 = tpu.memref_slice %arg5[%dma_start3A_273, %dma_start3A_278] : memref<2x6000xi32, #tpu.memory_space<vmem>> -> memref<1x6000xi32, #tpu.memory_space<vmem>>
        %dma_start3A_280 = tpu.memref_squeeze %dma_start3A_279 : memref<1x6000xi32, #tpu.memory_space<vmem>> -> memref<6000xi32, #tpu.memory_space<vmem>>
        %dma_start3A_281 = tpu.memref_slice %arg13[%mul3A_272] : memref<60000xi32, #tpu.memory_space<vmem_shared>> -> memref<6000xi32, #tpu.memory_space<vmem_shared>>
        tpu.enqueue_dma source(%dma_start3A_281 : memref<6000xi32, #tpu.memory_space<vmem_shared>>) target(%dma_start3A_280 : memref<6000xi32, #tpu.memory_space<vmem>>) target_semaphore(%arg14 : memref<!tpu.dma_semaphore, #tpu.memory_space<semaphore_mem>>)
      } else {
      }
      %scan3A_237 = arith.constant 0 : i32
      %scan3A_238 = arith.constant 0 : i32
      %scan3A_239 = arith.constant 125 : i32
      %scan3A_240 = arith.addi %scan3A_238, %scan3A_239 : i32
      %scan3A_241 = arith.constant 1 : i32
      scf.for %scan3A_269 = %scan3A_238 to %scan3A_240 step %scan3A_241  : i32 {
        %mul3A_270 = arith.constant 16 : i32
        %mul3A_271 = arith.muli %scan3A_269, %mul3A_270 : i32
        %add3A_272 = vector.broadcast %mul3A_271 : i32 to vector<16xi32>
        %add3A_273 = arith.addi %add3A_272, %iota3A : vector<16xi32>
        %mul3A_274 = arith.constant 3 : i32
        %mul3A_275 = vector.broadcast %mul3A_274 : i32 to vector<16xi32>
        %mul3A_276 = arith.muli %add3A_273, %mul3A_275 : vector<16xi32>
        %gather3A = arith.constant 0 : i32
        %gather3A_277 = arith.constant 0 : i32
        %gather3A_278 = tpu.memref_slice %arg5[%gather3A, %gather3A_277] : memref<2x6000xi32, #tpu.memory_space<vmem>> -> memref<1x6000xi32, #tpu.memory_space<vmem>>
        %gather3A_279 = tpu.memref_squeeze %gather3A_278 : memref<1x6000xi32, #tpu.memory_space<vmem>> -> memref<6000xi32, #tpu.memory_space<vmem>>
        %gather3A_280 = tpu.vector_load_idx %gather3A_279[%mul3A_276] : memref<6000xi32, #tpu.memory_space<vmem>>[vector<16xi32>], vector<16xi32>,
        %add3A_281 = arith.constant 1 : i32
        %add3A_282 = vector.broadcast %add3A_281 : i32 to vector<16xi32>
        %add3A_283 = arith.addi %mul3A_276, %add3A_282 : vector<16xi32>
        %gather3A_284 = arith.constant 0 : i32
        %gather3A_285 = arith.constant 0 : i32
        %gather3A_286 = tpu.memref_slice %arg5[%gather3A_284, %gather3A_285] : memref<2x6000xi32, #tpu.memory_space<vmem>> -> memref<1x6000xi32, #tpu.memory_space<vmem>>
        %gather3A_287 = tpu.memref_squeeze %gather3A_286 : memref<1x6000xi32, #tpu.memory_space<vmem>> -> memref<6000xi32, #tpu.memory_space<vmem>>
        %gather3A_288 = tpu.vector_load_idx %gather3A_287[%add3A_283] : memref<6000xi32, #tpu.memory_space<vmem>>[vector<16xi32>], vector<16xi32>,
        %mul3A_289 = arith.constant 512 : i32
        %mul3A_290 = vector.broadcast %mul3A_289 : i32 to vector<16xi32>
        %mul3A_291 = arith.muli %gather3A_288, %mul3A_290 : vector<16xi32>
        %add3A_292 = arith.addi %mul3A_291, %gather3A_280 : vector<16xi32>
        %sub3A = vector.broadcast %mul3A_4 : i32 to vector<16xi32>
        %sub3A_293 = arith.subi %add3A_292, %sub3A : vector<16xi32>
        %ge3A = arith.constant 0 : i32
        %ge3A_294 = vector.broadcast %ge3A : i32 to vector<16xi32>
        %ge3A_295 = arith.cmpi sge, %sub3A_293, %ge3A_294 : vector<16xi32>
        %lt3A_296 = arith.constant 16384 : i32
        %lt3A_297 = vector.broadcast %lt3A_296 : i32 to vector<16xi32>
        %lt3A_298 = arith.cmpi slt, %sub3A_293, %lt3A_297 : vector<16xi32>
        %and3A = arith.andi %ge3A_295, %lt3A_298 : vector<16xi1>
        %jit3A = arith.constant 0 : i32
        %jit3A_299 = arith.constant 16383 : i32
        %max3A = vector.broadcast %jit3A : i32 to vector<16xi32>
        %max3A_300 = arith.maxsi %max3A, %sub3A_293 : vector<16xi32>
        %min3A = vector.broadcast %jit3A_299 : i32 to vector<16xi32>
        %min3A_301 = arith.minsi %min3A, %max3A_300 : vector<16xi32>
        %mul3A_302 = arith.constant 2000 : i32
        %mul3A_303 = arith.muli %add3A_220, %mul3A_302 : i32
        %mul3A_304 = arith.constant 16 : i32
        %mul3A_305 = arith.muli %scan3A_269, %mul3A_304 : i32
        %add3A_306 = arith.addi %mul3A_303, %mul3A_305 : i32
        %add3A_307 = vector.broadcast %add3A_306 : i32 to vector<16xi32>
        %add3A_308 = arith.addi %add3A_307, %iota3A : vector<16xi32>
        %reduce_or3A = arith.constant 1.000000e+00 : f32
        %reduce_or3A_309 = arith.constant 0.000000e+00 : f32
        %reduce_or3A_310 = vector.broadcast %reduce_or3A : f32 to vector<16xf32>
        %reduce_or3A_311 = vector.broadcast %reduce_or3A_309 : f32 to vector<16xf32>
        %reduce_or3A_312 = arith.select %and3A, %reduce_or3A_310, %reduce_or3A_311 : vector<16xi1>, vector<16xf32>
        %reduce_or3A_313 = arith.constant true
        %reduce_or3A_314 = vector.broadcast %reduce_or3A_313 : i1 to vector<16xi1>
        %reduce_or3A_315 = tpu.scan <max>, %reduce_or3A_312 masked %reduce_or3A_314 : vector<16xf32>, vector<16xi1> -> vector<16xf32>
        %reduce_or3A_316 = vector.extract %reduce_or3A_315[15] : f32 from vector<16xf32>
        %reduce_or3A_317 = arith.constant 0.000000e+00 : f32
        %reduce_or3A_318 = arith.cmpf ogt, %reduce_or3A_316, %reduce_or3A_317 : f32
        %convert_element_type3A_319 = arith.extui %reduce_or3A_318 : i1 to i32
        %cond3A_320 = arith.constant 0 : i32
        %cond3A_321 = arith.cmpi ne, %convert_element_type3A_319, %cond3A_320 : i32
        scf.if %cond3A_321 {
          %while3A = arith.constant true
          %while3A_322 = scf.while (%while3A_323 = %while3A) : (i1) -> i1 {
            scf.condition(%while3A_323) %while3A_323 : i1
          } do {
          ^bb0(%while3A_323: i1):
            %gather3A_324 = tpu.vector_load_idx %arg6[%min3A_301] : memref<16384xi32, #tpu.memory_space<vmem>>[vector<16xi32>], vector<16xi32>,
            %lt3A_325 = arith.cmpi slt, %gather3A_324, %add3A_308 : vector<16xi32>
            %and3A_326 = arith.andi %and3A, %lt3A_325 : vector<16xi1>
            %max3A_327 = arith.maxsi %gather3A_324, %add3A_308 : vector<16xi32>
            tpu.vector_store_idx %arg6[%min3A_301], %max3A_327 masked %and3A_326 : memref<16384xi32, #tpu.memory_space<vmem>>[vector<16xi32>], vector<16xi32>, vector<16xi1>
            %reduce_or3A_328 = arith.constant 1.000000e+00 : f32
            %reduce_or3A_329 = arith.constant 0.000000e+00 : f32
            %reduce_or3A_330 = vector.broadcast %reduce_or3A_328 : f32 to vector<16xf32>
            %reduce_or3A_331 = vector.broadcast %reduce_or3A_329 : f32 to vector<16xf32>
            %reduce_or3A_332 = arith.select %and3A_326, %reduce_or3A_330, %reduce_or3A_331 : vector<16xi1>, vector<16xf32>
            %reduce_or3A_333 = arith.constant true
            %reduce_or3A_334 = vector.broadcast %reduce_or3A_333 : i1 to vector<16xi1>
            %reduce_or3A_335 = tpu.scan <max>, %reduce_or3A_332 masked %reduce_or3A_334 : vector<16xf32>, vector<16xi1> -> vector<16xf32>
            %reduce_or3A_336 = vector.extract %reduce_or3A_335[15] : f32 from vector<16xf32>
            %reduce_or3A_337 = arith.constant 0.000000e+00 : f32
            %reduce_or3A_338 = arith.cmpf ogt, %reduce_or3A_336, %reduce_or3A_337 : f32
            scf.yield %reduce_or3A_338 : i1
          }
        } else {
        }
      }
      %scan3A_242 = arith.constant 125 : i32
      %mul3A_243 = arith.constant 2 : i32
      %mul3A_244 = arith.muli %scan3A_216, %mul3A_243 : i32
      %add3A_245 = arith.constant 1 : i32
      %add3A_246 = arith.addi %mul3A_244, %add3A_245 : i32
      %dma_wait3A_247 = arith.constant 1 : i32
      %dma_wait3A_248 = arith.constant 0 : i32
      %dma_wait3A_249 = tpu.memref_slice %arg5[%dma_wait3A_247, %dma_wait3A_248] : memref<2x6000xi32, #tpu.memory_space<vmem>> -> memref<1x6000xi32, #tpu.memory_space<vmem>>
      %dma_wait3A_250 = tpu.memref_squeeze %dma_wait3A_249 : memref<1x6000xi32, #tpu.memory_space<vmem>> -> memref<6000xi32, #tpu.memory_space<vmem>>
      %dma_wait3A_251 = arith.constant 0 : i32
      %dma_wait3A_252 = tpu.memref_slice %arg13[%dma_wait3A_251] : memref<60000xi32, #tpu.memory_space<vmem_shared>> -> memref<6000xi32, #tpu.memory_space<vmem_shared>>
      %dma_wait3A_253 = arith.constant 0 : i32
      %dma_wait3A_254 = tpu.memref_slice %arg5[%dma_wait3A_247, %dma_wait3A_253] : memref<2x6000xi32, #tpu.memory_space<vmem>> -> memref<1x6000xi32, #tpu.memory_space<vmem>>
      %dma_wait3A_255 = tpu.memref_squeeze %dma_wait3A_254 : memref<1x6000xi32, #tpu.memory_space<vmem>> -> memref<6000xi32, #tpu.memory_space<vmem>>
      %dma_wait3A_256 = arith.constant 0 : i32
      %dma_wait3A_257 = tpu.memref_slice %arg13[%dma_wait3A_256] : memref<60000xi32, #tpu.memory_space<vmem_shared>> -> memref<6000xi32, #tpu.memory_space<vmem_shared>>
      tpu.wait_dma2 semaphore(%arg14 : memref<!tpu.dma_semaphore, #tpu.memory_space<semaphore_mem>>) src(%dma_wait3A_257 : memref<6000xi32, #tpu.memory_space<vmem_shared>>) dst(%dma_wait3A_255 : memref<6000xi32, #tpu.memory_space<vmem>>)
      %lt3A_258 = arith.constant 9 : i32
      %lt3A_259 = arith.cmpi slt, %add3A_246, %lt3A_258 : i32
      %convert_element_type3A_260 = arith.extui %lt3A_259 : i1 to i32
      %cond3A_261 = arith.constant 0 : i32
      %cond3A_262 = arith.cmpi ne, %convert_element_type3A_260, %cond3A_261 : i32
      scf.if %cond3A_262 {
        %add3A_269 = arith.constant 1 : i32
        %add3A_270 = arith.addi %add3A_246, %add3A_269 : i32
        %mul3A_271 = arith.constant 6000 : i32
        %mul3A_272 = arith.muli %add3A_270, %mul3A_271 : i32
        %dma_start3A_273 = arith.constant 0 : i32
        %dma_start3A_274 = arith.constant 0 : i32
        %dma_start3A_275 = tpu.memref_slice %arg5[%dma_start3A_273, %dma_start3A_274] : memref<2x6000xi32, #tpu.memory_space<vmem>> -> memref<1x6000xi32, #tpu.memory_space<vmem>>
        %dma_start3A_276 = tpu.memref_squeeze %dma_start3A_275 : memref<1x6000xi32, #tpu.memory_space<vmem>> -> memref<6000xi32, #tpu.memory_space<vmem>>
        %dma_start3A_277 = tpu.memref_slice %arg13[%mul3A_272] : memref<60000xi32, #tpu.memory_space<vmem_shared>> -> memref<6000xi32, #tpu.memory_space<vmem_shared>>
        %dma_start3A_278 = arith.constant 0 : i32
        %dma_start3A_279 = tpu.memref_slice %arg5[%dma_start3A_273, %dma_start3A_278] : memref<2x6000xi32, #tpu.memory_space<vmem>> -> memref<1x6000xi32, #tpu.memory_space<vmem>>
        %dma_start3A_280 = tpu.memref_squeeze %dma_start3A_279 : memref<1x6000xi32, #tpu.memory_space<vmem>> -> memref<6000xi32, #tpu.memory_space<vmem>>
        %dma_start3A_281 = tpu.memref_slice %arg13[%mul3A_272] : memref<60000xi32, #tpu.memory_space<vmem_shared>> -> memref<6000xi32, #tpu.memory_space<vmem_shared>>
        tpu.enqueue_dma source(%dma_start3A_281 : memref<6000xi32, #tpu.memory_space<vmem_shared>>) target(%dma_start3A_280 : memref<6000xi32, #tpu.memory_space<vmem>>) target_semaphore(%arg14 : memref<!tpu.dma_semaphore, #tpu.memory_space<semaphore_mem>>)
      } else {
      }
      %scan3A_263 = arith.constant 0 : i32
      %scan3A_264 = arith.constant 0 : i32
      %scan3A_265 = arith.constant 125 : i32
      %scan3A_266 = arith.addi %scan3A_264, %scan3A_265 : i32
      %scan3A_267 = arith.constant 1 : i32
      scf.for %scan3A_269 = %scan3A_264 to %scan3A_266 step %scan3A_267  : i32 {
        %mul3A_270 = arith.constant 16 : i32
        %mul3A_271 = arith.muli %scan3A_269, %mul3A_270 : i32
        %add3A_272 = vector.broadcast %mul3A_271 : i32 to vector<16xi32>
        %add3A_273 = arith.addi %add3A_272, %iota3A : vector<16xi32>
        %mul3A_274 = arith.constant 3 : i32
        %mul3A_275 = vector.broadcast %mul3A_274 : i32 to vector<16xi32>
        %mul3A_276 = arith.muli %add3A_273, %mul3A_275 : vector<16xi32>
        %gather3A = arith.constant 1 : i32
        %gather3A_277 = arith.constant 0 : i32
        %gather3A_278 = tpu.memref_slice %arg5[%gather3A, %gather3A_277] : memref<2x6000xi32, #tpu.memory_space<vmem>> -> memref<1x6000xi32, #tpu.memory_space<vmem>>
        %gather3A_279 = tpu.memref_squeeze %gather3A_278 : memref<1x6000xi32, #tpu.memory_space<vmem>> -> memref<6000xi32, #tpu.memory_space<vmem>>
        %gather3A_280 = tpu.vector_load_idx %gather3A_279[%mul3A_276] : memref<6000xi32, #tpu.memory_space<vmem>>[vector<16xi32>], vector<16xi32>,
        %add3A_281 = arith.constant 1 : i32
        %add3A_282 = vector.broadcast %add3A_281 : i32 to vector<16xi32>
        %add3A_283 = arith.addi %mul3A_276, %add3A_282 : vector<16xi32>
        %gather3A_284 = arith.constant 1 : i32
        %gather3A_285 = arith.constant 0 : i32
        %gather3A_286 = tpu.memref_slice %arg5[%gather3A_284, %gather3A_285] : memref<2x6000xi32, #tpu.memory_space<vmem>> -> memref<1x6000xi32, #tpu.memory_space<vmem>>
        %gather3A_287 = tpu.memref_squeeze %gather3A_286 : memref<1x6000xi32, #tpu.memory_space<vmem>> -> memref<6000xi32, #tpu.memory_space<vmem>>
        %gather3A_288 = tpu.vector_load_idx %gather3A_287[%add3A_283] : memref<6000xi32, #tpu.memory_space<vmem>>[vector<16xi32>], vector<16xi32>,
        %mul3A_289 = arith.constant 512 : i32
        %mul3A_290 = vector.broadcast %mul3A_289 : i32 to vector<16xi32>
        %mul3A_291 = arith.muli %gather3A_288, %mul3A_290 : vector<16xi32>
        %add3A_292 = arith.addi %mul3A_291, %gather3A_280 : vector<16xi32>
        %sub3A = vector.broadcast %mul3A_4 : i32 to vector<16xi32>
        %sub3A_293 = arith.subi %add3A_292, %sub3A : vector<16xi32>
        %ge3A = arith.constant 0 : i32
        %ge3A_294 = vector.broadcast %ge3A : i32 to vector<16xi32>
        %ge3A_295 = arith.cmpi sge, %sub3A_293, %ge3A_294 : vector<16xi32>
        %lt3A_296 = arith.constant 16384 : i32
        %lt3A_297 = vector.broadcast %lt3A_296 : i32 to vector<16xi32>
        %lt3A_298 = arith.cmpi slt, %sub3A_293, %lt3A_297 : vector<16xi32>
        %and3A = arith.andi %ge3A_295, %lt3A_298 : vector<16xi1>
        %jit3A = arith.constant 0 : i32
        %jit3A_299 = arith.constant 16383 : i32
        %max3A = vector.broadcast %jit3A : i32 to vector<16xi32>
        %max3A_300 = arith.maxsi %max3A, %sub3A_293 : vector<16xi32>
        %min3A = vector.broadcast %jit3A_299 : i32 to vector<16xi32>
        %min3A_301 = arith.minsi %min3A, %max3A_300 : vector<16xi32>
        %mul3A_302 = arith.constant 2000 : i32
        %mul3A_303 = arith.muli %add3A_246, %mul3A_302 : i32
        %mul3A_304 = arith.constant 16 : i32
        %mul3A_305 = arith.muli %scan3A_269, %mul3A_304 : i32
        %add3A_306 = arith.addi %mul3A_303, %mul3A_305 : i32
        %add3A_307 = vector.broadcast %add3A_306 : i32 to vector<16xi32>
        %add3A_308 = arith.addi %add3A_307, %iota3A : vector<16xi32>
        %reduce_or3A = arith.constant 1.000000e+00 : f32
        %reduce_or3A_309 = arith.constant 0.000000e+00 : f32
        %reduce_or3A_310 = vector.broadcast %reduce_or3A : f32 to vector<16xf32>
        %reduce_or3A_311 = vector.broadcast %reduce_or3A_309 : f32 to vector<16xf32>
        %reduce_or3A_312 = arith.select %and3A, %reduce_or3A_310, %reduce_or3A_311 : vector<16xi1>, vector<16xf32>
        %reduce_or3A_313 = arith.constant true
        %reduce_or3A_314 = vector.broadcast %reduce_or3A_313 : i1 to vector<16xi1>
        %reduce_or3A_315 = tpu.scan <max>, %reduce_or3A_312 masked %reduce_or3A_314 : vector<16xf32>, vector<16xi1> -> vector<16xf32>
        %reduce_or3A_316 = vector.extract %reduce_or3A_315[15] : f32 from vector<16xf32>
        %reduce_or3A_317 = arith.constant 0.000000e+00 : f32
        %reduce_or3A_318 = arith.cmpf ogt, %reduce_or3A_316, %reduce_or3A_317 : f32
        %convert_element_type3A_319 = arith.extui %reduce_or3A_318 : i1 to i32
        %cond3A_320 = arith.constant 0 : i32
        %cond3A_321 = arith.cmpi ne, %convert_element_type3A_319, %cond3A_320 : i32
        scf.if %cond3A_321 {
          %while3A = arith.constant true
          %while3A_322 = scf.while (%while3A_323 = %while3A) : (i1) -> i1 {
            scf.condition(%while3A_323) %while3A_323 : i1
          } do {
          ^bb0(%while3A_323: i1):
            %gather3A_324 = tpu.vector_load_idx %arg6[%min3A_301] : memref<16384xi32, #tpu.memory_space<vmem>>[vector<16xi32>], vector<16xi32>,
            %lt3A_325 = arith.cmpi slt, %gather3A_324, %add3A_308 : vector<16xi32>
            %and3A_326 = arith.andi %and3A, %lt3A_325 : vector<16xi1>
            %max3A_327 = arith.maxsi %gather3A_324, %add3A_308 : vector<16xi32>
            tpu.vector_store_idx %arg6[%min3A_301], %max3A_327 masked %and3A_326 : memref<16384xi32, #tpu.memory_space<vmem>>[vector<16xi32>], vector<16xi32>, vector<16xi1>
            %reduce_or3A_328 = arith.constant 1.000000e+00 : f32
            %reduce_or3A_329 = arith.constant 0.000000e+00 : f32
            %reduce_or3A_330 = vector.broadcast %reduce_or3A_328 : f32 to vector<16xf32>
            %reduce_or3A_331 = vector.broadcast %reduce_or3A_329 : f32 to vector<16xf32>
            %reduce_or3A_332 = arith.select %and3A_326, %reduce_or3A_330, %reduce_or3A_331 : vector<16xi1>, vector<16xf32>
            %reduce_or3A_333 = arith.constant true
            %reduce_or3A_334 = vector.broadcast %reduce_or3A_333 : i1 to vector<16xi1>
            %reduce_or3A_335 = tpu.scan <max>, %reduce_or3A_332 masked %reduce_or3A_334 : vector<16xf32>, vector<16xi1> -> vector<16xf32>
            %reduce_or3A_336 = vector.extract %reduce_or3A_335[15] : f32 from vector<16xf32>
            %reduce_or3A_337 = arith.constant 0.000000e+00 : f32
            %reduce_or3A_338 = arith.cmpf ogt, %reduce_or3A_336, %reduce_or3A_337 : f32
            scf.yield %reduce_or3A_338 : i1
          }
        } else {
        }
      }
      %scan3A_268 = arith.constant 125 : i32
    }
    %scan3A_39 = arith.constant 5 : i32
    %parallel_loop3A_40 = arith.constant 0 : i32
    %parallel_loop3A_41 = arith.constant 16384 : i32
    %parallel_loop3A_42 = arith.constant 128 : i32
    scf.for %parallel_loop3A_216 = %parallel_loop3A_40 to %parallel_loop3A_41 step %parallel_loop3A_42  : i32 {
      %parallel_loop3A_217 = arith.constant 0 : i32
      %parallel_loop3A_218 = arith.addi %parallel_loop3A_216, %parallel_loop3A_217 : i32
      %parallel_loop3A_219 = arith.index_cast %parallel_loop3A_218 : i32 to index
      %parallel_loop3A_220 = tpu.vector_load %arg6[%parallel_loop3A_219] {strides = array<i32>} : memref<16384xi32, #tpu.memory_space<vmem>>, vector<16xi32>,
      %parallel_loop3A_221 = arith.constant 16 : i32
      %parallel_loop3A_222 = arith.addi %parallel_loop3A_218, %parallel_loop3A_221 : i32
      %parallel_loop3A_223 = arith.index_cast %parallel_loop3A_222 : i32 to index
      %parallel_loop3A_224 = tpu.vector_load %arg6[%parallel_loop3A_223] {strides = array<i32>} : memref<16384xi32, #tpu.memory_space<vmem>>, vector<16xi32>,
      %parallel_loop3A_225 = arith.constant 0 : i32
      %parallel_loop3A_226 = vector.broadcast %parallel_loop3A_225 : i32 to vector<16xi32>
      %parallel_loop3A_227 = arith.cmpi slt, %parallel_loop3A_220, %parallel_loop3A_226 : vector<16xi32>
      %parallel_loop3A_228 = arith.constant 20000 : i32
      %parallel_loop3A_229 = vector.broadcast %parallel_loop3A_228 : i32 to vector<16xi32>
      %parallel_loop3A_230 = arith.select %parallel_loop3A_227, %parallel_loop3A_229, %parallel_loop3A_220 : vector<16xi1>, vector<16xi32>
      %parallel_loop3A_231 = arith.constant 0 : i32
      %parallel_loop3A_232 = vector.broadcast %parallel_loop3A_231 : i32 to vector<16xi32>
      %parallel_loop3A_233 = arith.cmpi slt, %parallel_loop3A_224, %parallel_loop3A_232 : vector<16xi32>
      %parallel_loop3A_234 = arith.constant 20000 : i32
      %parallel_loop3A_235 = vector.broadcast %parallel_loop3A_234 : i32 to vector<16xi32>
      %parallel_loop3A_236 = arith.select %parallel_loop3A_233, %parallel_loop3A_235, %parallel_loop3A_224 : vector<16xi1>, vector<16xi32>
      %parallel_loop3A_237 = tpu.pack_subelements %parallel_loop3A_230, %parallel_loop3A_236 {pack_format = #tpu.pack_format<interleaved>, positions = array<i32: 0, 1>} : vector<16xi32>, vector<16xi32> -> vector<32xi16>
      %parallel_loop3A_238 = arith.index_cast %parallel_loop3A_218 : i32 to index
      %parallel_loop3A_239 = tpu.vector_load %arg7[%parallel_loop3A_238] {strides = array<i32>} : memref<16384xi16, #tpu.memory_space<vmem>>, vector<32xi16>,
      tpu.vector_store %arg7[%parallel_loop3A_238], %parallel_loop3A_237 {strides = array<i32>} : memref<16384xi16, #tpu.memory_space<vmem>>, vector<32xi16>,
      %parallel_loop3A_240 = arith.constant 32 : i32
      %parallel_loop3A_241 = arith.addi %parallel_loop3A_216, %parallel_loop3A_240 : i32
      %parallel_loop3A_242 = arith.index_cast %parallel_loop3A_241 : i32 to index
      %parallel_loop3A_243 = tpu.vector_load %arg6[%parallel_loop3A_242] {strides = array<i32>} : memref<16384xi32, #tpu.memory_space<vmem>>, vector<16xi32>,
      %parallel_loop3A_244 = arith.constant 16 : i32
      %parallel_loop3A_245 = arith.addi %parallel_loop3A_241, %parallel_loop3A_244 : i32
      %parallel_loop3A_246 = arith.index_cast %parallel_loop3A_245 : i32 to index
      %parallel_loop3A_247 = tpu.vector_load %arg6[%parallel_loop3A_246] {strides = array<i32>} : memref<16384xi32, #tpu.memory_space<vmem>>, vector<16xi32>,
      %parallel_loop3A_248 = arith.constant 0 : i32
      %parallel_loop3A_249 = vector.broadcast %parallel_loop3A_248 : i32 to vector<16xi32>
      %parallel_loop3A_250 = arith.cmpi slt, %parallel_loop3A_243, %parallel_loop3A_249 : vector<16xi32>
      %parallel_loop3A_251 = arith.constant 20000 : i32
      %parallel_loop3A_252 = vector.broadcast %parallel_loop3A_251 : i32 to vector<16xi32>
      %parallel_loop3A_253 = arith.select %parallel_loop3A_250, %parallel_loop3A_252, %parallel_loop3A_243 : vector<16xi1>, vector<16xi32>
      %parallel_loop3A_254 = arith.constant 0 : i32
      %parallel_loop3A_255 = vector.broadcast %parallel_loop3A_254 : i32 to vector<16xi32>
      %parallel_loop3A_256 = arith.cmpi slt, %parallel_loop3A_247, %parallel_loop3A_255 : vector<16xi32>
      %parallel_loop3A_257 = arith.constant 20000 : i32
      %parallel_loop3A_258 = vector.broadcast %parallel_loop3A_257 : i32 to vector<16xi32>
      %parallel_loop3A_259 = arith.select %parallel_loop3A_256, %parallel_loop3A_258, %parallel_loop3A_247 : vector<16xi1>, vector<16xi32>
      %parallel_loop3A_260 = tpu.pack_subelements %parallel_loop3A_253, %parallel_loop3A_259 {pack_format = #tpu.pack_format<interleaved>, positions = array<i32: 0, 1>} : vector<16xi32>, vector<16xi32> -> vector<32xi16>
      %parallel_loop3A_261 = arith.index_cast %parallel_loop3A_241 : i32 to index
      %parallel_loop3A_262 = tpu.vector_load %arg7[%parallel_loop3A_261] {strides = array<i32>} : memref<16384xi16, #tpu.memory_space<vmem>>, vector<32xi16>,
      tpu.vector_store %arg7[%parallel_loop3A_261], %parallel_loop3A_260 {strides = array<i32>} : memref<16384xi16, #tpu.memory_space<vmem>>, vector<32xi16>,
      %parallel_loop3A_263 = arith.constant 64 : i32
      %parallel_loop3A_264 = arith.addi %parallel_loop3A_216, %parallel_loop3A_263 : i32
      %parallel_loop3A_265 = arith.index_cast %parallel_loop3A_264 : i32 to index
      %parallel_loop3A_266 = tpu.vector_load %arg6[%parallel_loop3A_265] {strides = array<i32>} : memref<16384xi32, #tpu.memory_space<vmem>>, vector<16xi32>,
      %parallel_loop3A_267 = arith.constant 16 : i32
      %parallel_loop3A_268 = arith.addi %parallel_loop3A_264, %parallel_loop3A_267 : i32
      %parallel_loop3A_269 = arith.index_cast %parallel_loop3A_268 : i32 to index
      %parallel_loop3A_270 = tpu.vector_load %arg6[%parallel_loop3A_269] {strides = array<i32>} : memref<16384xi32, #tpu.memory_space<vmem>>, vector<16xi32>,
      %parallel_loop3A_271 = arith.constant 0 : i32
      %parallel_loop3A_272 = vector.broadcast %parallel_loop3A_271 : i32 to vector<16xi32>
      %parallel_loop3A_273 = arith.cmpi slt, %parallel_loop3A_266, %parallel_loop3A_272 : vector<16xi32>
      %parallel_loop3A_274 = arith.constant 20000 : i32
      %parallel_loop3A_275 = vector.broadcast %parallel_loop3A_274 : i32 to vector<16xi32>
      %parallel_loop3A_276 = arith.select %parallel_loop3A_273, %parallel_loop3A_275, %parallel_loop3A_266 : vector<16xi1>, vector<16xi32>
      %parallel_loop3A_277 = arith.constant 0 : i32
      %parallel_loop3A_278 = vector.broadcast %parallel_loop3A_277 : i32 to vector<16xi32>
      %parallel_loop3A_279 = arith.cmpi slt, %parallel_loop3A_270, %parallel_loop3A_278 : vector<16xi32>
      %parallel_loop3A_280 = arith.constant 20000 : i32
      %parallel_loop3A_281 = vector.broadcast %parallel_loop3A_280 : i32 to vector<16xi32>
      %parallel_loop3A_282 = arith.select %parallel_loop3A_279, %parallel_loop3A_281, %parallel_loop3A_270 : vector<16xi1>, vector<16xi32>
      %parallel_loop3A_283 = tpu.pack_subelements %parallel_loop3A_276, %parallel_loop3A_282 {pack_format = #tpu.pack_format<interleaved>, positions = array<i32: 0, 1>} : vector<16xi32>, vector<16xi32> -> vector<32xi16>
      %parallel_loop3A_284 = arith.index_cast %parallel_loop3A_264 : i32 to index
      %parallel_loop3A_285 = tpu.vector_load %arg7[%parallel_loop3A_284] {strides = array<i32>} : memref<16384xi16, #tpu.memory_space<vmem>>, vector<32xi16>,
      tpu.vector_store %arg7[%parallel_loop3A_284], %parallel_loop3A_283 {strides = array<i32>} : memref<16384xi16, #tpu.memory_space<vmem>>, vector<32xi16>,
      %parallel_loop3A_286 = arith.constant 96 : i32
      %parallel_loop3A_287 = arith.addi %parallel_loop3A_216, %parallel_loop3A_286 : i32
      %parallel_loop3A_288 = arith.index_cast %parallel_loop3A_287 : i32 to index
      %parallel_loop3A_289 = tpu.vector_load %arg6[%parallel_loop3A_288] {strides = array<i32>} : memref<16384xi32, #tpu.memory_space<vmem>>, vector<16xi32>,
      %parallel_loop3A_290 = arith.constant 16 : i32
      %parallel_loop3A_291 = arith.addi %parallel_loop3A_287, %parallel_loop3A_290 : i32
      %parallel_loop3A_292 = arith.index_cast %parallel_loop3A_291 : i32 to index
      %parallel_loop3A_293 = tpu.vector_load %arg6[%parallel_loop3A_292] {strides = array<i32>} : memref<16384xi32, #tpu.memory_space<vmem>>, vector<16xi32>,
      %parallel_loop3A_294 = arith.constant 0 : i32
      %parallel_loop3A_295 = vector.broadcast %parallel_loop3A_294 : i32 to vector<16xi32>
      %parallel_loop3A_296 = arith.cmpi slt, %parallel_loop3A_289, %parallel_loop3A_295 : vector<16xi32>
      %parallel_loop3A_297 = arith.constant 20000 : i32
      %parallel_loop3A_298 = vector.broadcast %parallel_loop3A_297 : i32 to vector<16xi32>
      %parallel_loop3A_299 = arith.select %parallel_loop3A_296, %parallel_loop3A_298, %parallel_loop3A_289 : vector<16xi1>, vector<16xi32>
      %parallel_loop3A_300 = arith.constant 0 : i32
      %parallel_loop3A_301 = vector.broadcast %parallel_loop3A_300 : i32 to vector<16xi32>
      %parallel_loop3A_302 = arith.cmpi slt, %parallel_loop3A_293, %parallel_loop3A_301 : vector<16xi32>
      %parallel_loop3A_303 = arith.constant 20000 : i32
      %parallel_loop3A_304 = vector.broadcast %parallel_loop3A_303 : i32 to vector<16xi32>
      %parallel_loop3A_305 = arith.select %parallel_loop3A_302, %parallel_loop3A_304, %parallel_loop3A_293 : vector<16xi1>, vector<16xi32>
      %parallel_loop3A_306 = tpu.pack_subelements %parallel_loop3A_299, %parallel_loop3A_305 {pack_format = #tpu.pack_format<interleaved>, positions = array<i32: 0, 1>} : vector<16xi32>, vector<16xi32> -> vector<32xi16>
      %parallel_loop3A_307 = arith.index_cast %parallel_loop3A_287 : i32 to index
      %parallel_loop3A_308 = tpu.vector_load %arg7[%parallel_loop3A_307] {strides = array<i32>} : memref<16384xi16, #tpu.memory_space<vmem>>, vector<32xi16>,
      tpu.vector_store %arg7[%parallel_loop3A_307], %parallel_loop3A_306 {strides = array<i32>} : memref<16384xi16, #tpu.memory_space<vmem>>, vector<32xi16>,
    } {sc.loop_unroll_factor = 2 : i64, sc.parallel_access}
    "tpu.region"() ({
      %run_scoped3A = tpu.sem_alloc : memref<!tpu.dma_semaphore, #tpu.memory_space<semaphore_mem>>
      %dma_start3A_216 = tpu.memref_slice %arg12[%mul3A_4] : memref<262144xi16, #tpu.memory_space<vmem_shared>> -> memref<16384xi16, #tpu.memory_space<vmem_shared>>
      %dma_start3A_217 = tpu.memref_slice %arg12[%mul3A_4] : memref<262144xi16, #tpu.memory_space<vmem_shared>> -> memref<16384xi16, #tpu.memory_space<vmem_shared>>
      tpu.enqueue_dma source(%arg7 : memref<16384xi16, #tpu.memory_space<vmem>>) target(%dma_start3A_217 : memref<16384xi16, #tpu.memory_space<vmem_shared>>) target_semaphore(%run_scoped3A : memref<!tpu.dma_semaphore, #tpu.memory_space<semaphore_mem>>)
      %dma_wait3A_218 = tpu.memref_slice %arg12[%mul3A_4] : memref<262144xi16, #tpu.memory_space<vmem_shared>> -> memref<16384xi16, #tpu.memory_space<vmem_shared>>
      %dma_wait3A_219 = tpu.memref_slice %arg12[%mul3A_4] : memref<262144xi16, #tpu.memory_space<vmem_shared>> -> memref<16384xi16, #tpu.memory_space<vmem_shared>>
      tpu.wait_dma2 semaphore(%run_scoped3A : memref<!tpu.dma_semaphore, #tpu.memory_space<semaphore_mem>>) src(%arg7 : memref<16384xi16, #tpu.memory_space<vmem>>) dst(%dma_wait3A_219 : memref<16384xi16, #tpu.memory_space<vmem_shared>>)
      tpu.yield
    }) : () -> ()
    %barrier3A_43 = arith.constant 0 : index
    tpu.barrier barrier_id(%barrier3A_43)
    %dma_wait3A = arith.constant 0 : i32
    %dma_wait3A_44 = arith.constant 0 : i32
    %dma_wait3A_45 = tpu.memref_slice %arg2[%dma_wait3A, %mul3A_2, %dma_wait3A_44] : memref<2x64x20008xf32, #tpu.memory_space<hbm>> -> memref<1x1x20008xf32, #tpu.memory_space<hbm>>
    %dma_wait3A_46 = tpu.memref_squeeze %dma_wait3A_45 : memref<1x1x20008xf32, #tpu.memory_space<hbm>> -> memref<20008xf32, #tpu.memory_space<hbm>>
    %dma_wait3A_47 = arith.constant 0 : i32
    %dma_wait3A_48 = tpu.memref_slice %arg2[%dma_wait3A, %mul3A_2, %dma_wait3A_47] : memref<2x64x20008xf32, #tpu.memory_space<hbm>> -> memref<1x1x20008xf32, #tpu.memory_space<hbm>>
    %dma_wait3A_49 = tpu.memref_squeeze %dma_wait3A_48 : memref<1x1x20008xf32, #tpu.memory_space<hbm>> -> memref<20008xf32, #tpu.memory_space<hbm>>
    tpu.wait_dma2 semaphore(%arg15 : memref<!tpu.dma_semaphore, #tpu.memory_space<semaphore_mem>>) src(%dma_wait3A_49 : memref<20008xf32, #tpu.memory_space<hbm>>) dst(%arg8 : memref<20008xf32, #tpu.memory_space<vmem>>)
    %add3A_50 = arith.constant 1 : i32
    %add3A_51 = arith.addi %mul3A_2, %add3A_50 : i32
    %dma_wait3A_52 = arith.constant 0 : i32
    %dma_wait3A_53 = arith.constant 0 : i32
    %dma_wait3A_54 = tpu.memref_slice %arg2[%dma_wait3A_52, %add3A_51, %dma_wait3A_53] : memref<2x64x20008xf32, #tpu.memory_space<hbm>> -> memref<1x1x20008xf32, #tpu.memory_space<hbm>>
    %dma_wait3A_55 = tpu.memref_squeeze %dma_wait3A_54 : memref<1x1x20008xf32, #tpu.memory_space<hbm>> -> memref<20008xf32, #tpu.memory_space<hbm>>
    %dma_wait3A_56 = arith.constant 0 : i32
    %dma_wait3A_57 = tpu.memref_slice %arg2[%dma_wait3A_52, %add3A_51, %dma_wait3A_56] : memref<2x64x20008xf32, #tpu.memory_space<hbm>> -> memref<1x1x20008xf32, #tpu.memory_space<hbm>>
    %dma_wait3A_58 = tpu.memref_squeeze %dma_wait3A_57 : memref<1x1x20008xf32, #tpu.memory_space<hbm>> -> memref<20008xf32, #tpu.memory_space<hbm>>
    tpu.wait_dma2 semaphore(%arg15 : memref<!tpu.dma_semaphore, #tpu.memory_space<semaphore_mem>>) src(%dma_wait3A_58 : memref<20008xf32, #tpu.memory_space<hbm>>) dst(%arg9 : memref<20008xf32, #tpu.memory_space<vmem>>)
    %dma_start3A_59 = arith.constant 0 : i32
    %dma_start3A_60 = arith.constant 0 : i32
    %dma_start3A_61 = tpu.memref_slice %arg10[%dma_start3A_59, %dma_start3A_60] : memref<2x8192xi16, #tpu.memory_space<vmem>> -> memref<1x8192xi16, #tpu.memory_space<vmem>>
    %dma_start3A_62 = tpu.memref_squeeze %dma_start3A_61 : memref<1x8192xi16, #tpu.memory_space<vmem>> -> memref<8192xi16, #tpu.memory_space<vmem>>
    %dma_start3A_63 = arith.constant 0 : i32
    %dma_start3A_64 = tpu.memref_slice %arg12[%dma_start3A_63] : memref<262144xi16, #tpu.memory_space<vmem_shared>> -> memref<8192xi16, #tpu.memory_space<vmem_shared>>
    %dma_start3A_65 = arith.constant 0 : i32
    %dma_start3A_66 = tpu.memref_slice %arg10[%dma_start3A_59, %dma_start3A_65] : memref<2x8192xi16, #tpu.memory_space<vmem>> -> memref<1x8192xi16, #tpu.memory_space<vmem>>
    %dma_start3A_67 = tpu.memref_squeeze %dma_start3A_66 : memref<1x8192xi16, #tpu.memory_space<vmem>> -> memref<8192xi16, #tpu.memory_space<vmem>>
    %dma_start3A_68 = arith.constant 0 : i32
    %dma_start3A_69 = tpu.memref_slice %arg12[%dma_start3A_68] : memref<262144xi16, #tpu.memory_space<vmem_shared>> -> memref<8192xi16, #tpu.memory_space<vmem_shared>>
    tpu.enqueue_dma source(%dma_start3A_69 : memref<8192xi16, #tpu.memory_space<vmem_shared>>) target(%dma_start3A_67 : memref<8192xi16, #tpu.memory_space<vmem>>) target_semaphore(%arg16 : memref<!tpu.dma_semaphore, #tpu.memory_space<semaphore_mem>>)
    %scan3A_70 = arith.constant 0 : i32
    %scan3A_71 = arith.constant 0 : i32
    %scan3A_72 = arith.constant 16 : i32
    %scan3A_73 = arith.addi %scan3A_71, %scan3A_72 : i32
    %scan3A_74 = arith.constant 1 : i32
    scf.for %scan3A_216 = %scan3A_71 to %scan3A_73 step %scan3A_74  : i32 {
      %mul3A_217 = arith.constant 2 : i32
      %mul3A_218 = arith.muli %scan3A_216, %mul3A_217 : i32
      %add3A_219 = arith.constant 0 : i32
      %add3A_220 = arith.addi %mul3A_218, %add3A_219 : i32
      %mul3A_221 = arith.constant 8192 : i32
      %mul3A_222 = arith.muli %add3A_220, %mul3A_221 : i32
      %add3A_223 = arith.constant 0 : i32
      %add3A_224 = arith.addi %add3A_223, %add3A_220 : i32
      %dma_wait3A_225 = arith.constant 0 : i32
      %dma_wait3A_226 = arith.constant 0 : i32
      %dma_wait3A_227 = tpu.memref_slice %arg10[%dma_wait3A_225, %dma_wait3A_226] : memref<2x8192xi16, #tpu.memory_space<vmem>> -> memref<1x8192xi16, #tpu.memory_space<vmem>>
      %dma_wait3A_228 = tpu.memref_squeeze %dma_wait3A_227 : memref<1x8192xi16, #tpu.memory_space<vmem>> -> memref<8192xi16, #tpu.memory_space<vmem>>
      %dma_wait3A_229 = arith.constant 0 : i32
      %dma_wait3A_230 = tpu.memref_slice %arg12[%dma_wait3A_229] : memref<262144xi16, #tpu.memory_space<vmem_shared>> -> memref<8192xi16, #tpu.memory_space<vmem_shared>>
      %dma_wait3A_231 = arith.constant 0 : i32
      %dma_wait3A_232 = tpu.memref_slice %arg10[%dma_wait3A_225, %dma_wait3A_231] : memref<2x8192xi16, #tpu.memory_space<vmem>> -> memref<1x8192xi16, #tpu.memory_space<vmem>>
      %dma_wait3A_233 = tpu.memref_squeeze %dma_wait3A_232 : memref<1x8192xi16, #tpu.memory_space<vmem>> -> memref<8192xi16, #tpu.memory_space<vmem>>
      %dma_wait3A_234 = arith.constant 0 : i32
      %dma_wait3A_235 = tpu.memref_slice %arg12[%dma_wait3A_234] : memref<262144xi16, #tpu.memory_space<vmem_shared>> -> memref<8192xi16, #tpu.memory_space<vmem_shared>>
      tpu.wait_dma2 semaphore(%arg16 : memref<!tpu.dma_semaphore, #tpu.memory_space<semaphore_mem>>) src(%dma_wait3A_235 : memref<8192xi16, #tpu.memory_space<vmem_shared>>) dst(%dma_wait3A_233 : memref<8192xi16, #tpu.memory_space<vmem>>)
      %lt3A_236 = arith.constant 31 : i32
      %lt3A_237 = arith.cmpi slt, %add3A_220, %lt3A_236 : i32
      %convert_element_type3A_238 = arith.extui %lt3A_237 : i1 to i32
      %cond3A_239 = arith.constant 0 : i32
      %cond3A_240 = arith.cmpi ne, %convert_element_type3A_238, %cond3A_239 : i32
      scf.if %cond3A_240 {
        %add3A_336 = arith.constant 8192 : i32
        %add3A_337 = arith.addi %mul3A_222, %add3A_336 : i32
        %dma_start3A_338 = arith.constant 1 : i32
        %dma_start3A_339 = arith.constant 0 : i32
        %dma_start3A_340 = tpu.memref_slice %arg10[%dma_start3A_338, %dma_start3A_339] : memref<2x8192xi16, #tpu.memory_space<vmem>> -> memref<1x8192xi16, #tpu.memory_space<vmem>>
        %dma_start3A_341 = tpu.memref_squeeze %dma_start3A_340 : memref<1x8192xi16, #tpu.memory_space<vmem>> -> memref<8192xi16, #tpu.memory_space<vmem>>
        %dma_start3A_342 = tpu.memref_slice %arg12[%add3A_337] : memref<262144xi16, #tpu.memory_space<vmem_shared>> -> memref<8192xi16, #tpu.memory_space<vmem_shared>>
        %dma_start3A_343 = arith.constant 0 : i32
        %dma_start3A_344 = tpu.memref_slice %arg10[%dma_start3A_338, %dma_start3A_343] : memref<2x8192xi16, #tpu.memory_space<vmem>> -> memref<1x8192xi16, #tpu.memory_space<vmem>>
        %dma_start3A_345 = tpu.memref_squeeze %dma_start3A_344 : memref<1x8192xi16, #tpu.memory_space<vmem>> -> memref<8192xi16, #tpu.memory_space<vmem>>
        %dma_start3A_346 = tpu.memref_slice %arg12[%add3A_337] : memref<262144xi16, #tpu.memory_space<vmem_shared>> -> memref<8192xi16, #tpu.memory_space<vmem_shared>>
        tpu.enqueue_dma source(%dma_start3A_346 : memref<8192xi16, #tpu.memory_space<vmem_shared>>) target(%dma_start3A_345 : memref<8192xi16, #tpu.memory_space<vmem>>) target_semaphore(%arg16 : memref<!tpu.dma_semaphore, #tpu.memory_space<semaphore_mem>>)
      } else {
      }
      %ge3A = arith.constant 2 : i32
      %ge3A_241 = arith.cmpi sge, %add3A_224, %ge3A : i32
      %convert_element_type3A_242 = arith.extui %ge3A_241 : i1 to i32
      %cond3A_243 = arith.constant 0 : i32
      %cond3A_244 = arith.cmpi ne, %convert_element_type3A_242, %cond3A_243 : i32
      scf.if %cond3A_244 {
        %dma_wait3A_336 = arith.constant 0 : i32
        %dma_wait3A_337 = arith.constant 0 : i32
        %dma_wait3A_338 = arith.constant 0 : i32
        %dma_wait3A_339 = arith.constant 0 : i32
        %dma_wait3A_340 = tpu.memref_slice %arg11[%dma_wait3A_336, %dma_wait3A_337, %dma_wait3A_339] : memref<2x2x8192xf32, #tpu.memory_space<vmem>> -> memref<1x1x8192xf32, #tpu.memory_space<vmem>>
        %dma_wait3A_341 = tpu.memref_squeeze %dma_wait3A_340 : memref<1x1x8192xf32, #tpu.memory_space<vmem>> -> memref<8192xf32, #tpu.memory_space<vmem>>
        %dma_wait3A_342 = tpu.memref_slice %arg4[%dma_wait3A_338, %mul3A_2, %mul3A_222] : memref<2x64x262144xf32, #tpu.memory_space<hbm>> -> memref<1x1x8192xf32, #tpu.memory_space<hbm>>
        %dma_wait3A_343 = tpu.memref_squeeze %dma_wait3A_342 : memref<1x1x8192xf32, #tpu.memory_space<hbm>> -> memref<8192xf32, #tpu.memory_space<hbm>>
        %dma_wait3A_344 = tpu.memref_slice %arg4[%dma_wait3A_338, %mul3A_2, %mul3A_222] : memref<2x64x262144xf32, #tpu.memory_space<hbm>> -> memref<1x1x8192xf32, #tpu.memory_space<hbm>>
        %dma_wait3A_345 = tpu.memref_squeeze %dma_wait3A_344 : memref<1x1x8192xf32, #tpu.memory_space<hbm>> -> memref<8192xf32, #tpu.memory_space<hbm>>
        %dma_wait3A_346 = arith.constant 0 : i32
        %dma_wait3A_347 = tpu.memref_slice %arg11[%dma_wait3A_336, %dma_wait3A_337, %dma_wait3A_346] : memref<2x2x8192xf32, #tpu.memory_space<vmem>> -> memref<1x1x8192xf32, #tpu.memory_space<vmem>>
        %dma_wait3A_348 = tpu.memref_squeeze %dma_wait3A_347 : memref<1x1x8192xf32, #tpu.memory_space<vmem>> -> memref<8192xf32, #tpu.memory_space<vmem>>
        tpu.wait_dma2 semaphore(%arg17 : memref<!tpu.dma_semaphore, #tpu.memory_space<semaphore_mem>>) src(%dma_wait3A_348 : memref<8192xf32, #tpu.memory_space<vmem>>) dst(%dma_wait3A_345 : memref<8192xf32, #tpu.memory_space<hbm>>)
        %dma_wait3A_349 = arith.constant 0 : i32
        %dma_wait3A_350 = arith.constant 1 : i32
        %dma_wait3A_351 = arith.constant 0 : i32
        %dma_wait3A_352 = arith.constant 0 : i32
        %dma_wait3A_353 = tpu.memref_slice %arg11[%dma_wait3A_349, %dma_wait3A_350, %dma_wait3A_352] : memref<2x2x8192xf32, #tpu.memory_space<vmem>> -> memref<1x1x8192xf32, #tpu.memory_space<vmem>>
        %dma_wait3A_354 = tpu.memref_squeeze %dma_wait3A_353 : memref<1x1x8192xf32, #tpu.memory_space<vmem>> -> memref<8192xf32, #tpu.memory_space<vmem>>
        %dma_wait3A_355 = tpu.memref_slice %arg4[%dma_wait3A_351, %mul3A_2, %mul3A_222] : memref<2x64x262144xf32, #tpu.memory_space<hbm>> -> memref<1x1x8192xf32, #tpu.memory_space<hbm>>
        %dma_wait3A_356 = tpu.memref_squeeze %dma_wait3A_355 : memref<1x1x8192xf32, #tpu.memory_space<hbm>> -> memref<8192xf32, #tpu.memory_space<hbm>>
        %dma_wait3A_357 = tpu.memref_slice %arg4[%dma_wait3A_351, %mul3A_2, %mul3A_222] : memref<2x64x262144xf32, #tpu.memory_space<hbm>> -> memref<1x1x8192xf32, #tpu.memory_space<hbm>>
        %dma_wait3A_358 = tpu.memref_squeeze %dma_wait3A_357 : memref<1x1x8192xf32, #tpu.memory_space<hbm>> -> memref<8192xf32, #tpu.memory_space<hbm>>
        %dma_wait3A_359 = arith.constant 0 : i32
        %dma_wait3A_360 = tpu.memref_slice %arg11[%dma_wait3A_349, %dma_wait3A_350, %dma_wait3A_359] : memref<2x2x8192xf32, #tpu.memory_space<vmem>> -> memref<1x1x8192xf32, #tpu.memory_space<vmem>>
        %dma_wait3A_361 = tpu.memref_squeeze %dma_wait3A_360 : memref<1x1x8192xf32, #tpu.memory_space<vmem>> -> memref<8192xf32, #tpu.memory_space<vmem>>
        tpu.wait_dma2 semaphore(%arg17 : memref<!tpu.dma_semaphore, #tpu.memory_space<semaphore_mem>>) src(%dma_wait3A_361 : memref<8192xf32, #tpu.memory_space<vmem>>) dst(%dma_wait3A_358 : memref<8192xf32, #tpu.memory_space<hbm>>)
      } else {
      }
      %parallel_loop3A_245 = arith.constant 0 : i32
      %parallel_loop3A_246 = arith.constant 8192 : i32
      %parallel_loop3A_247 = arith.constant 128 : i32
      scf.for %parallel_loop3A_336 = %parallel_loop3A_245 to %parallel_loop3A_246 step %parallel_loop3A_247  : i32 {
        %parallel_loop3A_337 = arith.constant 0 : i32
        %parallel_loop3A_338 = arith.addi %parallel_loop3A_336, %parallel_loop3A_337 : i32
        %parallel_loop3A_339 = arith.constant 0 : i32
        %parallel_loop3A_340 = arith.index_cast %parallel_loop3A_339 : i32 to index
        %parallel_loop3A_341 = arith.index_cast %parallel_loop3A_338 : i32 to index
        %parallel_loop3A_342 = tpu.vector_load %arg10[%parallel_loop3A_340, %parallel_loop3A_341] {strides = array<i32>} : memref<2x8192xi16, #tpu.memory_space<vmem>>, vector<32xi16>,
        %parallel_loop3A_343 = tpu.unpack_subelements %parallel_loop3A_342, 0 {pack_format = #tpu.pack_format<interleaved>} : vector<32xi16> -> vector<16xi32>
        %parallel_loop3A_344 = tpu.unpack_subelements %parallel_loop3A_342, 1 {pack_format = #tpu.pack_format<interleaved>} : vector<32xi16> -> vector<16xi32>
        %parallel_loop3A_345 = tpu.vector_load_idx %arg8[%parallel_loop3A_343] : memref<20008xf32, #tpu.memory_space<vmem>>[vector<16xi32>], vector<16xf32>,
        %parallel_loop3A_346 = arith.constant 0 : i32
        %parallel_loop3A_347 = arith.constant 0 : i32
        %parallel_loop3A_348 = arith.index_cast %parallel_loop3A_346 : i32 to index
        %parallel_loop3A_349 = arith.index_cast %parallel_loop3A_347 : i32 to index
        %parallel_loop3A_350 = arith.index_cast %parallel_loop3A_338 : i32 to index
        %parallel_loop3A_351 = tpu.vector_load %arg11[%parallel_loop3A_348, %parallel_loop3A_349, %parallel_loop3A_350] {strides = array<i32>} : memref<2x2x8192xf32, #tpu.memory_space<vmem>>, vector<16xf32>,
        tpu.vector_store %arg11[%parallel_loop3A_348, %parallel_loop3A_349, %parallel_loop3A_350], %parallel_loop3A_345 {strides = array<i32>} : memref<2x2x8192xf32, #tpu.memory_space<vmem>>, vector<16xf32>,
        %parallel_loop3A_352 = tpu.vector_load_idx %arg8[%parallel_loop3A_344] : memref<20008xf32, #tpu.memory_space<vmem>>[vector<16xi32>], vector<16xf32>,
        %parallel_loop3A_353 = arith.constant 16 : i32
        %parallel_loop3A_354 = arith.addi %parallel_loop3A_338, %parallel_loop3A_353 : i32
        %parallel_loop3A_355 = arith.constant 0 : i32
        %parallel_loop3A_356 = arith.constant 0 : i32
        %parallel_loop3A_357 = arith.index_cast %parallel_loop3A_355 : i32 to index
        %parallel_loop3A_358 = arith.index_cast %parallel_loop3A_356 : i32 to index
        %parallel_loop3A_359 = arith.index_cast %parallel_loop3A_354 : i32 to index
        %parallel_loop3A_360 = tpu.vector_load %arg11[%parallel_loop3A_357, %parallel_loop3A_358, %parallel_loop3A_359] {strides = array<i32>} : memref<2x2x8192xf32, #tpu.memory_space<vmem>>, vector<16xf32>,
        tpu.vector_store %arg11[%parallel_loop3A_357, %parallel_loop3A_358, %parallel_loop3A_359], %parallel_loop3A_352 {strides = array<i32>} : memref<2x2x8192xf32, #tpu.memory_space<vmem>>, vector<16xf32>,
        %parallel_loop3A_361 = tpu.vector_load_idx %arg9[%parallel_loop3A_343] : memref<20008xf32, #tpu.memory_space<vmem>>[vector<16xi32>], vector<16xf32>,
        %parallel_loop3A_362 = arith.constant 0 : i32
        %parallel_loop3A_363 = arith.constant 1 : i32
        %parallel_loop3A_364 = arith.index_cast %parallel_loop3A_362 : i32 to index
        %parallel_loop3A_365 = arith.index_cast %parallel_loop3A_363 : i32 to index
        %parallel_loop3A_366 = arith.index_cast %parallel_loop3A_338 : i32 to index
        %parallel_loop3A_367 = tpu.vector_load %arg11[%parallel_loop3A_364, %parallel_loop3A_365, %parallel_loop3A_366] {strides = array<i32>} : memref<2x2x8192xf32, #tpu.memory_space<vmem>>, vector<16xf32>,
        tpu.vector_store %arg11[%parallel_loop3A_364, %parallel_loop3A_365, %parallel_loop3A_366], %parallel_loop3A_361 {strides = array<i32>} : memref<2x2x8192xf32, #tpu.memory_space<vmem>>, vector<16xf32>,
        %parallel_loop3A_368 = tpu.vector_load_idx %arg9[%parallel_loop3A_344] : memref<20008xf32, #tpu.memory_space<vmem>>[vector<16xi32>], vector<16xf32>,
        %parallel_loop3A_369 = arith.constant 16 : i32
        %parallel_loop3A_370 = arith.addi %parallel_loop3A_338, %parallel_loop3A_369 : i32
        %parallel_loop3A_371 = arith.constant 0 : i32
        %parallel_loop3A_372 = arith.constant 1 : i32
        %parallel_loop3A_373 = arith.index_cast %parallel_loop3A_371 : i32 to index
        %parallel_loop3A_374 = arith.index_cast %parallel_loop3A_372 : i32 to index
        %parallel_loop3A_375 = arith.index_cast %parallel_loop3A_370 : i32 to index
        %parallel_loop3A_376 = tpu.vector_load %arg11[%parallel_loop3A_373, %parallel_loop3A_374, %parallel_loop3A_375] {strides = array<i32>} : memref<2x2x8192xf32, #tpu.memory_space<vmem>>, vector<16xf32>,
        tpu.vector_store %arg11[%parallel_loop3A_373, %parallel_loop3A_374, %parallel_loop3A_375], %parallel_loop3A_368 {strides = array<i32>} : memref<2x2x8192xf32, #tpu.memory_space<vmem>>, vector<16xf32>,
        %parallel_loop3A_377 = arith.constant 32 : i32
        %parallel_loop3A_378 = arith.addi %parallel_loop3A_336, %parallel_loop3A_377 : i32
        %parallel_loop3A_379 = arith.constant 0 : i32
        %parallel_loop3A_380 = arith.index_cast %parallel_loop3A_379 : i32 to index
        %parallel_loop3A_381 = arith.index_cast %parallel_loop3A_378 : i32 to index
        %parallel_loop3A_382 = tpu.vector_load %arg10[%parallel_loop3A_380, %parallel_loop3A_381] {strides = array<i32>} : memref<2x8192xi16, #tpu.memory_space<vmem>>, vector<32xi16>,
        %parallel_loop3A_383 = tpu.unpack_subelements %parallel_loop3A_382, 0 {pack_format = #tpu.pack_format<interleaved>} : vector<32xi16> -> vector<16xi32>
        %parallel_loop3A_384 = tpu.unpack_subelements %parallel_loop3A_382, 1 {pack_format = #tpu.pack_format<interleaved>} : vector<32xi16> -> vector<16xi32>
        %parallel_loop3A_385 = tpu.vector_load_idx %arg8[%parallel_loop3A_383] : memref<20008xf32, #tpu.memory_space<vmem>>[vector<16xi32>], vector<16xf32>,
        %parallel_loop3A_386 = arith.constant 0 : i32
        %parallel_loop3A_387 = arith.constant 0 : i32
        %parallel_loop3A_388 = arith.index_cast %parallel_loop3A_386 : i32 to index
        %parallel_loop3A_389 = arith.index_cast %parallel_loop3A_387 : i32 to index
        %parallel_loop3A_390 = arith.index_cast %parallel_loop3A_378 : i32 to index
        %parallel_loop3A_391 = tpu.vector_load %arg11[%parallel_loop3A_388, %parallel_loop3A_389, %parallel_loop3A_390] {strides = array<i32>} : memref<2x2x8192xf32, #tpu.memory_space<vmem>>, vector<16xf32>,
        tpu.vector_store %arg11[%parallel_loop3A_388, %parallel_loop3A_389, %parallel_loop3A_390], %parallel_loop3A_385 {strides = array<i32>} : memref<2x2x8192xf32, #tpu.memory_space<vmem>>, vector<16xf32>,
        %parallel_loop3A_392 = tpu.vector_load_idx %arg8[%parallel_loop3A_384] : memref<20008xf32, #tpu.memory_space<vmem>>[vector<16xi32>], vector<16xf32>,
        %parallel_loop3A_393 = arith.constant 16 : i32
        %parallel_loop3A_394 = arith.addi %parallel_loop3A_378, %parallel_loop3A_393 : i32
        %parallel_loop3A_395 = arith.constant 0 : i32
        %parallel_loop3A_396 = arith.constant 0 : i32
        %parallel_loop3A_397 = arith.index_cast %parallel_loop3A_395 : i32 to index
        %parallel_loop3A_398 = arith.index_cast %parallel_loop3A_396 : i32 to index
        %parallel_loop3A_399 = arith.index_cast %parallel_loop3A_394 : i32 to index
        %parallel_loop3A_400 = tpu.vector_load %arg11[%parallel_loop3A_397, %parallel_loop3A_398, %parallel_loop3A_399] {strides = array<i32>} : memref<2x2x8192xf32, #tpu.memory_space<vmem>>, vector<16xf32>,
        tpu.vector_store %arg11[%parallel_loop3A_397, %parallel_loop3A_398, %parallel_loop3A_399], %parallel_loop3A_392 {strides = array<i32>} : memref<2x2x8192xf32, #tpu.memory_space<vmem>>, vector<16xf32>,
        %parallel_loop3A_401 = tpu.vector_load_idx %arg9[%parallel_loop3A_383] : memref<20008xf32, #tpu.memory_space<vmem>>[vector<16xi32>], vector<16xf32>,
        %parallel_loop3A_402 = arith.constant 0 : i32
        %parallel_loop3A_403 = arith.constant 1 : i32
        %parallel_loop3A_404 = arith.index_cast %parallel_loop3A_402 : i32 to index
        %parallel_loop3A_405 = arith.index_cast %parallel_loop3A_403 : i32 to index
        %parallel_loop3A_406 = arith.index_cast %parallel_loop3A_378 : i32 to index
        %parallel_loop3A_407 = tpu.vector_load %arg11[%parallel_loop3A_404, %parallel_loop3A_405, %parallel_loop3A_406] {strides = array<i32>} : memref<2x2x8192xf32, #tpu.memory_space<vmem>>, vector<16xf32>,
        tpu.vector_store %arg11[%parallel_loop3A_404, %parallel_loop3A_405, %parallel_loop3A_406], %parallel_loop3A_401 {strides = array<i32>} : memref<2x2x8192xf32, #tpu.memory_space<vmem>>, vector<16xf32>,
        %parallel_loop3A_408 = tpu.vector_load_idx %arg9[%parallel_loop3A_384] : memref<20008xf32, #tpu.memory_space<vmem>>[vector<16xi32>], vector<16xf32>,
        %parallel_loop3A_409 = arith.constant 16 : i32
        %parallel_loop3A_410 = arith.addi %parallel_loop3A_378, %parallel_loop3A_409 : i32
        %parallel_loop3A_411 = arith.constant 0 : i32
        %parallel_loop3A_412 = arith.constant 1 : i32
        %parallel_loop3A_413 = arith.index_cast %parallel_loop3A_411 : i32 to index
        %parallel_loop3A_414 = arith.index_cast %parallel_loop3A_412 : i32 to index
        %parallel_loop3A_415 = arith.index_cast %parallel_loop3A_410 : i32 to index
        %parallel_loop3A_416 = tpu.vector_load %arg11[%parallel_loop3A_413, %parallel_loop3A_414, %parallel_loop3A_415] {strides = array<i32>} : memref<2x2x8192xf32, #tpu.memory_space<vmem>>, vector<16xf32>,
        tpu.vector_store %arg11[%parallel_loop3A_413, %parallel_loop3A_414, %parallel_loop3A_415], %parallel_loop3A_408 {strides = array<i32>} : memref<2x2x8192xf32, #tpu.memory_space<vmem>>, vector<16xf32>,
        %parallel_loop3A_417 = arith.constant 64 : i32
        %parallel_loop3A_418 = arith.addi %parallel_loop3A_336, %parallel_loop3A_417 : i32
        %parallel_loop3A_419 = arith.constant 0 : i32
        %parallel_loop3A_420 = arith.index_cast %parallel_loop3A_419 : i32 to index
        %parallel_loop3A_421 = arith.index_cast %parallel_loop3A_418 : i32 to index
        %parallel_loop3A_422 = tpu.vector_load %arg10[%parallel_loop3A_420, %parallel_loop3A_421] {strides = array<i32>} : memref<2x8192xi16, #tpu.memory_space<vmem>>, vector<32xi16>,
        %parallel_loop3A_423 = tpu.unpack_subelements %parallel_loop3A_422, 0 {pack_format = #tpu.pack_format<interleaved>} : vector<32xi16> -> vector<16xi32>
        %parallel_loop3A_424 = tpu.unpack_subelements %parallel_loop3A_422, 1 {pack_format = #tpu.pack_format<interleaved>} : vector<32xi16> -> vector<16xi32>
        %parallel_loop3A_425 = tpu.vector_load_idx %arg8[%parallel_loop3A_423] : memref<20008xf32, #tpu.memory_space<vmem>>[vector<16xi32>], vector<16xf32>,
        %parallel_loop3A_426 = arith.constant 0 : i32
        %parallel_loop3A_427 = arith.constant 0 : i32
        %parallel_loop3A_428 = arith.index_cast %parallel_loop3A_426 : i32 to index
        %parallel_loop3A_429 = arith.index_cast %parallel_loop3A_427 : i32 to index
        %parallel_loop3A_430 = arith.index_cast %parallel_loop3A_418 : i32 to index
        %parallel_loop3A_431 = tpu.vector_load %arg11[%parallel_loop3A_428, %parallel_loop3A_429, %parallel_loop3A_430] {strides = array<i32>} : memref<2x2x8192xf32, #tpu.memory_space<vmem>>, vector<16xf32>,
        tpu.vector_store %arg11[%parallel_loop3A_428, %parallel_loop3A_429, %parallel_loop3A_430], %parallel_loop3A_425 {strides = array<i32>} : memref<2x2x8192xf32, #tpu.memory_space<vmem>>, vector<16xf32>,
        %parallel_loop3A_432 = tpu.vector_load_idx %arg8[%parallel_loop3A_424] : memref<20008xf32, #tpu.memory_space<vmem>>[vector<16xi32>], vector<16xf32>,
        %parallel_loop3A_433 = arith.constant 16 : i32
        %parallel_loop3A_434 = arith.addi %parallel_loop3A_418, %parallel_loop3A_433 : i32
        %parallel_loop3A_435 = arith.constant 0 : i32
        %parallel_loop3A_436 = arith.constant 0 : i32
        %parallel_loop3A_437 = arith.index_cast %parallel_loop3A_435 : i32 to index
        %parallel_loop3A_438 = arith.index_cast %parallel_loop3A_436 : i32 to index
        %parallel_loop3A_439 = arith.index_cast %parallel_loop3A_434 : i32 to index
        %parallel_loop3A_440 = tpu.vector_load %arg11[%parallel_loop3A_437, %parallel_loop3A_438, %parallel_loop3A_439] {strides = array<i32>} : memref<2x2x8192xf32, #tpu.memory_space<vmem>>, vector<16xf32>,
        tpu.vector_store %arg11[%parallel_loop3A_437, %parallel_loop3A_438, %parallel_loop3A_439], %parallel_loop3A_432 {strides = array<i32>} : memref<2x2x8192xf32, #tpu.memory_space<vmem>>, vector<16xf32>,
        %parallel_loop3A_441 = tpu.vector_load_idx %arg9[%parallel_loop3A_423] : memref<20008xf32, #tpu.memory_space<vmem>>[vector<16xi32>], vector<16xf32>,
        %parallel_loop3A_442 = arith.constant 0 : i32
        %parallel_loop3A_443 = arith.constant 1 : i32
        %parallel_loop3A_444 = arith.index_cast %parallel_loop3A_442 : i32 to index
        %parallel_loop3A_445 = arith.index_cast %parallel_loop3A_443 : i32 to index
        %parallel_loop3A_446 = arith.index_cast %parallel_loop3A_418 : i32 to index
        %parallel_loop3A_447 = tpu.vector_load %arg11[%parallel_loop3A_444, %parallel_loop3A_445, %parallel_loop3A_446] {strides = array<i32>} : memref<2x2x8192xf32, #tpu.memory_space<vmem>>, vector<16xf32>,
        tpu.vector_store %arg11[%parallel_loop3A_444, %parallel_loop3A_445, %parallel_loop3A_446], %parallel_loop3A_441 {strides = array<i32>} : memref<2x2x8192xf32, #tpu.memory_space<vmem>>, vector<16xf32>,
        %parallel_loop3A_448 = tpu.vector_load_idx %arg9[%parallel_loop3A_424] : memref<20008xf32, #tpu.memory_space<vmem>>[vector<16xi32>], vector<16xf32>,
        %parallel_loop3A_449 = arith.constant 16 : i32
        %parallel_loop3A_450 = arith.addi %parallel_loop3A_418, %parallel_loop3A_449 : i32
        %parallel_loop3A_451 = arith.constant 0 : i32
        %parallel_loop3A_452 = arith.constant 1 : i32
        %parallel_loop3A_453 = arith.index_cast %parallel_loop3A_451 : i32 to index
        %parallel_loop3A_454 = arith.index_cast %parallel_loop3A_452 : i32 to index
        %parallel_loop3A_455 = arith.index_cast %parallel_loop3A_450 : i32 to index
        %parallel_loop3A_456 = tpu.vector_load %arg11[%parallel_loop3A_453, %parallel_loop3A_454, %parallel_loop3A_455] {strides = array<i32>} : memref<2x2x8192xf32, #tpu.memory_space<vmem>>, vector<16xf32>,
        tpu.vector_store %arg11[%parallel_loop3A_453, %parallel_loop3A_454, %parallel_loop3A_455], %parallel_loop3A_448 {strides = array<i32>} : memref<2x2x8192xf32, #tpu.memory_space<vmem>>, vector<16xf32>,
        %parallel_loop3A_457 = arith.constant 96 : i32
        %parallel_loop3A_458 = arith.addi %parallel_loop3A_336, %parallel_loop3A_457 : i32
        %parallel_loop3A_459 = arith.constant 0 : i32
        %parallel_loop3A_460 = arith.index_cast %parallel_loop3A_459 : i32 to index
        %parallel_loop3A_461 = arith.index_cast %parallel_loop3A_458 : i32 to index
        %parallel_loop3A_462 = tpu.vector_load %arg10[%parallel_loop3A_460, %parallel_loop3A_461] {strides = array<i32>} : memref<2x8192xi16, #tpu.memory_space<vmem>>, vector<32xi16>,
        %parallel_loop3A_463 = tpu.unpack_subelements %parallel_loop3A_462, 0 {pack_format = #tpu.pack_format<interleaved>} : vector<32xi16> -> vector<16xi32>
        %parallel_loop3A_464 = tpu.unpack_subelements %parallel_loop3A_462, 1 {pack_format = #tpu.pack_format<interleaved>} : vector<32xi16> -> vector<16xi32>
        %parallel_loop3A_465 = tpu.vector_load_idx %arg8[%parallel_loop3A_463] : memref<20008xf32, #tpu.memory_space<vmem>>[vector<16xi32>], vector<16xf32>,
        %parallel_loop3A_466 = arith.constant 0 : i32
        %parallel_loop3A_467 = arith.constant 0 : i32
        %parallel_loop3A_468 = arith.index_cast %parallel_loop3A_466 : i32 to index
        %parallel_loop3A_469 = arith.index_cast %parallel_loop3A_467 : i32 to index
        %parallel_loop3A_470 = arith.index_cast %parallel_loop3A_458 : i32 to index
        %parallel_loop3A_471 = tpu.vector_load %arg11[%parallel_loop3A_468, %parallel_loop3A_469, %parallel_loop3A_470] {strides = array<i32>} : memref<2x2x8192xf32, #tpu.memory_space<vmem>>, vector<16xf32>,
        tpu.vector_store %arg11[%parallel_loop3A_468, %parallel_loop3A_469, %parallel_loop3A_470], %parallel_loop3A_465 {strides = array<i32>} : memref<2x2x8192xf32, #tpu.memory_space<vmem>>, vector<16xf32>,
        %parallel_loop3A_472 = tpu.vector_load_idx %arg8[%parallel_loop3A_464] : memref<20008xf32, #tpu.memory_space<vmem>>[vector<16xi32>], vector<16xf32>,
        %parallel_loop3A_473 = arith.constant 16 : i32
        %parallel_loop3A_474 = arith.addi %parallel_loop3A_458, %parallel_loop3A_473 : i32
        %parallel_loop3A_475 = arith.constant 0 : i32
        %parallel_loop3A_476 = arith.constant 0 : i32
        %parallel_loop3A_477 = arith.index_cast %parallel_loop3A_475 : i32 to index
        %parallel_loop3A_478 = arith.index_cast %parallel_loop3A_476 : i32 to index
        %parallel_loop3A_479 = arith.index_cast %parallel_loop3A_474 : i32 to index
        %parallel_loop3A_480 = tpu.vector_load %arg11[%parallel_loop3A_477, %parallel_loop3A_478, %parallel_loop3A_479] {strides = array<i32>} : memref<2x2x8192xf32, #tpu.memory_space<vmem>>, vector<16xf32>,
        tpu.vector_store %arg11[%parallel_loop3A_477, %parallel_loop3A_478, %parallel_loop3A_479], %parallel_loop3A_472 {strides = array<i32>} : memref<2x2x8192xf32, #tpu.memory_space<vmem>>, vector<16xf32>,
        %parallel_loop3A_481 = tpu.vector_load_idx %arg9[%parallel_loop3A_463] : memref<20008xf32, #tpu.memory_space<vmem>>[vector<16xi32>], vector<16xf32>,
        %parallel_loop3A_482 = arith.constant 0 : i32
        %parallel_loop3A_483 = arith.constant 1 : i32
        %parallel_loop3A_484 = arith.index_cast %parallel_loop3A_482 : i32 to index
        %parallel_loop3A_485 = arith.index_cast %parallel_loop3A_483 : i32 to index
        %parallel_loop3A_486 = arith.index_cast %parallel_loop3A_458 : i32 to index
        %parallel_loop3A_487 = tpu.vector_load %arg11[%parallel_loop3A_484, %parallel_loop3A_485, %parallel_loop3A_486] {strides = array<i32>} : memref<2x2x8192xf32, #tpu.memory_space<vmem>>, vector<16xf32>,
        tpu.vector_store %arg11[%parallel_loop3A_484, %parallel_loop3A_485, %parallel_loop3A_486], %parallel_loop3A_481 {strides = array<i32>} : memref<2x2x8192xf32, #tpu.memory_space<vmem>>, vector<16xf32>,
        %parallel_loop3A_488 = tpu.vector_load_idx %arg9[%parallel_loop3A_464] : memref<20008xf32, #tpu.memory_space<vmem>>[vector<16xi32>], vector<16xf32>,
        %parallel_loop3A_489 = arith.constant 16 : i32
        %parallel_loop3A_490 = arith.addi %parallel_loop3A_458, %parallel_loop3A_489 : i32
        %parallel_loop3A_491 = arith.constant 0 : i32
        %parallel_loop3A_492 = arith.constant 1 : i32
        %parallel_loop3A_493 = arith.index_cast %parallel_loop3A_491 : i32 to index
        %parallel_loop3A_494 = arith.index_cast %parallel_loop3A_492 : i32 to index
        %parallel_loop3A_495 = arith.index_cast %parallel_loop3A_490 : i32 to index
        %parallel_loop3A_496 = tpu.vector_load %arg11[%parallel_loop3A_493, %parallel_loop3A_494, %parallel_loop3A_495] {strides = array<i32>} : memref<2x2x8192xf32, #tpu.memory_space<vmem>>, vector<16xf32>,
        tpu.vector_store %arg11[%parallel_loop3A_493, %parallel_loop3A_494, %parallel_loop3A_495], %parallel_loop3A_488 {strides = array<i32>} : memref<2x2x8192xf32, #tpu.memory_space<vmem>>, vector<16xf32>,
      } {sc.loop_unroll_factor = 2 : i64, sc.parallel_access}
      %dma_start3A_248 = arith.constant 0 : i32
      %dma_start3A_249 = arith.constant 0 : i32
      %dma_start3A_250 = arith.constant 0 : i32
      %dma_start3A_251 = arith.constant 0 : i32
      %dma_start3A_252 = tpu.memref_slice %arg11[%dma_start3A_248, %dma_start3A_249, %dma_start3A_251] : memref<2x2x8192xf32, #tpu.memory_space<vmem>> -> memref<1x1x8192xf32, #tpu.memory_space<vmem>>
      %dma_start3A_253 = tpu.memref_squeeze %dma_start3A_252 : memref<1x1x8192xf32, #tpu.memory_space<vmem>> -> memref<8192xf32, #tpu.memory_space<vmem>>
      %dma_start3A_254 = tpu.memref_slice %arg4[%dma_start3A_250, %mul3A_2, %mul3A_222] : memref<2x64x262144xf32, #tpu.memory_space<hbm>> -> memref<1x1x8192xf32, #tpu.memory_space<hbm>>
      %dma_start3A_255 = tpu.memref_squeeze %dma_start3A_254 : memref<1x1x8192xf32, #tpu.memory_space<hbm>> -> memref<8192xf32, #tpu.memory_space<hbm>>
      %dma_start3A_256 = tpu.memref_slice %arg4[%dma_start3A_250, %mul3A_2, %mul3A_222] : memref<2x64x262144xf32, #tpu.memory_space<hbm>> -> memref<1x1x8192xf32, #tpu.memory_space<hbm>>
      %dma_start3A_257 = tpu.memref_squeeze %dma_start3A_256 : memref<1x1x8192xf32, #tpu.memory_space<hbm>> -> memref<8192xf32, #tpu.memory_space<hbm>>
      %dma_start3A_258 = arith.constant 0 : i32
      %dma_start3A_259 = tpu.memref_slice %arg11[%dma_start3A_248, %dma_start3A_249, %dma_start3A_258] : memref<2x2x8192xf32, #tpu.memory_space<vmem>> -> memref<1x1x8192xf32, #tpu.memory_space<vmem>>
      %dma_start3A_260 = tpu.memref_squeeze %dma_start3A_259 : memref<1x1x8192xf32, #tpu.memory_space<vmem>> -> memref<8192xf32, #tpu.memory_space<vmem>>
      tpu.enqueue_dma source(%dma_start3A_260 : memref<8192xf32, #tpu.memory_space<vmem>>) target(%dma_start3A_257 : memref<8192xf32, #tpu.memory_space<hbm>>) target_semaphore(%arg17 : memref<!tpu.dma_semaphore, #tpu.memory_space<semaphore_mem>>)
      %add3A_261 = arith.constant 1 : i32
      %add3A_262 = arith.addi %mul3A_2, %add3A_261 : i32
      %dma_start3A_263 = arith.constant 0 : i32
      %dma_start3A_264 = arith.constant 1 : i32
      %dma_start3A_265 = arith.constant 0 : i32
      %dma_start3A_266 = arith.constant 0 : i32
      %dma_start3A_267 = tpu.memref_slice %arg11[%dma_start3A_263, %dma_start3A_264, %dma_start3A_266] : memref<2x2x8192xf32, #tpu.memory_space<vmem>> -> memref<1x1x8192xf32, #tpu.memory_space<vmem>>
      %dma_start3A_268 = tpu.memref_squeeze %dma_start3A_267 : memref<1x1x8192xf32, #tpu.memory_space<vmem>> -> memref<8192xf32, #tpu.memory_space<vmem>>
      %dma_start3A_269 = tpu.memref_slice %arg4[%dma_start3A_265, %add3A_262, %mul3A_222] : memref<2x64x262144xf32, #tpu.memory_space<hbm>> -> memref<1x1x8192xf32, #tpu.memory_space<hbm>>
      %dma_start3A_270 = tpu.memref_squeeze %dma_start3A_269 : memref<1x1x8192xf32, #tpu.memory_space<hbm>> -> memref<8192xf32, #tpu.memory_space<hbm>>
      %dma_start3A_271 = tpu.memref_slice %arg4[%dma_start3A_265, %add3A_262, %mul3A_222] : memref<2x64x262144xf32, #tpu.memory_space<hbm>> -> memref<1x1x8192xf32, #tpu.memory_space<hbm>>
      %dma_start3A_272 = tpu.memref_squeeze %dma_start3A_271 : memref<1x1x8192xf32, #tpu.memory_space<hbm>> -> memref<8192xf32, #tpu.memory_space<hbm>>
      %dma_start3A_273 = arith.constant 0 : i32
      %dma_start3A_274 = tpu.memref_slice %arg11[%dma_start3A_263, %dma_start3A_264, %dma_start3A_273] : memref<2x2x8192xf32, #tpu.memory_space<vmem>> -> memref<1x1x8192xf32, #tpu.memory_space<vmem>>
      %dma_start3A_275 = tpu.memref_squeeze %dma_start3A_274 : memref<1x1x8192xf32, #tpu.memory_space<vmem>> -> memref<8192xf32, #tpu.memory_space<vmem>>
      tpu.enqueue_dma source(%dma_start3A_275 : memref<8192xf32, #tpu.memory_space<vmem>>) target(%dma_start3A_272 : memref<8192xf32, #tpu.memory_space<hbm>>) target_semaphore(%arg17 : memref<!tpu.dma_semaphore, #tpu.memory_space<semaphore_mem>>)
      %mul3A_276 = arith.constant 2 : i32
      %mul3A_277 = arith.muli %scan3A_216, %mul3A_276 : i32
      %add3A_278 = arith.constant 1 : i32
      %add3A_279 = arith.addi %mul3A_277, %add3A_278 : i32
      %mul3A_280 = arith.constant 8192 : i32
      %mul3A_281 = arith.muli %add3A_279, %mul3A_280 : i32
      %add3A_282 = arith.constant 0 : i32
      %add3A_283 = arith.addi %add3A_282, %add3A_279 : i32
      %dma_wait3A_284 = arith.constant 1 : i32
      %dma_wait3A_285 = arith.constant 0 : i32
      %dma_wait3A_286 = tpu.memref_slice %arg10[%dma_wait3A_284, %dma_wait3A_285] : memref<2x8192xi16, #tpu.memory_space<vmem>> -> memref<1x8192xi16, #tpu.memory_space<vmem>>
      %dma_wait3A_287 = tpu.memref_squeeze %dma_wait3A_286 : memref<1x8192xi16, #tpu.memory_space<vmem>> -> memref<8192xi16, #tpu.memory_space<vmem>>
      %dma_wait3A_288 = arith.constant 0 : i32
      %dma_wait3A_289 = tpu.memref_slice %arg12[%dma_wait3A_288] : memref<262144xi16, #tpu.memory_space<vmem_shared>> -> memref<8192xi16, #tpu.memory_space<vmem_shared>>
      %dma_wait3A_290 = arith.constant 0 : i32
      %dma_wait3A_291 = tpu.memref_slice %arg10[%dma_wait3A_284, %dma_wait3A_290] : memref<2x8192xi16, #tpu.memory_space<vmem>> -> memref<1x8192xi16, #tpu.memory_space<vmem>>
      %dma_wait3A_292 = tpu.memref_squeeze %dma_wait3A_291 : memref<1x8192xi16, #tpu.memory_space<vmem>> -> memref<8192xi16, #tpu.memory_space<vmem>>
      %dma_wait3A_293 = arith.constant 0 : i32
      %dma_wait3A_294 = tpu.memref_slice %arg12[%dma_wait3A_293] : memref<262144xi16, #tpu.memory_space<vmem_shared>> -> memref<8192xi16, #tpu.memory_space<vmem_shared>>
      tpu.wait_dma2 semaphore(%arg16 : memref<!tpu.dma_semaphore, #tpu.memory_space<semaphore_mem>>) src(%dma_wait3A_294 : memref<8192xi16, #tpu.memory_space<vmem_shared>>) dst(%dma_wait3A_292 : memref<8192xi16, #tpu.memory_space<vmem>>)
      %lt3A_295 = arith.constant 31 : i32
      %lt3A_296 = arith.cmpi slt, %add3A_279, %lt3A_295 : i32
      %convert_element_type3A_297 = arith.extui %lt3A_296 : i1 to i32
      %cond3A_298 = arith.constant 0 : i32
      %cond3A_299 = arith.cmpi ne, %convert_element_type3A_297, %cond3A_298 : i32
      scf.if %cond3A_299 {
        %add3A_336 = arith.constant 8192 : i32
        %add3A_337 = arith.addi %mul3A_281, %add3A_336 : i32
        %dma_start3A_338 = arith.constant 0 : i32
        %dma_start3A_339 = arith.constant 0 : i32
        %dma_start3A_340 = tpu.memref_slice %arg10[%dma_start3A_338, %dma_start3A_339] : memref<2x8192xi16, #tpu.memory_space<vmem>> -> memref<1x8192xi16, #tpu.memory_space<vmem>>
        %dma_start3A_341 = tpu.memref_squeeze %dma_start3A_340 : memref<1x8192xi16, #tpu.memory_space<vmem>> -> memref<8192xi16, #tpu.memory_space<vmem>>
        %dma_start3A_342 = tpu.memref_slice %arg12[%add3A_337] : memref<262144xi16, #tpu.memory_space<vmem_shared>> -> memref<8192xi16, #tpu.memory_space<vmem_shared>>
        %dma_start3A_343 = arith.constant 0 : i32
        %dma_start3A_344 = tpu.memref_slice %arg10[%dma_start3A_338, %dma_start3A_343] : memref<2x8192xi16, #tpu.memory_space<vmem>> -> memref<1x8192xi16, #tpu.memory_space<vmem>>
        %dma_start3A_345 = tpu.memref_squeeze %dma_start3A_344 : memref<1x8192xi16, #tpu.memory_space<vmem>> -> memref<8192xi16, #tpu.memory_space<vmem>>
        %dma_start3A_346 = tpu.memref_slice %arg12[%add3A_337] : memref<262144xi16, #tpu.memory_space<vmem_shared>> -> memref<8192xi16, #tpu.memory_space<vmem_shared>>
        tpu.enqueue_dma source(%dma_start3A_346 : memref<8192xi16, #tpu.memory_space<vmem_shared>>) target(%dma_start3A_345 : memref<8192xi16, #tpu.memory_space<vmem>>) target_semaphore(%arg16 : memref<!tpu.dma_semaphore, #tpu.memory_space<semaphore_mem>>)
      } else {
      }
      %ge3A_300 = arith.constant 2 : i32
      %ge3A_301 = arith.cmpi sge, %add3A_283, %ge3A_300 : i32
      %convert_element_type3A_302 = arith.extui %ge3A_301 : i1 to i32
      %cond3A_303 = arith.constant 0 : i32
      %cond3A_304 = arith.cmpi ne, %convert_element_type3A_302, %cond3A_303 : i32
      scf.if %cond3A_304 {
        %dma_wait3A_336 = arith.constant 1 : i32
        %dma_wait3A_337 = arith.constant 0 : i32
        %dma_wait3A_338 = arith.constant 0 : i32
        %dma_wait3A_339 = arith.constant 0 : i32
        %dma_wait3A_340 = tpu.memref_slice %arg11[%dma_wait3A_336, %dma_wait3A_337, %dma_wait3A_339] : memref<2x2x8192xf32, #tpu.memory_space<vmem>> -> memref<1x1x8192xf32, #tpu.memory_space<vmem>>
        %dma_wait3A_341 = tpu.memref_squeeze %dma_wait3A_340 : memref<1x1x8192xf32, #tpu.memory_space<vmem>> -> memref<8192xf32, #tpu.memory_space<vmem>>
        %dma_wait3A_342 = tpu.memref_slice %arg4[%dma_wait3A_338, %mul3A_2, %mul3A_281] : memref<2x64x262144xf32, #tpu.memory_space<hbm>> -> memref<1x1x8192xf32, #tpu.memory_space<hbm>>
        %dma_wait3A_343 = tpu.memref_squeeze %dma_wait3A_342 : memref<1x1x8192xf32, #tpu.memory_space<hbm>> -> memref<8192xf32, #tpu.memory_space<hbm>>
        %dma_wait3A_344 = tpu.memref_slice %arg4[%dma_wait3A_338, %mul3A_2, %mul3A_281] : memref<2x64x262144xf32, #tpu.memory_space<hbm>> -> memref<1x1x8192xf32, #tpu.memory_space<hbm>>
        %dma_wait3A_345 = tpu.memref_squeeze %dma_wait3A_344 : memref<1x1x8192xf32, #tpu.memory_space<hbm>> -> memref<8192xf32, #tpu.memory_space<hbm>>
        %dma_wait3A_346 = arith.constant 0 : i32
        %dma_wait3A_347 = tpu.memref_slice %arg11[%dma_wait3A_336, %dma_wait3A_337, %dma_wait3A_346] : memref<2x2x8192xf32, #tpu.memory_space<vmem>> -> memref<1x1x8192xf32, #tpu.memory_space<vmem>>
        %dma_wait3A_348 = tpu.memref_squeeze %dma_wait3A_347 : memref<1x1x8192xf32, #tpu.memory_space<vmem>> -> memref<8192xf32, #tpu.memory_space<vmem>>
        tpu.wait_dma2 semaphore(%arg17 : memref<!tpu.dma_semaphore, #tpu.memory_space<semaphore_mem>>) src(%dma_wait3A_348 : memref<8192xf32, #tpu.memory_space<vmem>>) dst(%dma_wait3A_345 : memref<8192xf32, #tpu.memory_space<hbm>>)
        %dma_wait3A_349 = arith.constant 1 : i32
        %dma_wait3A_350 = arith.constant 1 : i32
        %dma_wait3A_351 = arith.constant 0 : i32
        %dma_wait3A_352 = arith.constant 0 : i32
        %dma_wait3A_353 = tpu.memref_slice %arg11[%dma_wait3A_349, %dma_wait3A_350, %dma_wait3A_352] : memref<2x2x8192xf32, #tpu.memory_space<vmem>> -> memref<1x1x8192xf32, #tpu.memory_space<vmem>>
        %dma_wait3A_354 = tpu.memref_squeeze %dma_wait3A_353 : memref<1x1x8192xf32, #tpu.memory_space<vmem>> -> memref<8192xf32, #tpu.memory_space<vmem>>
        %dma_wait3A_355 = tpu.memref_slice %arg4[%dma_wait3A_351, %mul3A_2, %mul3A_281] : memref<2x64x262144xf32, #tpu.memory_space<hbm>> -> memref<1x1x8192xf32, #tpu.memory_space<hbm>>
        %dma_wait3A_356 = tpu.memref_squeeze %dma_wait3A_355 : memref<1x1x8192xf32, #tpu.memory_space<hbm>> -> memref<8192xf32, #tpu.memory_space<hbm>>
        %dma_wait3A_357 = tpu.memref_slice %arg4[%dma_wait3A_351, %mul3A_2, %mul3A_281] : memref<2x64x262144xf32, #tpu.memory_space<hbm>> -> memref<1x1x8192xf32, #tpu.memory_space<hbm>>
        %dma_wait3A_358 = tpu.memref_squeeze %dma_wait3A_357 : memref<1x1x8192xf32, #tpu.memory_space<hbm>> -> memref<8192xf32, #tpu.memory_space<hbm>>
        %dma_wait3A_359 = arith.constant 0 : i32
        %dma_wait3A_360 = tpu.memref_slice %arg11[%dma_wait3A_349, %dma_wait3A_350, %dma_wait3A_359] : memref<2x2x8192xf32, #tpu.memory_space<vmem>> -> memref<1x1x8192xf32, #tpu.memory_space<vmem>>
        %dma_wait3A_361 = tpu.memref_squeeze %dma_wait3A_360 : memref<1x1x8192xf32, #tpu.memory_space<vmem>> -> memref<8192xf32, #tpu.memory_space<vmem>>
        tpu.wait_dma2 semaphore(%arg17 : memref<!tpu.dma_semaphore, #tpu.memory_space<semaphore_mem>>) src(%dma_wait3A_361 : memref<8192xf32, #tpu.memory_space<vmem>>) dst(%dma_wait3A_358 : memref<8192xf32, #tpu.memory_space<hbm>>)
      } else {
      }
      %parallel_loop3A_305 = arith.constant 0 : i32
      %parallel_loop3A_306 = arith.constant 8192 : i32
      %parallel_loop3A_307 = arith.constant 128 : i32
      scf.for %parallel_loop3A_336 = %parallel_loop3A_305 to %parallel_loop3A_306 step %parallel_loop3A_307  : i32 {
        %parallel_loop3A_337 = arith.constant 0 : i32
        %parallel_loop3A_338 = arith.addi %parallel_loop3A_336, %parallel_loop3A_337 : i32
        %parallel_loop3A_339 = arith.constant 1 : i32
        %parallel_loop3A_340 = arith.index_cast %parallel_loop3A_339 : i32 to index
        %parallel_loop3A_341 = arith.index_cast %parallel_loop3A_338 : i32 to index
        %parallel_loop3A_342 = tpu.vector_load %arg10[%parallel_loop3A_340, %parallel_loop3A_341] {strides = array<i32>} : memref<2x8192xi16, #tpu.memory_space<vmem>>, vector<32xi16>,
        %parallel_loop3A_343 = tpu.unpack_subelements %parallel_loop3A_342, 0 {pack_format = #tpu.pack_format<interleaved>} : vector<32xi16> -> vector<16xi32>
        %parallel_loop3A_344 = tpu.unpack_subelements %parallel_loop3A_342, 1 {pack_format = #tpu.pack_format<interleaved>} : vector<32xi16> -> vector<16xi32>
        %parallel_loop3A_345 = tpu.vector_load_idx %arg8[%parallel_loop3A_343] : memref<20008xf32, #tpu.memory_space<vmem>>[vector<16xi32>], vector<16xf32>,
        %parallel_loop3A_346 = arith.constant 1 : i32
        %parallel_loop3A_347 = arith.constant 0 : i32
        %parallel_loop3A_348 = arith.index_cast %parallel_loop3A_346 : i32 to index
        %parallel_loop3A_349 = arith.index_cast %parallel_loop3A_347 : i32 to index
        %parallel_loop3A_350 = arith.index_cast %parallel_loop3A_338 : i32 to index
        %parallel_loop3A_351 = tpu.vector_load %arg11[%parallel_loop3A_348, %parallel_loop3A_349, %parallel_loop3A_350] {strides = array<i32>} : memref<2x2x8192xf32, #tpu.memory_space<vmem>>, vector<16xf32>,
        tpu.vector_store %arg11[%parallel_loop3A_348, %parallel_loop3A_349, %parallel_loop3A_350], %parallel_loop3A_345 {strides = array<i32>} : memref<2x2x8192xf32, #tpu.memory_space<vmem>>, vector<16xf32>,
        %parallel_loop3A_352 = tpu.vector_load_idx %arg8[%parallel_loop3A_344] : memref<20008xf32, #tpu.memory_space<vmem>>[vector<16xi32>], vector<16xf32>,
        %parallel_loop3A_353 = arith.constant 16 : i32
        %parallel_loop3A_354 = arith.addi %parallel_loop3A_338, %parallel_loop3A_353 : i32
        %parallel_loop3A_355 = arith.constant 1 : i32
        %parallel_loop3A_356 = arith.constant 0 : i32
        %parallel_loop3A_357 = arith.index_cast %parallel_loop3A_355 : i32 to index
        %parallel_loop3A_358 = arith.index_cast %parallel_loop3A_356 : i32 to index
        %parallel_loop3A_359 = arith.index_cast %parallel_loop3A_354 : i32 to index
        %parallel_loop3A_360 = tpu.vector_load %arg11[%parallel_loop3A_357, %parallel_loop3A_358, %parallel_loop3A_359] {strides = array<i32>} : memref<2x2x8192xf32, #tpu.memory_space<vmem>>, vector<16xf32>,
        tpu.vector_store %arg11[%parallel_loop3A_357, %parallel_loop3A_358, %parallel_loop3A_359], %parallel_loop3A_352 {strides = array<i32>} : memref<2x2x8192xf32, #tpu.memory_space<vmem>>, vector<16xf32>,
        %parallel_loop3A_361 = tpu.vector_load_idx %arg9[%parallel_loop3A_343] : memref<20008xf32, #tpu.memory_space<vmem>>[vector<16xi32>], vector<16xf32>,
        %parallel_loop3A_362 = arith.constant 1 : i32
        %parallel_loop3A_363 = arith.constant 1 : i32
        %parallel_loop3A_364 = arith.index_cast %parallel_loop3A_362 : i32 to index
        %parallel_loop3A_365 = arith.index_cast %parallel_loop3A_363 : i32 to index
        %parallel_loop3A_366 = arith.index_cast %parallel_loop3A_338 : i32 to index
        %parallel_loop3A_367 = tpu.vector_load %arg11[%parallel_loop3A_364, %parallel_loop3A_365, %parallel_loop3A_366] {strides = array<i32>} : memref<2x2x8192xf32, #tpu.memory_space<vmem>>, vector<16xf32>,
        tpu.vector_store %arg11[%parallel_loop3A_364, %parallel_loop3A_365, %parallel_loop3A_366], %parallel_loop3A_361 {strides = array<i32>} : memref<2x2x8192xf32, #tpu.memory_space<vmem>>, vector<16xf32>,
        %parallel_loop3A_368 = tpu.vector_load_idx %arg9[%parallel_loop3A_344] : memref<20008xf32, #tpu.memory_space<vmem>>[vector<16xi32>], vector<16xf32>,
        %parallel_loop3A_369 = arith.constant 16 : i32
        %parallel_loop3A_370 = arith.addi %parallel_loop3A_338, %parallel_loop3A_369 : i32
        %parallel_loop3A_371 = arith.constant 1 : i32
        %parallel_loop3A_372 = arith.constant 1 : i32
        %parallel_loop3A_373 = arith.index_cast %parallel_loop3A_371 : i32 to index
        %parallel_loop3A_374 = arith.index_cast %parallel_loop3A_372 : i32 to index
        %parallel_loop3A_375 = arith.index_cast %parallel_loop3A_370 : i32 to index
        %parallel_loop3A_376 = tpu.vector_load %arg11[%parallel_loop3A_373, %parallel_loop3A_374, %parallel_loop3A_375] {strides = array<i32>} : memref<2x2x8192xf32, #tpu.memory_space<vmem>>, vector<16xf32>,
        tpu.vector_store %arg11[%parallel_loop3A_373, %parallel_loop3A_374, %parallel_loop3A_375], %parallel_loop3A_368 {strides = array<i32>} : memref<2x2x8192xf32, #tpu.memory_space<vmem>>, vector<16xf32>,
        %parallel_loop3A_377 = arith.constant 32 : i32
        %parallel_loop3A_378 = arith.addi %parallel_loop3A_336, %parallel_loop3A_377 : i32
        %parallel_loop3A_379 = arith.constant 1 : i32
        %parallel_loop3A_380 = arith.index_cast %parallel_loop3A_379 : i32 to index
        %parallel_loop3A_381 = arith.index_cast %parallel_loop3A_378 : i32 to index
        %parallel_loop3A_382 = tpu.vector_load %arg10[%parallel_loop3A_380, %parallel_loop3A_381] {strides = array<i32>} : memref<2x8192xi16, #tpu.memory_space<vmem>>, vector<32xi16>,
        %parallel_loop3A_383 = tpu.unpack_subelements %parallel_loop3A_382, 0 {pack_format = #tpu.pack_format<interleaved>} : vector<32xi16> -> vector<16xi32>
        %parallel_loop3A_384 = tpu.unpack_subelements %parallel_loop3A_382, 1 {pack_format = #tpu.pack_format<interleaved>} : vector<32xi16> -> vector<16xi32>
        %parallel_loop3A_385 = tpu.vector_load_idx %arg8[%parallel_loop3A_383] : memref<20008xf32, #tpu.memory_space<vmem>>[vector<16xi32>], vector<16xf32>,
        %parallel_loop3A_386 = arith.constant 1 : i32
        %parallel_loop3A_387 = arith.constant 0 : i32
        %parallel_loop3A_388 = arith.index_cast %parallel_loop3A_386 : i32 to index
        %parallel_loop3A_389 = arith.index_cast %parallel_loop3A_387 : i32 to index
        %parallel_loop3A_390 = arith.index_cast %parallel_loop3A_378 : i32 to index
        %parallel_loop3A_391 = tpu.vector_load %arg11[%parallel_loop3A_388, %parallel_loop3A_389, %parallel_loop3A_390] {strides = array<i32>} : memref<2x2x8192xf32, #tpu.memory_space<vmem>>, vector<16xf32>,
        tpu.vector_store %arg11[%parallel_loop3A_388, %parallel_loop3A_389, %parallel_loop3A_390], %parallel_loop3A_385 {strides = array<i32>} : memref<2x2x8192xf32, #tpu.memory_space<vmem>>, vector<16xf32>,
        %parallel_loop3A_392 = tpu.vector_load_idx %arg8[%parallel_loop3A_384] : memref<20008xf32, #tpu.memory_space<vmem>>[vector<16xi32>], vector<16xf32>,
        %parallel_loop3A_393 = arith.constant 16 : i32
        %parallel_loop3A_394 = arith.addi %parallel_loop3A_378, %parallel_loop3A_393 : i32
        %parallel_loop3A_395 = arith.constant 1 : i32
        %parallel_loop3A_396 = arith.constant 0 : i32
        %parallel_loop3A_397 = arith.index_cast %parallel_loop3A_395 : i32 to index
        %parallel_loop3A_398 = arith.index_cast %parallel_loop3A_396 : i32 to index
        %parallel_loop3A_399 = arith.index_cast %parallel_loop3A_394 : i32 to index
        %parallel_loop3A_400 = tpu.vector_load %arg11[%parallel_loop3A_397, %parallel_loop3A_398, %parallel_loop3A_399] {strides = array<i32>} : memref<2x2x8192xf32, #tpu.memory_space<vmem>>, vector<16xf32>,
        tpu.vector_store %arg11[%parallel_loop3A_397, %parallel_loop3A_398, %parallel_loop3A_399], %parallel_loop3A_392 {strides = array<i32>} : memref<2x2x8192xf32, #tpu.memory_space<vmem>>, vector<16xf32>,
        %parallel_loop3A_401 = tpu.vector_load_idx %arg9[%parallel_loop3A_383] : memref<20008xf32, #tpu.memory_space<vmem>>[vector<16xi32>], vector<16xf32>,
        %parallel_loop3A_402 = arith.constant 1 : i32
        %parallel_loop3A_403 = arith.constant 1 : i32
        %parallel_loop3A_404 = arith.index_cast %parallel_loop3A_402 : i32 to index
        %parallel_loop3A_405 = arith.index_cast %parallel_loop3A_403 : i32 to index
        %parallel_loop3A_406 = arith.index_cast %parallel_loop3A_378 : i32 to index
        %parallel_loop3A_407 = tpu.vector_load %arg11[%parallel_loop3A_404, %parallel_loop3A_405, %parallel_loop3A_406] {strides = array<i32>} : memref<2x2x8192xf32, #tpu.memory_space<vmem>>, vector<16xf32>,
        tpu.vector_store %arg11[%parallel_loop3A_404, %parallel_loop3A_405, %parallel_loop3A_406], %parallel_loop3A_401 {strides = array<i32>} : memref<2x2x8192xf32, #tpu.memory_space<vmem>>, vector<16xf32>,
        %parallel_loop3A_408 = tpu.vector_load_idx %arg9[%parallel_loop3A_384] : memref<20008xf32, #tpu.memory_space<vmem>>[vector<16xi32>], vector<16xf32>,
        %parallel_loop3A_409 = arith.constant 16 : i32
        %parallel_loop3A_410 = arith.addi %parallel_loop3A_378, %parallel_loop3A_409 : i32
        %parallel_loop3A_411 = arith.constant 1 : i32
        %parallel_loop3A_412 = arith.constant 1 : i32
        %parallel_loop3A_413 = arith.index_cast %parallel_loop3A_411 : i32 to index
        %parallel_loop3A_414 = arith.index_cast %parallel_loop3A_412 : i32 to index
        %parallel_loop3A_415 = arith.index_cast %parallel_loop3A_410 : i32 to index
        %parallel_loop3A_416 = tpu.vector_load %arg11[%parallel_loop3A_413, %parallel_loop3A_414, %parallel_loop3A_415] {strides = array<i32>} : memref<2x2x8192xf32, #tpu.memory_space<vmem>>, vector<16xf32>,
        tpu.vector_store %arg11[%parallel_loop3A_413, %parallel_loop3A_414, %parallel_loop3A_415], %parallel_loop3A_408 {strides = array<i32>} : memref<2x2x8192xf32, #tpu.memory_space<vmem>>, vector<16xf32>,
        %parallel_loop3A_417 = arith.constant 64 : i32
        %parallel_loop3A_418 = arith.addi %parallel_loop3A_336, %parallel_loop3A_417 : i32
        %parallel_loop3A_419 = arith.constant 1 : i32
        %parallel_loop3A_420 = arith.index_cast %parallel_loop3A_419 : i32 to index
        %parallel_loop3A_421 = arith.index_cast %parallel_loop3A_418 : i32 to index
        %parallel_loop3A_422 = tpu.vector_load %arg10[%parallel_loop3A_420, %parallel_loop3A_421] {strides = array<i32>} : memref<2x8192xi16, #tpu.memory_space<vmem>>, vector<32xi16>,
        %parallel_loop3A_423 = tpu.unpack_subelements %parallel_loop3A_422, 0 {pack_format = #tpu.pack_format<interleaved>} : vector<32xi16> -> vector<16xi32>
        %parallel_loop3A_424 = tpu.unpack_subelements %parallel_loop3A_422, 1 {pack_format = #tpu.pack_format<interleaved>} : vector<32xi16> -> vector<16xi32>
        %parallel_loop3A_425 = tpu.vector_load_idx %arg8[%parallel_loop3A_423] : memref<20008xf32, #tpu.memory_space<vmem>>[vector<16xi32>], vector<16xf32>,
        %parallel_loop3A_426 = arith.constant 1 : i32
        %parallel_loop3A_427 = arith.constant 0 : i32
        %parallel_loop3A_428 = arith.index_cast %parallel_loop3A_426 : i32 to index
        %parallel_loop3A_429 = arith.index_cast %parallel_loop3A_427 : i32 to index
        %parallel_loop3A_430 = arith.index_cast %parallel_loop3A_418 : i32 to index
        %parallel_loop3A_431 = tpu.vector_load %arg11[%parallel_loop3A_428, %parallel_loop3A_429, %parallel_loop3A_430] {strides = array<i32>} : memref<2x2x8192xf32, #tpu.memory_space<vmem>>, vector<16xf32>,
        tpu.vector_store %arg11[%parallel_loop3A_428, %parallel_loop3A_429, %parallel_loop3A_430], %parallel_loop3A_425 {strides = array<i32>} : memref<2x2x8192xf32, #tpu.memory_space<vmem>>, vector<16xf32>,
        %parallel_loop3A_432 = tpu.vector_load_idx %arg8[%parallel_loop3A_424] : memref<20008xf32, #tpu.memory_space<vmem>>[vector<16xi32>], vector<16xf32>,
        %parallel_loop3A_433 = arith.constant 16 : i32
        %parallel_loop3A_434 = arith.addi %parallel_loop3A_418, %parallel_loop3A_433 : i32
        %parallel_loop3A_435 = arith.constant 1 : i32
        %parallel_loop3A_436 = arith.constant 0 : i32
        %parallel_loop3A_437 = arith.index_cast %parallel_loop3A_435 : i32 to index
        %parallel_loop3A_438 = arith.index_cast %parallel_loop3A_436 : i32 to index
        %parallel_loop3A_439 = arith.index_cast %parallel_loop3A_434 : i32 to index
        %parallel_loop3A_440 = tpu.vector_load %arg11[%parallel_loop3A_437, %parallel_loop3A_438, %parallel_loop3A_439] {strides = array<i32>} : memref<2x2x8192xf32, #tpu.memory_space<vmem>>, vector<16xf32>,
        tpu.vector_store %arg11[%parallel_loop3A_437, %parallel_loop3A_438, %parallel_loop3A_439], %parallel_loop3A_432 {strides = array<i32>} : memref<2x2x8192xf32, #tpu.memory_space<vmem>>, vector<16xf32>,
        %parallel_loop3A_441 = tpu.vector_load_idx %arg9[%parallel_loop3A_423] : memref<20008xf32, #tpu.memory_space<vmem>>[vector<16xi32>], vector<16xf32>,
        %parallel_loop3A_442 = arith.constant 1 : i32
        %parallel_loop3A_443 = arith.constant 1 : i32
        %parallel_loop3A_444 = arith.index_cast %parallel_loop3A_442 : i32 to index
        %parallel_loop3A_445 = arith.index_cast %parallel_loop3A_443 : i32 to index
        %parallel_loop3A_446 = arith.index_cast %parallel_loop3A_418 : i32 to index
        %parallel_loop3A_447 = tpu.vector_load %arg11[%parallel_loop3A_444, %parallel_loop3A_445, %parallel_loop3A_446] {strides = array<i32>} : memref<2x2x8192xf32, #tpu.memory_space<vmem>>, vector<16xf32>,
        tpu.vector_store %arg11[%parallel_loop3A_444, %parallel_loop3A_445, %parallel_loop3A_446], %parallel_loop3A_441 {strides = array<i32>} : memref<2x2x8192xf32, #tpu.memory_space<vmem>>, vector<16xf32>,
        %parallel_loop3A_448 = tpu.vector_load_idx %arg9[%parallel_loop3A_424] : memref<20008xf32, #tpu.memory_space<vmem>>[vector<16xi32>], vector<16xf32>,
        %parallel_loop3A_449 = arith.constant 16 : i32
        %parallel_loop3A_450 = arith.addi %parallel_loop3A_418, %parallel_loop3A_449 : i32
        %parallel_loop3A_451 = arith.constant 1 : i32
        %parallel_loop3A_452 = arith.constant 1 : i32
        %parallel_loop3A_453 = arith.index_cast %parallel_loop3A_451 : i32 to index
        %parallel_loop3A_454 = arith.index_cast %parallel_loop3A_452 : i32 to index
        %parallel_loop3A_455 = arith.index_cast %parallel_loop3A_450 : i32 to index
        %parallel_loop3A_456 = tpu.vector_load %arg11[%parallel_loop3A_453, %parallel_loop3A_454, %parallel_loop3A_455] {strides = array<i32>} : memref<2x2x8192xf32, #tpu.memory_space<vmem>>, vector<16xf32>,
        tpu.vector_store %arg11[%parallel_loop3A_453, %parallel_loop3A_454, %parallel_loop3A_455], %parallel_loop3A_448 {strides = array<i32>} : memref<2x2x8192xf32, #tpu.memory_space<vmem>>, vector<16xf32>,
        %parallel_loop3A_457 = arith.constant 96 : i32
        %parallel_loop3A_458 = arith.addi %parallel_loop3A_336, %parallel_loop3A_457 : i32
        %parallel_loop3A_459 = arith.constant 1 : i32
        %parallel_loop3A_460 = arith.index_cast %parallel_loop3A_459 : i32 to index
        %parallel_loop3A_461 = arith.index_cast %parallel_loop3A_458 : i32 to index
        %parallel_loop3A_462 = tpu.vector_load %arg10[%parallel_loop3A_460, %parallel_loop3A_461] {strides = array<i32>} : memref<2x8192xi16, #tpu.memory_space<vmem>>, vector<32xi16>,
        %parallel_loop3A_463 = tpu.unpack_subelements %parallel_loop3A_462, 0 {pack_format = #tpu.pack_format<interleaved>} : vector<32xi16> -> vector<16xi32>
        %parallel_loop3A_464 = tpu.unpack_subelements %parallel_loop3A_462, 1 {pack_format = #tpu.pack_format<interleaved>} : vector<32xi16> -> vector<16xi32>
        %parallel_loop3A_465 = tpu.vector_load_idx %arg8[%parallel_loop3A_463] : memref<20008xf32, #tpu.memory_space<vmem>>[vector<16xi32>], vector<16xf32>,
        %parallel_loop3A_466 = arith.constant 1 : i32
        %parallel_loop3A_467 = arith.constant 0 : i32
        %parallel_loop3A_468 = arith.index_cast %parallel_loop3A_466 : i32 to index
        %parallel_loop3A_469 = arith.index_cast %parallel_loop3A_467 : i32 to index
        %parallel_loop3A_470 = arith.index_cast %parallel_loop3A_458 : i32 to index
        %parallel_loop3A_471 = tpu.vector_load %arg11[%parallel_loop3A_468, %parallel_loop3A_469, %parallel_loop3A_470] {strides = array<i32>} : memref<2x2x8192xf32, #tpu.memory_space<vmem>>, vector<16xf32>,
        tpu.vector_store %arg11[%parallel_loop3A_468, %parallel_loop3A_469, %parallel_loop3A_470], %parallel_loop3A_465 {strides = array<i32>} : memref<2x2x8192xf32, #tpu.memory_space<vmem>>, vector<16xf32>,
        %parallel_loop3A_472 = tpu.vector_load_idx %arg8[%parallel_loop3A_464] : memref<20008xf32, #tpu.memory_space<vmem>>[vector<16xi32>], vector<16xf32>,
        %parallel_loop3A_473 = arith.constant 16 : i32
        %parallel_loop3A_474 = arith.addi %parallel_loop3A_458, %parallel_loop3A_473 : i32
        %parallel_loop3A_475 = arith.constant 1 : i32
        %parallel_loop3A_476 = arith.constant 0 : i32
        %parallel_loop3A_477 = arith.index_cast %parallel_loop3A_475 : i32 to index
        %parallel_loop3A_478 = arith.index_cast %parallel_loop3A_476 : i32 to index
        %parallel_loop3A_479 = arith.index_cast %parallel_loop3A_474 : i32 to index
        %parallel_loop3A_480 = tpu.vector_load %arg11[%parallel_loop3A_477, %parallel_loop3A_478, %parallel_loop3A_479] {strides = array<i32>} : memref<2x2x8192xf32, #tpu.memory_space<vmem>>, vector<16xf32>,
        tpu.vector_store %arg11[%parallel_loop3A_477, %parallel_loop3A_478, %parallel_loop3A_479], %parallel_loop3A_472 {strides = array<i32>} : memref<2x2x8192xf32, #tpu.memory_space<vmem>>, vector<16xf32>,
        %parallel_loop3A_481 = tpu.vector_load_idx %arg9[%parallel_loop3A_463] : memref<20008xf32, #tpu.memory_space<vmem>>[vector<16xi32>], vector<16xf32>,
        %parallel_loop3A_482 = arith.constant 1 : i32
        %parallel_loop3A_483 = arith.constant 1 : i32
        %parallel_loop3A_484 = arith.index_cast %parallel_loop3A_482 : i32 to index
        %parallel_loop3A_485 = arith.index_cast %parallel_loop3A_483 : i32 to index
        %parallel_loop3A_486 = arith.index_cast %parallel_loop3A_458 : i32 to index
        %parallel_loop3A_487 = tpu.vector_load %arg11[%parallel_loop3A_484, %parallel_loop3A_485, %parallel_loop3A_486] {strides = array<i32>} : memref<2x2x8192xf32, #tpu.memory_space<vmem>>, vector<16xf32>,
        tpu.vector_store %arg11[%parallel_loop3A_484, %parallel_loop3A_485, %parallel_loop3A_486], %parallel_loop3A_481 {strides = array<i32>} : memref<2x2x8192xf32, #tpu.memory_space<vmem>>, vector<16xf32>,
        %parallel_loop3A_488 = tpu.vector_load_idx %arg9[%parallel_loop3A_464] : memref<20008xf32, #tpu.memory_space<vmem>>[vector<16xi32>], vector<16xf32>,
        %parallel_loop3A_489 = arith.constant 16 : i32
        %parallel_loop3A_490 = arith.addi %parallel_loop3A_458, %parallel_loop3A_489 : i32
        %parallel_loop3A_491 = arith.constant 1 : i32
        %parallel_loop3A_492 = arith.constant 1 : i32
        %parallel_loop3A_493 = arith.index_cast %parallel_loop3A_491 : i32 to index
        %parallel_loop3A_494 = arith.index_cast %parallel_loop3A_492 : i32 to index
        %parallel_loop3A_495 = arith.index_cast %parallel_loop3A_490 : i32 to index
        %parallel_loop3A_496 = tpu.vector_load %arg11[%parallel_loop3A_493, %parallel_loop3A_494, %parallel_loop3A_495] {strides = array<i32>} : memref<2x2x8192xf32, #tpu.memory_space<vmem>>, vector<16xf32>,
        tpu.vector_store %arg11[%parallel_loop3A_493, %parallel_loop3A_494, %parallel_loop3A_495], %parallel_loop3A_488 {strides = array<i32>} : memref<2x2x8192xf32, #tpu.memory_space<vmem>>, vector<16xf32>,
      } {sc.loop_unroll_factor = 2 : i64, sc.parallel_access}
      %dma_start3A_308 = arith.constant 1 : i32
      %dma_start3A_309 = arith.constant 0 : i32
      %dma_start3A_310 = arith.constant 0 : i32
      %dma_start3A_311 = arith.constant 0 : i32
      %dma_start3A_312 = tpu.memref_slice %arg11[%dma_start3A_308, %dma_start3A_309, %dma_start3A_311] : memref<2x2x8192xf32, #tpu.memory_space<vmem>> -> memref<1x1x8192xf32, #tpu.memory_space<vmem>>
      %dma_start3A_313 = tpu.memref_squeeze %dma_start3A_312 : memref<1x1x8192xf32, #tpu.memory_space<vmem>> -> memref<8192xf32, #tpu.memory_space<vmem>>
      %dma_start3A_314 = tpu.memref_slice %arg4[%dma_start3A_310, %mul3A_2, %mul3A_281] : memref<2x64x262144xf32, #tpu.memory_space<hbm>> -> memref<1x1x8192xf32, #tpu.memory_space<hbm>>
      %dma_start3A_315 = tpu.memref_squeeze %dma_start3A_314 : memref<1x1x8192xf32, #tpu.memory_space<hbm>> -> memref<8192xf32, #tpu.memory_space<hbm>>
      %dma_start3A_316 = tpu.memref_slice %arg4[%dma_start3A_310, %mul3A_2, %mul3A_281] : memref<2x64x262144xf32, #tpu.memory_space<hbm>> -> memref<1x1x8192xf32, #tpu.memory_space<hbm>>
      %dma_start3A_317 = tpu.memref_squeeze %dma_start3A_316 : memref<1x1x8192xf32, #tpu.memory_space<hbm>> -> memref<8192xf32, #tpu.memory_space<hbm>>
      %dma_start3A_318 = arith.constant 0 : i32
      %dma_start3A_319 = tpu.memref_slice %arg11[%dma_start3A_308, %dma_start3A_309, %dma_start3A_318] : memref<2x2x8192xf32, #tpu.memory_space<vmem>> -> memref<1x1x8192xf32, #tpu.memory_space<vmem>>
      %dma_start3A_320 = tpu.memref_squeeze %dma_start3A_319 : memref<1x1x8192xf32, #tpu.memory_space<vmem>> -> memref<8192xf32, #tpu.memory_space<vmem>>
      tpu.enqueue_dma source(%dma_start3A_320 : memref<8192xf32, #tpu.memory_space<vmem>>) target(%dma_start3A_317 : memref<8192xf32, #tpu.memory_space<hbm>>) target_semaphore(%arg17 : memref<!tpu.dma_semaphore, #tpu.memory_space<semaphore_mem>>)
      %add3A_321 = arith.constant 1 : i32
      %add3A_322 = arith.addi %mul3A_2, %add3A_321 : i32
      %dma_start3A_323 = arith.constant 1 : i32
      %dma_start3A_324 = arith.constant 1 : i32
      %dma_start3A_325 = arith.constant 0 : i32
      %dma_start3A_326 = arith.constant 0 : i32
      %dma_start3A_327 = tpu.memref_slice %arg11[%dma_start3A_323, %dma_start3A_324, %dma_start3A_326] : memref<2x2x8192xf32, #tpu.memory_space<vmem>> -> memref<1x1x8192xf32, #tpu.memory_space<vmem>>
      %dma_start3A_328 = tpu.memref_squeeze %dma_start3A_327 : memref<1x1x8192xf32, #tpu.memory_space<vmem>> -> memref<8192xf32, #tpu.memory_space<vmem>>
      %dma_start3A_329 = tpu.memref_slice %arg4[%dma_start3A_325, %add3A_322, %mul3A_281] : memref<2x64x262144xf32, #tpu.memory_space<hbm>> -> memref<1x1x8192xf32, #tpu.memory_space<hbm>>
      %dma_start3A_330 = tpu.memref_squeeze %dma_start3A_329 : memref<1x1x8192xf32, #tpu.memory_space<hbm>> -> memref<8192xf32, #tpu.memory_space<hbm>>
      %dma_start3A_331 = tpu.memref_slice %arg4[%dma_start3A_325, %add3A_322, %mul3A_281] : memref<2x64x262144xf32, #tpu.memory_space<hbm>> -> memref<1x1x8192xf32, #tpu.memory_space<hbm>>
      %dma_start3A_332 = tpu.memref_squeeze %dma_start3A_331 : memref<1x1x8192xf32, #tpu.memory_space<hbm>> -> memref<8192xf32, #tpu.memory_space<hbm>>
      %dma_start3A_333 = arith.constant 0 : i32
      %dma_start3A_334 = tpu.memref_slice %arg11[%dma_start3A_323, %dma_start3A_324, %dma_start3A_333] : memref<2x2x8192xf32, #tpu.memory_space<vmem>> -> memref<1x1x8192xf32, #tpu.memory_space<vmem>>
      %dma_start3A_335 = tpu.memref_squeeze %dma_start3A_334 : memref<1x1x8192xf32, #tpu.memory_space<vmem>> -> memref<8192xf32, #tpu.memory_space<vmem>>
      tpu.enqueue_dma source(%dma_start3A_335 : memref<8192xf32, #tpu.memory_space<vmem>>) target(%dma_start3A_332 : memref<8192xf32, #tpu.memory_space<hbm>>) target_semaphore(%arg17 : memref<!tpu.dma_semaphore, #tpu.memory_space<semaphore_mem>>)
    }
    %scan3A_75 = arith.constant 16 : i32
    %dma_start3A_76 = arith.constant 1 : i32
    %dma_start3A_77 = arith.constant 0 : i32
    %dma_start3A_78 = tpu.memref_slice %arg2[%dma_start3A_76, %mul3A_2, %dma_start3A_77] : memref<2x64x20008xf32, #tpu.memory_space<hbm>> -> memref<1x1x20008xf32, #tpu.memory_space<hbm>>
    %dma_start3A_79 = tpu.memref_squeeze %dma_start3A_78 : memref<1x1x20008xf32, #tpu.memory_space<hbm>> -> memref<20008xf32, #tpu.memory_space<hbm>>
    %dma_start3A_80 = arith.constant 0 : i32
    %dma_start3A_81 = tpu.memref_slice %arg2[%dma_start3A_76, %mul3A_2, %dma_start3A_80] : memref<2x64x20008xf32, #tpu.memory_space<hbm>> -> memref<1x1x20008xf32, #tpu.memory_space<hbm>>
    %dma_start3A_82 = tpu.memref_squeeze %dma_start3A_81 : memref<1x1x20008xf32, #tpu.memory_space<hbm>> -> memref<20008xf32, #tpu.memory_space<hbm>>
    tpu.enqueue_dma source(%dma_start3A_82 : memref<20008xf32, #tpu.memory_space<hbm>>) target(%arg8 : memref<20008xf32, #tpu.memory_space<vmem>>) target_semaphore(%arg15 : memref<!tpu.dma_semaphore, #tpu.memory_space<semaphore_mem>>)
    %add3A_83 = arith.constant 1 : i32
    %add3A_84 = arith.addi %mul3A_2, %add3A_83 : i32
    %dma_start3A_85 = arith.constant 1 : i32
    %dma_start3A_86 = arith.constant 0 : i32
    %dma_start3A_87 = tpu.memref_slice %arg2[%dma_start3A_85, %add3A_84, %dma_start3A_86] : memref<2x64x20008xf32, #tpu.memory_space<hbm>> -> memref<1x1x20008xf32, #tpu.memory_space<hbm>>
    %dma_start3A_88 = tpu.memref_squeeze %dma_start3A_87 : memref<1x1x20008xf32, #tpu.memory_space<hbm>> -> memref<20008xf32, #tpu.memory_space<hbm>>
    %dma_start3A_89 = arith.constant 0 : i32
    %dma_start3A_90 = tpu.memref_slice %arg2[%dma_start3A_85, %add3A_84, %dma_start3A_89] : memref<2x64x20008xf32, #tpu.memory_space<hbm>> -> memref<1x1x20008xf32, #tpu.memory_space<hbm>>
    %dma_start3A_91 = tpu.memref_squeeze %dma_start3A_90 : memref<1x1x20008xf32, #tpu.memory_space<hbm>> -> memref<20008xf32, #tpu.memory_space<hbm>>
    tpu.enqueue_dma source(%dma_start3A_91 : memref<20008xf32, #tpu.memory_space<hbm>>) target(%arg9 : memref<20008xf32, #tpu.memory_space<vmem>>) target_semaphore(%arg15 : memref<!tpu.dma_semaphore, #tpu.memory_space<semaphore_mem>>)
    %barrier3A_92 = arith.constant 0 : index
    tpu.barrier barrier_id(%barrier3A_92)
    %lt3A_93 = arith.constant 12 : i32
    %lt3A_94 = arith.cmpi slt, %arg1, %lt3A_93 : i32
    %convert_element_type3A_95 = arith.extui %lt3A_94 : i1 to i32
    %cond3A_96 = arith.constant 0 : i32
    %cond3A_97 = arith.cmpi ne, %convert_element_type3A_95, %cond3A_96 : i32
    scf.if %cond3A_97 {
      %mul3A_216 = arith.constant 5000 : i32
      %mul3A_217 = arith.muli %arg1, %mul3A_216 : i32
      %mul3A_218 = arith.constant 5000 : i32
      %mul3A_219 = arith.muli %arg1, %mul3A_218 : i32
      %run_scoped3A = arith.constant 1 : i32
      "tpu.region"() ({
        %run_scoped3A_220 = tpu.sem_alloc : memref<!tpu.dma_semaphore, #tpu.memory_space<semaphore_mem>>
        %dma_start3A_221 = tpu.memref_slice %arg13[%mul3A_219] : memref<60000xi32, #tpu.memory_space<vmem_shared>> -> memref<5000xi32, #tpu.memory_space<vmem_shared>>
        %dma_start3A_222 = tpu.memref_slice %arg3[%run_scoped3A, %mul3A_217] : memref<2x60000xi32, #tpu.memory_space<hbm>> -> memref<1x5000xi32, #tpu.memory_space<hbm>>
        %dma_start3A_223 = tpu.memref_squeeze %dma_start3A_222 : memref<1x5000xi32, #tpu.memory_space<hbm>> -> memref<5000xi32, #tpu.memory_space<hbm>>
        tpu.enqueue_dma source(%dma_start3A_223 : memref<5000xi32, #tpu.memory_space<hbm>>) target(%dma_start3A_221 : memref<5000xi32, #tpu.memory_space<vmem_shared>>) target_semaphore(%run_scoped3A_220 : memref<!tpu.dma_semaphore, #tpu.memory_space<semaphore_mem>>)
        %dma_wait3A_224 = tpu.memref_slice %arg13[%mul3A_219] : memref<60000xi32, #tpu.memory_space<vmem_shared>> -> memref<5000xi32, #tpu.memory_space<vmem_shared>>
        %dma_wait3A_225 = tpu.memref_slice %arg3[%run_scoped3A, %mul3A_217] : memref<2x60000xi32, #tpu.memory_space<hbm>> -> memref<1x5000xi32, #tpu.memory_space<hbm>>
        %dma_wait3A_226 = tpu.memref_squeeze %dma_wait3A_225 : memref<1x5000xi32, #tpu.memory_space<hbm>> -> memref<5000xi32, #tpu.memory_space<hbm>>
        tpu.wait_dma2 semaphore(%run_scoped3A_220 : memref<!tpu.dma_semaphore, #tpu.memory_space<semaphore_mem>>) src(%dma_wait3A_226 : memref<5000xi32, #tpu.memory_space<hbm>>) dst(%dma_wait3A_224 : memref<5000xi32, #tpu.memory_space<vmem_shared>>)
        tpu.yield
      }) : () -> ()
    } else {
    }
    %parallel_loop3A_98 = arith.constant 0 : i32
    %parallel_loop3A_99 = arith.constant 16384 : i32
    %parallel_loop3A_100 = arith.constant 128 : i32
    scf.for %parallel_loop3A_216 = %parallel_loop3A_98 to %parallel_loop3A_99 step %parallel_loop3A_100  : i32 {
      %parallel_loop3A_217 = arith.constant -1 : i32
      %parallel_loop3A_218 = vector.broadcast %parallel_loop3A_217 : i32 to vector<16xi32>
      %parallel_loop3A_219 = arith.constant 0 : i32
      %parallel_loop3A_220 = arith.addi %parallel_loop3A_216, %parallel_loop3A_219 : i32
      %parallel_loop3A_221 = arith.index_cast %parallel_loop3A_220 : i32 to index
      %parallel_loop3A_222 = tpu.vector_load %arg6[%parallel_loop3A_221] {strides = array<i32>} : memref<16384xi32, #tpu.memory_space<vmem>>, vector<16xi32>,
      tpu.vector_store %arg6[%parallel_loop3A_221], %parallel_loop3A_218 {strides = array<i32>} : memref<16384xi32, #tpu.memory_space<vmem>>, vector<16xi32>,
      %parallel_loop3A_223 = arith.constant -1 : i32
      %parallel_loop3A_224 = vector.broadcast %parallel_loop3A_223 : i32 to vector<16xi32>
      %parallel_loop3A_225 = arith.constant 16 : i32
      %parallel_loop3A_226 = arith.addi %parallel_loop3A_216, %parallel_loop3A_225 : i32
      %parallel_loop3A_227 = arith.index_cast %parallel_loop3A_226 : i32 to index
      %parallel_loop3A_228 = tpu.vector_load %arg6[%parallel_loop3A_227] {strides = array<i32>} : memref<16384xi32, #tpu.memory_space<vmem>>, vector<16xi32>,
      tpu.vector_store %arg6[%parallel_loop3A_227], %parallel_loop3A_224 {strides = array<i32>} : memref<16384xi32, #tpu.memory_space<vmem>>, vector<16xi32>,
      %parallel_loop3A_229 = arith.constant -1 : i32
      %parallel_loop3A_230 = vector.broadcast %parallel_loop3A_229 : i32 to vector<16xi32>
      %parallel_loop3A_231 = arith.constant 32 : i32
      %parallel_loop3A_232 = arith.addi %parallel_loop3A_216, %parallel_loop3A_231 : i32
      %parallel_loop3A_233 = arith.index_cast %parallel_loop3A_232 : i32 to index
      %parallel_loop3A_234 = tpu.vector_load %arg6[%parallel_loop3A_233] {strides = array<i32>} : memref<16384xi32, #tpu.memory_space<vmem>>, vector<16xi32>,
      tpu.vector_store %arg6[%parallel_loop3A_233], %parallel_loop3A_230 {strides = array<i32>} : memref<16384xi32, #tpu.memory_space<vmem>>, vector<16xi32>,
      %parallel_loop3A_235 = arith.constant -1 : i32
      %parallel_loop3A_236 = vector.broadcast %parallel_loop3A_235 : i32 to vector<16xi32>
      %parallel_loop3A_237 = arith.constant 48 : i32
      %parallel_loop3A_238 = arith.addi %parallel_loop3A_216, %parallel_loop3A_237 : i32
      %parallel_loop3A_239 = arith.index_cast %parallel_loop3A_238 : i32 to index
      %parallel_loop3A_240 = tpu.vector_load %arg6[%parallel_loop3A_239] {strides = array<i32>} : memref<16384xi32, #tpu.memory_space<vmem>>, vector<16xi32>,
      tpu.vector_store %arg6[%parallel_loop3A_239], %parallel_loop3A_236 {strides = array<i32>} : memref<16384xi32, #tpu.memory_space<vmem>>, vector<16xi32>,
      %parallel_loop3A_241 = arith.constant -1 : i32
      %parallel_loop3A_242 = vector.broadcast %parallel_loop3A_241 : i32 to vector<16xi32>
      %parallel_loop3A_243 = arith.constant 64 : i32
      %parallel_loop3A_244 = arith.addi %parallel_loop3A_216, %parallel_loop3A_243 : i32
      %parallel_loop3A_245 = arith.index_cast %parallel_loop3A_244 : i32 to index
      %parallel_loop3A_246 = tpu.vector_load %arg6[%parallel_loop3A_245] {strides = array<i32>} : memref<16384xi32, #tpu.memory_space<vmem>>, vector<16xi32>,
      tpu.vector_store %arg6[%parallel_loop3A_245], %parallel_loop3A_242 {strides = array<i32>} : memref<16384xi32, #tpu.memory_space<vmem>>, vector<16xi32>,
      %parallel_loop3A_247 = arith.constant -1 : i32
      %parallel_loop3A_248 = vector.broadcast %parallel_loop3A_247 : i32 to vector<16xi32>
      %parallel_loop3A_249 = arith.constant 80 : i32
      %parallel_loop3A_250 = arith.addi %parallel_loop3A_216, %parallel_loop3A_249 : i32
      %parallel_loop3A_251 = arith.index_cast %parallel_loop3A_250 : i32 to index
      %parallel_loop3A_252 = tpu.vector_load %arg6[%parallel_loop3A_251] {strides = array<i32>} : memref<16384xi32, #tpu.memory_space<vmem>>, vector<16xi32>,
      tpu.vector_store %arg6[%parallel_loop3A_251], %parallel_loop3A_248 {strides = array<i32>} : memref<16384xi32, #tpu.memory_space<vmem>>, vector<16xi32>,
      %parallel_loop3A_253 = arith.constant -1 : i32
      %parallel_loop3A_254 = vector.broadcast %parallel_loop3A_253 : i32 to vector<16xi32>
      %parallel_loop3A_255 = arith.constant 96 : i32
      %parallel_loop3A_256 = arith.addi %parallel_loop3A_216, %parallel_loop3A_255 : i32
      %parallel_loop3A_257 = arith.index_cast %parallel_loop3A_256 : i32 to index
      %parallel_loop3A_258 = tpu.vector_load %arg6[%parallel_loop3A_257] {strides = array<i32>} : memref<16384xi32, #tpu.memory_space<vmem>>, vector<16xi32>,
      tpu.vector_store %arg6[%parallel_loop3A_257], %parallel_loop3A_254 {strides = array<i32>} : memref<16384xi32, #tpu.memory_space<vmem>>, vector<16xi32>,
      %parallel_loop3A_259 = arith.constant -1 : i32
      %parallel_loop3A_260 = vector.broadcast %parallel_loop3A_259 : i32 to vector<16xi32>
      %parallel_loop3A_261 = arith.constant 112 : i32
      %parallel_loop3A_262 = arith.addi %parallel_loop3A_216, %parallel_loop3A_261 : i32
      %parallel_loop3A_263 = arith.index_cast %parallel_loop3A_262 : i32 to index
      %parallel_loop3A_264 = tpu.vector_load %arg6[%parallel_loop3A_263] {strides = array<i32>} : memref<16384xi32, #tpu.memory_space<vmem>>, vector<16xi32>,
      tpu.vector_store %arg6[%parallel_loop3A_263], %parallel_loop3A_260 {strides = array<i32>} : memref<16384xi32, #tpu.memory_space<vmem>>, vector<16xi32>,
    } {sc.loop_unroll_factor = 2 : i64, sc.parallel_access}
    %barrier3A_101 = arith.constant 0 : index
    tpu.barrier barrier_id(%barrier3A_101)
    %dma_start3A_102 = arith.constant 0 : i32
    %dma_start3A_103 = arith.constant 0 : i32
    %dma_start3A_104 = tpu.memref_slice %arg5[%dma_start3A_102, %dma_start3A_103] : memref<2x6000xi32, #tpu.memory_space<vmem>> -> memref<1x6000xi32, #tpu.memory_space<vmem>>
    %dma_start3A_105 = tpu.memref_squeeze %dma_start3A_104 : memref<1x6000xi32, #tpu.memory_space<vmem>> -> memref<6000xi32, #tpu.memory_space<vmem>>
    %dma_start3A_106 = arith.constant 0 : i32
    %dma_start3A_107 = tpu.memref_slice %arg13[%dma_start3A_106] : memref<60000xi32, #tpu.memory_space<vmem_shared>> -> memref<6000xi32, #tpu.memory_space<vmem_shared>>
    %dma_start3A_108 = arith.constant 0 : i32
    %dma_start3A_109 = tpu.memref_slice %arg5[%dma_start3A_102, %dma_start3A_108] : memref<2x6000xi32, #tpu.memory_space<vmem>> -> memref<1x6000xi32, #tpu.memory_space<vmem>>
    %dma_start3A_110 = tpu.memref_squeeze %dma_start3A_109 : memref<1x6000xi32, #tpu.memory_space<vmem>> -> memref<6000xi32, #tpu.memory_space<vmem>>
    %dma_start3A_111 = arith.constant 0 : i32
    %dma_start3A_112 = tpu.memref_slice %arg13[%dma_start3A_111] : memref<60000xi32, #tpu.memory_space<vmem_shared>> -> memref<6000xi32, #tpu.memory_space<vmem_shared>>
    tpu.enqueue_dma source(%dma_start3A_112 : memref<6000xi32, #tpu.memory_space<vmem_shared>>) target(%dma_start3A_110 : memref<6000xi32, #tpu.memory_space<vmem>>) target_semaphore(%arg14 : memref<!tpu.dma_semaphore, #tpu.memory_space<semaphore_mem>>)
    %scan3A_113 = arith.constant 0 : i32
    %scan3A_114 = arith.constant 0 : i32
    %scan3A_115 = arith.constant 5 : i32
    %scan3A_116 = arith.addi %scan3A_114, %scan3A_115 : i32
    %scan3A_117 = arith.constant 1 : i32
    scf.for %scan3A_216 = %scan3A_114 to %scan3A_116 step %scan3A_117  : i32 {
      %mul3A_217 = arith.constant 2 : i32
      %mul3A_218 = arith.muli %scan3A_216, %mul3A_217 : i32
      %add3A_219 = arith.constant 0 : i32
      %add3A_220 = arith.addi %mul3A_218, %add3A_219 : i32
      %dma_wait3A_221 = arith.constant 0 : i32
      %dma_wait3A_222 = arith.constant 0 : i32
      %dma_wait3A_223 = tpu.memref_slice %arg5[%dma_wait3A_221, %dma_wait3A_222] : memref<2x6000xi32, #tpu.memory_space<vmem>> -> memref<1x6000xi32, #tpu.memory_space<vmem>>
      %dma_wait3A_224 = tpu.memref_squeeze %dma_wait3A_223 : memref<1x6000xi32, #tpu.memory_space<vmem>> -> memref<6000xi32, #tpu.memory_space<vmem>>
      %dma_wait3A_225 = arith.constant 0 : i32
      %dma_wait3A_226 = tpu.memref_slice %arg13[%dma_wait3A_225] : memref<60000xi32, #tpu.memory_space<vmem_shared>> -> memref<6000xi32, #tpu.memory_space<vmem_shared>>
      %dma_wait3A_227 = arith.constant 0 : i32
      %dma_wait3A_228 = tpu.memref_slice %arg5[%dma_wait3A_221, %dma_wait3A_227] : memref<2x6000xi32, #tpu.memory_space<vmem>> -> memref<1x6000xi32, #tpu.memory_space<vmem>>
      %dma_wait3A_229 = tpu.memref_squeeze %dma_wait3A_228 : memref<1x6000xi32, #tpu.memory_space<vmem>> -> memref<6000xi32, #tpu.memory_space<vmem>>
      %dma_wait3A_230 = arith.constant 0 : i32
      %dma_wait3A_231 = tpu.memref_slice %arg13[%dma_wait3A_230] : memref<60000xi32, #tpu.memory_space<vmem_shared>> -> memref<6000xi32, #tpu.memory_space<vmem_shared>>
      tpu.wait_dma2 semaphore(%arg14 : memref<!tpu.dma_semaphore, #tpu.memory_space<semaphore_mem>>) src(%dma_wait3A_231 : memref<6000xi32, #tpu.memory_space<vmem_shared>>) dst(%dma_wait3A_229 : memref<6000xi32, #tpu.memory_space<vmem>>)
      %lt3A_232 = arith.constant 9 : i32
      %lt3A_233 = arith.cmpi slt, %add3A_220, %lt3A_232 : i32
      %convert_element_type3A_234 = arith.extui %lt3A_233 : i1 to i32
      %cond3A_235 = arith.constant 0 : i32
      %cond3A_236 = arith.cmpi ne, %convert_element_type3A_234, %cond3A_235 : i32
      scf.if %cond3A_236 {
        %add3A_269 = arith.constant 1 : i32
        %add3A_270 = arith.addi %add3A_220, %add3A_269 : i32
        %mul3A_271 = arith.constant 6000 : i32
        %mul3A_272 = arith.muli %add3A_270, %mul3A_271 : i32
        %dma_start3A_273 = arith.constant 1 : i32
        %dma_start3A_274 = arith.constant 0 : i32
        %dma_start3A_275 = tpu.memref_slice %arg5[%dma_start3A_273, %dma_start3A_274] : memref<2x6000xi32, #tpu.memory_space<vmem>> -> memref<1x6000xi32, #tpu.memory_space<vmem>>
        %dma_start3A_276 = tpu.memref_squeeze %dma_start3A_275 : memref<1x6000xi32, #tpu.memory_space<vmem>> -> memref<6000xi32, #tpu.memory_space<vmem>>
        %dma_start3A_277 = tpu.memref_slice %arg13[%mul3A_272] : memref<60000xi32, #tpu.memory_space<vmem_shared>> -> memref<6000xi32, #tpu.memory_space<vmem_shared>>
        %dma_start3A_278 = arith.constant 0 : i32
        %dma_start3A_279 = tpu.memref_slice %arg5[%dma_start3A_273, %dma_start3A_278] : memref<2x6000xi32, #tpu.memory_space<vmem>> -> memref<1x6000xi32, #tpu.memory_space<vmem>>
        %dma_start3A_280 = tpu.memref_squeeze %dma_start3A_279 : memref<1x6000xi32, #tpu.memory_space<vmem>> -> memref<6000xi32, #tpu.memory_space<vmem>>
        %dma_start3A_281 = tpu.memref_slice %arg13[%mul3A_272] : memref<60000xi32, #tpu.memory_space<vmem_shared>> -> memref<6000xi32, #tpu.memory_space<vmem_shared>>
        tpu.enqueue_dma source(%dma_start3A_281 : memref<6000xi32, #tpu.memory_space<vmem_shared>>) target(%dma_start3A_280 : memref<6000xi32, #tpu.memory_space<vmem>>) target_semaphore(%arg14 : memref<!tpu.dma_semaphore, #tpu.memory_space<semaphore_mem>>)
      } else {
      }
      %scan3A_237 = arith.constant 0 : i32
      %scan3A_238 = arith.constant 0 : i32
      %scan3A_239 = arith.constant 125 : i32
      %scan3A_240 = arith.addi %scan3A_238, %scan3A_239 : i32
      %scan3A_241 = arith.constant 1 : i32
      scf.for %scan3A_269 = %scan3A_238 to %scan3A_240 step %scan3A_241  : i32 {
        %mul3A_270 = arith.constant 16 : i32
        %mul3A_271 = arith.muli %scan3A_269, %mul3A_270 : i32
        %add3A_272 = vector.broadcast %mul3A_271 : i32 to vector<16xi32>
        %add3A_273 = arith.addi %add3A_272, %iota3A : vector<16xi32>
        %mul3A_274 = arith.constant 3 : i32
        %mul3A_275 = vector.broadcast %mul3A_274 : i32 to vector<16xi32>
        %mul3A_276 = arith.muli %add3A_273, %mul3A_275 : vector<16xi32>
        %gather3A = arith.constant 0 : i32
        %gather3A_277 = arith.constant 0 : i32
        %gather3A_278 = tpu.memref_slice %arg5[%gather3A, %gather3A_277] : memref<2x6000xi32, #tpu.memory_space<vmem>> -> memref<1x6000xi32, #tpu.memory_space<vmem>>
        %gather3A_279 = tpu.memref_squeeze %gather3A_278 : memref<1x6000xi32, #tpu.memory_space<vmem>> -> memref<6000xi32, #tpu.memory_space<vmem>>
        %gather3A_280 = tpu.vector_load_idx %gather3A_279[%mul3A_276] : memref<6000xi32, #tpu.memory_space<vmem>>[vector<16xi32>], vector<16xi32>,
        %add3A_281 = arith.constant 1 : i32
        %add3A_282 = vector.broadcast %add3A_281 : i32 to vector<16xi32>
        %add3A_283 = arith.addi %mul3A_276, %add3A_282 : vector<16xi32>
        %gather3A_284 = arith.constant 0 : i32
        %gather3A_285 = arith.constant 0 : i32
        %gather3A_286 = tpu.memref_slice %arg5[%gather3A_284, %gather3A_285] : memref<2x6000xi32, #tpu.memory_space<vmem>> -> memref<1x6000xi32, #tpu.memory_space<vmem>>
        %gather3A_287 = tpu.memref_squeeze %gather3A_286 : memref<1x6000xi32, #tpu.memory_space<vmem>> -> memref<6000xi32, #tpu.memory_space<vmem>>
        %gather3A_288 = tpu.vector_load_idx %gather3A_287[%add3A_283] : memref<6000xi32, #tpu.memory_space<vmem>>[vector<16xi32>], vector<16xi32>,
        %mul3A_289 = arith.constant 512 : i32
        %mul3A_290 = vector.broadcast %mul3A_289 : i32 to vector<16xi32>
        %mul3A_291 = arith.muli %gather3A_288, %mul3A_290 : vector<16xi32>
        %add3A_292 = arith.addi %mul3A_291, %gather3A_280 : vector<16xi32>
        %sub3A = vector.broadcast %mul3A_4 : i32 to vector<16xi32>
        %sub3A_293 = arith.subi %add3A_292, %sub3A : vector<16xi32>
        %ge3A = arith.constant 0 : i32
        %ge3A_294 = vector.broadcast %ge3A : i32 to vector<16xi32>
        %ge3A_295 = arith.cmpi sge, %sub3A_293, %ge3A_294 : vector<16xi32>
        %lt3A_296 = arith.constant 16384 : i32
        %lt3A_297 = vector.broadcast %lt3A_296 : i32 to vector<16xi32>
        %lt3A_298 = arith.cmpi slt, %sub3A_293, %lt3A_297 : vector<16xi32>
        %and3A = arith.andi %ge3A_295, %lt3A_298 : vector<16xi1>
        %jit3A = arith.constant 0 : i32
        %jit3A_299 = arith.constant 16383 : i32
        %max3A = vector.broadcast %jit3A : i32 to vector<16xi32>
        %max3A_300 = arith.maxsi %max3A, %sub3A_293 : vector<16xi32>
        %min3A = vector.broadcast %jit3A_299 : i32 to vector<16xi32>
        %min3A_301 = arith.minsi %min3A, %max3A_300 : vector<16xi32>
        %mul3A_302 = arith.constant 2000 : i32
        %mul3A_303 = arith.muli %add3A_220, %mul3A_302 : i32
        %mul3A_304 = arith.constant 16 : i32
        %mul3A_305 = arith.muli %scan3A_269, %mul3A_304 : i32
        %add3A_306 = arith.addi %mul3A_303, %mul3A_305 : i32
        %add3A_307 = vector.broadcast %add3A_306 : i32 to vector<16xi32>
        %add3A_308 = arith.addi %add3A_307, %iota3A : vector<16xi32>
        %reduce_or3A = arith.constant 1.000000e+00 : f32
        %reduce_or3A_309 = arith.constant 0.000000e+00 : f32
        %reduce_or3A_310 = vector.broadcast %reduce_or3A : f32 to vector<16xf32>
        %reduce_or3A_311 = vector.broadcast %reduce_or3A_309 : f32 to vector<16xf32>
        %reduce_or3A_312 = arith.select %and3A, %reduce_or3A_310, %reduce_or3A_311 : vector<16xi1>, vector<16xf32>
        %reduce_or3A_313 = arith.constant true
        %reduce_or3A_314 = vector.broadcast %reduce_or3A_313 : i1 to vector<16xi1>
        %reduce_or3A_315 = tpu.scan <max>, %reduce_or3A_312 masked %reduce_or3A_314 : vector<16xf32>, vector<16xi1> -> vector<16xf32>
        %reduce_or3A_316 = vector.extract %reduce_or3A_315[15] : f32 from vector<16xf32>
        %reduce_or3A_317 = arith.constant 0.000000e+00 : f32
        %reduce_or3A_318 = arith.cmpf ogt, %reduce_or3A_316, %reduce_or3A_317 : f32
        %convert_element_type3A_319 = arith.extui %reduce_or3A_318 : i1 to i32
        %cond3A_320 = arith.constant 0 : i32
        %cond3A_321 = arith.cmpi ne, %convert_element_type3A_319, %cond3A_320 : i32
        scf.if %cond3A_321 {
          %while3A = arith.constant true
          %while3A_322 = scf.while (%while3A_323 = %while3A) : (i1) -> i1 {
            scf.condition(%while3A_323) %while3A_323 : i1
          } do {
          ^bb0(%while3A_323: i1):
            %gather3A_324 = tpu.vector_load_idx %arg6[%min3A_301] : memref<16384xi32, #tpu.memory_space<vmem>>[vector<16xi32>], vector<16xi32>,
            %lt3A_325 = arith.cmpi slt, %gather3A_324, %add3A_308 : vector<16xi32>
            %and3A_326 = arith.andi %and3A, %lt3A_325 : vector<16xi1>
            %max3A_327 = arith.maxsi %gather3A_324, %add3A_308 : vector<16xi32>
            tpu.vector_store_idx %arg6[%min3A_301], %max3A_327 masked %and3A_326 : memref<16384xi32, #tpu.memory_space<vmem>>[vector<16xi32>], vector<16xi32>, vector<16xi1>
            %reduce_or3A_328 = arith.constant 1.000000e+00 : f32
            %reduce_or3A_329 = arith.constant 0.000000e+00 : f32
            %reduce_or3A_330 = vector.broadcast %reduce_or3A_328 : f32 to vector<16xf32>
            %reduce_or3A_331 = vector.broadcast %reduce_or3A_329 : f32 to vector<16xf32>
            %reduce_or3A_332 = arith.select %and3A_326, %reduce_or3A_330, %reduce_or3A_331 : vector<16xi1>, vector<16xf32>
            %reduce_or3A_333 = arith.constant true
            %reduce_or3A_334 = vector.broadcast %reduce_or3A_333 : i1 to vector<16xi1>
            %reduce_or3A_335 = tpu.scan <max>, %reduce_or3A_332 masked %reduce_or3A_334 : vector<16xf32>, vector<16xi1> -> vector<16xf32>
            %reduce_or3A_336 = vector.extract %reduce_or3A_335[15] : f32 from vector<16xf32>
            %reduce_or3A_337 = arith.constant 0.000000e+00 : f32
            %reduce_or3A_338 = arith.cmpf ogt, %reduce_or3A_336, %reduce_or3A_337 : f32
            scf.yield %reduce_or3A_338 : i1
          }
        } else {
        }
      }
      %scan3A_242 = arith.constant 125 : i32
      %mul3A_243 = arith.constant 2 : i32
      %mul3A_244 = arith.muli %scan3A_216, %mul3A_243 : i32
      %add3A_245 = arith.constant 1 : i32
      %add3A_246 = arith.addi %mul3A_244, %add3A_245 : i32
      %dma_wait3A_247 = arith.constant 1 : i32
      %dma_wait3A_248 = arith.constant 0 : i32
      %dma_wait3A_249 = tpu.memref_slice %arg5[%dma_wait3A_247, %dma_wait3A_248] : memref<2x6000xi32, #tpu.memory_space<vmem>> -> memref<1x6000xi32, #tpu.memory_space<vmem>>
      %dma_wait3A_250 = tpu.memref_squeeze %dma_wait3A_249 : memref<1x6000xi32, #tpu.memory_space<vmem>> -> memref<6000xi32, #tpu.memory_space<vmem>>
      %dma_wait3A_251 = arith.constant 0 : i32
      %dma_wait3A_252 = tpu.memref_slice %arg13[%dma_wait3A_251] : memref<60000xi32, #tpu.memory_space<vmem_shared>> -> memref<6000xi32, #tpu.memory_space<vmem_shared>>
      %dma_wait3A_253 = arith.constant 0 : i32
      %dma_wait3A_254 = tpu.memref_slice %arg5[%dma_wait3A_247, %dma_wait3A_253] : memref<2x6000xi32, #tpu.memory_space<vmem>> -> memref<1x6000xi32, #tpu.memory_space<vmem>>
      %dma_wait3A_255 = tpu.memref_squeeze %dma_wait3A_254 : memref<1x6000xi32, #tpu.memory_space<vmem>> -> memref<6000xi32, #tpu.memory_space<vmem>>
      %dma_wait3A_256 = arith.constant 0 : i32
      %dma_wait3A_257 = tpu.memref_slice %arg13[%dma_wait3A_256] : memref<60000xi32, #tpu.memory_space<vmem_shared>> -> memref<6000xi32, #tpu.memory_space<vmem_shared>>
      tpu.wait_dma2 semaphore(%arg14 : memref<!tpu.dma_semaphore, #tpu.memory_space<semaphore_mem>>) src(%dma_wait3A_257 : memref<6000xi32, #tpu.memory_space<vmem_shared>>) dst(%dma_wait3A_255 : memref<6000xi32, #tpu.memory_space<vmem>>)
      %lt3A_258 = arith.constant 9 : i32
      %lt3A_259 = arith.cmpi slt, %add3A_246, %lt3A_258 : i32
      %convert_element_type3A_260 = arith.extui %lt3A_259 : i1 to i32
      %cond3A_261 = arith.constant 0 : i32
      %cond3A_262 = arith.cmpi ne, %convert_element_type3A_260, %cond3A_261 : i32
      scf.if %cond3A_262 {
        %add3A_269 = arith.constant 1 : i32
        %add3A_270 = arith.addi %add3A_246, %add3A_269 : i32
        %mul3A_271 = arith.constant 6000 : i32
        %mul3A_272 = arith.muli %add3A_270, %mul3A_271 : i32
        %dma_start3A_273 = arith.constant 0 : i32
        %dma_start3A_274 = arith.constant 0 : i32
        %dma_start3A_275 = tpu.memref_slice %arg5[%dma_start3A_273, %dma_start3A_274] : memref<2x6000xi32, #tpu.memory_space<vmem>> -> memref<1x6000xi32, #tpu.memory_space<vmem>>
        %dma_start3A_276 = tpu.memref_squeeze %dma_start3A_275 : memref<1x6000xi32, #tpu.memory_space<vmem>> -> memref<6000xi32, #tpu.memory_space<vmem>>
        %dma_start3A_277 = tpu.memref_slice %arg13[%mul3A_272] : memref<60000xi32, #tpu.memory_space<vmem_shared>> -> memref<6000xi32, #tpu.memory_space<vmem_shared>>
        %dma_start3A_278 = arith.constant 0 : i32
        %dma_start3A_279 = tpu.memref_slice %arg5[%dma_start3A_273, %dma_start3A_278] : memref<2x6000xi32, #tpu.memory_space<vmem>> -> memref<1x6000xi32, #tpu.memory_space<vmem>>
        %dma_start3A_280 = tpu.memref_squeeze %dma_start3A_279 : memref<1x6000xi32, #tpu.memory_space<vmem>> -> memref<6000xi32, #tpu.memory_space<vmem>>
        %dma_start3A_281 = tpu.memref_slice %arg13[%mul3A_272] : memref<60000xi32, #tpu.memory_space<vmem_shared>> -> memref<6000xi32, #tpu.memory_space<vmem_shared>>
        tpu.enqueue_dma source(%dma_start3A_281 : memref<6000xi32, #tpu.memory_space<vmem_shared>>) target(%dma_start3A_280 : memref<6000xi32, #tpu.memory_space<vmem>>) target_semaphore(%arg14 : memref<!tpu.dma_semaphore, #tpu.memory_space<semaphore_mem>>)
      } else {
      }
      %scan3A_263 = arith.constant 0 : i32
      %scan3A_264 = arith.constant 0 : i32
      %scan3A_265 = arith.constant 125 : i32
      %scan3A_266 = arith.addi %scan3A_264, %scan3A_265 : i32
      %scan3A_267 = arith.constant 1 : i32
      scf.for %scan3A_269 = %scan3A_264 to %scan3A_266 step %scan3A_267  : i32 {
        %mul3A_270 = arith.constant 16 : i32
        %mul3A_271 = arith.muli %scan3A_269, %mul3A_270 : i32
        %add3A_272 = vector.broadcast %mul3A_271 : i32 to vector<16xi32>
        %add3A_273 = arith.addi %add3A_272, %iota3A : vector<16xi32>
        %mul3A_274 = arith.constant 3 : i32
        %mul3A_275 = vector.broadcast %mul3A_274 : i32 to vector<16xi32>
        %mul3A_276 = arith.muli %add3A_273, %mul3A_275 : vector<16xi32>
        %gather3A = arith.constant 1 : i32
        %gather3A_277 = arith.constant 0 : i32
        %gather3A_278 = tpu.memref_slice %arg5[%gather3A, %gather3A_277] : memref<2x6000xi32, #tpu.memory_space<vmem>> -> memref<1x6000xi32, #tpu.memory_space<vmem>>
        %gather3A_279 = tpu.memref_squeeze %gather3A_278 : memref<1x6000xi32, #tpu.memory_space<vmem>> -> memref<6000xi32, #tpu.memory_space<vmem>>
        %gather3A_280 = tpu.vector_load_idx %gather3A_279[%mul3A_276] : memref<6000xi32, #tpu.memory_space<vmem>>[vector<16xi32>], vector<16xi32>,
        %add3A_281 = arith.constant 1 : i32
        %add3A_282 = vector.broadcast %add3A_281 : i32 to vector<16xi32>
        %add3A_283 = arith.addi %mul3A_276, %add3A_282 : vector<16xi32>
        %gather3A_284 = arith.constant 1 : i32
        %gather3A_285 = arith.constant 0 : i32
        %gather3A_286 = tpu.memref_slice %arg5[%gather3A_284, %gather3A_285] : memref<2x6000xi32, #tpu.memory_space<vmem>> -> memref<1x6000xi32, #tpu.memory_space<vmem>>
        %gather3A_287 = tpu.memref_squeeze %gather3A_286 : memref<1x6000xi32, #tpu.memory_space<vmem>> -> memref<6000xi32, #tpu.memory_space<vmem>>
        %gather3A_288 = tpu.vector_load_idx %gather3A_287[%add3A_283] : memref<6000xi32, #tpu.memory_space<vmem>>[vector<16xi32>], vector<16xi32>,
        %mul3A_289 = arith.constant 512 : i32
        %mul3A_290 = vector.broadcast %mul3A_289 : i32 to vector<16xi32>
        %mul3A_291 = arith.muli %gather3A_288, %mul3A_290 : vector<16xi32>
        %add3A_292 = arith.addi %mul3A_291, %gather3A_280 : vector<16xi32>
        %sub3A = vector.broadcast %mul3A_4 : i32 to vector<16xi32>
        %sub3A_293 = arith.subi %add3A_292, %sub3A : vector<16xi32>
        %ge3A = arith.constant 0 : i32
        %ge3A_294 = vector.broadcast %ge3A : i32 to vector<16xi32>
        %ge3A_295 = arith.cmpi sge, %sub3A_293, %ge3A_294 : vector<16xi32>
        %lt3A_296 = arith.constant 16384 : i32
        %lt3A_297 = vector.broadcast %lt3A_296 : i32 to vector<16xi32>
        %lt3A_298 = arith.cmpi slt, %sub3A_293, %lt3A_297 : vector<16xi32>
        %and3A = arith.andi %ge3A_295, %lt3A_298 : vector<16xi1>
        %jit3A = arith.constant 0 : i32
        %jit3A_299 = arith.constant 16383 : i32
        %max3A = vector.broadcast %jit3A : i32 to vector<16xi32>
        %max3A_300 = arith.maxsi %max3A, %sub3A_293 : vector<16xi32>
        %min3A = vector.broadcast %jit3A_299 : i32 to vector<16xi32>
        %min3A_301 = arith.minsi %min3A, %max3A_300 : vector<16xi32>
        %mul3A_302 = arith.constant 2000 : i32
        %mul3A_303 = arith.muli %add3A_246, %mul3A_302 : i32
        %mul3A_304 = arith.constant 16 : i32
        %mul3A_305 = arith.muli %scan3A_269, %mul3A_304 : i32
        %add3A_306 = arith.addi %mul3A_303, %mul3A_305 : i32
        %add3A_307 = vector.broadcast %add3A_306 : i32 to vector<16xi32>
        %add3A_308 = arith.addi %add3A_307, %iota3A : vector<16xi32>
        %reduce_or3A = arith.constant 1.000000e+00 : f32
        %reduce_or3A_309 = arith.constant 0.000000e+00 : f32
        %reduce_or3A_310 = vector.broadcast %reduce_or3A : f32 to vector<16xf32>
        %reduce_or3A_311 = vector.broadcast %reduce_or3A_309 : f32 to vector<16xf32>
        %reduce_or3A_312 = arith.select %and3A, %reduce_or3A_310, %reduce_or3A_311 : vector<16xi1>, vector<16xf32>
        %reduce_or3A_313 = arith.constant true
        %reduce_or3A_314 = vector.broadcast %reduce_or3A_313 : i1 to vector<16xi1>
        %reduce_or3A_315 = tpu.scan <max>, %reduce_or3A_312 masked %reduce_or3A_314 : vector<16xf32>, vector<16xi1> -> vector<16xf32>
        %reduce_or3A_316 = vector.extract %reduce_or3A_315[15] : f32 from vector<16xf32>
        %reduce_or3A_317 = arith.constant 0.000000e+00 : f32
        %reduce_or3A_318 = arith.cmpf ogt, %reduce_or3A_316, %reduce_or3A_317 : f32
        %convert_element_type3A_319 = arith.extui %reduce_or3A_318 : i1 to i32
        %cond3A_320 = arith.constant 0 : i32
        %cond3A_321 = arith.cmpi ne, %convert_element_type3A_319, %cond3A_320 : i32
        scf.if %cond3A_321 {
          %while3A = arith.constant true
          %while3A_322 = scf.while (%while3A_323 = %while3A) : (i1) -> i1 {
            scf.condition(%while3A_323) %while3A_323 : i1
          } do {
          ^bb0(%while3A_323: i1):
            %gather3A_324 = tpu.vector_load_idx %arg6[%min3A_301] : memref<16384xi32, #tpu.memory_space<vmem>>[vector<16xi32>], vector<16xi32>,
            %lt3A_325 = arith.cmpi slt, %gather3A_324, %add3A_308 : vector<16xi32>
            %and3A_326 = arith.andi %and3A, %lt3A_325 : vector<16xi1>
            %max3A_327 = arith.maxsi %gather3A_324, %add3A_308 : vector<16xi32>
            tpu.vector_store_idx %arg6[%min3A_301], %max3A_327 masked %and3A_326 : memref<16384xi32, #tpu.memory_space<vmem>>[vector<16xi32>], vector<16xi32>, vector<16xi1>
            %reduce_or3A_328 = arith.constant 1.000000e+00 : f32
            %reduce_or3A_329 = arith.constant 0.000000e+00 : f32
            %reduce_or3A_330 = vector.broadcast %reduce_or3A_328 : f32 to vector<16xf32>
            %reduce_or3A_331 = vector.broadcast %reduce_or3A_329 : f32 to vector<16xf32>
            %reduce_or3A_332 = arith.select %and3A_326, %reduce_or3A_330, %reduce_or3A_331 : vector<16xi1>, vector<16xf32>
            %reduce_or3A_333 = arith.constant true
            %reduce_or3A_334 = vector.broadcast %reduce_or3A_333 : i1 to vector<16xi1>
            %reduce_or3A_335 = tpu.scan <max>, %reduce_or3A_332 masked %reduce_or3A_334 : vector<16xf32>, vector<16xi1> -> vector<16xf32>
            %reduce_or3A_336 = vector.extract %reduce_or3A_335[15] : f32 from vector<16xf32>
            %reduce_or3A_337 = arith.constant 0.000000e+00 : f32
            %reduce_or3A_338 = arith.cmpf ogt, %reduce_or3A_336, %reduce_or3A_337 : f32
            scf.yield %reduce_or3A_338 : i1
          }
        } else {
        }
      }
      %scan3A_268 = arith.constant 125 : i32
    }
    %scan3A_118 = arith.constant 5 : i32
    %parallel_loop3A_119 = arith.constant 0 : i32
    %parallel_loop3A_120 = arith.constant 16384 : i32
    %parallel_loop3A_121 = arith.constant 128 : i32
    scf.for %parallel_loop3A_216 = %parallel_loop3A_119 to %parallel_loop3A_120 step %parallel_loop3A_121  : i32 {
      %parallel_loop3A_217 = arith.constant 0 : i32
      %parallel_loop3A_218 = arith.addi %parallel_loop3A_216, %parallel_loop3A_217 : i32
      %parallel_loop3A_219 = arith.index_cast %parallel_loop3A_218 : i32 to index
      %parallel_loop3A_220 = tpu.vector_load %arg6[%parallel_loop3A_219] {strides = array<i32>} : memref<16384xi32, #tpu.memory_space<vmem>>, vector<16xi32>,
      %parallel_loop3A_221 = arith.constant 16 : i32
      %parallel_loop3A_222 = arith.addi %parallel_loop3A_218, %parallel_loop3A_221 : i32
      %parallel_loop3A_223 = arith.index_cast %parallel_loop3A_222 : i32 to index
      %parallel_loop3A_224 = tpu.vector_load %arg6[%parallel_loop3A_223] {strides = array<i32>} : memref<16384xi32, #tpu.memory_space<vmem>>, vector<16xi32>,
      %parallel_loop3A_225 = arith.constant 0 : i32
      %parallel_loop3A_226 = vector.broadcast %parallel_loop3A_225 : i32 to vector<16xi32>
      %parallel_loop3A_227 = arith.cmpi slt, %parallel_loop3A_220, %parallel_loop3A_226 : vector<16xi32>
      %parallel_loop3A_228 = arith.constant 20000 : i32
      %parallel_loop3A_229 = vector.broadcast %parallel_loop3A_228 : i32 to vector<16xi32>
      %parallel_loop3A_230 = arith.select %parallel_loop3A_227, %parallel_loop3A_229, %parallel_loop3A_220 : vector<16xi1>, vector<16xi32>
      %parallel_loop3A_231 = arith.constant 0 : i32
      %parallel_loop3A_232 = vector.broadcast %parallel_loop3A_231 : i32 to vector<16xi32>
      %parallel_loop3A_233 = arith.cmpi slt, %parallel_loop3A_224, %parallel_loop3A_232 : vector<16xi32>
      %parallel_loop3A_234 = arith.constant 20000 : i32
      %parallel_loop3A_235 = vector.broadcast %parallel_loop3A_234 : i32 to vector<16xi32>
      %parallel_loop3A_236 = arith.select %parallel_loop3A_233, %parallel_loop3A_235, %parallel_loop3A_224 : vector<16xi1>, vector<16xi32>
      %parallel_loop3A_237 = tpu.pack_subelements %parallel_loop3A_230, %parallel_loop3A_236 {pack_format = #tpu.pack_format<interleaved>, positions = array<i32: 0, 1>} : vector<16xi32>, vector<16xi32> -> vector<32xi16>
      %parallel_loop3A_238 = arith.index_cast %parallel_loop3A_218 : i32 to index
      %parallel_loop3A_239 = tpu.vector_load %arg7[%parallel_loop3A_238] {strides = array<i32>} : memref<16384xi16, #tpu.memory_space<vmem>>, vector<32xi16>,
      tpu.vector_store %arg7[%parallel_loop3A_238], %parallel_loop3A_237 {strides = array<i32>} : memref<16384xi16, #tpu.memory_space<vmem>>, vector<32xi16>,
      %parallel_loop3A_240 = arith.constant 32 : i32
      %parallel_loop3A_241 = arith.addi %parallel_loop3A_216, %parallel_loop3A_240 : i32
      %parallel_loop3A_242 = arith.index_cast %parallel_loop3A_241 : i32 to index
      %parallel_loop3A_243 = tpu.vector_load %arg6[%parallel_loop3A_242] {strides = array<i32>} : memref<16384xi32, #tpu.memory_space<vmem>>, vector<16xi32>,
      %parallel_loop3A_244 = arith.constant 16 : i32
      %parallel_loop3A_245 = arith.addi %parallel_loop3A_241, %parallel_loop3A_244 : i32
      %parallel_loop3A_246 = arith.index_cast %parallel_loop3A_245 : i32 to index
      %parallel_loop3A_247 = tpu.vector_load %arg6[%parallel_loop3A_246] {strides = array<i32>} : memref<16384xi32, #tpu.memory_space<vmem>>, vector<16xi32>,
      %parallel_loop3A_248 = arith.constant 0 : i32
      %parallel_loop3A_249 = vector.broadcast %parallel_loop3A_248 : i32 to vector<16xi32>
      %parallel_loop3A_250 = arith.cmpi slt, %parallel_loop3A_243, %parallel_loop3A_249 : vector<16xi32>
      %parallel_loop3A_251 = arith.constant 20000 : i32
      %parallel_loop3A_252 = vector.broadcast %parallel_loop3A_251 : i32 to vector<16xi32>
      %parallel_loop3A_253 = arith.select %parallel_loop3A_250, %parallel_loop3A_252, %parallel_loop3A_243 : vector<16xi1>, vector<16xi32>
      %parallel_loop3A_254 = arith.constant 0 : i32
      %parallel_loop3A_255 = vector.broadcast %parallel_loop3A_254 : i32 to vector<16xi32>
      %parallel_loop3A_256 = arith.cmpi slt, %parallel_loop3A_247, %parallel_loop3A_255 : vector<16xi32>
      %parallel_loop3A_257 = arith.constant 20000 : i32
      %parallel_loop3A_258 = vector.broadcast %parallel_loop3A_257 : i32 to vector<16xi32>
      %parallel_loop3A_259 = arith.select %parallel_loop3A_256, %parallel_loop3A_258, %parallel_loop3A_247 : vector<16xi1>, vector<16xi32>
      %parallel_loop3A_260 = tpu.pack_subelements %parallel_loop3A_253, %parallel_loop3A_259 {pack_format = #tpu.pack_format<interleaved>, positions = array<i32: 0, 1>} : vector<16xi32>, vector<16xi32> -> vector<32xi16>
      %parallel_loop3A_261 = arith.index_cast %parallel_loop3A_241 : i32 to index
      %parallel_loop3A_262 = tpu.vector_load %arg7[%parallel_loop3A_261] {strides = array<i32>} : memref<16384xi16, #tpu.memory_space<vmem>>, vector<32xi16>,
      tpu.vector_store %arg7[%parallel_loop3A_261], %parallel_loop3A_260 {strides = array<i32>} : memref<16384xi16, #tpu.memory_space<vmem>>, vector<32xi16>,
      %parallel_loop3A_263 = arith.constant 64 : i32
      %parallel_loop3A_264 = arith.addi %parallel_loop3A_216, %parallel_loop3A_263 : i32
      %parallel_loop3A_265 = arith.index_cast %parallel_loop3A_264 : i32 to index
      %parallel_loop3A_266 = tpu.vector_load %arg6[%parallel_loop3A_265] {strides = array<i32>} : memref<16384xi32, #tpu.memory_space<vmem>>, vector<16xi32>,
      %parallel_loop3A_267 = arith.constant 16 : i32
      %parallel_loop3A_268 = arith.addi %parallel_loop3A_264, %parallel_loop3A_267 : i32
      %parallel_loop3A_269 = arith.index_cast %parallel_loop3A_268 : i32 to index
      %parallel_loop3A_270 = tpu.vector_load %arg6[%parallel_loop3A_269] {strides = array<i32>} : memref<16384xi32, #tpu.memory_space<vmem>>, vector<16xi32>,
      %parallel_loop3A_271 = arith.constant 0 : i32
      %parallel_loop3A_272 = vector.broadcast %parallel_loop3A_271 : i32 to vector<16xi32>
      %parallel_loop3A_273 = arith.cmpi slt, %parallel_loop3A_266, %parallel_loop3A_272 : vector<16xi32>
      %parallel_loop3A_274 = arith.constant 20000 : i32
      %parallel_loop3A_275 = vector.broadcast %parallel_loop3A_274 : i32 to vector<16xi32>
      %parallel_loop3A_276 = arith.select %parallel_loop3A_273, %parallel_loop3A_275, %parallel_loop3A_266 : vector<16xi1>, vector<16xi32>
      %parallel_loop3A_277 = arith.constant 0 : i32
      %parallel_loop3A_278 = vector.broadcast %parallel_loop3A_277 : i32 to vector<16xi32>
      %parallel_loop3A_279 = arith.cmpi slt, %parallel_loop3A_270, %parallel_loop3A_278 : vector<16xi32>
      %parallel_loop3A_280 = arith.constant 20000 : i32
      %parallel_loop3A_281 = vector.broadcast %parallel_loop3A_280 : i32 to vector<16xi32>
      %parallel_loop3A_282 = arith.select %parallel_loop3A_279, %parallel_loop3A_281, %parallel_loop3A_270 : vector<16xi1>, vector<16xi32>
      %parallel_loop3A_283 = tpu.pack_subelements %parallel_loop3A_276, %parallel_loop3A_282 {pack_format = #tpu.pack_format<interleaved>, positions = array<i32: 0, 1>} : vector<16xi32>, vector<16xi32> -> vector<32xi16>
      %parallel_loop3A_284 = arith.index_cast %parallel_loop3A_264 : i32 to index
      %parallel_loop3A_285 = tpu.vector_load %arg7[%parallel_loop3A_284] {strides = array<i32>} : memref<16384xi16, #tpu.memory_space<vmem>>, vector<32xi16>,
      tpu.vector_store %arg7[%parallel_loop3A_284], %parallel_loop3A_283 {strides = array<i32>} : memref<16384xi16, #tpu.memory_space<vmem>>, vector<32xi16>,
      %parallel_loop3A_286 = arith.constant 96 : i32
      %parallel_loop3A_287 = arith.addi %parallel_loop3A_216, %parallel_loop3A_286 : i32
      %parallel_loop3A_288 = arith.index_cast %parallel_loop3A_287 : i32 to index
      %parallel_loop3A_289 = tpu.vector_load %arg6[%parallel_loop3A_288] {strides = array<i32>} : memref<16384xi32, #tpu.memory_space<vmem>>, vector<16xi32>,
      %parallel_loop3A_290 = arith.constant 16 : i32
      %parallel_loop3A_291 = arith.addi %parallel_loop3A_287, %parallel_loop3A_290 : i32
      %parallel_loop3A_292 = arith.index_cast %parallel_loop3A_291 : i32 to index
      %parallel_loop3A_293 = tpu.vector_load %arg6[%parallel_loop3A_292] {strides = array<i32>} : memref<16384xi32, #tpu.memory_space<vmem>>, vector<16xi32>,
      %parallel_loop3A_294 = arith.constant 0 : i32
      %parallel_loop3A_295 = vector.broadcast %parallel_loop3A_294 : i32 to vector<16xi32>
      %parallel_loop3A_296 = arith.cmpi slt, %parallel_loop3A_289, %parallel_loop3A_295 : vector<16xi32>
      %parallel_loop3A_297 = arith.constant 20000 : i32
      %parallel_loop3A_298 = vector.broadcast %parallel_loop3A_297 : i32 to vector<16xi32>
      %parallel_loop3A_299 = arith.select %parallel_loop3A_296, %parallel_loop3A_298, %parallel_loop3A_289 : vector<16xi1>, vector<16xi32>
      %parallel_loop3A_300 = arith.constant 0 : i32
      %parallel_loop3A_301 = vector.broadcast %parallel_loop3A_300 : i32 to vector<16xi32>
      %parallel_loop3A_302 = arith.cmpi slt, %parallel_loop3A_293, %parallel_loop3A_301 : vector<16xi32>
      %parallel_loop3A_303 = arith.constant 20000 : i32
      %parallel_loop3A_304 = vector.broadcast %parallel_loop3A_303 : i32 to vector<16xi32>
      %parallel_loop3A_305 = arith.select %parallel_loop3A_302, %parallel_loop3A_304, %parallel_loop3A_293 : vector<16xi1>, vector<16xi32>
      %parallel_loop3A_306 = tpu.pack_subelements %parallel_loop3A_299, %parallel_loop3A_305 {pack_format = #tpu.pack_format<interleaved>, positions = array<i32: 0, 1>} : vector<16xi32>, vector<16xi32> -> vector<32xi16>
      %parallel_loop3A_307 = arith.index_cast %parallel_loop3A_287 : i32 to index
      %parallel_loop3A_308 = tpu.vector_load %arg7[%parallel_loop3A_307] {strides = array<i32>} : memref<16384xi16, #tpu.memory_space<vmem>>, vector<32xi16>,
      tpu.vector_store %arg7[%parallel_loop3A_307], %parallel_loop3A_306 {strides = array<i32>} : memref<16384xi16, #tpu.memory_space<vmem>>, vector<32xi16>,
    } {sc.loop_unroll_factor = 2 : i64, sc.parallel_access}
    "tpu.region"() ({
      %run_scoped3A = tpu.sem_alloc : memref<!tpu.dma_semaphore, #tpu.memory_space<semaphore_mem>>
      %dma_start3A_216 = tpu.memref_slice %arg12[%mul3A_4] : memref<262144xi16, #tpu.memory_space<vmem_shared>> -> memref<16384xi16, #tpu.memory_space<vmem_shared>>
      %dma_start3A_217 = tpu.memref_slice %arg12[%mul3A_4] : memref<262144xi16, #tpu.memory_space<vmem_shared>> -> memref<16384xi16, #tpu.memory_space<vmem_shared>>
      tpu.enqueue_dma source(%arg7 : memref<16384xi16, #tpu.memory_space<vmem>>) target(%dma_start3A_217 : memref<16384xi16, #tpu.memory_space<vmem_shared>>) target_semaphore(%run_scoped3A : memref<!tpu.dma_semaphore, #tpu.memory_space<semaphore_mem>>)
      %dma_wait3A_218 = tpu.memref_slice %arg12[%mul3A_4] : memref<262144xi16, #tpu.memory_space<vmem_shared>> -> memref<16384xi16, #tpu.memory_space<vmem_shared>>
      %dma_wait3A_219 = tpu.memref_slice %arg12[%mul3A_4] : memref<262144xi16, #tpu.memory_space<vmem_shared>> -> memref<16384xi16, #tpu.memory_space<vmem_shared>>
      tpu.wait_dma2 semaphore(%run_scoped3A : memref<!tpu.dma_semaphore, #tpu.memory_space<semaphore_mem>>) src(%arg7 : memref<16384xi16, #tpu.memory_space<vmem>>) dst(%dma_wait3A_219 : memref<16384xi16, #tpu.memory_space<vmem_shared>>)
      tpu.yield
    }) : () -> ()
    %barrier3A_122 = arith.constant 0 : index
    tpu.barrier barrier_id(%barrier3A_122)
    %dma_wait3A_123 = arith.constant 1 : i32
    %dma_wait3A_124 = arith.constant 0 : i32
    %dma_wait3A_125 = tpu.memref_slice %arg2[%dma_wait3A_123, %mul3A_2, %dma_wait3A_124] : memref<2x64x20008xf32, #tpu.memory_space<hbm>> -> memref<1x1x20008xf32, #tpu.memory_space<hbm>>
    %dma_wait3A_126 = tpu.memref_squeeze %dma_wait3A_125 : memref<1x1x20008xf32, #tpu.memory_space<hbm>> -> memref<20008xf32, #tpu.memory_space<hbm>>
    %dma_wait3A_127 = arith.constant 0 : i32
    %dma_wait3A_128 = tpu.memref_slice %arg2[%dma_wait3A_123, %mul3A_2, %dma_wait3A_127] : memref<2x64x20008xf32, #tpu.memory_space<hbm>> -> memref<1x1x20008xf32, #tpu.memory_space<hbm>>
    %dma_wait3A_129 = tpu.memref_squeeze %dma_wait3A_128 : memref<1x1x20008xf32, #tpu.memory_space<hbm>> -> memref<20008xf32, #tpu.memory_space<hbm>>
    tpu.wait_dma2 semaphore(%arg15 : memref<!tpu.dma_semaphore, #tpu.memory_space<semaphore_mem>>) src(%dma_wait3A_129 : memref<20008xf32, #tpu.memory_space<hbm>>) dst(%arg8 : memref<20008xf32, #tpu.memory_space<vmem>>)
    %add3A_130 = arith.constant 1 : i32
    %add3A_131 = arith.addi %mul3A_2, %add3A_130 : i32
    %dma_wait3A_132 = arith.constant 1 : i32
    %dma_wait3A_133 = arith.constant 0 : i32
    %dma_wait3A_134 = tpu.memref_slice %arg2[%dma_wait3A_132, %add3A_131, %dma_wait3A_133] : memref<2x64x20008xf32, #tpu.memory_space<hbm>> -> memref<1x1x20008xf32, #tpu.memory_space<hbm>>
    %dma_wait3A_135 = tpu.memref_squeeze %dma_wait3A_134 : memref<1x1x20008xf32, #tpu.memory_space<hbm>> -> memref<20008xf32, #tpu.memory_space<hbm>>
    %dma_wait3A_136 = arith.constant 0 : i32
    %dma_wait3A_137 = tpu.memref_slice %arg2[%dma_wait3A_132, %add3A_131, %dma_wait3A_136] : memref<2x64x20008xf32, #tpu.memory_space<hbm>> -> memref<1x1x20008xf32, #tpu.memory_space<hbm>>
    %dma_wait3A_138 = tpu.memref_squeeze %dma_wait3A_137 : memref<1x1x20008xf32, #tpu.memory_space<hbm>> -> memref<20008xf32, #tpu.memory_space<hbm>>
    tpu.wait_dma2 semaphore(%arg15 : memref<!tpu.dma_semaphore, #tpu.memory_space<semaphore_mem>>) src(%dma_wait3A_138 : memref<20008xf32, #tpu.memory_space<hbm>>) dst(%arg9 : memref<20008xf32, #tpu.memory_space<vmem>>)
    %dma_start3A_139 = arith.constant 0 : i32
    %dma_start3A_140 = arith.constant 0 : i32
    %dma_start3A_141 = tpu.memref_slice %arg10[%dma_start3A_139, %dma_start3A_140] : memref<2x8192xi16, #tpu.memory_space<vmem>> -> memref<1x8192xi16, #tpu.memory_space<vmem>>
    %dma_start3A_142 = tpu.memref_squeeze %dma_start3A_141 : memref<1x8192xi16, #tpu.memory_space<vmem>> -> memref<8192xi16, #tpu.memory_space<vmem>>
    %dma_start3A_143 = arith.constant 0 : i32
    %dma_start3A_144 = tpu.memref_slice %arg12[%dma_start3A_143] : memref<262144xi16, #tpu.memory_space<vmem_shared>> -> memref<8192xi16, #tpu.memory_space<vmem_shared>>
    %dma_start3A_145 = arith.constant 0 : i32
    %dma_start3A_146 = tpu.memref_slice %arg10[%dma_start3A_139, %dma_start3A_145] : memref<2x8192xi16, #tpu.memory_space<vmem>> -> memref<1x8192xi16, #tpu.memory_space<vmem>>
    %dma_start3A_147 = tpu.memref_squeeze %dma_start3A_146 : memref<1x8192xi16, #tpu.memory_space<vmem>> -> memref<8192xi16, #tpu.memory_space<vmem>>
    %dma_start3A_148 = arith.constant 0 : i32
    %dma_start3A_149 = tpu.memref_slice %arg12[%dma_start3A_148] : memref<262144xi16, #tpu.memory_space<vmem_shared>> -> memref<8192xi16, #tpu.memory_space<vmem_shared>>
    tpu.enqueue_dma source(%dma_start3A_149 : memref<8192xi16, #tpu.memory_space<vmem_shared>>) target(%dma_start3A_147 : memref<8192xi16, #tpu.memory_space<vmem>>) target_semaphore(%arg16 : memref<!tpu.dma_semaphore, #tpu.memory_space<semaphore_mem>>)
    %scan3A_150 = arith.constant 0 : i32
    %scan3A_151 = arith.constant 0 : i32
    %scan3A_152 = arith.constant 16 : i32
    %scan3A_153 = arith.addi %scan3A_151, %scan3A_152 : i32
    %scan3A_154 = arith.constant 1 : i32
    scf.for %scan3A_216 = %scan3A_151 to %scan3A_153 step %scan3A_154  : i32 {
      %mul3A_217 = arith.constant 2 : i32
      %mul3A_218 = arith.muli %scan3A_216, %mul3A_217 : i32
      %add3A_219 = arith.constant 0 : i32
      %add3A_220 = arith.addi %mul3A_218, %add3A_219 : i32
      %mul3A_221 = arith.constant 8192 : i32
      %mul3A_222 = arith.muli %add3A_220, %mul3A_221 : i32
      %add3A_223 = arith.constant 32 : i32
      %add3A_224 = arith.addi %add3A_223, %add3A_220 : i32
      %dma_wait3A_225 = arith.constant 0 : i32
      %dma_wait3A_226 = arith.constant 0 : i32
      %dma_wait3A_227 = tpu.memref_slice %arg10[%dma_wait3A_225, %dma_wait3A_226] : memref<2x8192xi16, #tpu.memory_space<vmem>> -> memref<1x8192xi16, #tpu.memory_space<vmem>>
      %dma_wait3A_228 = tpu.memref_squeeze %dma_wait3A_227 : memref<1x8192xi16, #tpu.memory_space<vmem>> -> memref<8192xi16, #tpu.memory_space<vmem>>
      %dma_wait3A_229 = arith.constant 0 : i32
      %dma_wait3A_230 = tpu.memref_slice %arg12[%dma_wait3A_229] : memref<262144xi16, #tpu.memory_space<vmem_shared>> -> memref<8192xi16, #tpu.memory_space<vmem_shared>>
      %dma_wait3A_231 = arith.constant 0 : i32
      %dma_wait3A_232 = tpu.memref_slice %arg10[%dma_wait3A_225, %dma_wait3A_231] : memref<2x8192xi16, #tpu.memory_space<vmem>> -> memref<1x8192xi16, #tpu.memory_space<vmem>>
      %dma_wait3A_233 = tpu.memref_squeeze %dma_wait3A_232 : memref<1x8192xi16, #tpu.memory_space<vmem>> -> memref<8192xi16, #tpu.memory_space<vmem>>
      %dma_wait3A_234 = arith.constant 0 : i32
      %dma_wait3A_235 = tpu.memref_slice %arg12[%dma_wait3A_234] : memref<262144xi16, #tpu.memory_space<vmem_shared>> -> memref<8192xi16, #tpu.memory_space<vmem_shared>>
      tpu.wait_dma2 semaphore(%arg16 : memref<!tpu.dma_semaphore, #tpu.memory_space<semaphore_mem>>) src(%dma_wait3A_235 : memref<8192xi16, #tpu.memory_space<vmem_shared>>) dst(%dma_wait3A_233 : memref<8192xi16, #tpu.memory_space<vmem>>)
      %lt3A_236 = arith.constant 31 : i32
      %lt3A_237 = arith.cmpi slt, %add3A_220, %lt3A_236 : i32
      %convert_element_type3A_238 = arith.extui %lt3A_237 : i1 to i32
      %cond3A_239 = arith.constant 0 : i32
      %cond3A_240 = arith.cmpi ne, %convert_element_type3A_238, %cond3A_239 : i32
      scf.if %cond3A_240 {
        %add3A_336 = arith.constant 8192 : i32
        %add3A_337 = arith.addi %mul3A_222, %add3A_336 : i32
        %dma_start3A_338 = arith.constant 1 : i32
        %dma_start3A_339 = arith.constant 0 : i32
        %dma_start3A_340 = tpu.memref_slice %arg10[%dma_start3A_338, %dma_start3A_339] : memref<2x8192xi16, #tpu.memory_space<vmem>> -> memref<1x8192xi16, #tpu.memory_space<vmem>>
        %dma_start3A_341 = tpu.memref_squeeze %dma_start3A_340 : memref<1x8192xi16, #tpu.memory_space<vmem>> -> memref<8192xi16, #tpu.memory_space<vmem>>
        %dma_start3A_342 = tpu.memref_slice %arg12[%add3A_337] : memref<262144xi16, #tpu.memory_space<vmem_shared>> -> memref<8192xi16, #tpu.memory_space<vmem_shared>>
        %dma_start3A_343 = arith.constant 0 : i32
        %dma_start3A_344 = tpu.memref_slice %arg10[%dma_start3A_338, %dma_start3A_343] : memref<2x8192xi16, #tpu.memory_space<vmem>> -> memref<1x8192xi16, #tpu.memory_space<vmem>>
        %dma_start3A_345 = tpu.memref_squeeze %dma_start3A_344 : memref<1x8192xi16, #tpu.memory_space<vmem>> -> memref<8192xi16, #tpu.memory_space<vmem>>
        %dma_start3A_346 = tpu.memref_slice %arg12[%add3A_337] : memref<262144xi16, #tpu.memory_space<vmem_shared>> -> memref<8192xi16, #tpu.memory_space<vmem_shared>>
        tpu.enqueue_dma source(%dma_start3A_346 : memref<8192xi16, #tpu.memory_space<vmem_shared>>) target(%dma_start3A_345 : memref<8192xi16, #tpu.memory_space<vmem>>) target_semaphore(%arg16 : memref<!tpu.dma_semaphore, #tpu.memory_space<semaphore_mem>>)
      } else {
      }
      %ge3A = arith.constant 2 : i32
      %ge3A_241 = arith.cmpi sge, %add3A_224, %ge3A : i32
      %convert_element_type3A_242 = arith.extui %ge3A_241 : i1 to i32
      %cond3A_243 = arith.constant 0 : i32
      %cond3A_244 = arith.cmpi ne, %convert_element_type3A_242, %cond3A_243 : i32
      scf.if %cond3A_244 {
        %dma_wait3A_336 = arith.constant 0 : i32
        %dma_wait3A_337 = arith.constant 0 : i32
        %dma_wait3A_338 = arith.constant 1 : i32
        %dma_wait3A_339 = arith.constant 0 : i32
        %dma_wait3A_340 = tpu.memref_slice %arg11[%dma_wait3A_336, %dma_wait3A_337, %dma_wait3A_339] : memref<2x2x8192xf32, #tpu.memory_space<vmem>> -> memref<1x1x8192xf32, #tpu.memory_space<vmem>>
        %dma_wait3A_341 = tpu.memref_squeeze %dma_wait3A_340 : memref<1x1x8192xf32, #tpu.memory_space<vmem>> -> memref<8192xf32, #tpu.memory_space<vmem>>
        %dma_wait3A_342 = tpu.memref_slice %arg4[%dma_wait3A_338, %mul3A_2, %mul3A_222] : memref<2x64x262144xf32, #tpu.memory_space<hbm>> -> memref<1x1x8192xf32, #tpu.memory_space<hbm>>
        %dma_wait3A_343 = tpu.memref_squeeze %dma_wait3A_342 : memref<1x1x8192xf32, #tpu.memory_space<hbm>> -> memref<8192xf32, #tpu.memory_space<hbm>>
        %dma_wait3A_344 = tpu.memref_slice %arg4[%dma_wait3A_338, %mul3A_2, %mul3A_222] : memref<2x64x262144xf32, #tpu.memory_space<hbm>> -> memref<1x1x8192xf32, #tpu.memory_space<hbm>>
        %dma_wait3A_345 = tpu.memref_squeeze %dma_wait3A_344 : memref<1x1x8192xf32, #tpu.memory_space<hbm>> -> memref<8192xf32, #tpu.memory_space<hbm>>
        %dma_wait3A_346 = arith.constant 0 : i32
        %dma_wait3A_347 = tpu.memref_slice %arg11[%dma_wait3A_336, %dma_wait3A_337, %dma_wait3A_346] : memref<2x2x8192xf32, #tpu.memory_space<vmem>> -> memref<1x1x8192xf32, #tpu.memory_space<vmem>>
        %dma_wait3A_348 = tpu.memref_squeeze %dma_wait3A_347 : memref<1x1x8192xf32, #tpu.memory_space<vmem>> -> memref<8192xf32, #tpu.memory_space<vmem>>
        tpu.wait_dma2 semaphore(%arg17 : memref<!tpu.dma_semaphore, #tpu.memory_space<semaphore_mem>>) src(%dma_wait3A_348 : memref<8192xf32, #tpu.memory_space<vmem>>) dst(%dma_wait3A_345 : memref<8192xf32, #tpu.memory_space<hbm>>)
        %dma_wait3A_349 = arith.constant 0 : i32
        %dma_wait3A_350 = arith.constant 1 : i32
        %dma_wait3A_351 = arith.constant 1 : i32
        %dma_wait3A_352 = arith.constant 0 : i32
        %dma_wait3A_353 = tpu.memref_slice %arg11[%dma_wait3A_349, %dma_wait3A_350, %dma_wait3A_352] : memref<2x2x8192xf32, #tpu.memory_space<vmem>> -> memref<1x1x8192xf32, #tpu.memory_space<vmem>>
        %dma_wait3A_354 = tpu.memref_squeeze %dma_wait3A_353 : memref<1x1x8192xf32, #tpu.memory_space<vmem>> -> memref<8192xf32, #tpu.memory_space<vmem>>
        %dma_wait3A_355 = tpu.memref_slice %arg4[%dma_wait3A_351, %mul3A_2, %mul3A_222] : memref<2x64x262144xf32, #tpu.memory_space<hbm>> -> memref<1x1x8192xf32, #tpu.memory_space<hbm>>
        %dma_wait3A_356 = tpu.memref_squeeze %dma_wait3A_355 : memref<1x1x8192xf32, #tpu.memory_space<hbm>> -> memref<8192xf32, #tpu.memory_space<hbm>>
        %dma_wait3A_357 = tpu.memref_slice %arg4[%dma_wait3A_351, %mul3A_2, %mul3A_222] : memref<2x64x262144xf32, #tpu.memory_space<hbm>> -> memref<1x1x8192xf32, #tpu.memory_space<hbm>>
        %dma_wait3A_358 = tpu.memref_squeeze %dma_wait3A_357 : memref<1x1x8192xf32, #tpu.memory_space<hbm>> -> memref<8192xf32, #tpu.memory_space<hbm>>
        %dma_wait3A_359 = arith.constant 0 : i32
        %dma_wait3A_360 = tpu.memref_slice %arg11[%dma_wait3A_349, %dma_wait3A_350, %dma_wait3A_359] : memref<2x2x8192xf32, #tpu.memory_space<vmem>> -> memref<1x1x8192xf32, #tpu.memory_space<vmem>>
        %dma_wait3A_361 = tpu.memref_squeeze %dma_wait3A_360 : memref<1x1x8192xf32, #tpu.memory_space<vmem>> -> memref<8192xf32, #tpu.memory_space<vmem>>
        tpu.wait_dma2 semaphore(%arg17 : memref<!tpu.dma_semaphore, #tpu.memory_space<semaphore_mem>>) src(%dma_wait3A_361 : memref<8192xf32, #tpu.memory_space<vmem>>) dst(%dma_wait3A_358 : memref<8192xf32, #tpu.memory_space<hbm>>)
      } else {
      }
      %parallel_loop3A_245 = arith.constant 0 : i32
      %parallel_loop3A_246 = arith.constant 8192 : i32
      %parallel_loop3A_247 = arith.constant 128 : i32
      scf.for %parallel_loop3A_336 = %parallel_loop3A_245 to %parallel_loop3A_246 step %parallel_loop3A_247  : i32 {
        %parallel_loop3A_337 = arith.constant 0 : i32
        %parallel_loop3A_338 = arith.addi %parallel_loop3A_336, %parallel_loop3A_337 : i32
        %parallel_loop3A_339 = arith.constant 0 : i32
        %parallel_loop3A_340 = arith.index_cast %parallel_loop3A_339 : i32 to index
        %parallel_loop3A_341 = arith.index_cast %parallel_loop3A_338 : i32 to index
        %parallel_loop3A_342 = tpu.vector_load %arg10[%parallel_loop3A_340, %parallel_loop3A_341] {strides = array<i32>} : memref<2x8192xi16, #tpu.memory_space<vmem>>, vector<32xi16>,
        %parallel_loop3A_343 = tpu.unpack_subelements %parallel_loop3A_342, 0 {pack_format = #tpu.pack_format<interleaved>} : vector<32xi16> -> vector<16xi32>
        %parallel_loop3A_344 = tpu.unpack_subelements %parallel_loop3A_342, 1 {pack_format = #tpu.pack_format<interleaved>} : vector<32xi16> -> vector<16xi32>
        %parallel_loop3A_345 = tpu.vector_load_idx %arg8[%parallel_loop3A_343] : memref<20008xf32, #tpu.memory_space<vmem>>[vector<16xi32>], vector<16xf32>,
        %parallel_loop3A_346 = arith.constant 0 : i32
        %parallel_loop3A_347 = arith.constant 0 : i32
        %parallel_loop3A_348 = arith.index_cast %parallel_loop3A_346 : i32 to index
        %parallel_loop3A_349 = arith.index_cast %parallel_loop3A_347 : i32 to index
        %parallel_loop3A_350 = arith.index_cast %parallel_loop3A_338 : i32 to index
        %parallel_loop3A_351 = tpu.vector_load %arg11[%parallel_loop3A_348, %parallel_loop3A_349, %parallel_loop3A_350] {strides = array<i32>} : memref<2x2x8192xf32, #tpu.memory_space<vmem>>, vector<16xf32>,
        tpu.vector_store %arg11[%parallel_loop3A_348, %parallel_loop3A_349, %parallel_loop3A_350], %parallel_loop3A_345 {strides = array<i32>} : memref<2x2x8192xf32, #tpu.memory_space<vmem>>, vector<16xf32>,
        %parallel_loop3A_352 = tpu.vector_load_idx %arg8[%parallel_loop3A_344] : memref<20008xf32, #tpu.memory_space<vmem>>[vector<16xi32>], vector<16xf32>,
        %parallel_loop3A_353 = arith.constant 16 : i32
        %parallel_loop3A_354 = arith.addi %parallel_loop3A_338, %parallel_loop3A_353 : i32
        %parallel_loop3A_355 = arith.constant 0 : i32
        %parallel_loop3A_356 = arith.constant 0 : i32
        %parallel_loop3A_357 = arith.index_cast %parallel_loop3A_355 : i32 to index
        %parallel_loop3A_358 = arith.index_cast %parallel_loop3A_356 : i32 to index
        %parallel_loop3A_359 = arith.index_cast %parallel_loop3A_354 : i32 to index
        %parallel_loop3A_360 = tpu.vector_load %arg11[%parallel_loop3A_357, %parallel_loop3A_358, %parallel_loop3A_359] {strides = array<i32>} : memref<2x2x8192xf32, #tpu.memory_space<vmem>>, vector<16xf32>,
        tpu.vector_store %arg11[%parallel_loop3A_357, %parallel_loop3A_358, %parallel_loop3A_359], %parallel_loop3A_352 {strides = array<i32>} : memref<2x2x8192xf32, #tpu.memory_space<vmem>>, vector<16xf32>,
        %parallel_loop3A_361 = tpu.vector_load_idx %arg9[%parallel_loop3A_343] : memref<20008xf32, #tpu.memory_space<vmem>>[vector<16xi32>], vector<16xf32>,
        %parallel_loop3A_362 = arith.constant 0 : i32
        %parallel_loop3A_363 = arith.constant 1 : i32
        %parallel_loop3A_364 = arith.index_cast %parallel_loop3A_362 : i32 to index
        %parallel_loop3A_365 = arith.index_cast %parallel_loop3A_363 : i32 to index
        %parallel_loop3A_366 = arith.index_cast %parallel_loop3A_338 : i32 to index
        %parallel_loop3A_367 = tpu.vector_load %arg11[%parallel_loop3A_364, %parallel_loop3A_365, %parallel_loop3A_366] {strides = array<i32>} : memref<2x2x8192xf32, #tpu.memory_space<vmem>>, vector<16xf32>,
        tpu.vector_store %arg11[%parallel_loop3A_364, %parallel_loop3A_365, %parallel_loop3A_366], %parallel_loop3A_361 {strides = array<i32>} : memref<2x2x8192xf32, #tpu.memory_space<vmem>>, vector<16xf32>,
        %parallel_loop3A_368 = tpu.vector_load_idx %arg9[%parallel_loop3A_344] : memref<20008xf32, #tpu.memory_space<vmem>>[vector<16xi32>], vector<16xf32>,
        %parallel_loop3A_369 = arith.constant 16 : i32
        %parallel_loop3A_370 = arith.addi %parallel_loop3A_338, %parallel_loop3A_369 : i32
        %parallel_loop3A_371 = arith.constant 0 : i32
        %parallel_loop3A_372 = arith.constant 1 : i32
        %parallel_loop3A_373 = arith.index_cast %parallel_loop3A_371 : i32 to index
        %parallel_loop3A_374 = arith.index_cast %parallel_loop3A_372 : i32 to index
        %parallel_loop3A_375 = arith.index_cast %parallel_loop3A_370 : i32 to index
        %parallel_loop3A_376 = tpu.vector_load %arg11[%parallel_loop3A_373, %parallel_loop3A_374, %parallel_loop3A_375] {strides = array<i32>} : memref<2x2x8192xf32, #tpu.memory_space<vmem>>, vector<16xf32>,
        tpu.vector_store %arg11[%parallel_loop3A_373, %parallel_loop3A_374, %parallel_loop3A_375], %parallel_loop3A_368 {strides = array<i32>} : memref<2x2x8192xf32, #tpu.memory_space<vmem>>, vector<16xf32>,
        %parallel_loop3A_377 = arith.constant 32 : i32
        %parallel_loop3A_378 = arith.addi %parallel_loop3A_336, %parallel_loop3A_377 : i32
        %parallel_loop3A_379 = arith.constant 0 : i32
        %parallel_loop3A_380 = arith.index_cast %parallel_loop3A_379 : i32 to index
        %parallel_loop3A_381 = arith.index_cast %parallel_loop3A_378 : i32 to index
        %parallel_loop3A_382 = tpu.vector_load %arg10[%parallel_loop3A_380, %parallel_loop3A_381] {strides = array<i32>} : memref<2x8192xi16, #tpu.memory_space<vmem>>, vector<32xi16>,
        %parallel_loop3A_383 = tpu.unpack_subelements %parallel_loop3A_382, 0 {pack_format = #tpu.pack_format<interleaved>} : vector<32xi16> -> vector<16xi32>
        %parallel_loop3A_384 = tpu.unpack_subelements %parallel_loop3A_382, 1 {pack_format = #tpu.pack_format<interleaved>} : vector<32xi16> -> vector<16xi32>
        %parallel_loop3A_385 = tpu.vector_load_idx %arg8[%parallel_loop3A_383] : memref<20008xf32, #tpu.memory_space<vmem>>[vector<16xi32>], vector<16xf32>,
        %parallel_loop3A_386 = arith.constant 0 : i32
        %parallel_loop3A_387 = arith.constant 0 : i32
        %parallel_loop3A_388 = arith.index_cast %parallel_loop3A_386 : i32 to index
        %parallel_loop3A_389 = arith.index_cast %parallel_loop3A_387 : i32 to index
        %parallel_loop3A_390 = arith.index_cast %parallel_loop3A_378 : i32 to index
        %parallel_loop3A_391 = tpu.vector_load %arg11[%parallel_loop3A_388, %parallel_loop3A_389, %parallel_loop3A_390] {strides = array<i32>} : memref<2x2x8192xf32, #tpu.memory_space<vmem>>, vector<16xf32>,
        tpu.vector_store %arg11[%parallel_loop3A_388, %parallel_loop3A_389, %parallel_loop3A_390], %parallel_loop3A_385 {strides = array<i32>} : memref<2x2x8192xf32, #tpu.memory_space<vmem>>, vector<16xf32>,
        %parallel_loop3A_392 = tpu.vector_load_idx %arg8[%parallel_loop3A_384] : memref<20008xf32, #tpu.memory_space<vmem>>[vector<16xi32>], vector<16xf32>,
        %parallel_loop3A_393 = arith.constant 16 : i32
        %parallel_loop3A_394 = arith.addi %parallel_loop3A_378, %parallel_loop3A_393 : i32
        %parallel_loop3A_395 = arith.constant 0 : i32
        %parallel_loop3A_396 = arith.constant 0 : i32
        %parallel_loop3A_397 = arith.index_cast %parallel_loop3A_395 : i32 to index
        %parallel_loop3A_398 = arith.index_cast %parallel_loop3A_396 : i32 to index
        %parallel_loop3A_399 = arith.index_cast %parallel_loop3A_394 : i32 to index
        %parallel_loop3A_400 = tpu.vector_load %arg11[%parallel_loop3A_397, %parallel_loop3A_398, %parallel_loop3A_399] {strides = array<i32>} : memref<2x2x8192xf32, #tpu.memory_space<vmem>>, vector<16xf32>,
        tpu.vector_store %arg11[%parallel_loop3A_397, %parallel_loop3A_398, %parallel_loop3A_399], %parallel_loop3A_392 {strides = array<i32>} : memref<2x2x8192xf32, #tpu.memory_space<vmem>>, vector<16xf32>,
        %parallel_loop3A_401 = tpu.vector_load_idx %arg9[%parallel_loop3A_383] : memref<20008xf32, #tpu.memory_space<vmem>>[vector<16xi32>], vector<16xf32>,
        %parallel_loop3A_402 = arith.constant 0 : i32
        %parallel_loop3A_403 = arith.constant 1 : i32
        %parallel_loop3A_404 = arith.index_cast %parallel_loop3A_402 : i32 to index
        %parallel_loop3A_405 = arith.index_cast %parallel_loop3A_403 : i32 to index
        %parallel_loop3A_406 = arith.index_cast %parallel_loop3A_378 : i32 to index
        %parallel_loop3A_407 = tpu.vector_load %arg11[%parallel_loop3A_404, %parallel_loop3A_405, %parallel_loop3A_406] {strides = array<i32>} : memref<2x2x8192xf32, #tpu.memory_space<vmem>>, vector<16xf32>,
        tpu.vector_store %arg11[%parallel_loop3A_404, %parallel_loop3A_405, %parallel_loop3A_406], %parallel_loop3A_401 {strides = array<i32>} : memref<2x2x8192xf32, #tpu.memory_space<vmem>>, vector<16xf32>,
        %parallel_loop3A_408 = tpu.vector_load_idx %arg9[%parallel_loop3A_384] : memref<20008xf32, #tpu.memory_space<vmem>>[vector<16xi32>], vector<16xf32>,
        %parallel_loop3A_409 = arith.constant 16 : i32
        %parallel_loop3A_410 = arith.addi %parallel_loop3A_378, %parallel_loop3A_409 : i32
        %parallel_loop3A_411 = arith.constant 0 : i32
        %parallel_loop3A_412 = arith.constant 1 : i32
        %parallel_loop3A_413 = arith.index_cast %parallel_loop3A_411 : i32 to index
        %parallel_loop3A_414 = arith.index_cast %parallel_loop3A_412 : i32 to index
        %parallel_loop3A_415 = arith.index_cast %parallel_loop3A_410 : i32 to index
        %parallel_loop3A_416 = tpu.vector_load %arg11[%parallel_loop3A_413, %parallel_loop3A_414, %parallel_loop3A_415] {strides = array<i32>} : memref<2x2x8192xf32, #tpu.memory_space<vmem>>, vector<16xf32>,
        tpu.vector_store %arg11[%parallel_loop3A_413, %parallel_loop3A_414, %parallel_loop3A_415], %parallel_loop3A_408 {strides = array<i32>} : memref<2x2x8192xf32, #tpu.memory_space<vmem>>, vector<16xf32>,
        %parallel_loop3A_417 = arith.constant 64 : i32
        %parallel_loop3A_418 = arith.addi %parallel_loop3A_336, %parallel_loop3A_417 : i32
        %parallel_loop3A_419 = arith.constant 0 : i32
        %parallel_loop3A_420 = arith.index_cast %parallel_loop3A_419 : i32 to index
        %parallel_loop3A_421 = arith.index_cast %parallel_loop3A_418 : i32 to index
        %parallel_loop3A_422 = tpu.vector_load %arg10[%parallel_loop3A_420, %parallel_loop3A_421] {strides = array<i32>} : memref<2x8192xi16, #tpu.memory_space<vmem>>, vector<32xi16>,
        %parallel_loop3A_423 = tpu.unpack_subelements %parallel_loop3A_422, 0 {pack_format = #tpu.pack_format<interleaved>} : vector<32xi16> -> vector<16xi32>
        %parallel_loop3A_424 = tpu.unpack_subelements %parallel_loop3A_422, 1 {pack_format = #tpu.pack_format<interleaved>} : vector<32xi16> -> vector<16xi32>
        %parallel_loop3A_425 = tpu.vector_load_idx %arg8[%parallel_loop3A_423] : memref<20008xf32, #tpu.memory_space<vmem>>[vector<16xi32>], vector<16xf32>,
        %parallel_loop3A_426 = arith.constant 0 : i32
        %parallel_loop3A_427 = arith.constant 0 : i32
        %parallel_loop3A_428 = arith.index_cast %parallel_loop3A_426 : i32 to index
        %parallel_loop3A_429 = arith.index_cast %parallel_loop3A_427 : i32 to index
        %parallel_loop3A_430 = arith.index_cast %parallel_loop3A_418 : i32 to index
        %parallel_loop3A_431 = tpu.vector_load %arg11[%parallel_loop3A_428, %parallel_loop3A_429, %parallel_loop3A_430] {strides = array<i32>} : memref<2x2x8192xf32, #tpu.memory_space<vmem>>, vector<16xf32>,
        tpu.vector_store %arg11[%parallel_loop3A_428, %parallel_loop3A_429, %parallel_loop3A_430], %parallel_loop3A_425 {strides = array<i32>} : memref<2x2x8192xf32, #tpu.memory_space<vmem>>, vector<16xf32>,
        %parallel_loop3A_432 = tpu.vector_load_idx %arg8[%parallel_loop3A_424] : memref<20008xf32, #tpu.memory_space<vmem>>[vector<16xi32>], vector<16xf32>,
        %parallel_loop3A_433 = arith.constant 16 : i32
        %parallel_loop3A_434 = arith.addi %parallel_loop3A_418, %parallel_loop3A_433 : i32
        %parallel_loop3A_435 = arith.constant 0 : i32
        %parallel_loop3A_436 = arith.constant 0 : i32
        %parallel_loop3A_437 = arith.index_cast %parallel_loop3A_435 : i32 to index
        %parallel_loop3A_438 = arith.index_cast %parallel_loop3A_436 : i32 to index
        %parallel_loop3A_439 = arith.index_cast %parallel_loop3A_434 : i32 to index
        %parallel_loop3A_440 = tpu.vector_load %arg11[%parallel_loop3A_437, %parallel_loop3A_438, %parallel_loop3A_439] {strides = array<i32>} : memref<2x2x8192xf32, #tpu.memory_space<vmem>>, vector<16xf32>,
        tpu.vector_store %arg11[%parallel_loop3A_437, %parallel_loop3A_438, %parallel_loop3A_439], %parallel_loop3A_432 {strides = array<i32>} : memref<2x2x8192xf32, #tpu.memory_space<vmem>>, vector<16xf32>,
        %parallel_loop3A_441 = tpu.vector_load_idx %arg9[%parallel_loop3A_423] : memref<20008xf32, #tpu.memory_space<vmem>>[vector<16xi32>], vector<16xf32>,
        %parallel_loop3A_442 = arith.constant 0 : i32
        %parallel_loop3A_443 = arith.constant 1 : i32
        %parallel_loop3A_444 = arith.index_cast %parallel_loop3A_442 : i32 to index
        %parallel_loop3A_445 = arith.index_cast %parallel_loop3A_443 : i32 to index
        %parallel_loop3A_446 = arith.index_cast %parallel_loop3A_418 : i32 to index
        %parallel_loop3A_447 = tpu.vector_load %arg11[%parallel_loop3A_444, %parallel_loop3A_445, %parallel_loop3A_446] {strides = array<i32>} : memref<2x2x8192xf32, #tpu.memory_space<vmem>>, vector<16xf32>,
        tpu.vector_store %arg11[%parallel_loop3A_444, %parallel_loop3A_445, %parallel_loop3A_446], %parallel_loop3A_441 {strides = array<i32>} : memref<2x2x8192xf32, #tpu.memory_space<vmem>>, vector<16xf32>,
        %parallel_loop3A_448 = tpu.vector_load_idx %arg9[%parallel_loop3A_424] : memref<20008xf32, #tpu.memory_space<vmem>>[vector<16xi32>], vector<16xf32>,
        %parallel_loop3A_449 = arith.constant 16 : i32
        %parallel_loop3A_450 = arith.addi %parallel_loop3A_418, %parallel_loop3A_449 : i32
        %parallel_loop3A_451 = arith.constant 0 : i32
        %parallel_loop3A_452 = arith.constant 1 : i32
        %parallel_loop3A_453 = arith.index_cast %parallel_loop3A_451 : i32 to index
        %parallel_loop3A_454 = arith.index_cast %parallel_loop3A_452 : i32 to index
        %parallel_loop3A_455 = arith.index_cast %parallel_loop3A_450 : i32 to index
        %parallel_loop3A_456 = tpu.vector_load %arg11[%parallel_loop3A_453, %parallel_loop3A_454, %parallel_loop3A_455] {strides = array<i32>} : memref<2x2x8192xf32, #tpu.memory_space<vmem>>, vector<16xf32>,
        tpu.vector_store %arg11[%parallel_loop3A_453, %parallel_loop3A_454, %parallel_loop3A_455], %parallel_loop3A_448 {strides = array<i32>} : memref<2x2x8192xf32, #tpu.memory_space<vmem>>, vector<16xf32>,
        %parallel_loop3A_457 = arith.constant 96 : i32
        %parallel_loop3A_458 = arith.addi %parallel_loop3A_336, %parallel_loop3A_457 : i32
        %parallel_loop3A_459 = arith.constant 0 : i32
        %parallel_loop3A_460 = arith.index_cast %parallel_loop3A_459 : i32 to index
        %parallel_loop3A_461 = arith.index_cast %parallel_loop3A_458 : i32 to index
        %parallel_loop3A_462 = tpu.vector_load %arg10[%parallel_loop3A_460, %parallel_loop3A_461] {strides = array<i32>} : memref<2x8192xi16, #tpu.memory_space<vmem>>, vector<32xi16>,
        %parallel_loop3A_463 = tpu.unpack_subelements %parallel_loop3A_462, 0 {pack_format = #tpu.pack_format<interleaved>} : vector<32xi16> -> vector<16xi32>
        %parallel_loop3A_464 = tpu.unpack_subelements %parallel_loop3A_462, 1 {pack_format = #tpu.pack_format<interleaved>} : vector<32xi16> -> vector<16xi32>
        %parallel_loop3A_465 = tpu.vector_load_idx %arg8[%parallel_loop3A_463] : memref<20008xf32, #tpu.memory_space<vmem>>[vector<16xi32>], vector<16xf32>,
        %parallel_loop3A_466 = arith.constant 0 : i32
        %parallel_loop3A_467 = arith.constant 0 : i32
        %parallel_loop3A_468 = arith.index_cast %parallel_loop3A_466 : i32 to index
        %parallel_loop3A_469 = arith.index_cast %parallel_loop3A_467 : i32 to index
        %parallel_loop3A_470 = arith.index_cast %parallel_loop3A_458 : i32 to index
        %parallel_loop3A_471 = tpu.vector_load %arg11[%parallel_loop3A_468, %parallel_loop3A_469, %parallel_loop3A_470] {strides = array<i32>} : memref<2x2x8192xf32, #tpu.memory_space<vmem>>, vector<16xf32>,
        tpu.vector_store %arg11[%parallel_loop3A_468, %parallel_loop3A_469, %parallel_loop3A_470], %parallel_loop3A_465 {strides = array<i32>} : memref<2x2x8192xf32, #tpu.memory_space<vmem>>, vector<16xf32>,
        %parallel_loop3A_472 = tpu.vector_load_idx %arg8[%parallel_loop3A_464] : memref<20008xf32, #tpu.memory_space<vmem>>[vector<16xi32>], vector<16xf32>,
        %parallel_loop3A_473 = arith.constant 16 : i32
        %parallel_loop3A_474 = arith.addi %parallel_loop3A_458, %parallel_loop3A_473 : i32
        %parallel_loop3A_475 = arith.constant 0 : i32
        %parallel_loop3A_476 = arith.constant 0 : i32
        %parallel_loop3A_477 = arith.index_cast %parallel_loop3A_475 : i32 to index
        %parallel_loop3A_478 = arith.index_cast %parallel_loop3A_476 : i32 to index
        %parallel_loop3A_479 = arith.index_cast %parallel_loop3A_474 : i32 to index
        %parallel_loop3A_480 = tpu.vector_load %arg11[%parallel_loop3A_477, %parallel_loop3A_478, %parallel_loop3A_479] {strides = array<i32>} : memref<2x2x8192xf32, #tpu.memory_space<vmem>>, vector<16xf32>,
        tpu.vector_store %arg11[%parallel_loop3A_477, %parallel_loop3A_478, %parallel_loop3A_479], %parallel_loop3A_472 {strides = array<i32>} : memref<2x2x8192xf32, #tpu.memory_space<vmem>>, vector<16xf32>,
        %parallel_loop3A_481 = tpu.vector_load_idx %arg9[%parallel_loop3A_463] : memref<20008xf32, #tpu.memory_space<vmem>>[vector<16xi32>], vector<16xf32>,
        %parallel_loop3A_482 = arith.constant 0 : i32
        %parallel_loop3A_483 = arith.constant 1 : i32
        %parallel_loop3A_484 = arith.index_cast %parallel_loop3A_482 : i32 to index
        %parallel_loop3A_485 = arith.index_cast %parallel_loop3A_483 : i32 to index
        %parallel_loop3A_486 = arith.index_cast %parallel_loop3A_458 : i32 to index
        %parallel_loop3A_487 = tpu.vector_load %arg11[%parallel_loop3A_484, %parallel_loop3A_485, %parallel_loop3A_486] {strides = array<i32>} : memref<2x2x8192xf32, #tpu.memory_space<vmem>>, vector<16xf32>,
        tpu.vector_store %arg11[%parallel_loop3A_484, %parallel_loop3A_485, %parallel_loop3A_486], %parallel_loop3A_481 {strides = array<i32>} : memref<2x2x8192xf32, #tpu.memory_space<vmem>>, vector<16xf32>,
        %parallel_loop3A_488 = tpu.vector_load_idx %arg9[%parallel_loop3A_464] : memref<20008xf32, #tpu.memory_space<vmem>>[vector<16xi32>], vector<16xf32>,
        %parallel_loop3A_489 = arith.constant 16 : i32
        %parallel_loop3A_490 = arith.addi %parallel_loop3A_458, %parallel_loop3A_489 : i32
        %parallel_loop3A_491 = arith.constant 0 : i32
        %parallel_loop3A_492 = arith.constant 1 : i32
        %parallel_loop3A_493 = arith.index_cast %parallel_loop3A_491 : i32 to index
        %parallel_loop3A_494 = arith.index_cast %parallel_loop3A_492 : i32 to index
        %parallel_loop3A_495 = arith.index_cast %parallel_loop3A_490 : i32 to index
        %parallel_loop3A_496 = tpu.vector_load %arg11[%parallel_loop3A_493, %parallel_loop3A_494, %parallel_loop3A_495] {strides = array<i32>} : memref<2x2x8192xf32, #tpu.memory_space<vmem>>, vector<16xf32>,
        tpu.vector_store %arg11[%parallel_loop3A_493, %parallel_loop3A_494, %parallel_loop3A_495], %parallel_loop3A_488 {strides = array<i32>} : memref<2x2x8192xf32, #tpu.memory_space<vmem>>, vector<16xf32>,
      } {sc.loop_unroll_factor = 2 : i64, sc.parallel_access}
      %dma_start3A_248 = arith.constant 0 : i32
      %dma_start3A_249 = arith.constant 0 : i32
      %dma_start3A_250 = arith.constant 1 : i32
      %dma_start3A_251 = arith.constant 0 : i32
      %dma_start3A_252 = tpu.memref_slice %arg11[%dma_start3A_248, %dma_start3A_249, %dma_start3A_251] : memref<2x2x8192xf32, #tpu.memory_space<vmem>> -> memref<1x1x8192xf32, #tpu.memory_space<vmem>>
      %dma_start3A_253 = tpu.memref_squeeze %dma_start3A_252 : memref<1x1x8192xf32, #tpu.memory_space<vmem>> -> memref<8192xf32, #tpu.memory_space<vmem>>
      %dma_start3A_254 = tpu.memref_slice %arg4[%dma_start3A_250, %mul3A_2, %mul3A_222] : memref<2x64x262144xf32, #tpu.memory_space<hbm>> -> memref<1x1x8192xf32, #tpu.memory_space<hbm>>
      %dma_start3A_255 = tpu.memref_squeeze %dma_start3A_254 : memref<1x1x8192xf32, #tpu.memory_space<hbm>> -> memref<8192xf32, #tpu.memory_space<hbm>>
      %dma_start3A_256 = tpu.memref_slice %arg4[%dma_start3A_250, %mul3A_2, %mul3A_222] : memref<2x64x262144xf32, #tpu.memory_space<hbm>> -> memref<1x1x8192xf32, #tpu.memory_space<hbm>>
      %dma_start3A_257 = tpu.memref_squeeze %dma_start3A_256 : memref<1x1x8192xf32, #tpu.memory_space<hbm>> -> memref<8192xf32, #tpu.memory_space<hbm>>
      %dma_start3A_258 = arith.constant 0 : i32
      %dma_start3A_259 = tpu.memref_slice %arg11[%dma_start3A_248, %dma_start3A_249, %dma_start3A_258] : memref<2x2x8192xf32, #tpu.memory_space<vmem>> -> memref<1x1x8192xf32, #tpu.memory_space<vmem>>
      %dma_start3A_260 = tpu.memref_squeeze %dma_start3A_259 : memref<1x1x8192xf32, #tpu.memory_space<vmem>> -> memref<8192xf32, #tpu.memory_space<vmem>>
      tpu.enqueue_dma source(%dma_start3A_260 : memref<8192xf32, #tpu.memory_space<vmem>>) target(%dma_start3A_257 : memref<8192xf32, #tpu.memory_space<hbm>>) target_semaphore(%arg17 : memref<!tpu.dma_semaphore, #tpu.memory_space<semaphore_mem>>)
      %add3A_261 = arith.constant 1 : i32
      %add3A_262 = arith.addi %mul3A_2, %add3A_261 : i32
      %dma_start3A_263 = arith.constant 0 : i32
      %dma_start3A_264 = arith.constant 1 : i32
      %dma_start3A_265 = arith.constant 1 : i32
      %dma_start3A_266 = arith.constant 0 : i32
      %dma_start3A_267 = tpu.memref_slice %arg11[%dma_start3A_263, %dma_start3A_264, %dma_start3A_266] : memref<2x2x8192xf32, #tpu.memory_space<vmem>> -> memref<1x1x8192xf32, #tpu.memory_space<vmem>>
      %dma_start3A_268 = tpu.memref_squeeze %dma_start3A_267 : memref<1x1x8192xf32, #tpu.memory_space<vmem>> -> memref<8192xf32, #tpu.memory_space<vmem>>
      %dma_start3A_269 = tpu.memref_slice %arg4[%dma_start3A_265, %add3A_262, %mul3A_222] : memref<2x64x262144xf32, #tpu.memory_space<hbm>> -> memref<1x1x8192xf32, #tpu.memory_space<hbm>>
      %dma_start3A_270 = tpu.memref_squeeze %dma_start3A_269 : memref<1x1x8192xf32, #tpu.memory_space<hbm>> -> memref<8192xf32, #tpu.memory_space<hbm>>
      %dma_start3A_271 = tpu.memref_slice %arg4[%dma_start3A_265, %add3A_262, %mul3A_222] : memref<2x64x262144xf32, #tpu.memory_space<hbm>> -> memref<1x1x8192xf32, #tpu.memory_space<hbm>>
      %dma_start3A_272 = tpu.memref_squeeze %dma_start3A_271 : memref<1x1x8192xf32, #tpu.memory_space<hbm>> -> memref<8192xf32, #tpu.memory_space<hbm>>
      %dma_start3A_273 = arith.constant 0 : i32
      %dma_start3A_274 = tpu.memref_slice %arg11[%dma_start3A_263, %dma_start3A_264, %dma_start3A_273] : memref<2x2x8192xf32, #tpu.memory_space<vmem>> -> memref<1x1x8192xf32, #tpu.memory_space<vmem>>
      %dma_start3A_275 = tpu.memref_squeeze %dma_start3A_274 : memref<1x1x8192xf32, #tpu.memory_space<vmem>> -> memref<8192xf32, #tpu.memory_space<vmem>>
      tpu.enqueue_dma source(%dma_start3A_275 : memref<8192xf32, #tpu.memory_space<vmem>>) target(%dma_start3A_272 : memref<8192xf32, #tpu.memory_space<hbm>>) target_semaphore(%arg17 : memref<!tpu.dma_semaphore, #tpu.memory_space<semaphore_mem>>)
      %mul3A_276 = arith.constant 2 : i32
      %mul3A_277 = arith.muli %scan3A_216, %mul3A_276 : i32
      %add3A_278 = arith.constant 1 : i32
      %add3A_279 = arith.addi %mul3A_277, %add3A_278 : i32
      %mul3A_280 = arith.constant 8192 : i32
      %mul3A_281 = arith.muli %add3A_279, %mul3A_280 : i32
      %add3A_282 = arith.constant 32 : i32
      %add3A_283 = arith.addi %add3A_282, %add3A_279 : i32
      %dma_wait3A_284 = arith.constant 1 : i32
      %dma_wait3A_285 = arith.constant 0 : i32
      %dma_wait3A_286 = tpu.memref_slice %arg10[%dma_wait3A_284, %dma_wait3A_285] : memref<2x8192xi16, #tpu.memory_space<vmem>> -> memref<1x8192xi16, #tpu.memory_space<vmem>>
      %dma_wait3A_287 = tpu.memref_squeeze %dma_wait3A_286 : memref<1x8192xi16, #tpu.memory_space<vmem>> -> memref<8192xi16, #tpu.memory_space<vmem>>
      %dma_wait3A_288 = arith.constant 0 : i32
      %dma_wait3A_289 = tpu.memref_slice %arg12[%dma_wait3A_288] : memref<262144xi16, #tpu.memory_space<vmem_shared>> -> memref<8192xi16, #tpu.memory_space<vmem_shared>>
      %dma_wait3A_290 = arith.constant 0 : i32
      %dma_wait3A_291 = tpu.memref_slice %arg10[%dma_wait3A_284, %dma_wait3A_290] : memref<2x8192xi16, #tpu.memory_space<vmem>> -> memref<1x8192xi16, #tpu.memory_space<vmem>>
      %dma_wait3A_292 = tpu.memref_squeeze %dma_wait3A_291 : memref<1x8192xi16, #tpu.memory_space<vmem>> -> memref<8192xi16, #tpu.memory_space<vmem>>
      %dma_wait3A_293 = arith.constant 0 : i32
      %dma_wait3A_294 = tpu.memref_slice %arg12[%dma_wait3A_293] : memref<262144xi16, #tpu.memory_space<vmem_shared>> -> memref<8192xi16, #tpu.memory_space<vmem_shared>>
      tpu.wait_dma2 semaphore(%arg16 : memref<!tpu.dma_semaphore, #tpu.memory_space<semaphore_mem>>) src(%dma_wait3A_294 : memref<8192xi16, #tpu.memory_space<vmem_shared>>) dst(%dma_wait3A_292 : memref<8192xi16, #tpu.memory_space<vmem>>)
      %lt3A_295 = arith.constant 31 : i32
      %lt3A_296 = arith.cmpi slt, %add3A_279, %lt3A_295 : i32
      %convert_element_type3A_297 = arith.extui %lt3A_296 : i1 to i32
      %cond3A_298 = arith.constant 0 : i32
      %cond3A_299 = arith.cmpi ne, %convert_element_type3A_297, %cond3A_298 : i32
      scf.if %cond3A_299 {
        %add3A_336 = arith.constant 8192 : i32
        %add3A_337 = arith.addi %mul3A_281, %add3A_336 : i32
        %dma_start3A_338 = arith.constant 0 : i32
        %dma_start3A_339 = arith.constant 0 : i32
        %dma_start3A_340 = tpu.memref_slice %arg10[%dma_start3A_338, %dma_start3A_339] : memref<2x8192xi16, #tpu.memory_space<vmem>> -> memref<1x8192xi16, #tpu.memory_space<vmem>>
        %dma_start3A_341 = tpu.memref_squeeze %dma_start3A_340 : memref<1x8192xi16, #tpu.memory_space<vmem>> -> memref<8192xi16, #tpu.memory_space<vmem>>
        %dma_start3A_342 = tpu.memref_slice %arg12[%add3A_337] : memref<262144xi16, #tpu.memory_space<vmem_shared>> -> memref<8192xi16, #tpu.memory_space<vmem_shared>>
        %dma_start3A_343 = arith.constant 0 : i32
        %dma_start3A_344 = tpu.memref_slice %arg10[%dma_start3A_338, %dma_start3A_343] : memref<2x8192xi16, #tpu.memory_space<vmem>> -> memref<1x8192xi16, #tpu.memory_space<vmem>>
        %dma_start3A_345 = tpu.memref_squeeze %dma_start3A_344 : memref<1x8192xi16, #tpu.memory_space<vmem>> -> memref<8192xi16, #tpu.memory_space<vmem>>
        %dma_start3A_346 = tpu.memref_slice %arg12[%add3A_337] : memref<262144xi16, #tpu.memory_space<vmem_shared>> -> memref<8192xi16, #tpu.memory_space<vmem_shared>>
        tpu.enqueue_dma source(%dma_start3A_346 : memref<8192xi16, #tpu.memory_space<vmem_shared>>) target(%dma_start3A_345 : memref<8192xi16, #tpu.memory_space<vmem>>) target_semaphore(%arg16 : memref<!tpu.dma_semaphore, #tpu.memory_space<semaphore_mem>>)
      } else {
      }
      %ge3A_300 = arith.constant 2 : i32
      %ge3A_301 = arith.cmpi sge, %add3A_283, %ge3A_300 : i32
      %convert_element_type3A_302 = arith.extui %ge3A_301 : i1 to i32
      %cond3A_303 = arith.constant 0 : i32
      %cond3A_304 = arith.cmpi ne, %convert_element_type3A_302, %cond3A_303 : i32
      scf.if %cond3A_304 {
        %dma_wait3A_336 = arith.constant 1 : i32
        %dma_wait3A_337 = arith.constant 0 : i32
        %dma_wait3A_338 = arith.constant 1 : i32
        %dma_wait3A_339 = arith.constant 0 : i32
        %dma_wait3A_340 = tpu.memref_slice %arg11[%dma_wait3A_336, %dma_wait3A_337, %dma_wait3A_339] : memref<2x2x8192xf32, #tpu.memory_space<vmem>> -> memref<1x1x8192xf32, #tpu.memory_space<vmem>>
        %dma_wait3A_341 = tpu.memref_squeeze %dma_wait3A_340 : memref<1x1x8192xf32, #tpu.memory_space<vmem>> -> memref<8192xf32, #tpu.memory_space<vmem>>
        %dma_wait3A_342 = tpu.memref_slice %arg4[%dma_wait3A_338, %mul3A_2, %mul3A_281] : memref<2x64x262144xf32, #tpu.memory_space<hbm>> -> memref<1x1x8192xf32, #tpu.memory_space<hbm>>
        %dma_wait3A_343 = tpu.memref_squeeze %dma_wait3A_342 : memref<1x1x8192xf32, #tpu.memory_space<hbm>> -> memref<8192xf32, #tpu.memory_space<hbm>>
        %dma_wait3A_344 = tpu.memref_slice %arg4[%dma_wait3A_338, %mul3A_2, %mul3A_281] : memref<2x64x262144xf32, #tpu.memory_space<hbm>> -> memref<1x1x8192xf32, #tpu.memory_space<hbm>>
        %dma_wait3A_345 = tpu.memref_squeeze %dma_wait3A_344 : memref<1x1x8192xf32, #tpu.memory_space<hbm>> -> memref<8192xf32, #tpu.memory_space<hbm>>
        %dma_wait3A_346 = arith.constant 0 : i32
        %dma_wait3A_347 = tpu.memref_slice %arg11[%dma_wait3A_336, %dma_wait3A_337, %dma_wait3A_346] : memref<2x2x8192xf32, #tpu.memory_space<vmem>> -> memref<1x1x8192xf32, #tpu.memory_space<vmem>>
        %dma_wait3A_348 = tpu.memref_squeeze %dma_wait3A_347 : memref<1x1x8192xf32, #tpu.memory_space<vmem>> -> memref<8192xf32, #tpu.memory_space<vmem>>
        tpu.wait_dma2 semaphore(%arg17 : memref<!tpu.dma_semaphore, #tpu.memory_space<semaphore_mem>>) src(%dma_wait3A_348 : memref<8192xf32, #tpu.memory_space<vmem>>) dst(%dma_wait3A_345 : memref<8192xf32, #tpu.memory_space<hbm>>)
        %dma_wait3A_349 = arith.constant 1 : i32
        %dma_wait3A_350 = arith.constant 1 : i32
        %dma_wait3A_351 = arith.constant 1 : i32
        %dma_wait3A_352 = arith.constant 0 : i32
        %dma_wait3A_353 = tpu.memref_slice %arg11[%dma_wait3A_349, %dma_wait3A_350, %dma_wait3A_352] : memref<2x2x8192xf32, #tpu.memory_space<vmem>> -> memref<1x1x8192xf32, #tpu.memory_space<vmem>>
        %dma_wait3A_354 = tpu.memref_squeeze %dma_wait3A_353 : memref<1x1x8192xf32, #tpu.memory_space<vmem>> -> memref<8192xf32, #tpu.memory_space<vmem>>
        %dma_wait3A_355 = tpu.memref_slice %arg4[%dma_wait3A_351, %mul3A_2, %mul3A_281] : memref<2x64x262144xf32, #tpu.memory_space<hbm>> -> memref<1x1x8192xf32, #tpu.memory_space<hbm>>
        %dma_wait3A_356 = tpu.memref_squeeze %dma_wait3A_355 : memref<1x1x8192xf32, #tpu.memory_space<hbm>> -> memref<8192xf32, #tpu.memory_space<hbm>>
        %dma_wait3A_357 = tpu.memref_slice %arg4[%dma_wait3A_351, %mul3A_2, %mul3A_281] : memref<2x64x262144xf32, #tpu.memory_space<hbm>> -> memref<1x1x8192xf32, #tpu.memory_space<hbm>>
        %dma_wait3A_358 = tpu.memref_squeeze %dma_wait3A_357 : memref<1x1x8192xf32, #tpu.memory_space<hbm>> -> memref<8192xf32, #tpu.memory_space<hbm>>
        %dma_wait3A_359 = arith.constant 0 : i32
        %dma_wait3A_360 = tpu.memref_slice %arg11[%dma_wait3A_349, %dma_wait3A_350, %dma_wait3A_359] : memref<2x2x8192xf32, #tpu.memory_space<vmem>> -> memref<1x1x8192xf32, #tpu.memory_space<vmem>>
        %dma_wait3A_361 = tpu.memref_squeeze %dma_wait3A_360 : memref<1x1x8192xf32, #tpu.memory_space<vmem>> -> memref<8192xf32, #tpu.memory_space<vmem>>
        tpu.wait_dma2 semaphore(%arg17 : memref<!tpu.dma_semaphore, #tpu.memory_space<semaphore_mem>>) src(%dma_wait3A_361 : memref<8192xf32, #tpu.memory_space<vmem>>) dst(%dma_wait3A_358 : memref<8192xf32, #tpu.memory_space<hbm>>)
      } else {
      }
      %parallel_loop3A_305 = arith.constant 0 : i32
      %parallel_loop3A_306 = arith.constant 8192 : i32
      %parallel_loop3A_307 = arith.constant 128 : i32
      scf.for %parallel_loop3A_336 = %parallel_loop3A_305 to %parallel_loop3A_306 step %parallel_loop3A_307  : i32 {
        %parallel_loop3A_337 = arith.constant 0 : i32
        %parallel_loop3A_338 = arith.addi %parallel_loop3A_336, %parallel_loop3A_337 : i32
        %parallel_loop3A_339 = arith.constant 1 : i32
        %parallel_loop3A_340 = arith.index_cast %parallel_loop3A_339 : i32 to index
        %parallel_loop3A_341 = arith.index_cast %parallel_loop3A_338 : i32 to index
        %parallel_loop3A_342 = tpu.vector_load %arg10[%parallel_loop3A_340, %parallel_loop3A_341] {strides = array<i32>} : memref<2x8192xi16, #tpu.memory_space<vmem>>, vector<32xi16>,
        %parallel_loop3A_343 = tpu.unpack_subelements %parallel_loop3A_342, 0 {pack_format = #tpu.pack_format<interleaved>} : vector<32xi16> -> vector<16xi32>
        %parallel_loop3A_344 = tpu.unpack_subelements %parallel_loop3A_342, 1 {pack_format = #tpu.pack_format<interleaved>} : vector<32xi16> -> vector<16xi32>
        %parallel_loop3A_345 = tpu.vector_load_idx %arg8[%parallel_loop3A_343] : memref<20008xf32, #tpu.memory_space<vmem>>[vector<16xi32>], vector<16xf32>,
        %parallel_loop3A_346 = arith.constant 1 : i32
        %parallel_loop3A_347 = arith.constant 0 : i32
        %parallel_loop3A_348 = arith.index_cast %parallel_loop3A_346 : i32 to index
        %parallel_loop3A_349 = arith.index_cast %parallel_loop3A_347 : i32 to index
        %parallel_loop3A_350 = arith.index_cast %parallel_loop3A_338 : i32 to index
        %parallel_loop3A_351 = tpu.vector_load %arg11[%parallel_loop3A_348, %parallel_loop3A_349, %parallel_loop3A_350] {strides = array<i32>} : memref<2x2x8192xf32, #tpu.memory_space<vmem>>, vector<16xf32>,
        tpu.vector_store %arg11[%parallel_loop3A_348, %parallel_loop3A_349, %parallel_loop3A_350], %parallel_loop3A_345 {strides = array<i32>} : memref<2x2x8192xf32, #tpu.memory_space<vmem>>, vector<16xf32>,
        %parallel_loop3A_352 = tpu.vector_load_idx %arg8[%parallel_loop3A_344] : memref<20008xf32, #tpu.memory_space<vmem>>[vector<16xi32>], vector<16xf32>,
        %parallel_loop3A_353 = arith.constant 16 : i32
        %parallel_loop3A_354 = arith.addi %parallel_loop3A_338, %parallel_loop3A_353 : i32
        %parallel_loop3A_355 = arith.constant 1 : i32
        %parallel_loop3A_356 = arith.constant 0 : i32
        %parallel_loop3A_357 = arith.index_cast %parallel_loop3A_355 : i32 to index
        %parallel_loop3A_358 = arith.index_cast %parallel_loop3A_356 : i32 to index
        %parallel_loop3A_359 = arith.index_cast %parallel_loop3A_354 : i32 to index
        %parallel_loop3A_360 = tpu.vector_load %arg11[%parallel_loop3A_357, %parallel_loop3A_358, %parallel_loop3A_359] {strides = array<i32>} : memref<2x2x8192xf32, #tpu.memory_space<vmem>>, vector<16xf32>,
        tpu.vector_store %arg11[%parallel_loop3A_357, %parallel_loop3A_358, %parallel_loop3A_359], %parallel_loop3A_352 {strides = array<i32>} : memref<2x2x8192xf32, #tpu.memory_space<vmem>>, vector<16xf32>,
        %parallel_loop3A_361 = tpu.vector_load_idx %arg9[%parallel_loop3A_343] : memref<20008xf32, #tpu.memory_space<vmem>>[vector<16xi32>], vector<16xf32>,
        %parallel_loop3A_362 = arith.constant 1 : i32
        %parallel_loop3A_363 = arith.constant 1 : i32
        %parallel_loop3A_364 = arith.index_cast %parallel_loop3A_362 : i32 to index
        %parallel_loop3A_365 = arith.index_cast %parallel_loop3A_363 : i32 to index
        %parallel_loop3A_366 = arith.index_cast %parallel_loop3A_338 : i32 to index
        %parallel_loop3A_367 = tpu.vector_load %arg11[%parallel_loop3A_364, %parallel_loop3A_365, %parallel_loop3A_366] {strides = array<i32>} : memref<2x2x8192xf32, #tpu.memory_space<vmem>>, vector<16xf32>,
        tpu.vector_store %arg11[%parallel_loop3A_364, %parallel_loop3A_365, %parallel_loop3A_366], %parallel_loop3A_361 {strides = array<i32>} : memref<2x2x8192xf32, #tpu.memory_space<vmem>>, vector<16xf32>,
        %parallel_loop3A_368 = tpu.vector_load_idx %arg9[%parallel_loop3A_344] : memref<20008xf32, #tpu.memory_space<vmem>>[vector<16xi32>], vector<16xf32>,
        %parallel_loop3A_369 = arith.constant 16 : i32
        %parallel_loop3A_370 = arith.addi %parallel_loop3A_338, %parallel_loop3A_369 : i32
        %parallel_loop3A_371 = arith.constant 1 : i32
        %parallel_loop3A_372 = arith.constant 1 : i32
        %parallel_loop3A_373 = arith.index_cast %parallel_loop3A_371 : i32 to index
        %parallel_loop3A_374 = arith.index_cast %parallel_loop3A_372 : i32 to index
        %parallel_loop3A_375 = arith.index_cast %parallel_loop3A_370 : i32 to index
        %parallel_loop3A_376 = tpu.vector_load %arg11[%parallel_loop3A_373, %parallel_loop3A_374, %parallel_loop3A_375] {strides = array<i32>} : memref<2x2x8192xf32, #tpu.memory_space<vmem>>, vector<16xf32>,
        tpu.vector_store %arg11[%parallel_loop3A_373, %parallel_loop3A_374, %parallel_loop3A_375], %parallel_loop3A_368 {strides = array<i32>} : memref<2x2x8192xf32, #tpu.memory_space<vmem>>, vector<16xf32>,
        %parallel_loop3A_377 = arith.constant 32 : i32
        %parallel_loop3A_378 = arith.addi %parallel_loop3A_336, %parallel_loop3A_377 : i32
        %parallel_loop3A_379 = arith.constant 1 : i32
        %parallel_loop3A_380 = arith.index_cast %parallel_loop3A_379 : i32 to index
        %parallel_loop3A_381 = arith.index_cast %parallel_loop3A_378 : i32 to index
        %parallel_loop3A_382 = tpu.vector_load %arg10[%parallel_loop3A_380, %parallel_loop3A_381] {strides = array<i32>} : memref<2x8192xi16, #tpu.memory_space<vmem>>, vector<32xi16>,
        %parallel_loop3A_383 = tpu.unpack_subelements %parallel_loop3A_382, 0 {pack_format = #tpu.pack_format<interleaved>} : vector<32xi16> -> vector<16xi32>
        %parallel_loop3A_384 = tpu.unpack_subelements %parallel_loop3A_382, 1 {pack_format = #tpu.pack_format<interleaved>} : vector<32xi16> -> vector<16xi32>
        %parallel_loop3A_385 = tpu.vector_load_idx %arg8[%parallel_loop3A_383] : memref<20008xf32, #tpu.memory_space<vmem>>[vector<16xi32>], vector<16xf32>,
        %parallel_loop3A_386 = arith.constant 1 : i32
        %parallel_loop3A_387 = arith.constant 0 : i32
        %parallel_loop3A_388 = arith.index_cast %parallel_loop3A_386 : i32 to index
        %parallel_loop3A_389 = arith.index_cast %parallel_loop3A_387 : i32 to index
        %parallel_loop3A_390 = arith.index_cast %parallel_loop3A_378 : i32 to index
        %parallel_loop3A_391 = tpu.vector_load %arg11[%parallel_loop3A_388, %parallel_loop3A_389, %parallel_loop3A_390] {strides = array<i32>} : memref<2x2x8192xf32, #tpu.memory_space<vmem>>, vector<16xf32>,
        tpu.vector_store %arg11[%parallel_loop3A_388, %parallel_loop3A_389, %parallel_loop3A_390], %parallel_loop3A_385 {strides = array<i32>} : memref<2x2x8192xf32, #tpu.memory_space<vmem>>, vector<16xf32>,
        %parallel_loop3A_392 = tpu.vector_load_idx %arg8[%parallel_loop3A_384] : memref<20008xf32, #tpu.memory_space<vmem>>[vector<16xi32>], vector<16xf32>,
        %parallel_loop3A_393 = arith.constant 16 : i32
        %parallel_loop3A_394 = arith.addi %parallel_loop3A_378, %parallel_loop3A_393 : i32
        %parallel_loop3A_395 = arith.constant 1 : i32
        %parallel_loop3A_396 = arith.constant 0 : i32
        %parallel_loop3A_397 = arith.index_cast %parallel_loop3A_395 : i32 to index
        %parallel_loop3A_398 = arith.index_cast %parallel_loop3A_396 : i32 to index
        %parallel_loop3A_399 = arith.index_cast %parallel_loop3A_394 : i32 to index
        %parallel_loop3A_400 = tpu.vector_load %arg11[%parallel_loop3A_397, %parallel_loop3A_398, %parallel_loop3A_399] {strides = array<i32>} : memref<2x2x8192xf32, #tpu.memory_space<vmem>>, vector<16xf32>,
        tpu.vector_store %arg11[%parallel_loop3A_397, %parallel_loop3A_398, %parallel_loop3A_399], %parallel_loop3A_392 {strides = array<i32>} : memref<2x2x8192xf32, #tpu.memory_space<vmem>>, vector<16xf32>,
        %parallel_loop3A_401 = tpu.vector_load_idx %arg9[%parallel_loop3A_383] : memref<20008xf32, #tpu.memory_space<vmem>>[vector<16xi32>], vector<16xf32>,
        %parallel_loop3A_402 = arith.constant 1 : i32
        %parallel_loop3A_403 = arith.constant 1 : i32
        %parallel_loop3A_404 = arith.index_cast %parallel_loop3A_402 : i32 to index
        %parallel_loop3A_405 = arith.index_cast %parallel_loop3A_403 : i32 to index
        %parallel_loop3A_406 = arith.index_cast %parallel_loop3A_378 : i32 to index
        %parallel_loop3A_407 = tpu.vector_load %arg11[%parallel_loop3A_404, %parallel_loop3A_405, %parallel_loop3A_406] {strides = array<i32>} : memref<2x2x8192xf32, #tpu.memory_space<vmem>>, vector<16xf32>,
        tpu.vector_store %arg11[%parallel_loop3A_404, %parallel_loop3A_405, %parallel_loop3A_406], %parallel_loop3A_401 {strides = array<i32>} : memref<2x2x8192xf32, #tpu.memory_space<vmem>>, vector<16xf32>,
        %parallel_loop3A_408 = tpu.vector_load_idx %arg9[%parallel_loop3A_384] : memref<20008xf32, #tpu.memory_space<vmem>>[vector<16xi32>], vector<16xf32>,
        %parallel_loop3A_409 = arith.constant 16 : i32
        %parallel_loop3A_410 = arith.addi %parallel_loop3A_378, %parallel_loop3A_409 : i32
        %parallel_loop3A_411 = arith.constant 1 : i32
        %parallel_loop3A_412 = arith.constant 1 : i32
        %parallel_loop3A_413 = arith.index_cast %parallel_loop3A_411 : i32 to index
        %parallel_loop3A_414 = arith.index_cast %parallel_loop3A_412 : i32 to index
        %parallel_loop3A_415 = arith.index_cast %parallel_loop3A_410 : i32 to index
        %parallel_loop3A_416 = tpu.vector_load %arg11[%parallel_loop3A_413, %parallel_loop3A_414, %parallel_loop3A_415] {strides = array<i32>} : memref<2x2x8192xf32, #tpu.memory_space<vmem>>, vector<16xf32>,
        tpu.vector_store %arg11[%parallel_loop3A_413, %parallel_loop3A_414, %parallel_loop3A_415], %parallel_loop3A_408 {strides = array<i32>} : memref<2x2x8192xf32, #tpu.memory_space<vmem>>, vector<16xf32>,
        %parallel_loop3A_417 = arith.constant 64 : i32
        %parallel_loop3A_418 = arith.addi %parallel_loop3A_336, %parallel_loop3A_417 : i32
        %parallel_loop3A_419 = arith.constant 1 : i32
        %parallel_loop3A_420 = arith.index_cast %parallel_loop3A_419 : i32 to index
        %parallel_loop3A_421 = arith.index_cast %parallel_loop3A_418 : i32 to index
        %parallel_loop3A_422 = tpu.vector_load %arg10[%parallel_loop3A_420, %parallel_loop3A_421] {strides = array<i32>} : memref<2x8192xi16, #tpu.memory_space<vmem>>, vector<32xi16>,
        %parallel_loop3A_423 = tpu.unpack_subelements %parallel_loop3A_422, 0 {pack_format = #tpu.pack_format<interleaved>} : vector<32xi16> -> vector<16xi32>
        %parallel_loop3A_424 = tpu.unpack_subelements %parallel_loop3A_422, 1 {pack_format = #tpu.pack_format<interleaved>} : vector<32xi16> -> vector<16xi32>
        %parallel_loop3A_425 = tpu.vector_load_idx %arg8[%parallel_loop3A_423] : memref<20008xf32, #tpu.memory_space<vmem>>[vector<16xi32>], vector<16xf32>,
        %parallel_loop3A_426 = arith.constant 1 : i32
        %parallel_loop3A_427 = arith.constant 0 : i32
        %parallel_loop3A_428 = arith.index_cast %parallel_loop3A_426 : i32 to index
        %parallel_loop3A_429 = arith.index_cast %parallel_loop3A_427 : i32 to index
        %parallel_loop3A_430 = arith.index_cast %parallel_loop3A_418 : i32 to index
        %parallel_loop3A_431 = tpu.vector_load %arg11[%parallel_loop3A_428, %parallel_loop3A_429, %parallel_loop3A_430] {strides = array<i32>} : memref<2x2x8192xf32, #tpu.memory_space<vmem>>, vector<16xf32>,
        tpu.vector_store %arg11[%parallel_loop3A_428, %parallel_loop3A_429, %parallel_loop3A_430], %parallel_loop3A_425 {strides = array<i32>} : memref<2x2x8192xf32, #tpu.memory_space<vmem>>, vector<16xf32>,
        %parallel_loop3A_432 = tpu.vector_load_idx %arg8[%parallel_loop3A_424] : memref<20008xf32, #tpu.memory_space<vmem>>[vector<16xi32>], vector<16xf32>,
        %parallel_loop3A_433 = arith.constant 16 : i32
        %parallel_loop3A_434 = arith.addi %parallel_loop3A_418, %parallel_loop3A_433 : i32
        %parallel_loop3A_435 = arith.constant 1 : i32
        %parallel_loop3A_436 = arith.constant 0 : i32
        %parallel_loop3A_437 = arith.index_cast %parallel_loop3A_435 : i32 to index
        %parallel_loop3A_438 = arith.index_cast %parallel_loop3A_436 : i32 to index
        %parallel_loop3A_439 = arith.index_cast %parallel_loop3A_434 : i32 to index
        %parallel_loop3A_440 = tpu.vector_load %arg11[%parallel_loop3A_437, %parallel_loop3A_438, %parallel_loop3A_439] {strides = array<i32>} : memref<2x2x8192xf32, #tpu.memory_space<vmem>>, vector<16xf32>,
        tpu.vector_store %arg11[%parallel_loop3A_437, %parallel_loop3A_438, %parallel_loop3A_439], %parallel_loop3A_432 {strides = array<i32>} : memref<2x2x8192xf32, #tpu.memory_space<vmem>>, vector<16xf32>,
        %parallel_loop3A_441 = tpu.vector_load_idx %arg9[%parallel_loop3A_423] : memref<20008xf32, #tpu.memory_space<vmem>>[vector<16xi32>], vector<16xf32>,
        %parallel_loop3A_442 = arith.constant 1 : i32
        %parallel_loop3A_443 = arith.constant 1 : i32
        %parallel_loop3A_444 = arith.index_cast %parallel_loop3A_442 : i32 to index
        %parallel_loop3A_445 = arith.index_cast %parallel_loop3A_443 : i32 to index
        %parallel_loop3A_446 = arith.index_cast %parallel_loop3A_418 : i32 to index
        %parallel_loop3A_447 = tpu.vector_load %arg11[%parallel_loop3A_444, %parallel_loop3A_445, %parallel_loop3A_446] {strides = array<i32>} : memref<2x2x8192xf32, #tpu.memory_space<vmem>>, vector<16xf32>,
        tpu.vector_store %arg11[%parallel_loop3A_444, %parallel_loop3A_445, %parallel_loop3A_446], %parallel_loop3A_441 {strides = array<i32>} : memref<2x2x8192xf32, #tpu.memory_space<vmem>>, vector<16xf32>,
        %parallel_loop3A_448 = tpu.vector_load_idx %arg9[%parallel_loop3A_424] : memref<20008xf32, #tpu.memory_space<vmem>>[vector<16xi32>], vector<16xf32>,
        %parallel_loop3A_449 = arith.constant 16 : i32
        %parallel_loop3A_450 = arith.addi %parallel_loop3A_418, %parallel_loop3A_449 : i32
        %parallel_loop3A_451 = arith.constant 1 : i32
        %parallel_loop3A_452 = arith.constant 1 : i32
        %parallel_loop3A_453 = arith.index_cast %parallel_loop3A_451 : i32 to index
        %parallel_loop3A_454 = arith.index_cast %parallel_loop3A_452 : i32 to index
        %parallel_loop3A_455 = arith.index_cast %parallel_loop3A_450 : i32 to index
        %parallel_loop3A_456 = tpu.vector_load %arg11[%parallel_loop3A_453, %parallel_loop3A_454, %parallel_loop3A_455] {strides = array<i32>} : memref<2x2x8192xf32, #tpu.memory_space<vmem>>, vector<16xf32>,
        tpu.vector_store %arg11[%parallel_loop3A_453, %parallel_loop3A_454, %parallel_loop3A_455], %parallel_loop3A_448 {strides = array<i32>} : memref<2x2x8192xf32, #tpu.memory_space<vmem>>, vector<16xf32>,
        %parallel_loop3A_457 = arith.constant 96 : i32
        %parallel_loop3A_458 = arith.addi %parallel_loop3A_336, %parallel_loop3A_457 : i32
        %parallel_loop3A_459 = arith.constant 1 : i32
        %parallel_loop3A_460 = arith.index_cast %parallel_loop3A_459 : i32 to index
        %parallel_loop3A_461 = arith.index_cast %parallel_loop3A_458 : i32 to index
        %parallel_loop3A_462 = tpu.vector_load %arg10[%parallel_loop3A_460, %parallel_loop3A_461] {strides = array<i32>} : memref<2x8192xi16, #tpu.memory_space<vmem>>, vector<32xi16>,
        %parallel_loop3A_463 = tpu.unpack_subelements %parallel_loop3A_462, 0 {pack_format = #tpu.pack_format<interleaved>} : vector<32xi16> -> vector<16xi32>
        %parallel_loop3A_464 = tpu.unpack_subelements %parallel_loop3A_462, 1 {pack_format = #tpu.pack_format<interleaved>} : vector<32xi16> -> vector<16xi32>
        %parallel_loop3A_465 = tpu.vector_load_idx %arg8[%parallel_loop3A_463] : memref<20008xf32, #tpu.memory_space<vmem>>[vector<16xi32>], vector<16xf32>,
        %parallel_loop3A_466 = arith.constant 1 : i32
        %parallel_loop3A_467 = arith.constant 0 : i32
        %parallel_loop3A_468 = arith.index_cast %parallel_loop3A_466 : i32 to index
        %parallel_loop3A_469 = arith.index_cast %parallel_loop3A_467 : i32 to index
        %parallel_loop3A_470 = arith.index_cast %parallel_loop3A_458 : i32 to index
        %parallel_loop3A_471 = tpu.vector_load %arg11[%parallel_loop3A_468, %parallel_loop3A_469, %parallel_loop3A_470] {strides = array<i32>} : memref<2x2x8192xf32, #tpu.memory_space<vmem>>, vector<16xf32>,
        tpu.vector_store %arg11[%parallel_loop3A_468, %parallel_loop3A_469, %parallel_loop3A_470], %parallel_loop3A_465 {strides = array<i32>} : memref<2x2x8192xf32, #tpu.memory_space<vmem>>, vector<16xf32>,
        %parallel_loop3A_472 = tpu.vector_load_idx %arg8[%parallel_loop3A_464] : memref<20008xf32, #tpu.memory_space<vmem>>[vector<16xi32>], vector<16xf32>,
        %parallel_loop3A_473 = arith.constant 16 : i32
        %parallel_loop3A_474 = arith.addi %parallel_loop3A_458, %parallel_loop3A_473 : i32
        %parallel_loop3A_475 = arith.constant 1 : i32
        %parallel_loop3A_476 = arith.constant 0 : i32
        %parallel_loop3A_477 = arith.index_cast %parallel_loop3A_475 : i32 to index
        %parallel_loop3A_478 = arith.index_cast %parallel_loop3A_476 : i32 to index
        %parallel_loop3A_479 = arith.index_cast %parallel_loop3A_474 : i32 to index
        %parallel_loop3A_480 = tpu.vector_load %arg11[%parallel_loop3A_477, %parallel_loop3A_478, %parallel_loop3A_479] {strides = array<i32>} : memref<2x2x8192xf32, #tpu.memory_space<vmem>>, vector<16xf32>,
        tpu.vector_store %arg11[%parallel_loop3A_477, %parallel_loop3A_478, %parallel_loop3A_479], %parallel_loop3A_472 {strides = array<i32>} : memref<2x2x8192xf32, #tpu.memory_space<vmem>>, vector<16xf32>,
        %parallel_loop3A_481 = tpu.vector_load_idx %arg9[%parallel_loop3A_463] : memref<20008xf32, #tpu.memory_space<vmem>>[vector<16xi32>], vector<16xf32>,
        %parallel_loop3A_482 = arith.constant 1 : i32
        %parallel_loop3A_483 = arith.constant 1 : i32
        %parallel_loop3A_484 = arith.index_cast %parallel_loop3A_482 : i32 to index
        %parallel_loop3A_485 = arith.index_cast %parallel_loop3A_483 : i32 to index
        %parallel_loop3A_486 = arith.index_cast %parallel_loop3A_458 : i32 to index
        %parallel_loop3A_487 = tpu.vector_load %arg11[%parallel_loop3A_484, %parallel_loop3A_485, %parallel_loop3A_486] {strides = array<i32>} : memref<2x2x8192xf32, #tpu.memory_space<vmem>>, vector<16xf32>,
        tpu.vector_store %arg11[%parallel_loop3A_484, %parallel_loop3A_485, %parallel_loop3A_486], %parallel_loop3A_481 {strides = array<i32>} : memref<2x2x8192xf32, #tpu.memory_space<vmem>>, vector<16xf32>,
        %parallel_loop3A_488 = tpu.vector_load_idx %arg9[%parallel_loop3A_464] : memref<20008xf32, #tpu.memory_space<vmem>>[vector<16xi32>], vector<16xf32>,
        %parallel_loop3A_489 = arith.constant 16 : i32
        %parallel_loop3A_490 = arith.addi %parallel_loop3A_458, %parallel_loop3A_489 : i32
        %parallel_loop3A_491 = arith.constant 1 : i32
        %parallel_loop3A_492 = arith.constant 1 : i32
        %parallel_loop3A_493 = arith.index_cast %parallel_loop3A_491 : i32 to index
        %parallel_loop3A_494 = arith.index_cast %parallel_loop3A_492 : i32 to index
        %parallel_loop3A_495 = arith.index_cast %parallel_loop3A_490 : i32 to index
        %parallel_loop3A_496 = tpu.vector_load %arg11[%parallel_loop3A_493, %parallel_loop3A_494, %parallel_loop3A_495] {strides = array<i32>} : memref<2x2x8192xf32, #tpu.memory_space<vmem>>, vector<16xf32>,
        tpu.vector_store %arg11[%parallel_loop3A_493, %parallel_loop3A_494, %parallel_loop3A_495], %parallel_loop3A_488 {strides = array<i32>} : memref<2x2x8192xf32, #tpu.memory_space<vmem>>, vector<16xf32>,
      } {sc.loop_unroll_factor = 2 : i64, sc.parallel_access}
      %dma_start3A_308 = arith.constant 1 : i32
      %dma_start3A_309 = arith.constant 0 : i32
      %dma_start3A_310 = arith.constant 1 : i32
      %dma_start3A_311 = arith.constant 0 : i32
      %dma_start3A_312 = tpu.memref_slice %arg11[%dma_start3A_308, %dma_start3A_309, %dma_start3A_311] : memref<2x2x8192xf32, #tpu.memory_space<vmem>> -> memref<1x1x8192xf32, #tpu.memory_space<vmem>>
      %dma_start3A_313 = tpu.memref_squeeze %dma_start3A_312 : memref<1x1x8192xf32, #tpu.memory_space<vmem>> -> memref<8192xf32, #tpu.memory_space<vmem>>
      %dma_start3A_314 = tpu.memref_slice %arg4[%dma_start3A_310, %mul3A_2, %mul3A_281] : memref<2x64x262144xf32, #tpu.memory_space<hbm>> -> memref<1x1x8192xf32, #tpu.memory_space<hbm>>
      %dma_start3A_315 = tpu.memref_squeeze %dma_start3A_314 : memref<1x1x8192xf32, #tpu.memory_space<hbm>> -> memref<8192xf32, #tpu.memory_space<hbm>>
      %dma_start3A_316 = tpu.memref_slice %arg4[%dma_start3A_310, %mul3A_2, %mul3A_281] : memref<2x64x262144xf32, #tpu.memory_space<hbm>> -> memref<1x1x8192xf32, #tpu.memory_space<hbm>>
      %dma_start3A_317 = tpu.memref_squeeze %dma_start3A_316 : memref<1x1x8192xf32, #tpu.memory_space<hbm>> -> memref<8192xf32, #tpu.memory_space<hbm>>
      %dma_start3A_318 = arith.constant 0 : i32
      %dma_start3A_319 = tpu.memref_slice %arg11[%dma_start3A_308, %dma_start3A_309, %dma_start3A_318] : memref<2x2x8192xf32, #tpu.memory_space<vmem>> -> memref<1x1x8192xf32, #tpu.memory_space<vmem>>
      %dma_start3A_320 = tpu.memref_squeeze %dma_start3A_319 : memref<1x1x8192xf32, #tpu.memory_space<vmem>> -> memref<8192xf32, #tpu.memory_space<vmem>>
      tpu.enqueue_dma source(%dma_start3A_320 : memref<8192xf32, #tpu.memory_space<vmem>>) target(%dma_start3A_317 : memref<8192xf32, #tpu.memory_space<hbm>>) target_semaphore(%arg17 : memref<!tpu.dma_semaphore, #tpu.memory_space<semaphore_mem>>)
      %add3A_321 = arith.constant 1 : i32
      %add3A_322 = arith.addi %mul3A_2, %add3A_321 : i32
      %dma_start3A_323 = arith.constant 1 : i32
      %dma_start3A_324 = arith.constant 1 : i32
      %dma_start3A_325 = arith.constant 1 : i32
      %dma_start3A_326 = arith.constant 0 : i32
      %dma_start3A_327 = tpu.memref_slice %arg11[%dma_start3A_323, %dma_start3A_324, %dma_start3A_326] : memref<2x2x8192xf32, #tpu.memory_space<vmem>> -> memref<1x1x8192xf32, #tpu.memory_space<vmem>>
      %dma_start3A_328 = tpu.memref_squeeze %dma_start3A_327 : memref<1x1x8192xf32, #tpu.memory_space<vmem>> -> memref<8192xf32, #tpu.memory_space<vmem>>
      %dma_start3A_329 = tpu.memref_slice %arg4[%dma_start3A_325, %add3A_322, %mul3A_281] : memref<2x64x262144xf32, #tpu.memory_space<hbm>> -> memref<1x1x8192xf32, #tpu.memory_space<hbm>>
      %dma_start3A_330 = tpu.memref_squeeze %dma_start3A_329 : memref<1x1x8192xf32, #tpu.memory_space<hbm>> -> memref<8192xf32, #tpu.memory_space<hbm>>
      %dma_start3A_331 = tpu.memref_slice %arg4[%dma_start3A_325, %add3A_322, %mul3A_281] : memref<2x64x262144xf32, #tpu.memory_space<hbm>> -> memref<1x1x8192xf32, #tpu.memory_space<hbm>>
      %dma_start3A_332 = tpu.memref_squeeze %dma_start3A_331 : memref<1x1x8192xf32, #tpu.memory_space<hbm>> -> memref<8192xf32, #tpu.memory_space<hbm>>
      %dma_start3A_333 = arith.constant 0 : i32
      %dma_start3A_334 = tpu.memref_slice %arg11[%dma_start3A_323, %dma_start3A_324, %dma_start3A_333] : memref<2x2x8192xf32, #tpu.memory_space<vmem>> -> memref<1x1x8192xf32, #tpu.memory_space<vmem>>
      %dma_start3A_335 = tpu.memref_squeeze %dma_start3A_334 : memref<1x1x8192xf32, #tpu.memory_space<vmem>> -> memref<8192xf32, #tpu.memory_space<vmem>>
      tpu.enqueue_dma source(%dma_start3A_335 : memref<8192xf32, #tpu.memory_space<vmem>>) target(%dma_start3A_332 : memref<8192xf32, #tpu.memory_space<hbm>>) target_semaphore(%arg17 : memref<!tpu.dma_semaphore, #tpu.memory_space<semaphore_mem>>)
    }
    %scan3A_155 = arith.constant 16 : i32
    %dma_wait3A_156 = arith.constant 0 : i32
    %dma_wait3A_157 = arith.constant 0 : i32
    %dma_wait3A_158 = arith.constant 1 : i32
    %dma_wait3A_159 = arith.constant 0 : i32
    %dma_wait3A_160 = tpu.memref_slice %arg11[%dma_wait3A_156, %dma_wait3A_157, %dma_wait3A_159] : memref<2x2x8192xf32, #tpu.memory_space<vmem>> -> memref<1x1x8192xf32, #tpu.memory_space<vmem>>
    %dma_wait3A_161 = tpu.memref_squeeze %dma_wait3A_160 : memref<1x1x8192xf32, #tpu.memory_space<vmem>> -> memref<8192xf32, #tpu.memory_space<vmem>>
    %dma_wait3A_162 = arith.constant 0 : i32
    %dma_wait3A_163 = tpu.memref_slice %arg4[%dma_wait3A_158, %mul3A_2, %dma_wait3A_162] : memref<2x64x262144xf32, #tpu.memory_space<hbm>> -> memref<1x1x8192xf32, #tpu.memory_space<hbm>>
    %dma_wait3A_164 = tpu.memref_squeeze %dma_wait3A_163 : memref<1x1x8192xf32, #tpu.memory_space<hbm>> -> memref<8192xf32, #tpu.memory_space<hbm>>
    %dma_wait3A_165 = arith.constant 0 : i32
    %dma_wait3A_166 = tpu.memref_slice %arg4[%dma_wait3A_158, %mul3A_2, %dma_wait3A_165] : memref<2x64x262144xf32, #tpu.memory_space<hbm>> -> memref<1x1x8192xf32, #tpu.memory_space<hbm>>
    %dma_wait3A_167 = tpu.memref_squeeze %dma_wait3A_166 : memref<1x1x8192xf32, #tpu.memory_space<hbm>> -> memref<8192xf32, #tpu.memory_space<hbm>>
    %dma_wait3A_168 = arith.constant 0 : i32
    %dma_wait3A_169 = tpu.memref_slice %arg11[%dma_wait3A_156, %dma_wait3A_157, %dma_wait3A_168] : memref<2x2x8192xf32, #tpu.memory_space<vmem>> -> memref<1x1x8192xf32, #tpu.memory_space<vmem>>
    %dma_wait3A_170 = tpu.memref_squeeze %dma_wait3A_169 : memref<1x1x8192xf32, #tpu.memory_space<vmem>> -> memref<8192xf32, #tpu.memory_space<vmem>>
    tpu.wait_dma2 semaphore(%arg17 : memref<!tpu.dma_semaphore, #tpu.memory_space<semaphore_mem>>) src(%dma_wait3A_170 : memref<8192xf32, #tpu.memory_space<vmem>>) dst(%dma_wait3A_167 : memref<8192xf32, #tpu.memory_space<hbm>>)
    %dma_wait3A_171 = arith.constant 0 : i32
    %dma_wait3A_172 = arith.constant 0 : i32
    %dma_wait3A_173 = arith.constant 1 : i32
    %dma_wait3A_174 = arith.constant 0 : i32
    %dma_wait3A_175 = tpu.memref_slice %arg11[%dma_wait3A_171, %dma_wait3A_172, %dma_wait3A_174] : memref<2x2x8192xf32, #tpu.memory_space<vmem>> -> memref<1x1x8192xf32, #tpu.memory_space<vmem>>
    %dma_wait3A_176 = tpu.memref_squeeze %dma_wait3A_175 : memref<1x1x8192xf32, #tpu.memory_space<vmem>> -> memref<8192xf32, #tpu.memory_space<vmem>>
    %dma_wait3A_177 = arith.constant 0 : i32
    %dma_wait3A_178 = tpu.memref_slice %arg4[%dma_wait3A_173, %mul3A_2, %dma_wait3A_177] : memref<2x64x262144xf32, #tpu.memory_space<hbm>> -> memref<1x1x8192xf32, #tpu.memory_space<hbm>>
    %dma_wait3A_179 = tpu.memref_squeeze %dma_wait3A_178 : memref<1x1x8192xf32, #tpu.memory_space<hbm>> -> memref<8192xf32, #tpu.memory_space<hbm>>
    %dma_wait3A_180 = arith.constant 0 : i32
    %dma_wait3A_181 = tpu.memref_slice %arg4[%dma_wait3A_173, %mul3A_2, %dma_wait3A_180] : memref<2x64x262144xf32, #tpu.memory_space<hbm>> -> memref<1x1x8192xf32, #tpu.memory_space<hbm>>
    %dma_wait3A_182 = tpu.memref_squeeze %dma_wait3A_181 : memref<1x1x8192xf32, #tpu.memory_space<hbm>> -> memref<8192xf32, #tpu.memory_space<hbm>>
    %dma_wait3A_183 = arith.constant 0 : i32
    %dma_wait3A_184 = tpu.memref_slice %arg11[%dma_wait3A_171, %dma_wait3A_172, %dma_wait3A_183] : memref<2x2x8192xf32, #tpu.memory_space<vmem>> -> memref<1x1x8192xf32, #tpu.memory_space<vmem>>
    %dma_wait3A_185 = tpu.memref_squeeze %dma_wait3A_184 : memref<1x1x8192xf32, #tpu.memory_space<vmem>> -> memref<8192xf32, #tpu.memory_space<vmem>>
    tpu.wait_dma2 semaphore(%arg17 : memref<!tpu.dma_semaphore, #tpu.memory_space<semaphore_mem>>) src(%dma_wait3A_185 : memref<8192xf32, #tpu.memory_space<vmem>>) dst(%dma_wait3A_182 : memref<8192xf32, #tpu.memory_space<hbm>>)
    %dma_wait3A_186 = arith.constant 0 : i32
    %dma_wait3A_187 = arith.constant 0 : i32
    %dma_wait3A_188 = arith.constant 1 : i32
    %dma_wait3A_189 = arith.constant 0 : i32
    %dma_wait3A_190 = tpu.memref_slice %arg11[%dma_wait3A_186, %dma_wait3A_187, %dma_wait3A_189] : memref<2x2x8192xf32, #tpu.memory_space<vmem>> -> memref<1x1x8192xf32, #tpu.memory_space<vmem>>
    %dma_wait3A_191 = tpu.memref_squeeze %dma_wait3A_190 : memref<1x1x8192xf32, #tpu.memory_space<vmem>> -> memref<8192xf32, #tpu.memory_space<vmem>>
    %dma_wait3A_192 = arith.constant 0 : i32
    %dma_wait3A_193 = tpu.memref_slice %arg4[%dma_wait3A_188, %mul3A_2, %dma_wait3A_192] : memref<2x64x262144xf32, #tpu.memory_space<hbm>> -> memref<1x1x8192xf32, #tpu.memory_space<hbm>>
    %dma_wait3A_194 = tpu.memref_squeeze %dma_wait3A_193 : memref<1x1x8192xf32, #tpu.memory_space<hbm>> -> memref<8192xf32, #tpu.memory_space<hbm>>
    %dma_wait3A_195 = arith.constant 0 : i32
    %dma_wait3A_196 = tpu.memref_slice %arg4[%dma_wait3A_188, %mul3A_2, %dma_wait3A_195] : memref<2x64x262144xf32, #tpu.memory_space<hbm>> -> memref<1x1x8192xf32, #tpu.memory_space<hbm>>
    %dma_wait3A_197 = tpu.memref_squeeze %dma_wait3A_196 : memref<1x1x8192xf32, #tpu.memory_space<hbm>> -> memref<8192xf32, #tpu.memory_space<hbm>>
    %dma_wait3A_198 = arith.constant 0 : i32
    %dma_wait3A_199 = tpu.memref_slice %arg11[%dma_wait3A_186, %dma_wait3A_187, %dma_wait3A_198] : memref<2x2x8192xf32, #tpu.memory_space<vmem>> -> memref<1x1x8192xf32, #tpu.memory_space<vmem>>
    %dma_wait3A_200 = tpu.memref_squeeze %dma_wait3A_199 : memref<1x1x8192xf32, #tpu.memory_space<vmem>> -> memref<8192xf32, #tpu.memory_space<vmem>>
    tpu.wait_dma2 semaphore(%arg17 : memref<!tpu.dma_semaphore, #tpu.memory_space<semaphore_mem>>) src(%dma_wait3A_200 : memref<8192xf32, #tpu.memory_space<vmem>>) dst(%dma_wait3A_197 : memref<8192xf32, #tpu.memory_space<hbm>>)
    %dma_wait3A_201 = arith.constant 0 : i32
    %dma_wait3A_202 = arith.constant 0 : i32
    %dma_wait3A_203 = arith.constant 1 : i32
    %dma_wait3A_204 = arith.constant 0 : i32
    %dma_wait3A_205 = tpu.memref_slice %arg11[%dma_wait3A_201, %dma_wait3A_202, %dma_wait3A_204] : memref<2x2x8192xf32, #tpu.memory_space<vmem>> -> memref<1x1x8192xf32, #tpu.memory_space<vmem>>
    %dma_wait3A_206 = tpu.memref_squeeze %dma_wait3A_205 : memref<1x1x8192xf32, #tpu.memory_space<vmem>> -> memref<8192xf32, #tpu.memory_space<vmem>>
    %dma_wait3A_207 = arith.constant 0 : i32
    %dma_wait3A_208 = tpu.memref_slice %arg4[%dma_wait3A_203, %mul3A_2, %dma_wait3A_207] : memref<2x64x262144xf32, #tpu.memory_space<hbm>> -> memref<1x1x8192xf32, #tpu.memory_space<hbm>>
    %dma_wait3A_209 = tpu.memref_squeeze %dma_wait3A_208 : memref<1x1x8192xf32, #tpu.memory_space<hbm>> -> memref<8192xf32, #tpu.memory_space<hbm>>
    %dma_wait3A_210 = arith.constant 0 : i32
    %dma_wait3A_211 = tpu.memref_slice %arg4[%dma_wait3A_203, %mul3A_2, %dma_wait3A_210] : memref<2x64x262144xf32, #tpu.memory_space<hbm>> -> memref<1x1x8192xf32, #tpu.memory_space<hbm>>
    %dma_wait3A_212 = tpu.memref_squeeze %dma_wait3A_211 : memref<1x1x8192xf32, #tpu.memory_space<hbm>> -> memref<8192xf32, #tpu.memory_space<hbm>>
    %dma_wait3A_213 = arith.constant 0 : i32
    %dma_wait3A_214 = tpu.memref_slice %arg11[%dma_wait3A_201, %dma_wait3A_202, %dma_wait3A_213] : memref<2x2x8192xf32, #tpu.memory_space<vmem>> -> memref<1x1x8192xf32, #tpu.memory_space<vmem>>
    %dma_wait3A_215 = tpu.memref_squeeze %dma_wait3A_214 : memref<1x1x8192xf32, #tpu.memory_space<vmem>> -> memref<8192xf32, #tpu.memory_space<vmem>>
    tpu.wait_dma2 semaphore(%arg17 : memref<!tpu.dma_semaphore, #tpu.memory_space<semaphore_mem>>) src(%dma_wait3A_215 : memref<8192xf32, #tpu.memory_space<vmem>>) dst(%dma_wait3A_212 : memref<8192xf32, #tpu.memory_space<hbm>>)
    return
  }
}

module attributes {stable_mosaic.version = 14 : i64} {
  func.func @_transpose_body(%arg0: i32, %arg1: memref<1x20008x64xf32, #tpu.memory_space<vmem>>, %arg2: memref<1x64x20008xf32, #tpu.memory_space<vmem>>) attributes {dimension_semantics = [#tpu.dimension_semantics<arbitrary>], iteration_bounds = array<i64: 2>, scalar_prefetch = 0 : i64, scratch_operands = 0 : i64, tpu.core_type = #tpu.core_type<tc>, window_params = [{transform_indices = @transform_0, window_bounds = array<i64: 1, 20008, 64>}, {transform_indices = @transform_1, window_bounds = array<i64: 1, 64, 20008>}]} {
    %get3A = arith.constant 0 : index
    %get3A_0 = arith.constant 0 : index
    %get3A_1 = arith.constant 0 : index
    %get3A_2 = vector.load %arg1[%get3A, %get3A_0, %get3A_1] : memref<1x20008x64xf32, #tpu.memory_space<vmem>>, vector<1x20008x64xf32>
    %get3A_3 = vector.shape_cast %get3A_2 : vector<1x20008x64xf32> to vector<20008x64xf32>
    %transpose3A = tpu.transpose %get3A_3, [1, 0] : vector<20008x64xf32> -> vector<64x20008xf32>
    %swap3A = arith.constant 0 : index
    %swap3A_4 = arith.constant 0 : index
    %swap3A_5 = arith.constant 0 : index
    %swap3A_6 = vector.load %arg2[%swap3A, %swap3A_4, %swap3A_5] : memref<1x64x20008xf32, #tpu.memory_space<vmem>>, vector<1x64x20008xf32>
    %swap3A_7 = vector.shape_cast %swap3A_6 : vector<1x64x20008xf32> to vector<64x20008xf32>
    %swap3A_8 = vector.shape_cast %transpose3A : vector<64x20008xf32> to vector<1x64x20008xf32>
    tpu.vector_store %arg2[%swap3A, %swap3A_4, %swap3A_5], %swap3A_8 {strides = array<i32>} : memref<1x64x20008xf32, #tpu.memory_space<vmem>>, vector<1x64x20008xf32>,
    return
  }
  func.func @transform_0(%arg0: i32) -> (i32, i32, i32) {
    %c0_i32 = arith.constant 0 : i32
    %c0_i32_0 = arith.constant 0 : i32
    %c0_i32_1 = arith.constant 0 : i32
    return %arg0, %c0_i32, %c0_i32_0 : i32, i32, i32
  }
  func.func @transform_1(%arg0: i32) -> (i32, i32, i32) {
    %c0_i32 = arith.constant 0 : i32
    %c0_i32_0 = arith.constant 0 : i32
    %c0_i32_1 = arith.constant 0 : i32
    return %arg0, %c0_i32, %c0_i32_0 : i32, i32, i32
  }
}

</mosaic_0001>

<sc_bundles>
// kernel: kernel.4.cloned.1.call-start
scs
__scs_entry_jumppad:
0x0: {  	(pc) =	sbr.rel $0x88, $3  }
0x1: {  	(tag) =	ssettag $0x0;
	lr =	simm.s32 $0x1  }
0x2: {  	[smem:$0x3F9F] =	sst lr;
	_ =	strace $0xD0000000  }
0x3: {  	_ = 	snop  }
0x4: {  	_ = 	snop  }
0x5: {  	_ = 	snop  }
0x6: {  	_ = 	snop  }
0x7: {  	_ = 	snop  }
__scs_overlays_trampoline_lowered:
0x8: {  	[smem:$0x3FAE] =	sst s0  }
0x9: {  	[smem:$0x3FAF] =	sst s1  }
0xa: {  	[smem:$0x3FB0] =	sst s2  }
0xb: {  	[smem:$0x3FB1] =	sst s3  }
0xc: {  	[smem:$0x3FB2] =	sst s4  }
0xd: {  	[smem:$0x3FB3] =	sst s5  }
0xe: {  	[smem:$0x3FB4] =	sst s6  }
0xf: {  	[smem:$0x3FB5] =	sst s7  }
0x10: {  	[smem:$0x3FB6] =	sst s8  }
0x11: {  	[smem:$0x3FB7] =	sst s9;
	s0 =	simm.s32 @!p0 $0x0  }
0x12: {  	s1 =	sld [smem:$0x3F9D];
	s0 =	simm.s32 @p0 $0x1  }
0x13: {  	[smem:$0x3FB8] =	sst s0;
	s0 =	simm.s32 @!p1 $0x0  }
0x14: {  	s2 =	sld [smem:$0x3F9C];
	s0 =	simm.s32 @p1 $0x1  }
0x15: {  	[smem:$0x3FB9] =	sst s0;
	s0 =	simm.s32 @!p2 $0x0  }
0x16: {  	s3 =	sld [smem:$0x3FDB];
	s0 =	simm.s32 @p2 $0x1  }
0x17: {  	s4 =	simm.s32 $0x1BF5;
	[smem:$0x3FBB] =	sst s0  }
0x18: {  	s0 =	sld [smem:$0x3F9E];
	_ =	swait.ge [sflag:s4], $0x0  }
0x19: {  	s7 =	sld [smem:$0x3F9F]  }
0x1a: {  	s8 =	sadd.s32 $0xFFFFE003, lr  }
0x1b: {  	s9 =	sadd.s32 $0xFFFFFEF7, lr;
	s5 =	simm.s32 $0xFFFFFFFF;
	p2 =	slt.u32 s8, $0xFFFFF086  }
0x1c: {  	p1 =	slt.u32 s9, $0xF7A;
	s5 =	simm.s32 @!p2 $0x0  }
0x1d: {  	s5 =	simm.s32 @p1 $0x1;
	p0 =	seq.s32 s7, s2  }
0x1e: {  	s7 =	smul.u32 @!p0 $0xF7A, s2;
	p2 =	seq.s32 @!p0 s5, $0x0  }
0x1f: {  	s9 =	smul.u32 $0xF7A, s1;
	s8 =	simm.s32 @!p0 $0x1BF5;
	p2 =	por !p2, p0  }
0x20: {  	[sflag:s8] =	ssyncset.s32 @!p0 $0xFFFFF086;
	s6 =	sadd.s32 @!p0 s3, s7;
	s7 =	simm.s32 @!p0 $0x108  }
0x21: {  	s3 =	sadd.s32 s3, s9;
	s6 =	sadd.s32 @!p0 $0x88, s6;
	s7 =	simm.s32 @p2 $0x1082  }
0x22: {  	[simem:s7], [sflag:s8] =	dma.local @!p0 [hbm:s6], $0xF7A  }
0x23: {  	s9 =	sor.u32 $0xD0000000, s2;
	s6 =	simm.s32 $0x108;
	_ =	swait.ge @!p0 [sflag:s8], $0x0  }
0x24: {  	s3 =	sadd.s32 $0x88, s3;
	s6 =	simm.s32 @!p1 $0x1082;
	[sflag:s4] =	ssyncset.s32 $0xFFFFF086  }
0x25: {  	[simem:s6], [sflag:s4] =	dma.local [hbm:s3], $0xF7A  }
0x26: {  	[smem:$0x3F9F] =	sst s1;
	(tag) =	ssettag s2;
	_ =	strace s9  }
0x27: {  	s1 =	sld [smem:$0x3FAF]  }
0x28: {  	s2 =	sld [smem:$0x3FB0]  }
0x29: {  	s4 =	sld [smem:$0x3FB2]  }
0x2a: {  	p0 =	seq.s32 s5, $0x0;
	s5 =	sld [smem:$0x3FB3]  }
0x2b: {  	s6 =	sld [smem:$0x3FB4]  }
0x2c: {  	s7 =	sld [smem:$0x3FB5]  }
0x2d: {  	s3 =	simm.s32 $0x108;
	s8 =	sld [smem:$0x3FB6]  }
0x2e: {  	s3 =	simm.s32 @!p0 $0x1082;
	s9 =	sld [smem:$0x3FB7]  }
0x2f: {  	lr =	sadd.s32 s0, s3;
	s0 =	sld [smem:$0x3FAE]  }
0x30: {  	s3 =	sld [smem:$0x3FB1]  }
0x31: {  	[smem:$0x3FBA] =	sst s10  }
0x32: {  	s10 =	sld [smem:$0x3FB8];
	_ =	sdelay $0x3  }
0x33: {  	p0 =	seq.s32 s10, $0x1;
	s10 =	sld [smem:$0x3FBA];
	_ =	sdelay $0x3  }
0x34: {  	[smem:$0x3FBA] =	sst s10  }
0x35: {  	s10 =	sld [smem:$0x3FB9];
	_ =	sdelay $0x3  }
0x36: {  	p1 =	seq.s32 s10, $0x1;
	s10 =	sld [smem:$0x3FBA];
	_ =	sdelay $0x3  }
0x37: {  	[smem:$0x3FBA] =	sst s10  }
0x38: {  	s10 =	sld [smem:$0x3FBB]  }
0x39: {  	_ = 	snop;
	(pc) =	sbr.ind lr, $3  }
0x3a: {  	_ = 	snop  }
0x3b: {  	_ = 	snop  }
0x3c: {  	p2 =	seq.s32 s10, $0x1;
	s10 =	sld [smem:$0x3FBA]  }
0x3d: {  	_ =	shalt  }
0x3e: {  	_ =	shalt  }
0x3f: {  	_ =	shalt  }
0x40: {  	_ =	shalt  }
0x41: {  	_ =	shalt  }
0x42: {  	_ =	shalt  }
0x43: {  	_ =	shalt  }
0x44: {  	_ =	shalt  }
0x45: {  	_ =	shalt  }
0x46: {  	_ =	shalt  }
0x47: {  	_ =	shalt  }
0x48: {  	_ =	shalt  }
0x49: {  	_ =	shalt  }
0x4a: {  	_ =	shalt  }
0x4b: {  	_ =	shalt  }
0x4c: {  	_ =	shalt  }
0x4d: {  	_ =	shalt  }
0x4e: {  	_ =	shalt  }
0x4f: {  	_ =	shalt  }
0x50: {  	_ =	shalt  }
0x51: {  	_ =	shalt  }
0x52: {  	_ =	shalt  }
0x53: {  	_ =	shalt  }
0x54: {  	_ =	shalt  }
0x55: {  	_ =	shalt  }
0x56: {  	_ =	shalt  }
0x57: {  	_ =	shalt  }
0x58: {  	_ =	shalt  }
0x59: {  	_ =	shalt  }
0x5a: {  	_ =	shalt  }
0x5b: {  	_ =	shalt  }
0x5c: {  	_ =	shalt  }
0x5d: {  	_ =	shalt  }
0x5e: {  	_ =	shalt  }
0x5f: {  	_ =	shalt  }
0x60: {  	_ =	shalt  }
0x61: {  	_ =	shalt  }
0x62: {  	_ =	shalt  }
0x63: {  	_ =	shalt  }
0x64: {  	_ =	shalt  }
0x65: {  	_ =	shalt  }
0x66: {  	_ =	shalt  }
0x67: {  	_ =	shalt  }
0x68: {  	_ =	shalt  }
0x69: {  	_ =	shalt  }
0x6a: {  	_ =	shalt  }
0x6b: {  	_ =	shalt  }
0x6c: {  	_ =	shalt  }
0x6d: {  	_ =	shalt  }
0x6e: {  	_ =	shalt  }
0x6f: {  	_ =	shalt  }
0x70: {  	_ =	shalt  }
0x71: {  	_ =	shalt  }
0x72: {  	_ =	shalt  }
0x73: {  	_ =	shalt  }
0x74: {  	_ =	shalt  }
0x75: {  	_ =	shalt  }
0x76: {  	_ =	shalt  }
0x77: {  	_ =	shalt  }
0x78: {  	_ =	shalt  }
0x79: {  	_ =	shalt  }
0x7a: {  	_ =	shalt  }
0x7b: {  	_ =	shalt  }
0x7c: {  	_ =	shalt  }
0x7d: {  	_ =	shalt  }
0x7e: {  	_ =	shalt  }
0x7f: {  	_ =	shalt  }
0x80: {  	_ =	shalt  }
0x81: {  	_ =	shalt  }
0x82: {  	_ =	shalt  }
0x83: {  	_ =	shalt  }
0x84: {  	_ =	shalt  }
0x85: {  	_ =	shalt  }
0x86: {  	_ =	shalt  }
0x87: {  	_ =	shalt  }
.Lfunc_end0:
.L_simem_size_0:
called_computation_lowered:
.L_overlay_start_0:
0x88: {  	s2 =	sld [smem:$0x3FD9]  }
0x89: {  	s3 =	sld [smem:$0x3FFE];
	_ =	sdelay $0x1  }
0x8a: {  	s1 =	srdreg.scid  }
0x8b: {  	s0 =	sand.u32 $0x1, s1  }
0x8c: {  	s17 =	sshll.u32 s0, $0xA;
	s2 =	sadd.s32 s3, s2  }
0x8d: {  	s2 =	sadd.s32 s2, s17  }
0x8e: {  	[smem:$0x3FC6] =	sst s2  }
0x8f: {  	_ = 	snop  }
0x90: {  	s2 =	sld [smem:$0x3FD0];
	(tm) =	ssettm $0x1  }
0x91: {  	s18 =	sld [smem:$0x3FFB];
	_ =	sdelay $0x3  }
0x92: {  	_ =	strace s18  }
0x93: {  	s3 =	sld [smem:$0x3FFC];
	_ =	sdelay $0x3  }
0x94: {  	_ =	strace s3  }
0x95: {  	s3 =	sld [smem:$0x3FFD];
	_ =	sdelay $0x3  }
0x96: {  	_ =	strace s3  }
0x97: {  	_ =	strace $0x8FFFFFFF  }
0x98: {  	s19 =	sld [smem:$0x3FDB];
	_ =	sdelay $0x1  }
0x99: {  	s4 =	simm.s32 $_scs_section_size  }
0x9a: {  	s5 =	simm.s32 $_size__tile_overlayer_lowered;
	s6 =	simm.s32 $_tile_overlayer_lowered  }
0x9b: {  	s22 =	simm.s32 $0x1BFF;
	s21 =	sshll.u32 s6, $0x1;
	s3 =	sadd.s32 s4, s19  }
0x9c: {  	s7 =	simm.s32 $0x0;
	s20 =	sshll.u32 s5, $0x1;
	s5 =	sadd.s32 s21, s3  }
0x9d: {  	[timem:s7], [sflag:s22] =	dma.local [hbm:s5], s20  }
0x9e: {  	_ =	swait.ge [sflag:s22], s20  }
0x9f: {  	s4 =	ssub.s32 $0x0, s20;
	[sflag:s22] =	ssyncset.done $0x0  }
0xa0: {  	[sflag:s22] =	ssyncadd.s32 s4;
	_ =	sdelay $0x1  }
0xa1: {  	s23 =	simm.s32 $0x1B8B  }
0xa2: {  	_ =	swait.ge [sflag:s23], $0x1  }
0xa3: {  	[sflag:s23] =	ssyncset.done $0x0  }
0xa4: {  	s25 =	simm.s32 $0x1B8E;
	s24 =	sld [smem:$0x3FFE];
	[sflag:s23] =	ssyncadd.s32 $0xFFFFFFFF  }
0xa5: {  	s26 =	simm.s32 $execute0_lowered;
	[smem:$0x3FD2] =	sst s25  }
0xa6: {  	s5 =	sshll.u32 s26, $0x1;
	_ =	strace $0x80000046;
	[dreg:$0x1] =	wrdreg $0xFFFFFFFF  }
0xa7: {  	s28 =	simm.s32 $_size_execute0_lowered;
	s3 =	sadd.s32 s3, s5;
	[dreg:$0x0] =	wrdreg $0x0  }
0xa8: {  	s5 =	sshll.u32 s28, $0x1;
	[dreg:$0x2] =	wrdreg s3  }
0xa9: {  	[dreg:$0x3] =	wrdreg s5  }
0xaa: {  	[dreg:$0x4] =	wrdreg $0xC0  }
0xab: {  	_ =	task [dreg:s7], $0x5FFFF  }
0xac: {  	[dreg:$0x1] =	wrdreg $0xFFFFFFFF  }
0xad: {  	[dreg:$0x0] =	wrdreg $0x60  }
0xae: {  	[dreg:$0x2] =	wrdreg s2  }
0xaf: {  	[dreg:$0x3] =	wrdreg s24  }
0xb0: {  	[dreg:$0x4] =	wrdreg $0x1EB300  }
0xb1: {  	[dreg:$0x5] =	wrdreg $0x1CB300  }
0xb2: {  	[dreg:$0x6] =	wrdreg $0x9  }
0xb3: {  	_ =	task.clear_ibuf [dreg:s7], $0x7FFFF;
	_ =	strace $0x90000046  }
0xb4: {  	s29 =	simm.s32 $0x9;
	_ =	strace $0x80000048  }
0xb5: {  	_ =	swait.ge [sflag:s29], $0x1  }
0xb6: {  	[sflag:s29] =	ssyncadd.s32 $0xFFFFFFFF  }
0xb7: {  	_ =	strace $0x90000048  }
0xb8: {  	_ =	sfence  }
0xb9: {  	s30 =	sld [smem:$0x0];
	_ =	sdelay $0x2  }
0xba: {  	s31 =	sshll.u32 s1, $0xD;
	s1 =	sshrl.u32 s1, $0x2  }
0xbb: {  	s3 =	sand.u32 $0x4000, s31;
	s1 =	sadd.s32 s1, s30  }
0xbc: {  	s0 =	sor.u32 s3, s0;
	s1 =	sshll.u32 s1, $0x11  }
0xbd: {  	s0 =	sor.u32 s1, s0  }
0xbe: {  	s0 =	sadd.s32 $0x8F2B, s0  }
0xbf: {  	[sflag:s0] =	ssyncadd.remote.s32 $0x1  }
0xc0: {  	_ =	sfence.sel $0xFFFF  }
0xc1: {  	[dreg:$0x0] =	wrdreg $0xFFFFFFFF;
	(pc) =	sbr.abs _section_cstart, $3  }
0xc2: {  	[dreg:$0x1] =	wrdreg $0xFFFFFFFF  }
0xc3: {  	_ =	task.clear_ibuf [dreg:s7], $0x2FFFF;
	_ =	strace $0x9FFFFFFF  }
0xc4: {  	(tm) =	ssettm $0x7FFFFFFF  }
0xc5: {  	_ =	shalt  }
tec
execute0_lowered:
.L_overlay_start_1:
0x0: {  	(tag) =	ssettag $0x1  }
0x1: {  	s0 =	rddreg [dreg:$0x0]  }
0x2: {  	s2 =	rddreg [dreg:$0x1]  }
0x3: {  	s1 =	rddreg [dreg:$0x2]  }
0x4: {  	s3 =	rddreg [dreg:$0x3]  }
0x5: {  	s5 =	srdreg.scid;
	s4 =	simm.s32 $0x0;
	s14 =	stileid.u32  }
0x6: {  	s28 =	simm.s32 $0x3;
	s30 =	simm.s32 $0x14B30;
	s31 =	simm.s32 $0x16B30  }
0x7: {  	s5 =	sand.u32 $0x1, s5;
	[smem:$0x7FF] =	sst s4;
	s7 =	sshll.u32 s14, $0x1  }
0x8: {  	s8 =	smul.u32 $0x1388, s14;
	s19 =	sshll.u32 s14, $0xE;
	p0 =	sgt.u32 s14, $0xB  }
0x9: {  	s6 =	sshll.u32 s5, $0x5;
	_ =	strace $0x80000047;
	s16 =	ssub.s32 $0x2, s5  }
0xa: {  	s5 =	sadd.s32 $0x4200, s2;
	s21 =	sshrl.u32 s19, $0x1;
	s6 =	sor.u32 s7, s6  }
0xb: {  	s17 =	sshrl.u32 s8, $0x3;
	s10 =	sshrl.u32 s16, $0x1;
	s8 =	sadd.s32 s8, s1  }
0xc: {  	s29 =	sadd.s32 s21, s3;
	s21 =	simm.s32 $0x1770;
	s7 =	simm.s32 $0x0  }
0xd: {  	s9 =	smul.u32 $0x4E28, s6;
	s11 =	sor.u32 $0x1, s6;
	s13 =	sadd.s32 s17, s2  }
0xe: {  	s18 =	ssub.s32 s16, s10;
	s10 =	sshll.u32 s6, $0x12;
	s16 =	simm.s32 $0x8EE0  }
0xf: {  	s17 =	simm.s32 $0xDD08;
	[dreg:$0x8] =	wrdreg s29;
	s22 =	sadd.s32 $0x600, s13  }
0x10: {  	s12 =	smul.u32 $0x4E28, s11;
	s25 =	sadd.s32 $0x234C, s13;
	[dreg:$0x7] =	wrdreg s22  }
0x11: {  	s26 =	smax.u32 s18, $0x1;
	s9 =	sshrl.u32 s9, $0x3;
	[dreg:$0xb] =	wrdreg s25  }
0x12: {  	s2 =	simm.s32 $0x1AB30;
	[dreg:$0xc] =	wrdreg s26;
	s9 =	sadd.s32 s0, s9  }
0x13: {  	s20 =	sshrl.u32 s12, $0x3;
	[dreg:$0x5] =	wrdreg s9;
	s23 =	sadd.s32 $0x27140, s9  }
0x14: {  	v2 =	vimm.s32 $0x52741630;
	v0 =	vlaneseq.u32;
	s11 =	sshll.u32 s11, $0x12;
	s12 =	sadd.s32 s0, s20;
	[dreg:$0x9] =	wrdreg s23  }
0x15: {  	v4 =	vunpack.c.l.s4.s8 v2;
	v2 =	vimm.s32 $0x63052741;
	v1 =	vmov s19;
	s0 =	sshll.u32 @!p0 s14, $0x6;
	[dreg:$0x6] =	wrdreg s12;
	s24 =	sadd.s32 $0x27140, s12  }
0x16: {  	v6 =	vunpack.c.l.s4.s8 v2;
	v3 =	vsub.s32 $0x0, v1;
	v1 =	vmul.u32 $0x3, v0;
	s22 =	simm.s32 $0x2EE0;
	s0 =	sor.u32 @!p0 $0x1C05, s0;
	[dreg:$0xa] =	wrdreg s24  }
0x17: {  	v7 =	vimm.f32 $0.0e+00;
	v4 =	vunpack.c.0.s8.s32 v4;
	v2 =	vbroadcast v3, $0x0;
	s20 =	simm.s32 $0x1;
	[dreg:$0xd] =	wrdreg s0;
	s0 =	sshrl.u32 @!p0 s8, $0x3  }
0x18: {  	v3 =	vimm.s32 $0xFFFFFFFF;
	v6 =	vunpack.c.0.s8.s32 v6;
	v5 =	vadd.s32 $0x1, v1;
	s23 =	simm.s32 $0x4;
	[dreg:$0xe] =	wrdreg s0;
	s0 =	simm.s32 $0x18B30  }
.LBB2_1:
0x19: {  	[dreg:$0xf] =	wrdreg s7  }
0x1a: {  	s6 =	rddreg [dreg:$0x5]  }
0x1b: {  	s26 =	rddreg [dreg:$0x6]  }
0x1c: {  	s7 =	rddreg [dreg:$0xd]  }
0x1d: {  	s8 =	rddreg [dreg:$0xe]  }
0x1e: {  	[tilespmem:s16], [sflag:$0x2] =	stream.linear.gather [hbm4b:s6+s4], $0x4E28, $0x38;
	[tilespmem:$0x1F9D8] =	vst v63  }
0x1f: {  	s6 =	rddreg [dreg:$0x7]  }
0x20: {  	[tilespmem:s17], [sflag:$0x2] =	stream.linear.gather [hbm4b:s26+s4], $0x4E28, $0x38;
	[tilespmem:$0x1F9D8] =	vst v63  }
0x21: {  	[spmem:s8], [sflag:s7] =	dma.local @!p0 [hbm:s6], $0x271  }
0x22: {  	s6 =	simm.s32 @!p0 $0x5  }
0x23: {  	_ =	swait.ge @!p0 [sflag:s6], $0x271  }
0x24: {  	[sflag:s6] =	ssyncset.done @!p0 $0x0  }
0x25: {  	[sflag:s6] =	ssyncadd.s32 @!p0 $0xFFFFFD8F;
	s6 =	simm.s32 $0x2F60  }
0x26: {  	[tilespmem:s6+$0xFFFFFF80] =	vst v3  }
0x27: {  	[tilespmem:s6+$0x70] =	vst v3  }
0x28: {  	[tilespmem:s6+$0x60] =	vst v3  }
0x29: {  	[tilespmem:s6+$0x50] =	vst v3  }
0x2a: {  	[tilespmem:s6+$0x40] =	vst v3  }
0x2b: {  	[tilespmem:s6+$0x30] =	vst v3  }
0x2c: {  	[tilespmem:s6+$0x20] =	vst v3  }
0x2d: {  	[tilespmem:s6+$0x10] =	vst v3  }
0x2e: {  	[tilespmem:s6+$0x0] =	vst v3  }
0x2f: {  	[tilespmem:s6+$0xFFFFFFF0] =	vst v3  }
0x30: {  	[tilespmem:s6+$0xFFFFFFE0] =	vst v3  }
0x31: {  	[tilespmem:s6+$0xFFFFFFD0] =	vst v3  }
0x32: {  	[tilespmem:s6+$0xFFFFFFC0] =	vst v3  }
0x33: {  	[tilespmem:s6+$0xFFFFFFB0] =	vst v3  }
0x34: {  	s7 =	simm.s32 $0x0;
	[tilespmem:s6+$0xFFFFFFA0] =	vst v3  }
.LBB2_2:
0x35: {  	s7 =	sadd.s32 $0x100, s7;
	[tilespmem:s6+$0xFFFFFF90] =	vst v3;
	s6 =	sadd.s32 $0x100, s6  }
0x36: {  	[tilespmem:s6+$0xFFFFFF80] =	vst v3;
	p1 =	slt.u32 s7, $0x3F00  }
0x37: {  	[tilespmem:s6+$0x70] =	vst v3  }
0x38: {  	[tilespmem:s6+$0x60] =	vst v3  }
0x39: {  	[tilespmem:s6+$0x50] =	vst v3  }
0x3a: {  	[tilespmem:s6+$0x40] =	vst v3  }
0x3b: {  	[tilespmem:s6+$0x30] =	vst v3  }
0x3c: {  	[tilespmem:s6+$0x20] =	vst v3  }
0x3d: {  	[tilespmem:s6+$0x10] =	vst v3  }
0x3e: {  	[tilespmem:s6+$0x0] =	vst v3  }
0x3f: {  	[tilespmem:s6+$0xFFFFFFF0] =	vst v3  }
.Ltmp0:
0x40: {  	[tilespmem:s6+$0xFFFFFFE0] =	vst v3;
	(pc) =	sbr.rel @p1 .LBB2_2-.Ltmp0, $4  }
0x41: {  	[tilespmem:s6+$0xFFFFFFD0] =	vst v3  }
0x42: {  	[tilespmem:s6+$0xFFFFFFC0] =	vst v3  }
0x43: {  	[tilespmem:s6+$0xFFFFFFB0] =	vst v3  }
0x44: {  	[tilespmem:s6+$0xFFFFFFA0] =	vst v3  }
.Ltmp1:
0x45: {  	(pc) =	sbr.rel .LBB2_4-.Ltmp1, $4  }
0x46: {  	_ = 	snop  }
0x47: {  	[tilespmem:s6+$0xFFFFFF90] =	vst v3  }
0x48: {  	s6 =	simm.s32 $0x0;
	[bflag:$0x0] =	sbarrier.arrive $0xFFFF  }
0x49: {  	[tilespmem:s6], [sflag:$0x1] =	stream.linear.gather [spmem:s1], $0x1770, $0x38;
	[tilespmem:$0x1F9D8] =	vst v63  }
.LBB2_14:
0x4a: {  	s6 =	sadd.s32 $0x1, s6  }
0x4b: {  	p1 =	sne.s32 s6, $0x5  }
.Ltmp2:
0x4c: {  	_ = 	snop;
	(pc) =	sbr.rel @!p1 .LBB2_15-.Ltmp2, $1  }
0x4d: {  	_ =	sdelay $0x3  }
.LBB2_4:
0x4e: {  	s7 =	smul.u32 $0xBB80, s6;
	_ =	sdelay $0x1  }
.Ltmp3:
0x4f: {  	_ =	swait.ge [sflag:s20], $0x1770;
	s7 =	sshra.s32 s7, $0x2;
	(pc) =	sbr.rel .LBB2_5-.Ltmp3, $4  }
0x50: {  	[sflag:s20] =	ssyncset.done $0x0;
	s7 =	sadd.s32 s7, s1  }
0x51: {  	[sflag:s20] =	ssyncadd.s32 $0xFFFFE890;
	s8 =	sadd.s32 $0x1770, s7  }
0x52: {  	[tilespmem:s21], [sflag:$0x1] =	stream.linear.gather [spmem:s8], $0x1770, $0x38;
	[tilespmem:$0x1F9D8] =	vst v63  }
0x53: {  	s9 =	simm.s32 $0x0;
	s8 =	smul.u32 $0xFA0, s6  }
.LBB2_8:
0x54: {  	s9 =	sadd.s32 $0x1, s9  }
0x55: {  	p1 =	sne.s32 s9, $0x7D  }
.Ltmp4:
0x56: {  	_ = 	snop;
	(pc) =	sbr.rel @!p1 .LBB2_9-.Ltmp4, $1  }
0x57: {  	_ =	sdelay $0x3  }
.LBB2_5:
0x58: {  	s12 =	sshll.u32 s9, $0x4  }
0x59: {  	v8 =	vmov s12  }
0x5a: {  	v8 =	vmul.u32 $0x3, v8;
	_ =	sdelay $0x1  }
0x5b: {  	v8 =	vbroadcast v8, $0x0;
	_ =	sdelay $0x1  }
0x5c: {  	v9 =	vadd.s32 v1, v8  }
0x5d: {  	v8 =	vadd.s32 v5, v8;
	v9 =	vand.u32 $0xFFFFFFF8, v9  }
0x5e: {  	v8 =	vand.u32 $0xFFFFFFF8, v8;
	v9 =	vor.u32 v4, v9  }
0x5f: {  	v8 =	vor.u32 v6, v8;
	_ =	sdelay $0x3  }
0x60: {  	v9 =	vld.idx.msk [tilespmem:v9+s4+$0x0], $0xffff  }
0x61: {  	v8 =	vld.idx.msk [tilespmem:v8+s4+$0x0], $0xffff;
	_ =	sdelay $0x4  }
0x62: {  	v8 =	vshll.u32 v8, $0x9;
	v9 =	vadd.s32 v2, v9  }
0x63: {  	v8 =	vadd.s32 v8, v9  }
0x64: {  	vm0 =	vlt.u32 v8, $0x4000  }
0x65: {  	v9 =	vsel vm0, $0x3F800000, v7  }
0x66: {  	(xrf0) =	vmax.scan.msk.f32 $0xffff, v9;
	_ =	sdelay $0x5  }
0x67: {  	v9, _, _ =	vpop (xrf0)  }
0x68: {  	(v2sf) =	vpush v9, $0xF;
	_ =	sdelay $0xe  }
0x69: {  	s13 =	spop (v2sf)  }
0x6a: {  	p1 =	sgt.f32 s13, $0.0e+00  }
.Ltmp5:
0x6b: {  	_ = 	snop;
	(pc) =	sbr.rel @!p1 .LBB2_8-.Ltmp5, $1  }
0x6c: {  	_ =	sdelay $0x3  }
0x6d: {  	vm1 =	vgt.s32 v8, $0x0  }
0x6e: {  	v8 =	vnsel vm1, $0x0, v8  }
0x6f: {  	v8 =	vmin.u32 v8, $0x3FFF;
	_ =	sdelay $0x2  }
0x70: {  	s12 =	sadd.s32 s8, s12  }
0x71: {  	v9 =	vor.u32 s12, v0  }
.LBB2_7:
0x72: {  	v10 =	vld.idx.msk [tilespmem:v8+s22+$0x0], $0xffff;
	_ =	sdelay $0x4  }
0x73: {  	vm1 =	vlt.s32 v10, v9  }
0x74: {  	vm2 =	vmand vm0, vm1  }
0x75: {  	v11 =	vsel vm2, $0x3F800000, v7  }
0x76: {  	(xrf0) =	vmax.scan.msk.f32 $0xffff, v11;
	_ =	sdelay $0x5  }
0x77: {  	v11, _, _ =	vpop (xrf0)  }
0x78: {  	(v2sf) =	vpush v11, $0xF;
	_ =	sdelay $0xe  }
0x79: {  	s12 =	spop (v2sf)  }
0x7a: {  	p1 =	sgt.f32 s12, $0.0e+00  }
.Ltmp6:
0x7b: {  	_ = 	snop;
	(pc) =	sbr.rel @p1 .LBB2_7-.Ltmp6, $3  }
0x7c: {  	_ =	sdelay $0x1  }
0x7d: {  	v10 =	vsel vm1, v9, v10  }
0x7e: {  	[tilespmem:v8+s22+$0x0] =	vst.idx.msk vm2, v10  }
.Ltmp7:
0x7f: {  	_ = 	snop;
	(pc) =	sbr.rel .LBB2_8-.Ltmp7, $1  }
0x80: {  	_ =	sdelay $0x3  }
.LBB2_9:
.Ltmp8:
0x81: {  	s8 =	sshllo.u32 s6, $0x1;
	_ =	swait.ge [sflag:s20], $0x1770;
	(pc) =	sbr.rel .LBB2_10-.Ltmp8, $4  }
0x82: {  	[sflag:s20] =	ssyncset.done $0x0;
	p1 =	sgt.u32 s8, $0x8  }
0x83: {  	[sflag:s20] =	ssyncadd.s32 $0xFFFFE890;
	s7 =	sadd.s32 @!p1 $0x2EE0, s7;
	s9 =	simm.s32 @!p1 $0x0  }
0x84: {  	[tilespmem:s9], [sflag:$0x1] =	stream.linear.gather @!p1 [spmem:s7], $0x1770, $0x38;
	[tilespmem:$0x1F9D8] =	vst v63  }
0x85: {  	s7 =	smul.u32 $0x7D0, s8;
	s8 =	simm.s32 $0x0  }
.LBB2_13:
0x86: {  	s8 =	sadd.s32 $0x1, s8  }
0x87: {  	p1 =	sne.s32 s8, $0x7D  }
.Ltmp9:
0x88: {  	_ = 	snop;
	(pc) =	sbr.rel @!p1 .LBB2_14-.Ltmp9, $1  }
0x89: {  	_ =	sdelay $0x3  }
.LBB2_10:
0x8a: {  	s9 =	sshll.u32 s8, $0x4  }
0x8b: {  	v8 =	vmov s9  }
0x8c: {  	v8 =	vmul.u32 $0x3, v8;
	_ =	sdelay $0x1  }
0x8d: {  	v8 =	vbroadcast v8, $0x0;
	_ =	sdelay $0x1  }
0x8e: {  	v9 =	vadd.s32 v1, v8  }
0x8f: {  	v8 =	vadd.s32 v5, v8;
	v9 =	vand.u32 $0xFFFFFFF8, v9  }
0x90: {  	v8 =	vand.u32 $0xFFFFFFF8, v8;
	v9 =	vor.u32 v4, v9  }
0x91: {  	v8 =	vor.u32 v6, v8;
	_ =	sdelay $0x3  }
0x92: {  	v9 =	vld.idx.msk [tilespmem:v9+s21+$0x0], $0xffff  }
0x93: {  	v8 =	vld.idx.msk [tilespmem:v8+s21+$0x0], $0xffff;
	_ =	sdelay $0x4  }
0x94: {  	v8 =	vshll.u32 v8, $0x9;
	v9 =	vadd.s32 v2, v9  }
0x95: {  	v8 =	vadd.s32 v8, v9  }
0x96: {  	vm0 =	vlt.u32 v8, $0x4000  }
0x97: {  	v9 =	vsel vm0, $0x3F800000, v7  }
0x98: {  	(xrf0) =	vmax.scan.msk.f32 $0xffff, v9;
	_ =	sdelay $0x5  }
0x99: {  	v9, _, _ =	vpop (xrf0)  }
0x9a: {  	(v2sf) =	vpush v9, $0xF;
	_ =	sdelay $0xe  }
0x9b: {  	s12 =	spop (v2sf)  }
0x9c: {  	p1 =	sgt.f32 s12, $0.0e+00  }
.Ltmp10:
0x9d: {  	_ = 	snop;
	(pc) =	sbr.rel @!p1 .LBB2_13-.Ltmp10, $1  }
0x9e: {  	_ =	sdelay $0x3  }
0x9f: {  	vm1 =	vgt.s32 v8, $0x0  }
0xa0: {  	v8 =	vnsel vm1, $0x0, v8  }
0xa1: {  	v8 =	vmin.u32 v8, $0x3FFF;
	_ =	sdelay $0x2  }
0xa2: {  	s9 =	sadd.s32 s7, s9  }
0xa3: {  	v9 =	vor.u32 s9, v0  }
.LBB2_12:
0xa4: {  	v10 =	vld.idx.msk [tilespmem:v8+s22+$0x0], $0xffff;
	_ =	sdelay $0x4  }
0xa5: {  	vm1 =	vlt.s32 v10, v9  }
0xa6: {  	vm2 =	vmand vm0, vm1  }
0xa7: {  	v11 =	vsel vm2, $0x3F800000, v7  }
0xa8: {  	(xrf0) =	vmax.scan.msk.f32 $0xffff, v11;
	_ =	sdelay $0x5  }
0xa9: {  	v11, _, _ =	vpop (xrf0)  }
0xaa: {  	(v2sf) =	vpush v11, $0xF;
	_ =	sdelay $0xe  }
0xab: {  	s9 =	spop (v2sf)  }
0xac: {  	p1 =	sgt.f32 s9, $0.0e+00  }
.Ltmp11:
0xad: {  	_ = 	snop;
	(pc) =	sbr.rel @p1 .LBB2_12-.Ltmp11, $3  }
0xae: {  	_ =	sdelay $0x1  }
0xaf: {  	v10 =	vsel vm1, v9, v10  }
0xb0: {  	[tilespmem:v8+s22+$0x0] =	vst.idx.msk vm2, v10  }
.Ltmp12:
0xb1: {  	_ = 	snop;
	(pc) =	sbr.rel .LBB2_13-.Ltmp12, $1  }
0xb2: {  	_ =	sdelay $0x3  }
.LBB2_15:
0xb3: {  	s13 =	simm.s32 $0x2F60  }
0xb4: {  	v8 =	vld [tilespmem:s13+$0x0]  }
0xb5: {  	v9 =	vld [tilespmem:s13+$0x10];
	_ =	sdelay $0x1  }
0xb6: {  	v10 =	vld [tilespmem:s13+$0xFFFFFF90]  }
0xb7: {  	v11 =	vld [tilespmem:s13+$0xFFFFFF80];
	_ =	sdelay $0x1  }
0xb8: {  	vm0 =	vlt.s32 v8, $0x0;
	vm1 =	vlt.s32 v9, $0x0  }
0xb9: {  	v8 =	vsel vm0, $0x4E20, v8;
	v9 =	vsel vm1, $0x4E20, v9  }
0xba: {  	s6 =	simm.s32 $0x6F20;
	v8 =	vpack.i.b32.b16 v9, v8  }
0xbb: {  	vm11 =	vlt.s32 v10, $0x0;
	vm12 =	vlt.s32 v11, $0x0;
	[tilespmem:s6+$0x0] =	vst v8  }
0xbc: {  	v9 =	vsel vm11, $0x4E20, v10;
	v10 =	vsel vm12, $0x4E20, v11;
	v8 =	vld [tilespmem:s13+$0x20]  }
0xbd: {  	v9 =	vpack.i.b32.b16 v9, v10;
	v11 =	vld [tilespmem:s13+$0x30]  }
0xbe: {  	[tilespmem:s6+$0xFFFFFFC0] =	vst v9  }
0xbf: {  	v9 =	vld [tilespmem:s13+$0xFFFFFFA0]  }
0xc0: {  	s8 =	simm.s32 $0x3060;
	v10 =	vld [tilespmem:s13+$0xFFFFFFB0]  }
0xc1: {  	v12 =	vld [tilespmem:s8+$0x0]  }
0xc2: {  	v13 =	vld [tilespmem:s8+$0x10];
	vm13 =	vlt.s32 v8, $0x0;
	vm14 =	vlt.s32 v11, $0x0  }
0xc3: {  	v14 =	vld [tilespmem:s8+$0xFFFFFF90];
	v8 =	vsel vm13, $0x4E20, v8;
	v11 =	vsel vm14, $0x4E20, v11  }
0xc4: {  	v8 =	vpack.i.b32.b16 v11, v8;
	v11 =	vld [tilespmem:s8+$0xFFFFFF80]  }
0xc5: {  	vm15 =	vlt.s32 v9, $0x0;
	vm4 =	vlt.s32 v10, $0x0;
	[tilespmem:s6+$0x10] =	vst v8  }
0xc6: {  	v9 =	vsel vm15, $0x4E20, v9;
	v10 =	vsel vm4, $0x4E20, v10;
	v8 =	vld [tilespmem:s13+$0x40]  }
0xc7: {  	vm5 =	vlt.s32 v12, $0x0;
	vm6 =	vlt.s32 v13, $0x0;
	v9 =	vpack.i.b32.b16 v10, v9;
	v15 =	vld [tilespmem:s13+$0x50]  }
0xc8: {  	s9 =	simm.s32 $0x3160;
	v10 =	vsel vm6, $0x4E20, v13;
	[tilespmem:s6+$0xFFFFFFD0] =	vst v9;
	v9 =	vsel vm5, $0x4E20, v12  }
0xc9: {  	s7 =	simm.s32 $0x6FA0;
	v16 =	vld [tilespmem:s9+$0x0];
	vm7 =	vlt.s32 v14, $0x0;
	v9 =	vpack.i.b32.b16 v10, v9;
	vm8 =	vlt.s32 v11, $0x0  }
0xca: {  	v13 =	vsel vm7, $0x4E20, v14;
	v12 =	vld [tilespmem:s13+$0xFFFFFFC0];
	[tilespmem:s7+$0x0] =	vst v9;
	v11 =	vsel vm8, $0x4E20, v11  }
0xcb: {  	v9 =	vpack.i.b32.b16 v13, v11;
	v11 =	vld [tilespmem:s8+$0x20]  }
0xcc: {  	vm9 =	vlt.s32 v8, $0x0;
	vm10 =	vlt.s32 v15, $0x0;
	[tilespmem:s7+$0xFFFFFFC0] =	vst v9;
	v9 =	vld [tilespmem:s8+$0x30]  }
0xcd: {  	v8 =	vsel vm9, $0x4E20, v8;
	v13 =	vsel vm10, $0x4E20, v15;
	v14 =	vld [tilespmem:s8+$0xFFFFFFA0]  }
0xce: {  	v8 =	vpack.i.b32.b16 v13, v8;
	v13 =	vld [tilespmem:s8+$0xFFFFFFB0]  }
0xcf: {  	v10 =	vld [tilespmem:s13+$0xFFFFFFD0]  }
0xd0: {  	v17 =	vld [tilespmem:s9+$0x10];
	[tilespmem:s6+$0x20] =	vst v8  }
0xd1: {  	v8 =	vld [tilespmem:s13+$0x60];
	vm11 =	vlt.s32 v11, $0x0;
	vm12 =	vlt.s32 v9, $0x0  }
0xd2: {  	vm2 =	vlt.s32 v12, $0x0;
	v15 =	vld [tilespmem:s13+$0x70];
	v11 =	vsel vm11, $0x4E20, v11;
	v9 =	vsel vm12, $0x4E20, v9  }
0xd3: {  	vm13 =	vlt.s32 v14, $0x0;
	vm14 =	vlt.s32 v13, $0x0;
	v9 =	vpack.i.b32.b16 v9, v11;
	v11 =	vld [tilespmem:s9+$0xFFFFFF90]  }
0xd4: {  	vm15 =	vlt.s32 v10, $0x0;
	v14 =	vsel vm13, $0x4E20, v14;
	v13 =	vsel vm14, $0x4E20, v13;
	[tilespmem:s7+$0x10] =	vst v9;
	v9 =	vld [tilespmem:s9+$0xFFFFFF80]  }
0xd5: {  	v12 =	vsel vm2, $0x4E20, v12;
	v10 =	vsel vm15, $0x4E20, v10;
	v13 =	vpack.i.b32.b16 v13, v14;
	v14 =	vld [tilespmem:s8+$0x40]  }
0xd6: {  	vm6 =	vlt.s32 v17, $0x0;
	vm5 =	vlt.s32 v16, $0x0;
	v10 =	vpack.i.b32.b16 v10, v12;
	[tilespmem:s7+$0xFFFFFFD0] =	vst v13;
	v12 =	vld [tilespmem:s8+$0x50]  }
0xd7: {  	[tilespmem:s6+$0xFFFFFFE0] =	vst v10;
	v10 =	vsel vm5, $0x4E20, v16;
	v16 =	vsel vm6, $0x4E20, v17;
	v13 =	vld [tilespmem:s8+$0xFFFFFFC0]  }
0xd8: {  	v10 =	vpack.i.b32.b16 v16, v10;
	vm4 =	vlt.s32 v8, $0x0;
	v17 =	vld [tilespmem:s8+$0xFFFFFFD0]  }
0xd9: {  	s12 =	simm.s32 $0x7020;
	v16 =	vld [tilespmem:s13+$0xFFFFFFE0];
	vm9 =	vlt.s32 v15, $0x0;
	vm7 =	vlt.s32 v11, $0x0;
	vm8 =	vlt.s32 v9, $0x0  }
0xda: {  	v18 =	vld [tilespmem:s13+$0xFFFFFFF0];
	[tilespmem:s12+$0x0] =	vst v10;
	v8 =	vsel vm4, $0x4E20, v8;
	v11 =	vsel vm7, $0x4E20, v11;
	v9 =	vsel vm8, $0x4E20, v9  }
0xdb: {  	v10 =	vld [tilespmem:s9+$0x20];
	vm10 =	vlt.s32 v14, $0x0;
	vm11 =	vlt.s32 v12, $0x0;
	v9 =	vpack.i.b32.b16 v11, v9  }
0xdc: {  	v15 =	vsel vm9, $0x4E20, v15;
	v11 =	vld [tilespmem:s9+$0x30];
	v12 =	vsel vm11, $0x4E20, v12;
	[tilespmem:s12+$0xFFFFFFC0] =	vst v9;
	v9 =	vsel vm10, $0x4E20, v14  }
0xdd: {  	vm12 =	vlt.s32 v13, $0x0;
	vm13 =	vlt.s32 v17, $0x0;
	v9 =	vpack.i.b32.b16 v12, v9;
	v12 =	vld [tilespmem:s9+$0xFFFFFFA0]  }
0xde: {  	v8 =	vpack.i.b32.b16 v15, v8;
	v14 =	vsel vm12, $0x4E20, v13;
	v13 =	vld [tilespmem:s9+$0xFFFFFFB0];
	[tilespmem:s7+$0x20] =	vst v9;
	v9 =	vsel vm13, $0x4E20, v17  }
0xdf: {  	vm14 =	vlt.s32 v16, $0x0;
	vm15 =	vlt.s32 v18, $0x0;
	[tilespmem:s6+$0x30] =	vst v8;
	v9 =	vpack.i.b32.b16 v9, v14;
	v8 =	vld [tilespmem:s8+$0x60]  }
0xe0: {  	s14 =	simm.s32 $0x3260;
	s13 =	simm.s32 $0x200;
	v15 =	vsel vm15, $0x4E20, v18;
	v14 =	vsel vm14, $0x4E20, v16;
	[tilespmem:s7+$0xFFFFFFE0] =	vst v9;
	v9 =	vld [tilespmem:s8+$0x70]  }
.LBB2_16:
0xe1: {  	v16 =	vld [tilespmem:s14+$0x0];
	vm0 =	vlt.s32 v10, $0x0;
	vm1 =	vlt.s32 v11, $0x0;
	v14 =	vpack.i.b32.b16 v15, v14  }
0xe2: {  	v15 =	vld [tilespmem:s14+$0x10];
	vm2 =	vlt.s32 v12, $0x0;
	v10 =	vsel vm0, $0x4E20, v10;
	v11 =	vsel vm1, $0x4E20, v11;
	[tilespmem:s6+$0xFFFFFFF0] =	vst v14;
	s6 =	smov.u32 s7;
	s7 =	smov.u32 s12  }
0xe3: {  	v14 =	vld [tilespmem:s14+$0xFFFFFF90];
	v12 =	vsel vm2, $0x4E20, v12;
	vm0 =	vlt.s32 v13, $0x0;
	v10 =	vpack.i.b32.b16 v11, v10  }
0xe4: {  	v11 =	vld [tilespmem:s14+$0xFFFFFF80];
	v13 =	vsel vm0, $0x4E20, v13;
	[tilespmem:s12+$0x10] =	vst v10  }
0xe5: {  	s13 =	sadd.s32 $0x100, s13;
	vm0 =	vlt.s32 v8, $0x0;
	v10 =	vpack.i.b32.b16 v13, v12;
	v12 =	vld [tilespmem:s9+$0x40];
	vm1 =	vlt.s32 v9, $0x0  }
0xe6: {  	p1 =	slt.u32 s13, $0x3F00;
	v8 =	vsel vm0, $0x4E20, v8;
	[tilespmem:s12+$0xFFFFFFD0] =	vst v10;
	v13 =	vld [tilespmem:s9+$0x50];
	v9 =	vsel vm1, $0x4E20, v9  }
0xe7: {  	vm0 =	vlt.s32 v16, $0x0;
	vm1 =	vlt.s32 v15, $0x0;
	v17 =	vld [tilespmem:s9+$0xFFFFFFC0];
	v8 =	vpack.i.b32.b16 v9, v8  }
0xe8: {  	v9 =	vsel vm0, $0x4E20, v16;
	vm2 =	vlt.s32 v14, $0x0;
	v10 =	vsel vm1, $0x4E20, v15;
	v15 =	vld [tilespmem:s9+$0xFFFFFFD0];
	[tilespmem:s6+$0x30] =	vst v8  }
0xe9: {  	s12 =	sadd.s32 $0x80, s12;
	vm0 =	vlt.s32 v11, $0x0;
	v8 =	vsel vm2, $0x4E20, v14;
	v9 =	vpack.i.b32.b16 v10, v9;
	v14 =	vld [tilespmem:s8+$0xFFFFFFE0]  }
0xea: {  	v10 =	vsel vm0, $0x4E20, v11;
	[tilespmem:s12+$0x0] =	vst v9;
	v16 =	vld [tilespmem:s8+$0xFFFFFFF0];
	s8 =	smov.u32 s9;
	s9 =	smov.u32 s14  }
0xeb: {  	vm0 =	vlt.s32 v12, $0x0;
	v8 =	vpack.i.b32.b16 v8, v10;
	v10 =	vld [tilespmem:s14+$0x20];
	vm1 =	vlt.s32 v13, $0x0  }
.Ltmp13:
0xec: {  	[tilespmem:s12+$0xFFFFFFC0] =	vst v8;
	v11 =	vld [tilespmem:s14+$0x30];
	vm2 =	vlt.s32 v17, $0x0;
	v8 =	vsel vm0, $0x4E20, v12;
	v9 =	vsel vm1, $0x4E20, v13;
	(pc) =	sbr.rel @p1 .LBB2_16-.Ltmp13, $4  }
0xed: {  	v12 =	vld [tilespmem:s14+$0xFFFFFFA0];
	v17 =	vsel vm2, $0x4E20, v17;
	vm0 =	vlt.s32 v15, $0x0;
	v8 =	vpack.i.b32.b16 v9, v8  }
0xee: {  	v13 =	vld [tilespmem:s14+$0xFFFFFFB0];
	v9 =	vsel vm0, $0x4E20, v15;
	[tilespmem:s7+$0x20] =	vst v8;
	vm0 =	vlt.s32 v14, $0x0  }
0xef: {  	v9 =	vpack.i.b32.b16 v9, v17;
	v8 =	vld [tilespmem:s8+$0x60];
	v14 =	vsel vm0, $0x4E20, v14;
	vm0 =	vlt.s32 v16, $0x0  }
0xf0: {  	s14 =	sadd.s32 $0x100, s14;
	[tilespmem:s7+$0xFFFFFFE0] =	vst v9;
	v9 =	vld [tilespmem:s8+$0x70];
	v15 =	vsel vm0, $0x4E20, v16  }
0xf1: {  	vm0 =	vlt.s32 v10, $0x0;
	vm1 =	vlt.s32 v11, $0x0  }
0xf2: {  	v10 =	vsel vm0, $0x4E20, v10;
	v11 =	vsel vm1, $0x4E20, v11  }
0xf3: {  	vm14 =	vlt.s32 v12, $0x0;
	vm15 =	vlt.s32 v13, $0x0;
	v10 =	vpack.i.b32.b16 v11, v10  }
0xf4: {  	v48 =	vsel vm14, $0x4E20, v12;
	v49 =	vsel vm15, $0x4E20, v13;
	[tilespmem:s12+$0x10] =	vst v10  }
0xf5: {  	v50 =	vpack.i.b32.b16 v49, v48;
	v51 =	vld [tilespmem:s9+$0x40]  }
0xf6: {  	v52 =	vld [tilespmem:s9+$0x50];
	[tilespmem:s12+$0xFFFFFFD0] =	vst v50  }
0xf7: {  	v53 =	vld [tilespmem:s9+$0xFFFFFFC0]  }
0xf8: {  	v54 =	vld [tilespmem:s9+$0xFFFFFFD0];
	_ =	sdelay $0x2  }
0xf9: {  	vm4 =	vlt.s32 v51, $0x0;
	vm5 =	vlt.s32 v52, $0x0  }
0xfa: {  	v11 =	vsel vm4, $0x4E20, v51;
	v10 =	vsel vm5, $0x4E20, v52  }
0xfb: {  	v16 =	vld [tilespmem:s8+$0xFFFFFFE0];
	vm6 =	vlt.s32 v53, $0x0;
	vm7 =	vlt.s32 v54, $0x0;
	v10 =	vpack.i.b32.b16 v10, v11  }
0xfc: {  	v55 =	vld [tilespmem:s8+$0xFFFFFFF0];
	v12 =	vsel vm6, $0x4E20, v53;
	v13 =	vsel vm7, $0x4E20, v54;
	[tilespmem:s12+$0x20] =	vst v10  }
0xfd: {  	v56 =	vpack.i.b32.b16 v13, v12;
	v57 =	vld [tilespmem:s9+$0x60]  }
0xfe: {  	v58 =	vld [tilespmem:s9+$0x70];
	[tilespmem:s12+$0xFFFFFFE0] =	vst v56  }
0xff: {  	v59 =	vld [tilespmem:s9+$0xFFFFFFE0]  }
0x100: {  	vm8 =	vlt.s32 v8, $0x0;
	vm9 =	vlt.s32 v9, $0x0;
	v17 =	vld [tilespmem:s9+$0xFFFFFFF0]  }
0x101: {  	v14 =	vpack.i.b32.b16 v15, v14;
	v8 =	vsel vm8, $0x4E20, v8;
	v9 =	vsel vm9, $0x4E20, v9  }
0x102: {  	vm10 =	vlt.s32 v16, $0x0;
	vm11 =	vlt.s32 v55, $0x0;
	v8 =	vpack.i.b32.b16 v9, v8  }
0x103: {  	v60 =	vsel vm10, $0x4E20, v16;
	v11 =	vsel vm11, $0x4E20, v55;
	vm12 =	vlt.s32 v57, $0x0  }
0x104: {  	[tilespmem:s6+$0xFFFFFFF0] =	vst v14;
	v9 =	vpack.i.b32.b16 v11, v60;
	vm13 =	vlt.s32 v58, $0x0;
	v61 =	vsel vm12, $0x4E20, v57  }
0x105: {  	[tilespmem:s7+$0x30] =	vst v8;
	v8 =	vsel vm13, $0x4E20, v58;
	vm14 =	vlt.s32 v59, $0x0;
	vm15 =	vlt.s32 v17, $0x0  }
0x106: {  	[tilespmem:s7+$0xFFFFFFF0] =	vst v9;
	v8 =	vpack.i.b32.b16 v8, v61;
	v62 =	vsel vm14, $0x4E20, v59;
	v63 =	vsel vm15, $0x4E20, v17  }
0x107: {  	[tilespmem:s12+$0x30] =	vst v8;
	v8 =	vpack.i.b32.b16 v63, v62  }
0x108: {  	s24 =	simm.s32 $0x6EE0;
	s25 =	simm.s32 $0x5;
	[tilespmem:s12+$0xFFFFFFF0] =	vst v8  }
0x109: {  	[spmem:s29] =	stream.linear.scatter [tilespmem:s24], [sflag:$0x5], $0x2000, $0x38;
	[tilespmem:$0x1F9D8] =	vst v63  }
0x10a: {  	_ =	swait.ge [sflag:s25], $0x2000  }
0x10b: {  	[sflag:s25] =	ssyncset.done $0x0  }
0x10c: {  	[sflag:s25] =	ssyncadd.s32 $0xFFFFE000  }
0x10d: {  	s26 =	simm.s32 $0x2;
	[bflag:$0x0] =	sbarrier.arrive $0xFFFF  }
0x10e: {  	_ =	swait.ge [sflag:s26], $0x4E28  }
0x10f: {  	[sflag:s26] =	ssyncset.done $0x0  }
0x110: {  	[sflag:s26] =	ssyncadd.s32 $0xFFFFB1D8  }
0x111: {  	_ =	swait.ge [sflag:s26], $0x4E28  }
0x112: {  	[sflag:s26] =	ssyncset.done $0x0  }
0x113: {  	s8 =	simm.s32 $0x0;
	s29 =	simm.s32 $0x12B30;
	[sflag:s26] =	ssyncadd.s32 $0xFFFFB1D8  }
0x114: {  	[tilespmem:s29], [sflag:$0x3] =	stream.linear.gather [spmem:s3], $0x1000, $0x38;
	[tilespmem:$0x1F9D8] =	vst v63  }
.LBB2_18:
0x115: {  	s12 =	sshll.u32 s8, $0xE  }
0x116: {  	_ =	swait.ge [sflag:s28], $0x1000;
	s6 =	sshrl.u32 s12, $0x1  }
0x117: {  	s7 =	simm.s32 $0x13B30;
	[sflag:s28] =	ssyncset.done $0x0;
	s6 =	sadd.s32 s6, s3  }
0x118: {  	p1 =	seq.s32 s8, $0x0;
	[sflag:s28] =	ssyncadd.s32 $0xFFFFF000;
	s6 =	sadd.s32 $0x1000, s6  }
0x119: {  	[tilespmem:s7], [sflag:$0x3] =	stream.linear.gather [spmem:s6], $0x1000, $0x38;
	[tilespmem:$0x1F9D8] =	vst v63  }
0x11a: {  	s6 =	simm.s32 @!p1 $0x4  }
0x11b: {  	_ =	swait.ge @!p1 [sflag:s6], $0x2000  }
0x11c: {  	[sflag:s6] =	ssyncset.done @!p1 $0x0  }
0x11d: {  	[sflag:s6] =	ssyncadd.s32 @!p1 $0xFFFFE000  }
0x11e: {  	_ =	swait.ge @!p1 [sflag:s6], $0x2000  }
0x11f: {  	[sflag:s6] =	ssyncset.done @!p1 $0x0  }
0x120: {  	s26 =	simm.s32 $0x12B70;
	[sflag:s6] =	ssyncadd.s32 @!p1 $0xFFFFE000  }
0x121: {  	v8 =	vld [tilespmem:s26+$0x0];
	_ =	sdelay $0x4  }
0x122: {  	v9 =	vunpack.i.l.s16.s32 v8;
	_ =	sdelay $0x3  }
0x123: {  	v11 =	vld [tilespmem:s26+$0xFFFFFFC0]  }
0x124: {  	v10 =	vld.idx.msk [tilespmem:v9+s16+$0x0], $0xffff  }
0x125: {  	v8 =	vunpack.i.u.s16.s32 v8;
	_ =	sdelay $0x2  }
0x126: {  	s14 =	simm.s32 $0x16B30  }
0x127: {  	[tilespmem:s14+$0xFFFFE080] =	vst v10;
	v10 =	vunpack.i.l.s16.s32 v11  }
0x128: {  	v12 =	vld.idx.msk [tilespmem:v8+s16+$0x0], $0xffff;
	_ =	sdelay $0x3  }
0x129: {  	v13 =	vld.idx.msk [tilespmem:v10+s16+$0x0], $0xffff  }
0x12a: {  	v11 =	vunpack.i.u.s16.s32 v11;
	[tilespmem:s14+$0xFFFFE090] =	vst v12  }
0x12b: {  	v9 =	vld.idx.msk [tilespmem:v9+s17+$0x0], $0xffff;
	_ =	sdelay $0x2  }
0x12c: {  	[tilespmem:s14+$0xFFFFE000] =	vst v13  }
0x12d: {  	v12 =	vld.idx.msk [tilespmem:v11+s16+$0x0], $0xffff  }
0x12e: {  	[tilespmem:s14+$0x80] =	vst v9  }
0x12f: {  	v8 =	vld.idx.msk [tilespmem:v8+s17+$0x0], $0xffff;
	_ =	sdelay $0x2  }
0x130: {  	[tilespmem:s14+$0xFFFFE010] =	vst v12  }
0x131: {  	s19 =	simm.s32 $0x12BF0;
	v9 =	vld.idx.msk [tilespmem:v10+s17+$0x0], $0xffff  }
0x132: {  	v10 =	vld [tilespmem:s19+$0x0];
	[tilespmem:s14+$0x90] =	vst v8  }
0x133: {  	v8 =	vld [tilespmem:s26+$0x10];
	_ =	sdelay $0x3  }
0x134: {  	[tilespmem:s14+$0x0] =	vst v9;
	v12 =	vunpack.i.l.s16.s32 v10  }
0x135: {  	v9 =	vld.idx.msk [tilespmem:v11+s17+$0x0], $0xffff;
	v11 =	vunpack.i.l.s16.s32 v8;
	_ =	sdelay $0x2  }
0x136: {  	v13 =	vld [tilespmem:s19+$0xFFFFFFC0]  }
0x137: {  	v15 =	vld.idx.msk [tilespmem:v12+s16+$0x0], $0xffff  }
0x138: {  	[tilespmem:s14+$0x10] =	vst v9;
	v9 =	vld.idx.msk [tilespmem:v11+s16+$0x0], $0xffff  }
0x139: {  	v10 =	vunpack.i.u.s16.s32 v10;
	v14 =	vld [tilespmem:s26+$0xFFFFFFD0]  }
0x13a: {  	v8 =	vunpack.i.u.s16.s32 v8;
	_ =	sdelay $0x1  }
0x13b: {  	s13 =	simm.s32 $0x16C30;
	v16 =	vunpack.i.l.s16.s32 v13  }
0x13c: {  	[tilespmem:s13+$0xFFFFE080] =	vst v15  }
0x13d: {  	v15 =	vld.idx.msk [tilespmem:v10+s16+$0x0], $0xffff;
	[tilespmem:s14+$0xFFFFE0A0] =	vst v9;
	v9 =	vunpack.i.l.s16.s32 v14  }
0x13e: {  	v17 =	vld.idx.msk [tilespmem:v8+s16+$0x0], $0xffff;
	_ =	sdelay $0x1  }
0x13f: {  	v18 =	vld.idx.msk [tilespmem:v16+s16+$0x0], $0xffff  }
0x140: {  	v13 =	vunpack.i.u.s16.s32 v13  }
0x141: {  	[tilespmem:s13+$0xFFFFE090] =	vst v15;
	v19 =	vld.idx.msk [tilespmem:v9+s16+$0x0], $0xffff  }
0x142: {  	v14 =	vunpack.i.u.s16.s32 v14;
	v12 =	vld.idx.msk [tilespmem:v12+s17+$0x0], $0xffff;
	[tilespmem:s14+$0xFFFFE0B0] =	vst v17  }
0x143: {  	v11 =	vld.idx.msk [tilespmem:v11+s17+$0x0], $0xffff  }
0x144: {  	[tilespmem:s13+$0xFFFFE000] =	vst v18  }
0x145: {  	v15 =	vld.idx.msk [tilespmem:v13+s16+$0x0], $0xffff  }
0x146: {  	[tilespmem:s14+$0xFFFFE020] =	vst v19  }
0x147: {  	[tilespmem:s13+$0x80] =	vst v12;
	v17 =	vld.idx.msk [tilespmem:v14+s16+$0x0], $0xffff  }
0x148: {  	v10 =	vld.idx.msk [tilespmem:v10+s17+$0x0], $0xffff;
	[tilespmem:s14+$0xA0] =	vst v11  }
0x149: {  	v8 =	vld.idx.msk [tilespmem:v8+s17+$0x0], $0xffff  }
0x14a: {  	[tilespmem:s13+$0xFFFFE010] =	vst v15  }
0x14b: {  	v11 =	vld.idx.msk [tilespmem:v16+s17+$0x0], $0xffff  }
0x14c: {  	[tilespmem:s14+$0xFFFFE030] =	vst v17  }
0x14d: {  	[tilespmem:s13+$0x90] =	vst v10;
	v9 =	vld.idx.msk [tilespmem:v9+s17+$0x0], $0xffff  }
0x14e: {  	v10 =	vld [tilespmem:s19+$0x10];
	[tilespmem:s14+$0xB0] =	vst v8  }
0x14f: {  	v8 =	vld [tilespmem:s26+$0x20]  }
0x150: {  	[tilespmem:s13+$0x0] =	vst v11  }
0x151: {  	v11 =	vld.idx.msk [tilespmem:v13+s17+$0x0], $0xffff  }
0x152: {  	s6 =	simm.s32 $0x12C70  }
0x153: {  	[tilespmem:s14+$0x20] =	vst v9;
	v9 =	vld [tilespmem:s6+$0x0];
	v15 =	vunpack.i.l.s16.s32 v10  }
0x154: {  	v12 =	vld.idx.msk [tilespmem:v14+s17+$0x0], $0xffff;
	v13 =	vunpack.i.l.s16.s32 v8  }
0x155: {  	v14 =	vld [tilespmem:s6+$0xFFFFFFC0]  }
0x156: {  	[tilespmem:s13+$0x10] =	vst v11  }
0x157: {  	v11 =	vld [tilespmem:s19+$0xFFFFFFD0]  }
0x158: {  	v16 =	vunpack.i.l.s16.s32 v9;
	v19 =	vld.idx.msk [tilespmem:v15+s16+$0x0], $0xffff  }
0x159: {  	[tilespmem:s14+$0x30] =	vst v12;
	v12 =	vld.idx.msk [tilespmem:v13+s16+$0x0], $0xffff  }
0x15a: {  	v18 =	vunpack.i.l.s16.s32 v14;
	v17 =	vld [tilespmem:s26+$0xFFFFFFE0]  }
0x15b: {  	v10 =	vunpack.i.u.s16.s32 v10  }
0x15c: {  	v20 =	vunpack.i.l.s16.s32 v11  }
0x15d: {  	v8 =	vunpack.i.u.s16.s32 v8;
	v21 =	vld.idx.msk [tilespmem:v16+s16+$0x0], $0xffff  }
0x15e: {  	v9 =	vunpack.i.u.s16.s32 v9;
	[tilespmem:s13+$0xFFFFE0A0] =	vst v19  }
0x15f: {  	v23 =	vld.idx.msk [tilespmem:v18+s16+$0x0], $0xffff;
	[tilespmem:s14+$0xFFFFE0C0] =	vst v12;
	v12 =	vunpack.i.l.s16.s32 v17  }
0x160: {  	v14 =	vunpack.i.u.s16.s32 v14;
	v19 =	vld.idx.msk [tilespmem:v10+s16+$0x0], $0xffff  }
0x161: {  	s15 =	simm.s32 $0x16D30;
	v24 =	vld.idx.msk [tilespmem:v20+s16+$0x0], $0xffff  }
0x162: {  	v11 =	vunpack.i.u.s16.s32 v11;
	v22 =	vld.idx.msk [tilespmem:v8+s16+$0x0], $0xffff;
	[tilespmem:s15+$0xFFFFE080] =	vst v21  }
0x163: {  	v21 =	vld.idx.msk [tilespmem:v9+s16+$0x0], $0xffff  }
0x164: {  	[tilespmem:s15+$0xFFFFE000] =	vst v23;
	v25 =	vld.idx.msk [tilespmem:v12+s16+$0x0], $0xffff  }
0x165: {  	[tilespmem:s13+$0xFFFFE0B0] =	vst v19;
	v37 =	vld.idx.msk [tilespmem:v14+s16+$0x0], $0xffff  }
0x166: {  	v17 =	vunpack.i.u.s16.s32 v17;
	[tilespmem:s13+$0xFFFFE020] =	vst v24;
	v15 =	vld.idx.msk [tilespmem:v15+s17+$0x0], $0xffff  }
0x167: {  	[tilespmem:s14+$0xFFFFE0D0] =	vst v22;
	v19 =	vld.idx.msk [tilespmem:v11+s16+$0x0], $0xffff  }
0x168: {  	v13 =	vld.idx.msk [tilespmem:v13+s17+$0x0], $0xffff;
	[tilespmem:s15+$0xFFFFE090] =	vst v21  }
0x169: {  	[tilespmem:s14+$0xFFFFE040] =	vst v25  }
0x16a: {  	v16 =	vld.idx.msk [tilespmem:v16+s17+$0x0], $0xffff;
	[tilespmem:s15+$0xFFFFE010] =	vst v37  }
0x16b: {  	[tilespmem:s13+$0xA0] =	vst v15;
	v38 =	vld.idx.msk [tilespmem:v17+s16+$0x0], $0xffff  }
0x16c: {  	[tilespmem:s13+$0xFFFFE030] =	vst v19;
	v10 =	vld.idx.msk [tilespmem:v10+s17+$0x0], $0xffff  }
0x16d: {  	[tilespmem:s14+$0xC0] =	vst v13;
	v13 =	vld.idx.msk [tilespmem:v18+s17+$0x0], $0xffff  }
0x16e: {  	v15 =	vld.idx.msk [tilespmem:v20+s17+$0x0], $0xffff  }
0x16f: {  	s9 =	simm.s32 $0x12CF0;
	v8 =	vld.idx.msk [tilespmem:v8+s17+$0x0], $0xffff  }
0x170: {  	[tilespmem:s15+$0x80] =	vst v16;
	v16 =	vld [tilespmem:s9+$0xFFFFFFC0]  }
0x171: {  	[tilespmem:s14+$0xFFFFE050] =	vst v38;
	v9 =	vld.idx.msk [tilespmem:v9+s17+$0x0], $0xffff  }
0x172: {  	[tilespmem:s13+$0xB0] =	vst v10;
	v12 =	vld.idx.msk [tilespmem:v12+s17+$0x0], $0xffff  }
0x173: {  	[tilespmem:s15+$0x0] =	vst v13;
	v10 =	vld [tilespmem:s19+$0x20]  }
0x174: {  	[tilespmem:s14+$0xD0] =	vst v8;
	v13 =	vld.idx.msk [tilespmem:v14+s17+$0x0], $0xffff  }
0x175: {  	v8 =	vld [tilespmem:s26+$0x30]  }
0x176: {  	[tilespmem:s13+$0x20] =	vst v15;
	v14 =	vld [tilespmem:s9+$0x0]  }
0x177: {  	v11 =	vld.idx.msk [tilespmem:v11+s17+$0x0], $0xffff;
	[tilespmem:s15+$0x90] =	vst v9  }
0x178: {  	v9 =	vld [tilespmem:s6+$0x10];
	[tilespmem:s14+$0x40] =	vst v12  }
0x179: {  	v15 =	vld.idx.msk [tilespmem:v17+s17+$0x0], $0xffff;
	v17 =	vunpack.i.l.s16.s32 v10  }
0x17a: {  	[tilespmem:s15+$0x10] =	vst v13;
	v12 =	vunpack.i.l.s16.s32 v8  }
0x17b: {  	v19 =	vunpack.i.l.s16.s32 v14;
	v13 =	vld [tilespmem:s6+$0xFFFFFFD0]  }
0x17c: {  	[tilespmem:s13+$0x30] =	vst v11  }
0x17d: {  	v39 =	vld [tilespmem:s19+$0xFFFFFFE0];
	v18 =	vunpack.i.l.s16.s32 v9  }
0x17e: {  	[tilespmem:s14+$0x50] =	vst v15;
	v15 =	vunpack.i.l.s16.s32 v16;
	v40 =	vld.idx.msk [tilespmem:v17+s16+$0x0], $0xffff  }
0x17f: {  	v10 =	vunpack.i.u.s16.s32 v10;
	v11 =	vld.idx.msk [tilespmem:v12+s16+$0x0], $0xffff  }
0x180: {  	v44 =	vld.idx.msk [tilespmem:v19+s16+$0x0], $0xffff;
	v42 =	vunpack.i.l.s16.s32 v13  }
0x181: {  	v8 =	vunpack.i.u.s16.s32 v8;
	v41 =	vld [tilespmem:s26+$0xFFFFFFF0]  }
0x182: {  	v14 =	vunpack.i.u.s16.s32 v14;
	v43 =	vld.idx.msk [tilespmem:v18+s16+$0x0], $0xffff  }
0x183: {  	v9 =	vunpack.i.u.s16.s32 v9;
	v27 =	vld.idx.msk [tilespmem:v15+s16+$0x0], $0xffff;
	[tilespmem:s13+$0xFFFFE0C0] =	vst v40  }
0x184: {  	[tilespmem:s14+$0xFFFFE0E0] =	vst v11;
	v11 =	vunpack.i.l.s16.s32 v39;
	v21 =	vld.idx.msk [tilespmem:v10+s16+$0x0], $0xffff  }
0x185: {  	s7 =	simm.s32 $0x16E30;
	v16 =	vunpack.i.u.s16.s32 v16;
	v28 =	vld.idx.msk [tilespmem:v42+s16+$0x0], $0xffff  }
0x186: {  	[tilespmem:s7+$0xFFFFE080] =	vst v44;
	v26 =	vld.idx.msk [tilespmem:v8+s16+$0x0], $0xffff  }
0x187: {  	v29 =	vld.idx.msk [tilespmem:v14+s16+$0x0], $0xffff;
	[tilespmem:s15+$0xFFFFE0A0] =	vst v43  }
0x188: {  	v13 =	vunpack.i.u.s16.s32 v13;
	v24 =	vld.idx.msk [tilespmem:v9+s16+$0x0], $0xffff  }
0x189: {  	[tilespmem:s7+$0xFFFFE000] =	vst v27;
	v45 =	vld.idx.msk [tilespmem:v11+s16+$0x0], $0xffff  }
0x18a: {  	v46 =	vld.idx.msk [tilespmem:v16+s16+$0x0], $0xffff;
	[tilespmem:s13+$0xFFFFE0D0] =	vst v21  }
0x18b: {  	v20 =	vunpack.i.u.s16.s32 v39;
	[tilespmem:s14+$0xFFFFE0F0] =	vst v26;
	v17 =	vld.idx.msk [tilespmem:v17+s17+$0x0], $0xffff  }
0x18c: {  	[tilespmem:s15+$0xFFFFE020] =	vst v28;
	v12 =	vld.idx.msk [tilespmem:v12+s17+$0x0], $0xffff  }
0x18d: {  	[tilespmem:s7+$0xFFFFE090] =	vst v29;
	v47 =	vld.idx.msk [tilespmem:v13+s16+$0x0], $0xffff  }
0x18e: {  	v19 =	vld.idx.msk [tilespmem:v19+s17+$0x0], $0xffff;
	[tilespmem:s15+$0xFFFFE0B0] =	vst v24  }
0x18f: {  	v18 =	vld.idx.msk [tilespmem:v18+s17+$0x0], $0xffff;
	[tilespmem:s13+$0xFFFFE040] =	vst v45  }
0x190: {  	v48 =	vld.idx.msk [tilespmem:v20+s16+$0x0], $0xffff;
	[tilespmem:s13+$0xC0] =	vst v17  }
0x191: {  	[tilespmem:s14+$0xE0] =	vst v12;
	v10 =	vld.idx.msk [tilespmem:v10+s17+$0x0], $0xffff  }
0x192: {  	[tilespmem:s7+$0xFFFFE010] =	vst v46;
	v12 =	vld.idx.msk [tilespmem:v8+s17+$0x0], $0xffff  }
0x193: {  	[tilespmem:s15+$0xFFFFE030] =	vst v47;
	v8 =	vld.idx.msk [tilespmem:v15+s17+$0x0], $0xffff;
	v15 =	vunpack.i.l.s16.s32 v41  }
0x194: {  	[tilespmem:s7+$0x80] =	vst v19;
	v17 =	vld.idx.msk [tilespmem:v42+s17+$0x0], $0xffff  }
0x195: {  	v14 =	vld.idx.msk [tilespmem:v14+s17+$0x0], $0xffff;
	[tilespmem:s15+$0xA0] =	vst v18  }
0x196: {  	v9 =	vld.idx.msk [tilespmem:v9+s17+$0x0], $0xffff;
	[tilespmem:s13+$0xFFFFE050] =	vst v48  }
0x197: {  	v11 =	vld.idx.msk [tilespmem:v11+s17+$0x0], $0xffff  }
0x198: {  	[tilespmem:s13+$0xD0] =	vst v10;
	v18 =	vld.idx.msk [tilespmem:v15+s16+$0x0], $0xffff  }
0x199: {  	[tilespmem:s15+$0x20] =	vst v17;
	v10 =	vld [tilespmem:s19+$0x30]  }
0x19a: {  	[tilespmem:s7+$0x90] =	vst v14;
	v13 =	vld.idx.msk [tilespmem:v13+s17+$0x0], $0xffff  }
0x19b: {  	[tilespmem:s7+$0x0] =	vst v8;
	v8 =	vunpack.i.u.s16.s32 v41;
	v14 =	vld [tilespmem:s9+$0x10]  }
0x19c: {  	v16 =	vld.idx.msk [tilespmem:v16+s17+$0x0], $0xffff;
	[tilespmem:s15+$0xB0] =	vst v9  }
0x19d: {  	v9 =	vld [tilespmem:s6+$0x20];
	[tilespmem:s13+$0x40] =	vst v11  }
0x19e: {  	s18 =	simm.s32 $0x12D70;
	v11 =	vld.idx.msk [tilespmem:v20+s17+$0x0], $0xffff  }
0x19f: {  	[tilespmem:s14+$0xFFFFE060] =	vst v18;
	v17 =	vunpack.i.l.s16.s32 v10;
	v18 =	vld [tilespmem:s18+$0x0]  }
0x1a0: {  	v50 =	vunpack.i.l.s16.s32 v14;
	v19 =	vld.idx.msk [tilespmem:v8+s16+$0x0], $0xffff  }
0x1a1: {  	[tilespmem:s7+$0x10] =	vst v16;
	v16 =	vld [tilespmem:s18+$0xFFFFFFC0]  }
0x1a2: {  	[tilespmem:s15+$0x30] =	vst v13;
	v13 =	vld [tilespmem:s9+$0xFFFFFFD0]  }
0x1a3: {  	v51 =	vld [tilespmem:s6+$0xFFFFFFE0];
	v49 =	vunpack.i.l.s16.s32 v9  }
0x1a4: {  	[tilespmem:s13+$0x50] =	vst v11;
	v11 =	vld.idx.msk [tilespmem:v17+s16+$0x0], $0xffff;
	v52 =	vunpack.i.l.s16.s32 v18  }
0x1a5: {  	v10 =	vunpack.i.u.s16.s32 v10;
	v55 =	vld.idx.msk [tilespmem:v50+s16+$0x0], $0xffff  }
0x1a6: {  	v24 =	vld [tilespmem:s19+$0xFFFFFFF0];
	[tilespmem:s14+$0xFFFFE070] =	vst v19;
	v19 =	vunpack.i.l.s16.s32 v16  }
0x1a7: {  	v15 =	vld.idx.msk [tilespmem:v15+s17+$0x0], $0xffff;
	v54 =	vunpack.i.l.s16.s32 v13  }
0x1a8: {  	v14 =	vunpack.i.u.s16.s32 v14;
	v53 =	vld.idx.msk [tilespmem:v49+s16+$0x0], $0xffff  }
0x1a9: {  	v9 =	vunpack.i.u.s16.s32 v9;
	v56 =	vld.idx.msk [tilespmem:v52+s16+$0x0], $0xffff;
	[tilespmem:s13+$0xFFFFE0E0] =	vst v11  }
0x1aa: {  	v11 =	vunpack.i.l.s16.s32 v51;
	v57 =	vld.idx.msk [tilespmem:v10+s16+$0x0], $0xffff  }
0x1ab: {  	v18 =	vunpack.i.u.s16.s32 v18;
	[tilespmem:s7+$0xFFFFE0A0] =	vst v55;
	v30 =	vld.idx.msk [tilespmem:v19+s16+$0x0], $0xffff  }
0x1ac: {  	v58 =	vld.idx.msk [tilespmem:v54+s16+$0x0], $0xffff;
	[tilespmem:s14+$0x60] =	vst v15  }
0x1ad: {  	v16 =	vunpack.i.u.s16.s32 v16;
	v15 =	vld.idx.msk [tilespmem:v14+s16+$0x0], $0xffff;
	[tilespmem:s15+$0xFFFFE0C0] =	vst v53  }
0x1ae: {  	s25 =	simm.s32 $0x16F30;
	[tilespmem:s14+$0xF0] =	vst v12;
	v13 =	vunpack.i.u.s16.s32 v13;
	v12 =	vld.idx.msk [tilespmem:v9+s16+$0x0], $0xffff  }
0x1af: {  	[tilespmem:s25+$0xFFFFE080] =	vst v56;
	v59 =	vld.idx.msk [tilespmem:v11+s16+$0x0], $0xffff  }
0x1b0: {  	v28 =	vld.idx.msk [tilespmem:v18+s16+$0x0], $0xffff;
	[tilespmem:s13+$0xFFFFE0F0] =	vst v57  }
0x1b1: {  	v22 =	vunpack.i.u.s16.s32 v51;
	[tilespmem:s25+$0xFFFFE000] =	vst v30;
	v17 =	vld.idx.msk [tilespmem:v17+s17+$0x0], $0xffff  }
0x1b2: {  	v60 =	vld.idx.msk [tilespmem:v16+s16+$0x0], $0xffff;
	[tilespmem:s7+$0xFFFFE020] =	vst v58  }
0x1b3: {  	[tilespmem:s7+$0xFFFFE0B0] =	vst v15;
	v61 =	vld.idx.msk [tilespmem:v13+s16+$0x0], $0xffff  }
0x1b4: {  	v15 =	vld.idx.msk [tilespmem:v50+s17+$0x0], $0xffff;
	[tilespmem:s15+$0xFFFFE0D0] =	vst v12  }
0x1b5: {  	[tilespmem:s15+$0xFFFFE040] =	vst v59;
	v12 =	vld.idx.msk [tilespmem:v49+s17+$0x0], $0xffff  }
0x1b6: {  	[tilespmem:s25+$0xFFFFE090] =	vst v28;
	v62 =	vld.idx.msk [tilespmem:v22+s16+$0x0], $0xffff  }
0x1b7: {  	v23 =	vld.idx.msk [tilespmem:v52+s17+$0x0], $0xffff;
	[tilespmem:s13+$0xE0] =	vst v17  }
0x1b8: {  	[tilespmem:s25+$0xFFFFE010] =	vst v60;
	v17 =	vld.idx.msk [tilespmem:v10+s17+$0x0], $0xffff  }
0x1b9: {  	v19 =	vld.idx.msk [tilespmem:v19+s17+$0x0], $0xffff;
	[tilespmem:s7+$0xA0] =	vst v15  }
0x1ba: {  	v10 =	vunpack.i.l.s16.s32 v24;
	v14 =	vld.idx.msk [tilespmem:v14+s17+$0x0], $0xffff;
	[tilespmem:s15+$0xC0] =	vst v12  }
0x1bb: {  	[tilespmem:s7+$0xFFFFE030] =	vst v61;
	v9 =	vld.idx.msk [tilespmem:v9+s17+$0x0], $0xffff  }
0x1bc: {  	v12 =	vld.idx.msk [tilespmem:v54+s17+$0x0], $0xffff;
	[tilespmem:s15+$0xFFFFE050] =	vst v62  }
0x1bd: {  	[tilespmem:s25+$0x80] =	vst v23;
	v11 =	vld.idx.msk [tilespmem:v11+s17+$0x0], $0xffff  }
0x1be: {  	v18 =	vld.idx.msk [tilespmem:v18+s17+$0x0], $0xffff;
	[tilespmem:s25+$0x0] =	vst v19  }
0x1bf: {  	v19 =	vld.idx.msk [tilespmem:v10+s16+$0x0], $0xffff;
	[tilespmem:s7+$0xB0] =	vst v14  }
0x1c0: {  	v63 =	vld.idx.msk [tilespmem:v16+s17+$0x0], $0xffff;
	[tilespmem:s15+$0xD0] =	vst v9  }
0x1c1: {  	[tilespmem:s7+$0x20] =	vst v12;
	v9 =	vunpack.i.u.s16.s32 v24;
	v12 =	vld [tilespmem:s6+$0x30]  }
0x1c2: {  	[tilespmem:s13+$0xF0] =	vst v17;
	v15 =	vld [tilespmem:s9+$0x20]  }
0x1c3: {  	v17 =	vld.idx.msk [tilespmem:v13+s17+$0x0], $0xffff;
	[tilespmem:s15+$0x40] =	vst v11  }
0x1c4: {  	[tilespmem:s25+$0x90] =	vst v18;
	v14 =	vld.idx.msk [tilespmem:v22+s17+$0x0], $0xffff  }
0x1c5: {  	s29 =	simm.s32 $0x12DF0;
	[tilespmem:s13+$0xFFFFE060] =	vst v19;
	v16 =	vld [tilespmem:s18+$0x10]  }
0x1c6: {  	s24 =	simm.s32 $0x16F30;
	s26 =	simm.s32 $0x400;
	s19 =	sshll.u32 s8, $0x1;
	[tilespmem:s25+$0x10] =	vst v63;
	v13 =	vld.idx.msk [tilespmem:v9+s16+$0x0], $0xffff;
	v11 =	vunpack.i.l.s16.s32 v12  }
.LBB2_19:
0x1c7: {  	v18 =	vld [tilespmem:s29+$0x0];
	s26 =	sadd.s32 $0x100, s26  }
0x1c8: {  	v19 =	vld [tilespmem:s29+$0xFFFFFFC0];
	p2 =	slt.u32 s26, $0x1F00;
	[tilespmem:s7+$0x30] =	vst v17;
	v17 =	vunpack.i.l.s16.s32 v15  }
0x1c9: {  	v20 =	vld [tilespmem:s18+$0xFFFFFFD0]  }
0x1ca: {  	v21 =	vunpack.i.l.s16.s32 v16;
	v22 =	vld [tilespmem:s9+$0xFFFFFFE0];
	[tilespmem:s15+$0x50] =	vst v14  }
0x1cb: {  	v14 =	vld.idx.msk [tilespmem:v11+s16+$0x0], $0xffff  }
0x1cc: {  	v23 =	vunpack.i.l.s16.s32 v18;
	v24 =	vld [tilespmem:s6+$0xFFFFFFF0];
	[tilespmem:s13+$0xFFFFE070] =	vst v13;
	s6 =	smov.u32 s9;
	s9 =	smov.u32 s18;
	s18 =	smov.u32 s29  }
0x1cd: {  	v12 =	vunpack.i.u.s16.s32 v12;
	v13 =	vunpack.i.u.s16.s32 v19;
	v19 =	vunpack.i.l.s16.s32 v19;
	v25 =	vld.idx.msk [tilespmem:v17+s16+$0x0], $0xffff  }
0x1ce: {  	v26 =	vunpack.i.u.s16.s32 v20;
	v20 =	vunpack.i.l.s16.s32 v20;
	v27 =	vld.idx.msk [tilespmem:v10+s17+$0x0], $0xffff  }
0x1cf: {  	v15 =	vunpack.i.u.s16.s32 v15;
	v28 =	vld.idx.msk [tilespmem:v21+s16+$0x0], $0xffff;
	v29 =	vunpack.i.u.s16.s32 v22;
	v22 =	vunpack.i.l.s16.s32 v22  }
0x1d0: {  	v30 =	vld.idx.msk [tilespmem:v8+s17+$0x0], $0xffff;
	v8 =	vmov v9  }
0x1d1: {  	v16 =	vunpack.i.u.s16.s32 v16;
	v31 =	vld.idx.msk [tilespmem:v23+s16+$0x0], $0xffff;
	v9 =	vunpack.i.u.s16.s32 v24;
	v10 =	vunpack.i.l.s16.s32 v24;
	[tilespmem:s15+$0xFFFFE0E0] =	vst v14  }
0x1d2: {  	v14 =	vld.idx.msk [tilespmem:v12+s16+$0x0], $0xffff  }
0x1d3: {  	v18 =	vunpack.i.u.s16.s32 v18;
	v24 =	vld.idx.msk [tilespmem:v19+s16+$0x0], $0xffff;
	[tilespmem:s7+$0xFFFFE0C0] =	vst v25  }
0x1d4: {  	v25 =	vld.idx.msk [tilespmem:v15+s16+$0x0], $0xffff;
	[tilespmem:s13+$0x60] =	vst v27  }
0x1d5: {  	v27 =	vld.idx.msk [tilespmem:v20+s16+$0x0], $0xffff;
	[tilespmem:s25+$0xFFFFE0A0] =	vst v28  }
0x1d6: {  	s25 =	sadd.s32 $0x100, s25;
	v28 =	vld.idx.msk [tilespmem:v16+s16+$0x0], $0xffff;
	[tilespmem:s14+$0x70] =	vst v30;
	s14 =	smov.u32 s13;
	s13 =	smov.u32 s15  }
0x1d7: {  	s15 =	smov.u32 s7;
	s7 =	smov.u32 s24;
	s24 =	smov.u32 s25;
	[tilespmem:s25+$0xFFFFE080] =	vst v31;
	v30 =	vld.idx.msk [tilespmem:v22+s16+$0x0], $0xffff  }
0x1d8: {  	v31 =	vld.idx.msk [tilespmem:v18+s16+$0x0], $0xffff;
	[tilespmem:s13+$0xFFFFE0F0] =	vst v14  }
0x1d9: {  	[tilespmem:s25+$0xFFFFE000] =	vst v24;
	v11 =	vld.idx.msk [tilespmem:v11+s17+$0x0], $0xffff  }
0x1da: {  	v14 =	vld.idx.msk [tilespmem:v13+s16+$0x0], $0xffff;
	[tilespmem:s15+$0xFFFFE0D0] =	vst v25  }
0x1db: {  	[tilespmem:s7+$0xFFFFE020] =	vst v27;
	v17 =	vld.idx.msk [tilespmem:v17+s17+$0x0], $0xffff  }
0x1dc: {  	v24 =	vld.idx.msk [tilespmem:v26+s16+$0x0], $0xffff;
	[tilespmem:s7+$0xFFFFE0B0] =	vst v28  }
0x1dd: {  	v21 =	vld.idx.msk [tilespmem:v21+s17+$0x0], $0xffff;
	[tilespmem:s15+$0xFFFFE040] =	vst v30  }
0x1de: {  	[tilespmem:s25+$0xFFFFE090] =	vst v31;
	v25 =	vld.idx.msk [tilespmem:v29+s16+$0x0], $0xffff  }
0x1df: {  	v23 =	vld.idx.msk [tilespmem:v23+s17+$0x0], $0xffff;
	[tilespmem:s13+$0xE0] =	vst v11  }
0x1e0: {  	[tilespmem:s25+$0xFFFFE010] =	vst v14;
	v11 =	vld.idx.msk [tilespmem:v12+s17+$0x0], $0xffff  }
0x1e1: {  	v12 =	vld.idx.msk [tilespmem:v19+s17+$0x0], $0xffff;
	[tilespmem:s15+$0xC0] =	vst v17  }
0x1e2: {  	[tilespmem:s7+$0xFFFFE030] =	vst v24;
	v14 =	vld.idx.msk [tilespmem:v15+s17+$0x0], $0xffff  }
0x1e3: {  	v15 =	vld.idx.msk [tilespmem:v20+s17+$0x0], $0xffff;
	[tilespmem:s7+$0xA0] =	vst v21  }
0x1e4: {  	v16 =	vld.idx.msk [tilespmem:v16+s17+$0x0], $0xffff;
	[tilespmem:s15+$0xFFFFE050] =	vst v25  }
0x1e5: {  	[tilespmem:s25+$0x80] =	vst v23;
	v19 =	vld.idx.msk [tilespmem:v22+s17+$0x0], $0xffff  }
0x1e6: {  	v18 =	vld.idx.msk [tilespmem:v18+s17+$0x0], $0xffff;
	[tilespmem:s13+$0xF0] =	vst v11  }
0x1e7: {  	[tilespmem:s25+$0x0] =	vst v12;
	v11 =	vld.idx.msk [tilespmem:v10+s16+$0x0], $0xffff  }
0x1e8: {  	v13 =	vld.idx.msk [tilespmem:v13+s17+$0x0], $0xffff;
	[tilespmem:s15+$0xD0] =	vst v14  }
0x1e9: {  	[tilespmem:s7+$0x20] =	vst v15;
	v12 =	vld [tilespmem:s6+$0x30]  }
.Ltmp14:
0x1ea: {  	v17 =	vld.idx.msk [tilespmem:v26+s17+$0x0], $0xffff;
	[tilespmem:s7+$0xB0] =	vst v16;
	(pc) =	sbr.rel @p2 .LBB2_19-.Ltmp14, $4  }
0x1eb: {  	v15 =	vld [tilespmem:s9+$0x20];
	[tilespmem:s15+$0x40] =	vst v19  }
0x1ec: {  	[tilespmem:s25+$0x90] =	vst v18;
	v14 =	vld.idx.msk [tilespmem:v29+s17+$0x0], $0xffff  }
0x1ed: {  	v16 =	vld [tilespmem:s29+$0x10];
	[tilespmem:s13+$0xFFFFE060] =	vst v11  }
0x1ee: {  	s29 =	sadd.s32 $0x80, s29;
	[tilespmem:s25+$0x10] =	vst v13;
	v11 =	vunpack.i.l.s16.s32 v12;
	v13 =	vld.idx.msk [tilespmem:v9+s16+$0x0], $0xffff  }
0x1ef: {  	v18 =	vld [tilespmem:s18+$0xFFFFFFD0];
	_ =	sdelay $0x3  }
0x1f0: {  	v19 =	vunpack.i.l.s16.s32 v16  }
0x1f1: {  	v20 =	vunpack.i.l.s16.s32 v18;
	_ =	sdelay $0x3  }
0x1f2: {  	v21 =	vld.idx.msk [tilespmem:v19+s16+$0x0], $0xffff  }
0x1f3: {  	v16 =	vunpack.i.u.s16.s32 v16;
	v22 =	vld.idx.msk [tilespmem:v20+s16+$0x0], $0xffff  }
0x1f4: {  	v18 =	vunpack.i.u.s16.s32 v18;
	_ =	sdelay $0x2  }
0x1f5: {  	[tilespmem:s25+$0xFFFFE0A0] =	vst v21  }
0x1f6: {  	v21 =	vld.idx.msk [tilespmem:v16+s16+$0x0], $0xffff;
	[tilespmem:s24+$0xFFFFE020] =	vst v22  }
0x1f7: {  	v22 =	vld.idx.msk [tilespmem:v18+s16+$0x0], $0xffff;
	_ =	sdelay $0x3  }
0x1f8: {  	[tilespmem:s24+$0xFFFFE0B0] =	vst v21  }
0x1f9: {  	v19 =	vld.idx.msk [tilespmem:v19+s17+$0x0], $0xffff;
	[tilespmem:s24+$0xFFFFE030] =	vst v22  }
0x1fa: {  	v20 =	vld.idx.msk [tilespmem:v20+s17+$0x0], $0xffff;
	_ =	sdelay $0x3  }
0x1fb: {  	[tilespmem:s24+$0xA0] =	vst v19  }
0x1fc: {  	v16 =	vld.idx.msk [tilespmem:v16+s17+$0x0], $0xffff;
	[tilespmem:s24+$0x20] =	vst v20  }
0x1fd: {  	[tilespmem:s7+$0x30] =	vst v17;
	v18 =	vld.idx.msk [tilespmem:v18+s17+$0x0], $0xffff  }
0x1fe: {  	v17 =	vld [tilespmem:s9+$0xFFFFFFE0];
	_ =	sdelay $0x2  }
0x1ff: {  	[tilespmem:s24+$0xB0] =	vst v16  }
0x200: {  	v16 =	vld [tilespmem:s18+$0x20];
	[tilespmem:s24+$0x30] =	vst v18  }
0x201: {  	v57 =	vunpack.i.l.s16.s32 v17;
	v18 =	vld [tilespmem:s18+$0xFFFFFFE0];
	_ =	sdelay $0x1  }
0x202: {  	v19 =	vunpack.i.l.s16.s32 v15;
	_ =	sdelay $0x1  }
0x203: {  	v56 =	vunpack.i.l.s16.s32 v16  }
0x204: {  	v25 =	vld.idx.msk [tilespmem:v57+s16+$0x0], $0xffff;
	v58 =	vunpack.i.l.s16.s32 v18  }
0x205: {  	v17 =	vunpack.i.u.s16.s32 v17  }
0x206: {  	v23 =	vld.idx.msk [tilespmem:v19+s16+$0x0], $0xffff  }
0x207: {  	v15 =	vunpack.i.u.s16.s32 v15  }
0x208: {  	v24 =	vld.idx.msk [tilespmem:v56+s16+$0x0], $0xffff  }
0x209: {  	[tilespmem:s7+$0xFFFFE040] =	vst v25;
	v16 =	vunpack.i.u.s16.s32 v16;
	v26 =	vld.idx.msk [tilespmem:v58+s16+$0x0], $0xffff  }
0x20a: {  	v25 =	vld.idx.msk [tilespmem:v17+s16+$0x0], $0xffff;
	v18 =	vunpack.i.u.s16.s32 v18  }
0x20b: {  	[tilespmem:s7+$0xFFFFE0C0] =	vst v23  }
0x20c: {  	v23 =	vld.idx.msk [tilespmem:v15+s16+$0x0], $0xffff  }
0x20d: {  	[tilespmem:s24+$0xFFFFE0C0] =	vst v24  }
0x20e: {  	v24 =	vld.idx.msk [tilespmem:v16+s16+$0x0], $0xffff;
	[tilespmem:s24+$0xFFFFE040] =	vst v26  }
0x20f: {  	[tilespmem:s7+$0xFFFFE050] =	vst v25;
	v26 =	vld.idx.msk [tilespmem:v18+s16+$0x0], $0xffff  }
0x210: {  	v21 =	vld.idx.msk [tilespmem:v57+s17+$0x0], $0xffff  }
0x211: {  	[tilespmem:s7+$0xFFFFE0D0] =	vst v23  }
0x212: {  	v19 =	vld.idx.msk [tilespmem:v19+s17+$0x0], $0xffff  }
0x213: {  	[tilespmem:s24+$0xFFFFE0D0] =	vst v24  }
0x214: {  	v20 =	vld.idx.msk [tilespmem:v56+s17+$0x0], $0xffff;
	[tilespmem:s24+$0xFFFFE050] =	vst v26  }
0x215: {  	[tilespmem:s7+$0x40] =	vst v21;
	v22 =	vld.idx.msk [tilespmem:v58+s17+$0x0], $0xffff  }
0x216: {  	v17 =	vld.idx.msk [tilespmem:v17+s17+$0x0], $0xffff  }
0x217: {  	[tilespmem:s7+$0xC0] =	vst v19  }
0x218: {  	v15 =	vld.idx.msk [tilespmem:v15+s17+$0x0], $0xffff  }
0x219: {  	[tilespmem:s24+$0xC0] =	vst v20  }
0x21a: {  	v16 =	vld.idx.msk [tilespmem:v16+s17+$0x0], $0xffff;
	[tilespmem:s24+$0x40] =	vst v22  }
0x21b: {  	[tilespmem:s7+$0x50] =	vst v17;
	v18 =	vld.idx.msk [tilespmem:v18+s17+$0x0], $0xffff  }
0x21c: {  	[tilespmem:s15+$0x50] =	vst v14;
	v17 =	vld [tilespmem:s9+$0xFFFFFFF0]  }
0x21d: {  	[tilespmem:s7+$0xD0] =	vst v15;
	v15 =	vld [tilespmem:s6+$0xFFFFFFF0]  }
0x21e: {  	v14 =	vld [tilespmem:s9+$0x30]  }
0x21f: {  	v19 =	vld.idx.msk [tilespmem:v11+s16+$0x0], $0xffff;
	[tilespmem:s24+$0xD0] =	vst v16  }
0x220: {  	v16 =	vld [tilespmem:s18+$0x30];
	[tilespmem:s24+$0x50] =	vst v18  }
0x221: {  	v12 =	vunpack.i.u.s16.s32 v12;
	v18 =	vld [tilespmem:s18+$0xFFFFFFF0]  }
0x222: {  	[tilespmem:s13+$0xFFFFE070] =	vst v13;
	v13 =	vunpack.i.l.s16.s32 v15  }
0x223: {  	v59 =	vunpack.i.l.s16.s32 v14  }
0x224: {  	v8 =	vld.idx.msk [tilespmem:v8+s17+$0x0], $0xffff;
	[tilespmem:s15+$0xFFFFE0E0] =	vst v19;
	v19 =	vunpack.i.l.s16.s32 v17  }
0x225: {  	v10 =	vld.idx.msk [tilespmem:v10+s17+$0x0], $0xffff;
	v60 =	vunpack.i.l.s16.s32 v16  }
0x226: {  	v61 =	vld.idx.msk [tilespmem:v12+s16+$0x0], $0xffff;
	v62 =	vunpack.i.l.s16.s32 v18  }
0x227: {  	v28 =	vld.idx.msk [tilespmem:v13+s16+$0x0], $0xffff  }
0x228: {  	v15 =	vunpack.i.u.s16.s32 v15;
	v63 =	vld.idx.msk [tilespmem:v59+s16+$0x0], $0xffff  }
0x229: {  	[tilespmem:s14+$0x70] =	vst v8;
	v8 =	vld.idx.msk [tilespmem:v19+s16+$0x0], $0xffff;
	v14 =	vunpack.i.u.s16.s32 v14  }
0x22a: {  	[tilespmem:s13+$0x60] =	vst v10;
	v17 =	vunpack.i.u.s16.s32 v17;
	v10 =	vld.idx.msk [tilespmem:v60+s16+$0x0], $0xffff  }
0x22b: {  	[tilespmem:s15+$0xFFFFE0F0] =	vst v61;
	v16 =	vunpack.i.u.s16.s32 v16;
	v29 =	vld.idx.msk [tilespmem:v62+s16+$0x0], $0xffff  }
0x22c: {  	v11 =	vld.idx.msk [tilespmem:v11+s17+$0x0], $0xffff;
	[tilespmem:s15+$0xFFFFE060] =	vst v28;
	v18 =	vunpack.i.u.s16.s32 v18  }
0x22d: {  	[tilespmem:s7+$0xFFFFE0E0] =	vst v63;
	v25 =	vld.idx.msk [tilespmem:v15+s16+$0x0], $0xffff  }
0x22e: {  	[tilespmem:s7+$0xFFFFE060] =	vst v8;
	v24 =	vld.idx.msk [tilespmem:v14+s16+$0x0], $0xffff  }
0x22f: {  	[tilespmem:s24+$0xFFFFE0E0] =	vst v10;
	v10 =	vld.idx.msk [tilespmem:v17+s16+$0x0], $0xffff  }
0x230: {  	v8 =	vld.idx.msk [tilespmem:v16+s16+$0x0], $0xffff;
	[tilespmem:s24+$0xFFFFE060] =	vst v29  }
0x231: {  	[tilespmem:s15+$0xE0] =	vst v11;
	v11 =	vld.idx.msk [tilespmem:v18+s16+$0x0], $0xffff  }
0x232: {  	v12 =	vld.idx.msk [tilespmem:v12+s17+$0x0], $0xffff;
	[tilespmem:s15+$0xFFFFE070] =	vst v25  }
0x233: {  	[tilespmem:s7+$0xFFFFE0F0] =	vst v24;
	v13 =	vld.idx.msk [tilespmem:v13+s17+$0x0], $0xffff  }
0x234: {  	v20 =	vld.idx.msk [tilespmem:v59+s17+$0x0], $0xffff;
	[tilespmem:s7+$0xFFFFE070] =	vst v10  }
0x235: {  	[tilespmem:s24+$0xFFFFE0F0] =	vst v8;
	v10 =	vld.idx.msk [tilespmem:v19+s17+$0x0], $0xffff  }
0x236: {  	v8 =	vld.idx.msk [tilespmem:v60+s17+$0x0], $0xffff;
	[tilespmem:s24+$0xFFFFE070] =	vst v11  }
0x237: {  	[tilespmem:s15+$0xF0] =	vst v12;
	v11 =	vld.idx.msk [tilespmem:v62+s17+$0x0], $0xffff  }
0x238: {  	v9 =	vld.idx.msk [tilespmem:v9+s17+$0x0], $0xffff;
	[tilespmem:s15+$0x60] =	vst v13  }
0x239: {  	[tilespmem:s7+$0xE0] =	vst v20;
	v13 =	vld.idx.msk [tilespmem:v15+s17+$0x0], $0xffff  }
0x23a: {  	v12 =	vld.idx.msk [tilespmem:v14+s17+$0x0], $0xffff;
	[tilespmem:s7+$0x60] =	vst v10  }
0x23b: {  	[tilespmem:s24+$0xE0] =	vst v8;
	v10 =	vld.idx.msk [tilespmem:v17+s17+$0x0], $0xffff  }
0x23c: {  	v8 =	vld.idx.msk [tilespmem:v16+s17+$0x0], $0xffff;
	[tilespmem:s24+$0x60] =	vst v11  }
0x23d: {  	[tilespmem:s13+$0x70] =	vst v9;
	v9 =	vld.idx.msk [tilespmem:v18+s17+$0x0], $0xffff  }
0x23e: {  	[tilespmem:s15+$0x70] =	vst v13  }
0x23f: {  	[tilespmem:s7+$0xF0] =	vst v12  }
0x240: {  	s18 =	sor.u32 s10, s12;
	[tilespmem:s7+$0x70] =	vst v10  }
0x241: {  	s6 =	sshrl.u32 s18, $0x3;
	[tilespmem:s24+$0xF0] =	vst v8  }
0x242: {  	s6 =	sadd.s32 s5, s6;
	[tilespmem:s24+$0x70] =	vst v9;
	s24 =	sor.u32 s11, s12  }
0x243: {  	[hbm4b:s6+s4] =	stream.linear.scatter [tilespmem:s30], [sflag:$0x4], $0x2000, $0x38;
	[tilespmem:$0x1F9D8] =	vst v63  }
0x244: {  	s25 =	sor.u32 $0x1, s19;
	s6 =	sshrl.u32 s24, $0x3  }
0x245: {  	p2 =	sgt.u32 s25, $0x1E;
	s12 =	sshll.u32 s25, $0xD;
	s6 =	sadd.s32 s5, s6  }
0x246: {  	[hbm4b:s6+s4] =	stream.linear.scatter [tilespmem:s31], [sflag:$0x4], $0x2000, $0x38;
	[tilespmem:$0x1F9D8] =	vst v63  }
0x247: {  	s6 =	sshrl.u32 @!p2 s12, $0x1;
	_ =	swait.ge [sflag:s28], $0x1000  }
0x248: {  	s6 =	sadd.s32 @!p2 s6, s3;
	[sflag:s28] =	ssyncset.done $0x0  }
0x249: {  	s7 =	simm.s32 @!p2 $0x12B30;
	s6 =	sadd.s32 @!p2 $0x1000, s6;
	[sflag:s28] =	ssyncadd.s32 $0xFFFFF000  }
0x24a: {  	[tilespmem:s7], [sflag:$0x3] =	stream.linear.gather @!p2 [spmem:s6], $0x1000, $0x38;
	[tilespmem:$0x1F9D8] =	vst v63  }
0x24b: {  	s6 =	simm.s32 @!p1 $0x4  }
0x24c: {  	_ =	swait.ge @!p1 [sflag:s6], $0x2000  }
0x24d: {  	[sflag:s6] =	ssyncset.done @!p1 $0x0  }
0x24e: {  	[sflag:s6] =	ssyncadd.s32 @!p1 $0xFFFFE000  }
0x24f: {  	_ =	swait.ge @!p1 [sflag:s6], $0x2000  }
0x250: {  	[sflag:s6] =	ssyncset.done @!p1 $0x0  }
0x251: {  	s26 =	simm.s32 $0x13BA0;
	[sflag:s6] =	ssyncadd.s32 @!p1 $0xFFFFE000  }
0x252: {  	v8 =	vld [tilespmem:s26+$0xFFFFFFD0];
	_ =	sdelay $0x4  }
0x253: {  	v9 =	vunpack.i.l.s16.s32 v8;
	_ =	sdelay $0x3  }
0x254: {  	v11 =	vld [tilespmem:s26+$0xFFFFFF90]  }
0x255: {  	v10 =	vld.idx.msk [tilespmem:v9+s16+$0x0], $0xffff  }
0x256: {  	v8 =	vunpack.i.u.s16.s32 v8;
	_ =	sdelay $0x2  }
0x257: {  	s14 =	simm.s32 $0x1AC20  }
0x258: {  	[tilespmem:s14+$0xFFFFDF90] =	vst v10;
	v10 =	vunpack.i.l.s16.s32 v11  }
0x259: {  	v12 =	vld.idx.msk [tilespmem:v8+s16+$0x0], $0xffff;
	_ =	sdelay $0x3  }
0x25a: {  	v13 =	vld.idx.msk [tilespmem:v10+s16+$0x0], $0xffff  }
0x25b: {  	v11 =	vunpack.i.u.s16.s32 v11;
	[tilespmem:s14+$0xFFFFDFA0] =	vst v12  }
0x25c: {  	v9 =	vld.idx.msk [tilespmem:v9+s17+$0x0], $0xffff;
	_ =	sdelay $0x2  }
0x25d: {  	[tilespmem:s14+$0xFFFFDF10] =	vst v13  }
0x25e: {  	v12 =	vld.idx.msk [tilespmem:v11+s16+$0x0], $0xffff  }
0x25f: {  	[tilespmem:s14+$0xFFFFFF90] =	vst v9  }
0x260: {  	v8 =	vld.idx.msk [tilespmem:v8+s17+$0x0], $0xffff;
	_ =	sdelay $0x2  }
0x261: {  	[tilespmem:s14+$0xFFFFDF20] =	vst v12  }
0x262: {  	s29 =	simm.s32 $0x13C20;
	v9 =	vld.idx.msk [tilespmem:v10+s17+$0x0], $0xffff  }
0x263: {  	v10 =	vld [tilespmem:s29+$0xFFFFFFD0];
	[tilespmem:s14+$0xFFFFFFA0] =	vst v8  }
0x264: {  	v8 =	vld [tilespmem:s26+$0xFFFFFFE0];
	_ =	sdelay $0x3  }
0x265: {  	[tilespmem:s14+$0xFFFFFF10] =	vst v9;
	v12 =	vunpack.i.l.s16.s32 v10  }
0x266: {  	v9 =	vld.idx.msk [tilespmem:v11+s17+$0x0], $0xffff;
	v11 =	vunpack.i.l.s16.s32 v8;
	_ =	sdelay $0x2  }
0x267: {  	v13 =	vld [tilespmem:s29+$0xFFFFFF90]  }
0x268: {  	v15 =	vld.idx.msk [tilespmem:v12+s16+$0x0], $0xffff  }
0x269: {  	[tilespmem:s14+$0xFFFFFF20] =	vst v9;
	v9 =	vld.idx.msk [tilespmem:v11+s16+$0x0], $0xffff  }
0x26a: {  	v10 =	vunpack.i.u.s16.s32 v10;
	v14 =	vld [tilespmem:s26+$0xFFFFFFA0]  }
0x26b: {  	v8 =	vunpack.i.u.s16.s32 v8;
	_ =	sdelay $0x1  }
0x26c: {  	s13 =	simm.s32 $0x1AD20;
	v16 =	vunpack.i.l.s16.s32 v13  }
0x26d: {  	[tilespmem:s13+$0xFFFFDF90] =	vst v15  }
0x26e: {  	v15 =	vld.idx.msk [tilespmem:v10+s16+$0x0], $0xffff;
	[tilespmem:s14+$0xFFFFDFB0] =	vst v9;
	v9 =	vunpack.i.l.s16.s32 v14  }
0x26f: {  	v17 =	vld.idx.msk [tilespmem:v8+s16+$0x0], $0xffff;
	_ =	sdelay $0x1  }
0x270: {  	v18 =	vld.idx.msk [tilespmem:v16+s16+$0x0], $0xffff  }
0x271: {  	v13 =	vunpack.i.u.s16.s32 v13  }
0x272: {  	[tilespmem:s13+$0xFFFFDFA0] =	vst v15;
	v19 =	vld.idx.msk [tilespmem:v9+s16+$0x0], $0xffff  }
0x273: {  	v14 =	vunpack.i.u.s16.s32 v14;
	v12 =	vld.idx.msk [tilespmem:v12+s17+$0x0], $0xffff;
	[tilespmem:s14+$0xFFFFDFC0] =	vst v17  }
0x274: {  	v11 =	vld.idx.msk [tilespmem:v11+s17+$0x0], $0xffff  }
0x275: {  	[tilespmem:s13+$0xFFFFDF10] =	vst v18  }
0x276: {  	v15 =	vld.idx.msk [tilespmem:v13+s16+$0x0], $0xffff  }
0x277: {  	[tilespmem:s14+$0xFFFFDF30] =	vst v19  }
0x278: {  	[tilespmem:s13+$0xFFFFFF90] =	vst v12;
	v17 =	vld.idx.msk [tilespmem:v14+s16+$0x0], $0xffff  }
0x279: {  	v10 =	vld.idx.msk [tilespmem:v10+s17+$0x0], $0xffff;
	[tilespmem:s14+$0xFFFFFFB0] =	vst v11  }
0x27a: {  	v8 =	vld.idx.msk [tilespmem:v8+s17+$0x0], $0xffff  }
0x27b: {  	[tilespmem:s13+$0xFFFFDF20] =	vst v15  }
0x27c: {  	v11 =	vld.idx.msk [tilespmem:v16+s17+$0x0], $0xffff  }
0x27d: {  	[tilespmem:s14+$0xFFFFDF40] =	vst v17  }
0x27e: {  	[tilespmem:s13+$0xFFFFFFA0] =	vst v10;
	v9 =	vld.idx.msk [tilespmem:v9+s17+$0x0], $0xffff  }
0x27f: {  	v10 =	vld [tilespmem:s29+$0xFFFFFFE0];
	[tilespmem:s14+$0xFFFFFFC0] =	vst v8  }
0x280: {  	v8 =	vld [tilespmem:s26+$0xFFFFFFF0]  }
0x281: {  	[tilespmem:s13+$0xFFFFFF10] =	vst v11  }
0x282: {  	v11 =	vld.idx.msk [tilespmem:v13+s17+$0x0], $0xffff  }
0x283: {  	s6 =	simm.s32 $0x13CA0  }
0x284: {  	[tilespmem:s14+$0xFFFFFF30] =	vst v9;
	v9 =	vld [tilespmem:s6+$0xFFFFFFD0];
	v15 =	vunpack.i.l.s16.s32 v10  }
0x285: {  	v12 =	vld.idx.msk [tilespmem:v14+s17+$0x0], $0xffff;
	v13 =	vunpack.i.l.s16.s32 v8  }
0x286: {  	v14 =	vld [tilespmem:s6+$0xFFFFFF90]  }
0x287: {  	[tilespmem:s13+$0xFFFFFF20] =	vst v11  }
0x288: {  	v11 =	vld [tilespmem:s29+$0xFFFFFFA0]  }
0x289: {  	v16 =	vunpack.i.l.s16.s32 v9;
	v19 =	vld.idx.msk [tilespmem:v15+s16+$0x0], $0xffff  }
0x28a: {  	[tilespmem:s14+$0xFFFFFF40] =	vst v12;
	v12 =	vld.idx.msk [tilespmem:v13+s16+$0x0], $0xffff  }
0x28b: {  	v18 =	vunpack.i.l.s16.s32 v14;
	v17 =	vld [tilespmem:s26+$0xFFFFFFB0]  }
0x28c: {  	v10 =	vunpack.i.u.s16.s32 v10  }
0x28d: {  	v30 =	vunpack.i.l.s16.s32 v11  }
0x28e: {  	v8 =	vunpack.i.u.s16.s32 v8;
	v31 =	vld.idx.msk [tilespmem:v16+s16+$0x0], $0xffff  }
0x28f: {  	v9 =	vunpack.i.u.s16.s32 v9;
	[tilespmem:s13+$0xFFFFDFB0] =	vst v19  }
0x290: {  	v33 =	vld.idx.msk [tilespmem:v18+s16+$0x0], $0xffff;
	[tilespmem:s14+$0xFFFFDFD0] =	vst v12;
	v12 =	vunpack.i.l.s16.s32 v17  }
0x291: {  	v14 =	vunpack.i.u.s16.s32 v14;
	v19 =	vld.idx.msk [tilespmem:v10+s16+$0x0], $0xffff  }
0x292: {  	s15 =	simm.s32 $0x1AE20;
	v34 =	vld.idx.msk [tilespmem:v30+s16+$0x0], $0xffff  }
0x293: {  	v11 =	vunpack.i.u.s16.s32 v11;
	v32 =	vld.idx.msk [tilespmem:v8+s16+$0x0], $0xffff;
	[tilespmem:s15+$0xFFFFDF90] =	vst v31  }
0x294: {  	v21 =	vld.idx.msk [tilespmem:v9+s16+$0x0], $0xffff  }
0x295: {  	[tilespmem:s15+$0xFFFFDF10] =	vst v33;
	v35 =	vld.idx.msk [tilespmem:v12+s16+$0x0], $0xffff  }
0x296: {  	[tilespmem:s13+$0xFFFFDFC0] =	vst v19;
	v36 =	vld.idx.msk [tilespmem:v14+s16+$0x0], $0xffff  }
0x297: {  	v17 =	vunpack.i.u.s16.s32 v17;
	[tilespmem:s13+$0xFFFFDF30] =	vst v34;
	v15 =	vld.idx.msk [tilespmem:v15+s17+$0x0], $0xffff  }
0x298: {  	[tilespmem:s14+$0xFFFFDFE0] =	vst v32;
	v19 =	vld.idx.msk [tilespmem:v11+s16+$0x0], $0xffff  }
0x299: {  	v13 =	vld.idx.msk [tilespmem:v13+s17+$0x0], $0xffff;
	[tilespmem:s15+$0xFFFFDFA0] =	vst v21  }
0x29a: {  	[tilespmem:s14+$0xFFFFDF50] =	vst v35  }
0x29b: {  	v16 =	vld.idx.msk [tilespmem:v16+s17+$0x0], $0xffff;
	[tilespmem:s15+$0xFFFFDF20] =	vst v36  }
0x29c: {  	[tilespmem:s13+$0xFFFFFFB0] =	vst v15;
	v37 =	vld.idx.msk [tilespmem:v17+s16+$0x0], $0xffff  }
0x29d: {  	[tilespmem:s13+$0xFFFFDF40] =	vst v19;
	v10 =	vld.idx.msk [tilespmem:v10+s17+$0x0], $0xffff  }
0x29e: {  	[tilespmem:s14+$0xFFFFFFD0] =	vst v13;
	v13 =	vld.idx.msk [tilespmem:v18+s17+$0x0], $0xffff  }
0x29f: {  	v15 =	vld.idx.msk [tilespmem:v30+s17+$0x0], $0xffff  }
0x2a0: {  	s9 =	simm.s32 $0x13D20;
	v8 =	vld.idx.msk [tilespmem:v8+s17+$0x0], $0xffff  }
0x2a1: {  	[tilespmem:s15+$0xFFFFFF90] =	vst v16;
	v16 =	vld [tilespmem:s9+$0xFFFFFF90]  }
0x2a2: {  	[tilespmem:s14+$0xFFFFDF60] =	vst v37;
	v9 =	vld.idx.msk [tilespmem:v9+s17+$0x0], $0xffff  }
0x2a3: {  	[tilespmem:s13+$0xFFFFFFC0] =	vst v10;
	v12 =	vld.idx.msk [tilespmem:v12+s17+$0x0], $0xffff  }
0x2a4: {  	[tilespmem:s15+$0xFFFFFF10] =	vst v13;
	v10 =	vld [tilespmem:s29+$0xFFFFFFF0]  }
0x2a5: {  	[tilespmem:s14+$0xFFFFFFE0] =	vst v8;
	v13 =	vld.idx.msk [tilespmem:v14+s17+$0x0], $0xffff  }
0x2a6: {  	v8 =	vld [tilespmem:s26+$0x0]  }
0x2a7: {  	[tilespmem:s13+$0xFFFFFF30] =	vst v15;
	v14 =	vld [tilespmem:s9+$0xFFFFFFD0]  }
0x2a8: {  	v11 =	vld.idx.msk [tilespmem:v11+s17+$0x0], $0xffff;
	[tilespmem:s15+$0xFFFFFFA0] =	vst v9  }
0x2a9: {  	v9 =	vld [tilespmem:s6+$0xFFFFFFE0];
	[tilespmem:s14+$0xFFFFFF50] =	vst v12  }
0x2aa: {  	v15 =	vld.idx.msk [tilespmem:v17+s17+$0x0], $0xffff;
	v17 =	vunpack.i.l.s16.s32 v10  }
0x2ab: {  	[tilespmem:s15+$0xFFFFFF20] =	vst v13;
	v12 =	vunpack.i.l.s16.s32 v8  }
0x2ac: {  	v19 =	vunpack.i.l.s16.s32 v14;
	v13 =	vld [tilespmem:s6+$0xFFFFFFA0]  }
0x2ad: {  	[tilespmem:s13+$0xFFFFFF40] =	vst v11  }
0x2ae: {  	v38 =	vld [tilespmem:s29+$0xFFFFFFB0];
	v18 =	vunpack.i.l.s16.s32 v9  }
0x2af: {  	[tilespmem:s14+$0xFFFFFF60] =	vst v15;
	v15 =	vunpack.i.l.s16.s32 v16;
	v39 =	vld.idx.msk [tilespmem:v17+s16+$0x0], $0xffff  }
0x2b0: {  	v10 =	vunpack.i.u.s16.s32 v10;
	v11 =	vld.idx.msk [tilespmem:v12+s16+$0x0], $0xffff  }
0x2b1: {  	v43 =	vld.idx.msk [tilespmem:v19+s16+$0x0], $0xffff;
	v41 =	vunpack.i.l.s16.s32 v13  }
0x2b2: {  	v8 =	vunpack.i.u.s16.s32 v8;
	v40 =	vld [tilespmem:s26+$0xFFFFFFC0]  }
0x2b3: {  	v14 =	vunpack.i.u.s16.s32 v14;
	v42 =	vld.idx.msk [tilespmem:v18+s16+$0x0], $0xffff  }
0x2b4: {  	v9 =	vunpack.i.u.s16.s32 v9;
	v27 =	vld.idx.msk [tilespmem:v15+s16+$0x0], $0xffff;
	[tilespmem:s13+$0xFFFFDFD0] =	vst v39  }
0x2b5: {  	[tilespmem:s14+$0xFFFFDFF0] =	vst v11;
	v11 =	vunpack.i.l.s16.s32 v38;
	v21 =	vld.idx.msk [tilespmem:v10+s16+$0x0], $0xffff  }
0x2b6: {  	s7 =	simm.s32 $0x1AF20;
	v16 =	vunpack.i.u.s16.s32 v16;
	v28 =	vld.idx.msk [tilespmem:v41+s16+$0x0], $0xffff  }
0x2b7: {  	[tilespmem:s7+$0xFFFFDF90] =	vst v43;
	v44 =	vld.idx.msk [tilespmem:v8+s16+$0x0], $0xffff  }
0x2b8: {  	v29 =	vld.idx.msk [tilespmem:v14+s16+$0x0], $0xffff;
	[tilespmem:s15+$0xFFFFDFB0] =	vst v42  }
0x2b9: {  	v13 =	vunpack.i.u.s16.s32 v13;
	v24 =	vld.idx.msk [tilespmem:v9+s16+$0x0], $0xffff  }
0x2ba: {  	[tilespmem:s7+$0xFFFFDF10] =	vst v27;
	v45 =	vld.idx.msk [tilespmem:v11+s16+$0x0], $0xffff  }
0x2bb: {  	v46 =	vld.idx.msk [tilespmem:v16+s16+$0x0], $0xffff;
	[tilespmem:s13+$0xFFFFDFE0] =	vst v21  }
0x2bc: {  	v20 =	vunpack.i.u.s16.s32 v38;
	[tilespmem:s14+$0xFFFFE000] =	vst v44;
	v17 =	vld.idx.msk [tilespmem:v17+s17+$0x0], $0xffff  }
0x2bd: {  	[tilespmem:s15+$0xFFFFDF30] =	vst v28;
	v12 =	vld.idx.msk [tilespmem:v12+s17+$0x0], $0xffff  }
0x2be: {  	[tilespmem:s7+$0xFFFFDFA0] =	vst v29;
	v47 =	vld.idx.msk [tilespmem:v13+s16+$0x0], $0xffff  }
0x2bf: {  	v19 =	vld.idx.msk [tilespmem:v19+s17+$0x0], $0xffff;
	[tilespmem:s15+$0xFFFFDFC0] =	vst v24  }
0x2c0: {  	v18 =	vld.idx.msk [tilespmem:v18+s17+$0x0], $0xffff;
	[tilespmem:s13+$0xFFFFDF50] =	vst v45  }
0x2c1: {  	v48 =	vld.idx.msk [tilespmem:v20+s16+$0x0], $0xffff;
	[tilespmem:s13+$0xFFFFFFD0] =	vst v17  }
0x2c2: {  	[tilespmem:s14+$0xFFFFFFF0] =	vst v12;
	v10 =	vld.idx.msk [tilespmem:v10+s17+$0x0], $0xffff  }
0x2c3: {  	[tilespmem:s7+$0xFFFFDF20] =	vst v46;
	v12 =	vld.idx.msk [tilespmem:v8+s17+$0x0], $0xffff  }
0x2c4: {  	[tilespmem:s15+$0xFFFFDF40] =	vst v47;
	v8 =	vld.idx.msk [tilespmem:v15+s17+$0x0], $0xffff;
	v15 =	vunpack.i.l.s16.s32 v40  }
0x2c5: {  	[tilespmem:s7+$0xFFFFFF90] =	vst v19;
	v17 =	vld.idx.msk [tilespmem:v41+s17+$0x0], $0xffff  }
0x2c6: {  	v14 =	vld.idx.msk [tilespmem:v14+s17+$0x0], $0xffff;
	[tilespmem:s15+$0xFFFFFFB0] =	vst v18  }
0x2c7: {  	v9 =	vld.idx.msk [tilespmem:v9+s17+$0x0], $0xffff;
	[tilespmem:s13+$0xFFFFDF60] =	vst v48  }
0x2c8: {  	v11 =	vld.idx.msk [tilespmem:v11+s17+$0x0], $0xffff  }
0x2c9: {  	[tilespmem:s13+$0xFFFFFFE0] =	vst v10;
	v18 =	vld.idx.msk [tilespmem:v15+s16+$0x0], $0xffff  }
0x2ca: {  	[tilespmem:s15+$0xFFFFFF30] =	vst v17;
	v10 =	vld [tilespmem:s29+$0x0]  }
0x2cb: {  	[tilespmem:s7+$0xFFFFFFA0] =	vst v14;
	v13 =	vld.idx.msk [tilespmem:v13+s17+$0x0], $0xffff  }
0x2cc: {  	[tilespmem:s7+$0xFFFFFF10] =	vst v8;
	v8 =	vunpack.i.u.s16.s32 v40;
	v14 =	vld [tilespmem:s9+$0xFFFFFFE0]  }
0x2cd: {  	v16 =	vld.idx.msk [tilespmem:v16+s17+$0x0], $0xffff;
	[tilespmem:s15+$0xFFFFFFC0] =	vst v9  }
0x2ce: {  	v9 =	vld [tilespmem:s6+$0xFFFFFFF0];
	[tilespmem:s13+$0xFFFFFF50] =	vst v11  }
0x2cf: {  	s18 =	simm.s32 $0x13DA0;
	v11 =	vld.idx.msk [tilespmem:v20+s17+$0x0], $0xffff  }
0x2d0: {  	[tilespmem:s14+$0xFFFFDF70] =	vst v18;
	v17 =	vunpack.i.l.s16.s32 v10;
	v18 =	vld [tilespmem:s18+$0xFFFFFFD0]  }
0x2d1: {  	v50 =	vunpack.i.l.s16.s32 v14;
	v19 =	vld.idx.msk [tilespmem:v8+s16+$0x0], $0xffff  }
0x2d2: {  	[tilespmem:s7+$0xFFFFFF20] =	vst v16;
	v16 =	vld [tilespmem:s18+$0xFFFFFF90]  }
0x2d3: {  	[tilespmem:s15+$0xFFFFFF40] =	vst v13;
	v13 =	vld [tilespmem:s9+$0xFFFFFFA0]  }
0x2d4: {  	v51 =	vld [tilespmem:s6+$0xFFFFFFB0];
	v49 =	vunpack.i.l.s16.s32 v9  }
0x2d5: {  	[tilespmem:s13+$0xFFFFFF60] =	vst v11;
	v11 =	vld.idx.msk [tilespmem:v17+s16+$0x0], $0xffff;
	v52 =	vunpack.i.l.s16.s32 v18  }
0x2d6: {  	v10 =	vunpack.i.u.s16.s32 v10;
	v55 =	vld.idx.msk [tilespmem:v50+s16+$0x0], $0xffff  }
0x2d7: {  	v24 =	vld [tilespmem:s29+$0xFFFFFFC0];
	[tilespmem:s14+$0xFFFFDF80] =	vst v19;
	v19 =	vunpack.i.l.s16.s32 v16  }
0x2d8: {  	v15 =	vld.idx.msk [tilespmem:v15+s17+$0x0], $0xffff;
	v54 =	vunpack.i.l.s16.s32 v13  }
0x2d9: {  	v14 =	vunpack.i.u.s16.s32 v14;
	v53 =	vld.idx.msk [tilespmem:v49+s16+$0x0], $0xffff  }
0x2da: {  	v9 =	vunpack.i.u.s16.s32 v9;
	v56 =	vld.idx.msk [tilespmem:v52+s16+$0x0], $0xffff;
	[tilespmem:s13+$0xFFFFDFF0] =	vst v11  }
0x2db: {  	v11 =	vunpack.i.l.s16.s32 v51;
	v57 =	vld.idx.msk [tilespmem:v10+s16+$0x0], $0xffff  }
0x2dc: {  	v18 =	vunpack.i.u.s16.s32 v18;
	[tilespmem:s7+$0xFFFFDFB0] =	vst v55;
	v30 =	vld.idx.msk [tilespmem:v19+s16+$0x0], $0xffff  }
0x2dd: {  	v58 =	vld.idx.msk [tilespmem:v54+s16+$0x0], $0xffff;
	[tilespmem:s14+$0xFFFFFF70] =	vst v15  }
0x2de: {  	v16 =	vunpack.i.u.s16.s32 v16;
	v15 =	vld.idx.msk [tilespmem:v14+s16+$0x0], $0xffff;
	[tilespmem:s15+$0xFFFFDFD0] =	vst v53  }
0x2df: {  	s24 =	simm.s32 $0x1B020;
	[tilespmem:s14+$0x0] =	vst v12;
	v13 =	vunpack.i.u.s16.s32 v13;
	v12 =	vld.idx.msk [tilespmem:v9+s16+$0x0], $0xffff  }
0x2e0: {  	[tilespmem:s24+$0xFFFFDF90] =	vst v56;
	v59 =	vld.idx.msk [tilespmem:v11+s16+$0x0], $0xffff  }
0x2e1: {  	v28 =	vld.idx.msk [tilespmem:v18+s16+$0x0], $0xffff;
	[tilespmem:s13+$0xFFFFE000] =	vst v57  }
0x2e2: {  	v22 =	vunpack.i.u.s16.s32 v51;
	[tilespmem:s24+$0xFFFFDF10] =	vst v30;
	v17 =	vld.idx.msk [tilespmem:v17+s17+$0x0], $0xffff  }
0x2e3: {  	v60 =	vld.idx.msk [tilespmem:v16+s16+$0x0], $0xffff;
	[tilespmem:s7+$0xFFFFDF30] =	vst v58  }
0x2e4: {  	[tilespmem:s7+$0xFFFFDFC0] =	vst v15;
	v61 =	vld.idx.msk [tilespmem:v13+s16+$0x0], $0xffff  }
0x2e5: {  	v15 =	vld.idx.msk [tilespmem:v50+s17+$0x0], $0xffff;
	[tilespmem:s15+$0xFFFFDFE0] =	vst v12  }
0x2e6: {  	[tilespmem:s15+$0xFFFFDF50] =	vst v59;
	v12 =	vld.idx.msk [tilespmem:v49+s17+$0x0], $0xffff  }
0x2e7: {  	[tilespmem:s24+$0xFFFFDFA0] =	vst v28;
	v62 =	vld.idx.msk [tilespmem:v22+s16+$0x0], $0xffff  }
0x2e8: {  	v23 =	vld.idx.msk [tilespmem:v52+s17+$0x0], $0xffff;
	[tilespmem:s13+$0xFFFFFFF0] =	vst v17  }
0x2e9: {  	[tilespmem:s24+$0xFFFFDF20] =	vst v60;
	v17 =	vld.idx.msk [tilespmem:v10+s17+$0x0], $0xffff  }
0x2ea: {  	v19 =	vld.idx.msk [tilespmem:v19+s17+$0x0], $0xffff;
	[tilespmem:s7+$0xFFFFFFB0] =	vst v15  }
0x2eb: {  	v10 =	vunpack.i.l.s16.s32 v24;
	v14 =	vld.idx.msk [tilespmem:v14+s17+$0x0], $0xffff;
	[tilespmem:s15+$0xFFFFFFD0] =	vst v12  }
0x2ec: {  	[tilespmem:s7+$0xFFFFDF40] =	vst v61;
	v9 =	vld.idx.msk [tilespmem:v9+s17+$0x0], $0xffff  }
0x2ed: {  	v12 =	vld.idx.msk [tilespmem:v54+s17+$0x0], $0xffff;
	[tilespmem:s15+$0xFFFFDF60] =	vst v62  }
0x2ee: {  	[tilespmem:s24+$0xFFFFFF90] =	vst v23;
	v11 =	vld.idx.msk [tilespmem:v11+s17+$0x0], $0xffff  }
0x2ef: {  	v18 =	vld.idx.msk [tilespmem:v18+s17+$0x0], $0xffff;
	[tilespmem:s24+$0xFFFFFF10] =	vst v19  }
0x2f0: {  	v19 =	vld.idx.msk [tilespmem:v10+s16+$0x0], $0xffff;
	[tilespmem:s7+$0xFFFFFFC0] =	vst v14  }
0x2f1: {  	v63 =	vld.idx.msk [tilespmem:v16+s17+$0x0], $0xffff;
	[tilespmem:s15+$0xFFFFFFE0] =	vst v9  }
0x2f2: {  	[tilespmem:s7+$0xFFFFFF30] =	vst v12;
	v9 =	vunpack.i.u.s16.s32 v24;
	v12 =	vld [tilespmem:s6+$0x0]  }
0x2f3: {  	[tilespmem:s13+$0x0] =	vst v17;
	v15 =	vld [tilespmem:s9+$0xFFFFFFF0]  }
0x2f4: {  	v17 =	vld.idx.msk [tilespmem:v13+s17+$0x0], $0xffff;
	[tilespmem:s15+$0xFFFFFF50] =	vst v11  }
0x2f5: {  	[tilespmem:s24+$0xFFFFFFA0] =	vst v18;
	v14 =	vld.idx.msk [tilespmem:v22+s17+$0x0], $0xffff  }
0x2f6: {  	[tilespmem:s13+$0xFFFFDF70] =	vst v19;
	v16 =	vld [tilespmem:s18+$0xFFFFFFE0]  }
0x2f7: {  	s19 =	simm.s32 $0x1B020;
	s25 =	simm.s32 $0x400;
	s26 =	simm.s32 $0x13E20;
	[tilespmem:s24+$0xFFFFFF20] =	vst v63;
	v13 =	vld.idx.msk [tilespmem:v9+s16+$0x0], $0xffff;
	v11 =	vunpack.i.l.s16.s32 v12  }
.LBB2_21:
0x2f8: {  	v18 =	vld [tilespmem:s26+$0xFFFFFFD0];
	s25 =	sadd.s32 $0x100, s25  }
0x2f9: {  	v19 =	vld [tilespmem:s26+$0xFFFFFF90];
	p1 =	slt.u32 s25, $0x1F00;
	[tilespmem:s7+$0xFFFFFF40] =	vst v17;
	v17 =	vunpack.i.l.s16.s32 v15  }
0x2fa: {  	v20 =	vld [tilespmem:s18+$0xFFFFFFA0]  }
0x2fb: {  	v21 =	vunpack.i.l.s16.s32 v16;
	v22 =	vld [tilespmem:s9+$0xFFFFFFB0];
	[tilespmem:s15+$0xFFFFFF60] =	vst v14  }
0x2fc: {  	v14 =	vld.idx.msk [tilespmem:v11+s16+$0x0], $0xffff  }
0x2fd: {  	v23 =	vunpack.i.l.s16.s32 v18;
	v24 =	vld [tilespmem:s6+$0xFFFFFFC0];
	[tilespmem:s13+$0xFFFFDF80] =	vst v13;
	s6 =	smov.u32 s9;
	s9 =	smov.u32 s18;
	s18 =	smov.u32 s26  }
0x2fe: {  	v12 =	vunpack.i.u.s16.s32 v12;
	v13 =	vunpack.i.u.s16.s32 v19;
	v19 =	vunpack.i.l.s16.s32 v19;
	v25 =	vld.idx.msk [tilespmem:v17+s16+$0x0], $0xffff  }
0x2ff: {  	v26 =	vunpack.i.u.s16.s32 v20;
	v20 =	vunpack.i.l.s16.s32 v20;
	v27 =	vld.idx.msk [tilespmem:v10+s17+$0x0], $0xffff  }
0x300: {  	v15 =	vunpack.i.u.s16.s32 v15;
	v28 =	vld.idx.msk [tilespmem:v21+s16+$0x0], $0xffff;
	v29 =	vunpack.i.u.s16.s32 v22;
	v22 =	vunpack.i.l.s16.s32 v22  }
0x301: {  	v30 =	vld.idx.msk [tilespmem:v8+s17+$0x0], $0xffff;
	v8 =	vmov v9  }
0x302: {  	v16 =	vunpack.i.u.s16.s32 v16;
	v31 =	vld.idx.msk [tilespmem:v23+s16+$0x0], $0xffff;
	v9 =	vunpack.i.u.s16.s32 v24;
	v10 =	vunpack.i.l.s16.s32 v24;
	[tilespmem:s15+$0xFFFFDFF0] =	vst v14  }
0x303: {  	v14 =	vld.idx.msk [tilespmem:v12+s16+$0x0], $0xffff  }
0x304: {  	v18 =	vunpack.i.u.s16.s32 v18;
	v24 =	vld.idx.msk [tilespmem:v19+s16+$0x0], $0xffff;
	[tilespmem:s7+$0xFFFFDFD0] =	vst v25  }
0x305: {  	v25 =	vld.idx.msk [tilespmem:v15+s16+$0x0], $0xffff;
	[tilespmem:s13+$0xFFFFFF70] =	vst v27  }
0x306: {  	v27 =	vld.idx.msk [tilespmem:v20+s16+$0x0], $0xffff;
	[tilespmem:s24+$0xFFFFDFB0] =	vst v28  }
0x307: {  	s24 =	sadd.s32 $0x100, s24;
	v28 =	vld.idx.msk [tilespmem:v16+s16+$0x0], $0xffff;
	[tilespmem:s14+$0xFFFFFF80] =	vst v30;
	s14 =	smov.u32 s13;
	s13 =	smov.u32 s15  }
0x308: {  	s15 =	smov.u32 s7;
	s7 =	smov.u32 s19;
	s19 =	smov.u32 s24;
	[tilespmem:s24+$0xFFFFDF90] =	vst v31;
	v30 =	vld.idx.msk [tilespmem:v22+s16+$0x0], $0xffff  }
0x309: {  	v31 =	vld.idx.msk [tilespmem:v18+s16+$0x0], $0xffff;
	[tilespmem:s13+$0xFFFFE000] =	vst v14  }
0x30a: {  	[tilespmem:s24+$0xFFFFDF10] =	vst v24;
	v11 =	vld.idx.msk [tilespmem:v11+s17+$0x0], $0xffff  }
0x30b: {  	v14 =	vld.idx.msk [tilespmem:v13+s16+$0x0], $0xffff;
	[tilespmem:s15+$0xFFFFDFE0] =	vst v25  }
0x30c: {  	[tilespmem:s7+$0xFFFFDF30] =	vst v27;
	v17 =	vld.idx.msk [tilespmem:v17+s17+$0x0], $0xffff  }
0x30d: {  	v24 =	vld.idx.msk [tilespmem:v26+s16+$0x0], $0xffff;
	[tilespmem:s7+$0xFFFFDFC0] =	vst v28  }
0x30e: {  	v21 =	vld.idx.msk [tilespmem:v21+s17+$0x0], $0xffff;
	[tilespmem:s15+$0xFFFFDF50] =	vst v30  }
0x30f: {  	[tilespmem:s24+$0xFFFFDFA0] =	vst v31;
	v25 =	vld.idx.msk [tilespmem:v29+s16+$0x0], $0xffff  }
0x310: {  	v23 =	vld.idx.msk [tilespmem:v23+s17+$0x0], $0xffff;
	[tilespmem:s13+$0xFFFFFFF0] =	vst v11  }
0x311: {  	[tilespmem:s24+$0xFFFFDF20] =	vst v14;
	v11 =	vld.idx.msk [tilespmem:v12+s17+$0x0], $0xffff  }
0x312: {  	v12 =	vld.idx.msk [tilespmem:v19+s17+$0x0], $0xffff;
	[tilespmem:s15+$0xFFFFFFD0] =	vst v17  }
0x313: {  	[tilespmem:s7+$0xFFFFDF40] =	vst v24;
	v14 =	vld.idx.msk [tilespmem:v15+s17+$0x0], $0xffff  }
0x314: {  	v15 =	vld.idx.msk [tilespmem:v20+s17+$0x0], $0xffff;
	[tilespmem:s7+$0xFFFFFFB0] =	vst v21  }
0x315: {  	v16 =	vld.idx.msk [tilespmem:v16+s17+$0x0], $0xffff;
	[tilespmem:s15+$0xFFFFDF60] =	vst v25  }
0x316: {  	[tilespmem:s24+$0xFFFFFF90] =	vst v23;
	v19 =	vld.idx.msk [tilespmem:v22+s17+$0x0], $0xffff  }
0x317: {  	v18 =	vld.idx.msk [tilespmem:v18+s17+$0x0], $0xffff;
	[tilespmem:s13+$0x0] =	vst v11  }
0x318: {  	[tilespmem:s24+$0xFFFFFF10] =	vst v12;
	v11 =	vld.idx.msk [tilespmem:v10+s16+$0x0], $0xffff  }
0x319: {  	v13 =	vld.idx.msk [tilespmem:v13+s17+$0x0], $0xffff;
	[tilespmem:s15+$0xFFFFFFE0] =	vst v14  }
0x31a: {  	[tilespmem:s7+$0xFFFFFF30] =	vst v15;
	v12 =	vld [tilespmem:s6+$0x0]  }
.Ltmp15:
0x31b: {  	v17 =	vld.idx.msk [tilespmem:v26+s17+$0x0], $0xffff;
	[tilespmem:s7+$0xFFFFFFC0] =	vst v16;
	(pc) =	sbr.rel @p1 .LBB2_21-.Ltmp15, $4  }
0x31c: {  	v15 =	vld [tilespmem:s9+$0xFFFFFFF0];
	[tilespmem:s15+$0xFFFFFF50] =	vst v19  }
0x31d: {  	[tilespmem:s24+$0xFFFFFFA0] =	vst v18;
	v14 =	vld.idx.msk [tilespmem:v29+s17+$0x0], $0xffff  }
0x31e: {  	v16 =	vld [tilespmem:s26+$0xFFFFFFE0];
	[tilespmem:s13+$0xFFFFDF70] =	vst v11  }
0x31f: {  	s26 =	sadd.s32 $0x80, s26;
	[tilespmem:s24+$0xFFFFFF20] =	vst v13;
	v11 =	vunpack.i.l.s16.s32 v12;
	v13 =	vld.idx.msk [tilespmem:v9+s16+$0x0], $0xffff  }
0x320: {  	v18 =	vld [tilespmem:s18+$0xFFFFFFA0];
	_ =	sdelay $0x3  }
0x321: {  	v19 =	vunpack.i.l.s16.s32 v16  }
0x322: {  	v20 =	vunpack.i.l.s16.s32 v18;
	_ =	sdelay $0x3  }
0x323: {  	v21 =	vld.idx.msk [tilespmem:v19+s16+$0x0], $0xffff  }
0x324: {  	v40 =	vunpack.i.u.s16.s32 v16;
	v22 =	vld.idx.msk [tilespmem:v20+s16+$0x0], $0xffff  }
0x325: {  	v18 =	vunpack.i.u.s16.s32 v18;
	_ =	sdelay $0x2  }
0x326: {  	[tilespmem:s24+$0xFFFFDFB0] =	vst v21  }
0x327: {  	v21 =	vld.idx.msk [tilespmem:v40+s16+$0x0], $0xffff;
	[tilespmem:s19+$0xFFFFDF30] =	vst v22  }
0x328: {  	v22 =	vld.idx.msk [tilespmem:v18+s16+$0x0], $0xffff;
	_ =	sdelay $0x3  }
0x329: {  	[tilespmem:s19+$0xFFFFDFC0] =	vst v21  }
0x32a: {  	v19 =	vld.idx.msk [tilespmem:v19+s17+$0x0], $0xffff;
	[tilespmem:s19+$0xFFFFDF40] =	vst v22  }
0x32b: {  	v20 =	vld.idx.msk [tilespmem:v20+s17+$0x0], $0xffff;
	_ =	sdelay $0x3  }
0x32c: {  	[tilespmem:s19+$0xFFFFFFB0] =	vst v19  }
0x32d: {  	v16 =	vld.idx.msk [tilespmem:v40+s17+$0x0], $0xffff;
	[tilespmem:s19+$0xFFFFFF30] =	vst v20  }
0x32e: {  	v18 =	vld.idx.msk [tilespmem:v18+s17+$0x0], $0xffff;
	_ =	sdelay $0x1  }
0x32f: {  	[tilespmem:s7+$0xFFFFFF40] =	vst v17  }
0x330: {  	v17 =	vld [tilespmem:s9+$0xFFFFFFB0]  }
0x331: {  	[tilespmem:s19+$0xFFFFFFC0] =	vst v16  }
0x332: {  	v16 =	vld [tilespmem:s18+$0xFFFFFFF0];
	[tilespmem:s19+$0xFFFFFF40] =	vst v18  }
0x333: {  	v18 =	vld [tilespmem:s18+$0xFFFFFFB0];
	_ =	sdelay $0x1  }
0x334: {  	v43 =	vunpack.i.l.s16.s32 v17  }
0x335: {  	v41 =	vunpack.i.l.s16.s32 v15  }
0x336: {  	v42 =	vunpack.i.l.s16.s32 v16  }
0x337: {  	v44 =	vunpack.i.l.s16.s32 v18;
	_ =	sdelay $0x1  }
0x338: {  	v25 =	vld.idx.msk [tilespmem:v43+s16+$0x0], $0xffff  }
0x339: {  	v23 =	vld.idx.msk [tilespmem:v41+s16+$0x0], $0xffff;
	v17 =	vunpack.i.u.s16.s32 v17  }
0x33a: {  	v45 =	vunpack.i.u.s16.s32 v15;
	v24 =	vld.idx.msk [tilespmem:v42+s16+$0x0], $0xffff  }
0x33b: {  	v16 =	vunpack.i.u.s16.s32 v16;
	v26 =	vld.idx.msk [tilespmem:v44+s16+$0x0], $0xffff  }
0x33c: {  	v18 =	vunpack.i.u.s16.s32 v18  }
0x33d: {  	[tilespmem:s7+$0xFFFFDF50] =	vst v25  }
0x33e: {  	[tilespmem:s7+$0xFFFFDFD0] =	vst v23;
	v25 =	vld.idx.msk [tilespmem:v17+s16+$0x0], $0xffff  }
0x33f: {  	v23 =	vld.idx.msk [tilespmem:v45+s16+$0x0], $0xffff;
	[tilespmem:s19+$0xFFFFDFD0] =	vst v24  }
0x340: {  	v24 =	vld.idx.msk [tilespmem:v16+s16+$0x0], $0xffff;
	[tilespmem:s19+$0xFFFFDF50] =	vst v26  }
0x341: {  	v26 =	vld.idx.msk [tilespmem:v18+s16+$0x0], $0xffff;
	_ =	sdelay $0x1  }
0x342: {  	[tilespmem:s7+$0xFFFFDF60] =	vst v25  }
0x343: {  	[tilespmem:s7+$0xFFFFDFE0] =	vst v23;
	v21 =	vld.idx.msk [tilespmem:v43+s17+$0x0], $0xffff  }
0x344: {  	v19 =	vld.idx.msk [tilespmem:v41+s17+$0x0], $0xffff;
	[tilespmem:s19+$0xFFFFDFE0] =	vst v24  }
0x345: {  	v20 =	vld.idx.msk [tilespmem:v42+s17+$0x0], $0xffff;
	[tilespmem:s19+$0xFFFFDF60] =	vst v26  }
0x346: {  	v22 =	vld.idx.msk [tilespmem:v44+s17+$0x0], $0xffff;
	_ =	sdelay $0x1  }
0x347: {  	[tilespmem:s7+$0xFFFFFF50] =	vst v21  }
0x348: {  	v17 =	vld.idx.msk [tilespmem:v17+s17+$0x0], $0xffff;
	[tilespmem:s7+$0xFFFFFFD0] =	vst v19  }
0x349: {  	v15 =	vld.idx.msk [tilespmem:v45+s17+$0x0], $0xffff;
	[tilespmem:s19+$0xFFFFFFD0] =	vst v20  }
0x34a: {  	v16 =	vld.idx.msk [tilespmem:v16+s17+$0x0], $0xffff;
	[tilespmem:s19+$0xFFFFFF50] =	vst v22  }
0x34b: {  	v18 =	vld.idx.msk [tilespmem:v18+s17+$0x0], $0xffff  }
0x34c: {  	v46 =	vld.idx.msk [tilespmem:v11+s16+$0x0], $0xffff;
	[tilespmem:s15+$0xFFFFFF60] =	vst v14  }
0x34d: {  	v48 =	vld [tilespmem:s6+$0xFFFFFFC0];
	[tilespmem:s7+$0xFFFFFF60] =	vst v17  }
0x34e: {  	v17 =	vld [tilespmem:s9+$0xFFFFFFC0];
	[tilespmem:s7+$0xFFFFFFE0] =	vst v15  }
0x34f: {  	v47 =	vld [tilespmem:s9+$0x0];
	[tilespmem:s19+$0xFFFFFFE0] =	vst v16  }
0x350: {  	v16 =	vld [tilespmem:s18+$0x0];
	[tilespmem:s19+$0xFFFFFF60] =	vst v18  }
0x351: {  	v12 =	vunpack.i.u.s16.s32 v12;
	v18 =	vld [tilespmem:s18+$0xFFFFFFC0]  }
0x352: {  	v50 =	vunpack.i.l.s16.s32 v48  }
0x353: {  	v8 =	vld.idx.msk [tilespmem:v8+s17+$0x0], $0xffff;
	v52 =	vunpack.i.l.s16.s32 v17  }
0x354: {  	[tilespmem:s13+$0xFFFFDF80] =	vst v13;
	v49 =	vunpack.i.l.s16.s32 v47  }
0x355: {  	v10 =	vld.idx.msk [tilespmem:v10+s17+$0x0], $0xffff;
	[tilespmem:s15+$0xFFFFDFF0] =	vst v46;
	v51 =	vunpack.i.l.s16.s32 v16  }
0x356: {  	v53 =	vld.idx.msk [tilespmem:v12+s16+$0x0], $0xffff;
	v54 =	vunpack.i.l.s16.s32 v18  }
0x357: {  	v56 =	vld.idx.msk [tilespmem:v50+s16+$0x0], $0xffff  }
0x358: {  	[tilespmem:s14+$0xFFFFFF80] =	vst v8;
	v15 =	vunpack.i.u.s16.s32 v48;
	v8 =	vld.idx.msk [tilespmem:v52+s16+$0x0], $0xffff  }
0x359: {  	v17 =	vunpack.i.u.s16.s32 v17;
	v55 =	vld.idx.msk [tilespmem:v49+s16+$0x0], $0xffff  }
0x35a: {  	[tilespmem:s13+$0xFFFFFF70] =	vst v10;
	v14 =	vunpack.i.u.s16.s32 v47;
	v57 =	vld.idx.msk [tilespmem:v51+s16+$0x0], $0xffff  }
0x35b: {  	[tilespmem:s15+$0xFFFFE000] =	vst v53;
	v16 =	vunpack.i.u.s16.s32 v16;
	v58 =	vld.idx.msk [tilespmem:v54+s16+$0x0], $0xffff  }
0x35c: {  	v9 =	vld.idx.msk [tilespmem:v9+s17+$0x0], $0xffff;
	[tilespmem:s15+$0xFFFFDF70] =	vst v56;
	v18 =	vunpack.i.u.s16.s32 v18  }
0x35d: {  	v25 =	vld.idx.msk [tilespmem:v15+s16+$0x0], $0xffff;
	[tilespmem:s7+$0xFFFFDF70] =	vst v8  }
0x35e: {  	v60 =	vld.idx.msk [tilespmem:v17+s16+$0x0], $0xffff;
	[tilespmem:s7+$0xFFFFDFF0] =	vst v55  }
0x35f: {  	v24 =	vld.idx.msk [tilespmem:v14+s16+$0x0], $0xffff;
	[tilespmem:s19+$0xFFFFDFF0] =	vst v57  }
0x360: {  	v8 =	vld.idx.msk [tilespmem:v16+s16+$0x0], $0xffff;
	[tilespmem:s19+$0xFFFFDF70] =	vst v58  }
0x361: {  	[tilespmem:s13+$0xFFFFFF80] =	vst v9;
	v61 =	vld.idx.msk [tilespmem:v18+s16+$0x0], $0xffff  }
0x362: {  	v59 =	vld.idx.msk [tilespmem:v11+s17+$0x0], $0xffff;
	[tilespmem:s15+$0xFFFFDF80] =	vst v25  }
0x363: {  	v13 =	vld.idx.msk [tilespmem:v50+s17+$0x0], $0xffff;
	[tilespmem:s7+$0xFFFFDF80] =	vst v60  }
0x364: {  	v10 =	vld.idx.msk [tilespmem:v52+s17+$0x0], $0xffff;
	[tilespmem:s7+$0xFFFFE000] =	vst v24  }
0x365: {  	v20 =	vld.idx.msk [tilespmem:v49+s17+$0x0], $0xffff;
	[tilespmem:s19+$0xFFFFE000] =	vst v8  }
0x366: {  	v8 =	vld.idx.msk [tilespmem:v51+s17+$0x0], $0xffff;
	[tilespmem:s19+$0xFFFFDF80] =	vst v61  }
0x367: {  	[tilespmem:s15+$0xFFFFFFF0] =	vst v59;
	v11 =	vld.idx.msk [tilespmem:v54+s17+$0x0], $0xffff  }
0x368: {  	v12 =	vld.idx.msk [tilespmem:v12+s17+$0x0], $0xffff;
	[tilespmem:s15+$0xFFFFFF70] =	vst v13  }
0x369: {  	v13 =	vld.idx.msk [tilespmem:v15+s17+$0x0], $0xffff;
	[tilespmem:s7+$0xFFFFFF70] =	vst v10  }
0x36a: {  	v10 =	vld.idx.msk [tilespmem:v17+s17+$0x0], $0xffff;
	[tilespmem:s7+$0xFFFFFFF0] =	vst v20  }
0x36b: {  	v62 =	vld.idx.msk [tilespmem:v14+s17+$0x0], $0xffff;
	[tilespmem:s19+$0xFFFFFFF0] =	vst v8  }
0x36c: {  	v8 =	vld.idx.msk [tilespmem:v16+s17+$0x0], $0xffff;
	[tilespmem:s19+$0xFFFFFF70] =	vst v11  }
0x36d: {  	[tilespmem:s15+$0x0] =	vst v12;
	v63 =	vld.idx.msk [tilespmem:v18+s17+$0x0], $0xffff  }
0x36e: {  	[tilespmem:s15+$0xFFFFFF80] =	vst v13  }
0x36f: {  	[tilespmem:s7+$0xFFFFFF80] =	vst v10  }
0x370: {  	s26 =	sor.u32 s10, s12;
	s8 =	sadd.s32 $0x1, s8;
	[tilespmem:s7+$0x0] =	vst v62  }
0x371: {  	p1 =	sne.s32 s8, $0x10;
	s6 =	sshrl.u32 s26, $0x3;
	[tilespmem:s19+$0x0] =	vst v8  }
.Ltmp16:
0x372: {  	s29 =	sor.u32 s11, s12;
	s6 =	sadd.s32 s5, s6;
	[tilespmem:s19+$0xFFFFFF80] =	vst v63;
	(pc) =	sbr.rel @p1 .LBB2_18-.Ltmp16, $4  }
0x373: {  	[hbm4b:s6+s4] =	stream.linear.scatter [tilespmem:s0], [sflag:$0x4], $0x2000, $0x38;
	[tilespmem:$0x1F9D8] =	vst v63  }
0x374: {  	s6 =	sshrl.u32 s29, $0x3  }
0x375: {  	s6 =	sadd.s32 s5, s6  }
0x376: {  	[hbm4b:s6+s4] =	stream.linear.scatter [tilespmem:s2], [sflag:$0x4], $0x2000, $0x38;
	[tilespmem:$0x1F9D8] =	vst v63  }
0x377: {  	s6 =	rddreg [dreg:$0x9]  }
0x378: {  	[tilespmem:s16], [sflag:$0x2] =	stream.linear.gather [hbm4b:s6+s4], $0x4E28, $0x38;
	[tilespmem:$0x1F9D8] =	vst v63  }
0x379: {  	s29 =	rddreg [dreg:$0xa]  }
0x37a: {  	[tilespmem:s17], [sflag:$0x2] =	stream.linear.gather [hbm4b:s29+s4], $0x4E28, $0x38;
	[tilespmem:$0x1F9D8] =	vst v63  }
0x37b: {  	[bflag:$0x0] =	sbarrier.arrive $0xFFFF  }
0x37c: {  	s6 =	rddreg [dreg:$0xb]  }
0x37d: {  	s7 =	rddreg [dreg:$0xd]  }
0x37e: {  	s8 =	rddreg [dreg:$0xe]  }
0x37f: {  	[spmem:s8], [sflag:s7] =	dma.local @!p0 [hbm:s6], $0x271  }
0x380: {  	s6 =	simm.s32 @!p0 $0x5  }
0x381: {  	_ =	swait.ge @!p0 [sflag:s6], $0x271  }
0x382: {  	[sflag:s6] =	ssyncset.done @!p0 $0x0  }
0x383: {  	[sflag:s6] =	ssyncadd.s32 @!p0 $0xFFFFFD8F;
	s6 =	simm.s32 $0x2F60  }
0x384: {  	[tilespmem:s6+$0xFFFFFF80] =	vst v3  }
0x385: {  	[tilespmem:s6+$0x70] =	vst v3  }
0x386: {  	[tilespmem:s6+$0x60] =	vst v3  }
0x387: {  	[tilespmem:s6+$0x50] =	vst v3  }
0x388: {  	[tilespmem:s6+$0x40] =	vst v3  }
0x389: {  	[tilespmem:s6+$0x30] =	vst v3  }
0x38a: {  	[tilespmem:s6+$0x20] =	vst v3  }
0x38b: {  	[tilespmem:s6+$0x10] =	vst v3  }
0x38c: {  	[tilespmem:s6+$0x0] =	vst v3  }
0x38d: {  	[tilespmem:s6+$0xFFFFFFF0] =	vst v3  }
0x38e: {  	[tilespmem:s6+$0xFFFFFFE0] =	vst v3  }
0x38f: {  	[tilespmem:s6+$0xFFFFFFD0] =	vst v3  }
0x390: {  	[tilespmem:s6+$0xFFFFFFC0] =	vst v3  }
0x391: {  	[tilespmem:s6+$0xFFFFFFB0] =	vst v3  }
0x392: {  	s7 =	simm.s32 $0x0;
	[tilespmem:s6+$0xFFFFFFA0] =	vst v3  }
.LBB2_24:
0x393: {  	s7 =	sadd.s32 $0x100, s7;
	[tilespmem:s6+$0xFFFFFF90] =	vst v3;
	s6 =	sadd.s32 $0x100, s6  }
0x394: {  	[tilespmem:s6+$0xFFFFFF80] =	vst v3;
	p1 =	slt.u32 s7, $0x3F00  }
0x395: {  	[tilespmem:s6+$0x70] =	vst v3  }
0x396: {  	[tilespmem:s6+$0x60] =	vst v3  }
0x397: {  	[tilespmem:s6+$0x50] =	vst v3  }
0x398: {  	[tilespmem:s6+$0x40] =	vst v3  }
0x399: {  	[tilespmem:s6+$0x30] =	vst v3  }
0x39a: {  	[tilespmem:s6+$0x20] =	vst v3  }
0x39b: {  	[tilespmem:s6+$0x10] =	vst v3  }
0x39c: {  	[tilespmem:s6+$0x0] =	vst v3  }
0x39d: {  	[tilespmem:s6+$0xFFFFFFF0] =	vst v3  }
.Ltmp17:
0x39e: {  	[tilespmem:s6+$0xFFFFFFE0] =	vst v3;
	(pc) =	sbr.rel @p1 .LBB2_24-.Ltmp17, $4  }
0x39f: {  	[tilespmem:s6+$0xFFFFFFD0] =	vst v3  }
0x3a0: {  	[tilespmem:s6+$0xFFFFFFC0] =	vst v3  }
0x3a1: {  	[tilespmem:s6+$0xFFFFFFB0] =	vst v3  }
0x3a2: {  	[tilespmem:s6+$0xFFFFFFA0] =	vst v3  }
.Ltmp18:
0x3a3: {  	(pc) =	sbr.rel .LBB2_26-.Ltmp18, $4  }
0x3a4: {  	[tilespmem:s6+$0xFFFFFF90] =	vst v3  }
0x3a5: {  	s6 =	simm.s32 $0x0;
	[bflag:$0x0] =	sbarrier.arrive $0xFFFF  }
0x3a6: {  	[tilespmem:s6], [sflag:$0x1] =	stream.linear.gather [spmem:s1], $0x1770, $0x38;
	[tilespmem:$0x1F9D8] =	vst v63  }
0x3a7: {  	s29 =	rddreg [dreg:$0x8]  }
.LBB2_36:
0x3a8: {  	s6 =	sadd.s32 $0x1, s6  }
0x3a9: {  	p1 =	sne.s32 s6, $0x5  }
.Ltmp19:
0x3aa: {  	_ = 	snop;
	(pc) =	sbr.rel @!p1 .LBB2_37-.Ltmp19, $1  }
0x3ab: {  	_ =	sdelay $0x3  }
.LBB2_26:
0x3ac: {  	s7 =	smul.u32 $0xBB80, s6;
	_ =	sdelay $0x1  }
.Ltmp20:
0x3ad: {  	_ =	swait.ge [sflag:s20], $0x1770;
	s7 =	sshra.s32 s7, $0x2;
	(pc) =	sbr.rel .LBB2_27-.Ltmp20, $4  }
0x3ae: {  	[sflag:s20] =	ssyncset.done $0x0;
	s7 =	sadd.s32 s7, s1  }
0x3af: {  	[sflag:s20] =	ssyncadd.s32 $0xFFFFE890;
	s8 =	sadd.s32 $0x1770, s7  }
0x3b0: {  	[tilespmem:s21], [sflag:$0x1] =	stream.linear.gather [spmem:s8], $0x1770, $0x38;
	[tilespmem:$0x1F9D8] =	vst v63  }
0x3b1: {  	s9 =	simm.s32 $0x0;
	s8 =	smul.u32 $0xFA0, s6  }
.LBB2_30:
0x3b2: {  	s9 =	sadd.s32 $0x1, s9  }
0x3b3: {  	p1 =	sne.s32 s9, $0x7D  }
.Ltmp21:
0x3b4: {  	_ = 	snop;
	(pc) =	sbr.rel @!p1 .LBB2_31-.Ltmp21, $1  }
0x3b5: {  	_ =	sdelay $0x3  }
.LBB2_27:
0x3b6: {  	s12 =	sshll.u32 s9, $0x4  }
0x3b7: {  	v8 =	vmov s12  }
0x3b8: {  	v8 =	vmul.u32 $0x3, v8;
	_ =	sdelay $0x1  }
0x3b9: {  	v8 =	vbroadcast v8, $0x0;
	_ =	sdelay $0x1  }
0x3ba: {  	v9 =	vadd.s32 v1, v8  }
0x3bb: {  	v8 =	vadd.s32 v5, v8;
	v9 =	vand.u32 $0xFFFFFFF8, v9  }
0x3bc: {  	v8 =	vand.u32 $0xFFFFFFF8, v8;
	v9 =	vor.u32 v4, v9  }
0x3bd: {  	v8 =	vor.u32 v6, v8;
	_ =	sdelay $0x3  }
0x3be: {  	v9 =	vld.idx.msk [tilespmem:v9+s4+$0x0], $0xffff  }
0x3bf: {  	v8 =	vld.idx.msk [tilespmem:v8+s4+$0x0], $0xffff;
	_ =	sdelay $0x4  }
0x3c0: {  	v8 =	vshll.u32 v8, $0x9;
	v9 =	vadd.s32 v2, v9  }
0x3c1: {  	v8 =	vadd.s32 v8, v9  }
0x3c2: {  	vm0 =	vlt.u32 v8, $0x4000  }
0x3c3: {  	v9 =	vsel vm0, $0x3F800000, v7  }
0x3c4: {  	(xrf0) =	vmax.scan.msk.f32 $0xffff, v9;
	_ =	sdelay $0x5  }
0x3c5: {  	v9, _, _ =	vpop (xrf0)  }
0x3c6: {  	(v2sf) =	vpush v9, $0xF;
	_ =	sdelay $0xe  }
0x3c7: {  	s13 =	spop (v2sf)  }
0x3c8: {  	p1 =	sgt.f32 s13, $0.0e+00  }
.Ltmp22:
0x3c9: {  	_ = 	snop;
	(pc) =	sbr.rel @!p1 .LBB2_30-.Ltmp22, $1  }
0x3ca: {  	_ =	sdelay $0x3  }
0x3cb: {  	vm1 =	vgt.s32 v8, $0x0  }
0x3cc: {  	v8 =	vnsel vm1, $0x0, v8  }
0x3cd: {  	v8 =	vmin.u32 v8, $0x3FFF;
	_ =	sdelay $0x2  }
0x3ce: {  	s12 =	sadd.s32 s8, s12  }
0x3cf: {  	v9 =	vor.u32 s12, v0  }
.LBB2_29:
0x3d0: {  	v10 =	vld.idx.msk [tilespmem:v8+s22+$0x0], $0xffff;
	_ =	sdelay $0x4  }
0x3d1: {  	vm1 =	vlt.s32 v10, v9  }
0x3d2: {  	vm2 =	vmand vm0, vm1  }
0x3d3: {  	v11 =	vsel vm2, $0x3F800000, v7  }
0x3d4: {  	(xrf0) =	vmax.scan.msk.f32 $0xffff, v11;
	_ =	sdelay $0x5  }
0x3d5: {  	v11, _, _ =	vpop (xrf0)  }
0x3d6: {  	(v2sf) =	vpush v11, $0xF;
	_ =	sdelay $0xe  }
0x3d7: {  	s12 =	spop (v2sf)  }
0x3d8: {  	p1 =	sgt.f32 s12, $0.0e+00  }
.Ltmp23:
0x3d9: {  	_ = 	snop;
	(pc) =	sbr.rel @p1 .LBB2_29-.Ltmp23, $3  }
0x3da: {  	_ =	sdelay $0x1  }
0x3db: {  	v10 =	vsel vm1, v9, v10  }
0x3dc: {  	[tilespmem:v8+s22+$0x0] =	vst.idx.msk vm2, v10  }
.Ltmp24:
0x3dd: {  	_ = 	snop;
	(pc) =	sbr.rel .LBB2_30-.Ltmp24, $1  }
0x3de: {  	_ =	sdelay $0x3  }
.LBB2_31:
.Ltmp25:
0x3df: {  	s8 =	sshllo.u32 s6, $0x1;
	_ =	swait.ge [sflag:s20], $0x1770;
	(pc) =	sbr.rel .LBB2_32-.Ltmp25, $4  }
0x3e0: {  	[sflag:s20] =	ssyncset.done $0x0;
	p1 =	sgt.u32 s8, $0x8  }
0x3e1: {  	[sflag:s20] =	ssyncadd.s32 $0xFFFFE890;
	s7 =	sadd.s32 @!p1 $0x2EE0, s7;
	s9 =	simm.s32 @!p1 $0x0  }
0x3e2: {  	[tilespmem:s9], [sflag:$0x1] =	stream.linear.gather @!p1 [spmem:s7], $0x1770, $0x38;
	[tilespmem:$0x1F9D8] =	vst v63  }
0x3e3: {  	s7 =	smul.u32 $0x7D0, s8;
	s8 =	simm.s32 $0x0  }
.LBB2_35:
0x3e4: {  	s8 =	sadd.s32 $0x1, s8  }
0x3e5: {  	p1 =	sne.s32 s8, $0x7D  }
.Ltmp26:
0x3e6: {  	_ = 	snop;
	(pc) =	sbr.rel @!p1 .LBB2_36-.Ltmp26, $1  }
0x3e7: {  	_ =	sdelay $0x3  }
.LBB2_32:
0x3e8: {  	s9 =	sshll.u32 s8, $0x4  }
0x3e9: {  	v8 =	vmov s9  }
0x3ea: {  	v8 =	vmul.u32 $0x3, v8;
	_ =	sdelay $0x1  }
0x3eb: {  	v8 =	vbroadcast v8, $0x0;
	_ =	sdelay $0x1  }
0x3ec: {  	v9 =	vadd.s32 v1, v8  }
0x3ed: {  	v8 =	vadd.s32 v5, v8;
	v9 =	vand.u32 $0xFFFFFFF8, v9  }
0x3ee: {  	v8 =	vand.u32 $0xFFFFFFF8, v8;
	v9 =	vor.u32 v4, v9  }
0x3ef: {  	v8 =	vor.u32 v6, v8;
	_ =	sdelay $0x3  }
0x3f0: {  	v9 =	vld.idx.msk [tilespmem:v9+s21+$0x0], $0xffff  }
0x3f1: {  	v8 =	vld.idx.msk [tilespmem:v8+s21+$0x0], $0xffff;
	_ =	sdelay $0x4  }
0x3f2: {  	v8 =	vshll.u32 v8, $0x9;
	v9 =	vadd.s32 v2, v9  }
0x3f3: {  	v8 =	vadd.s32 v8, v9  }
0x3f4: {  	vm0 =	vlt.u32 v8, $0x4000  }
0x3f5: {  	v9 =	vsel vm0, $0x3F800000, v7  }
0x3f6: {  	(xrf0) =	vmax.scan.msk.f32 $0xffff, v9;
	_ =	sdelay $0x5  }
0x3f7: {  	v9, _, _ =	vpop (xrf0)  }
0x3f8: {  	(v2sf) =	vpush v9, $0xF;
	_ =	sdelay $0xe  }
0x3f9: {  	s12 =	spop (v2sf)  }
0x3fa: {  	p1 =	sgt.f32 s12, $0.0e+00  }
.Ltmp27:
0x3fb: {  	_ = 	snop;
	(pc) =	sbr.rel @!p1 .LBB2_35-.Ltmp27, $1  }
0x3fc: {  	_ =	sdelay $0x3  }
0x3fd: {  	vm1 =	vgt.s32 v8, $0x0  }
0x3fe: {  	v8 =	vnsel vm1, $0x0, v8  }
0x3ff: {  	v8 =	vmin.u32 v8, $0x3FFF;
	_ =	sdelay $0x2  }
0x400: {  	s9 =	sadd.s32 s7, s9  }
0x401: {  	v9 =	vor.u32 s9, v0  }
.LBB2_34:
0x402: {  	v10 =	vld.idx.msk [tilespmem:v8+s22+$0x0], $0xffff;
	_ =	sdelay $0x4  }
0x403: {  	vm1 =	vlt.s32 v10, v9  }
0x404: {  	vm2 =	vmand vm0, vm1  }
0x405: {  	v11 =	vsel vm2, $0x3F800000, v7  }
0x406: {  	(xrf0) =	vmax.scan.msk.f32 $0xffff, v11;
	_ =	sdelay $0x5  }
0x407: {  	v11, _, _ =	vpop (xrf0)  }
0x408: {  	(v2sf) =	vpush v11, $0xF;
	_ =	sdelay $0xe  }
0x409: {  	s9 =	spop (v2sf)  }
0x40a: {  	p1 =	sgt.f32 s9, $0.0e+00  }
.Ltmp28:
0x40b: {  	_ = 	snop;
	(pc) =	sbr.rel @p1 .LBB2_34-.Ltmp28, $3  }
0x40c: {  	_ =	sdelay $0x1  }
0x40d: {  	v10 =	vsel vm1, v9, v10  }
0x40e: {  	[tilespmem:v8+s22+$0x0] =	vst.idx.msk vm2, v10  }
.Ltmp29:
0x40f: {  	_ = 	snop;
	(pc) =	sbr.rel .LBB2_35-.Ltmp29, $1  }
0x410: {  	_ =	sdelay $0x3  }
.LBB2_37:
0x411: {  	s13 =	simm.s32 $0x2F60  }
0x412: {  	v8 =	vld [tilespmem:s13+$0x0]  }
0x413: {  	v9 =	vld [tilespmem:s13+$0x10];
	_ =	sdelay $0x1  }
0x414: {  	v10 =	vld [tilespmem:s13+$0xFFFFFF90]  }
0x415: {  	v11 =	vld [tilespmem:s13+$0xFFFFFF80];
	_ =	sdelay $0x1  }
0x416: {  	vm0 =	vlt.s32 v8, $0x0;
	vm1 =	vlt.s32 v9, $0x0  }
0x417: {  	v8 =	vsel vm0, $0x4E20, v8;
	v9 =	vsel vm1, $0x4E20, v9  }
0x418: {  	s6 =	simm.s32 $0x6F20;
	v8 =	vpack.i.b32.b16 v9, v8  }
0x419: {  	vm11 =	vlt.s32 v10, $0x0;
	vm12 =	vlt.s32 v11, $0x0;
	[tilespmem:s6+$0x0] =	vst v8  }
0x41a: {  	v9 =	vsel vm11, $0x4E20, v10;
	v10 =	vsel vm12, $0x4E20, v11;
	v8 =	vld [tilespmem:s13+$0x20]  }
0x41b: {  	v9 =	vpack.i.b32.b16 v9, v10;
	v11 =	vld [tilespmem:s13+$0x30]  }
0x41c: {  	[tilespmem:s6+$0xFFFFFFC0] =	vst v9  }
0x41d: {  	v9 =	vld [tilespmem:s13+$0xFFFFFFA0]  }
0x41e: {  	s8 =	simm.s32 $0x3060;
	v10 =	vld [tilespmem:s13+$0xFFFFFFB0]  }
0x41f: {  	v12 =	vld [tilespmem:s8+$0x0]  }
0x420: {  	v13 =	vld [tilespmem:s8+$0x10];
	vm13 =	vlt.s32 v8, $0x0;
	vm14 =	vlt.s32 v11, $0x0  }
0x421: {  	v14 =	vld [tilespmem:s8+$0xFFFFFF90];
	v8 =	vsel vm13, $0x4E20, v8;
	v11 =	vsel vm14, $0x4E20, v11  }
0x422: {  	v8 =	vpack.i.b32.b16 v11, v8;
	v11 =	vld [tilespmem:s8+$0xFFFFFF80]  }
0x423: {  	vm15 =	vlt.s32 v9, $0x0;
	vm4 =	vlt.s32 v10, $0x0;
	[tilespmem:s6+$0x10] =	vst v8  }
0x424: {  	v9 =	vsel vm15, $0x4E20, v9;
	v10 =	vsel vm4, $0x4E20, v10;
	v8 =	vld [tilespmem:s13+$0x40]  }
0x425: {  	vm5 =	vlt.s32 v12, $0x0;
	vm6 =	vlt.s32 v13, $0x0;
	v9 =	vpack.i.b32.b16 v10, v9;
	v15 =	vld [tilespmem:s13+$0x50]  }
0x426: {  	s9 =	simm.s32 $0x3160;
	v10 =	vsel vm6, $0x4E20, v13;
	[tilespmem:s6+$0xFFFFFFD0] =	vst v9;
	v9 =	vsel vm5, $0x4E20, v12  }
0x427: {  	s7 =	simm.s32 $0x6FA0;
	v16 =	vld [tilespmem:s9+$0x0];
	vm7 =	vlt.s32 v14, $0x0;
	v9 =	vpack.i.b32.b16 v10, v9;
	vm8 =	vlt.s32 v11, $0x0  }
0x428: {  	v13 =	vsel vm7, $0x4E20, v14;
	v12 =	vld [tilespmem:s13+$0xFFFFFFC0];
	[tilespmem:s7+$0x0] =	vst v9;
	v11 =	vsel vm8, $0x4E20, v11  }
0x429: {  	v9 =	vpack.i.b32.b16 v13, v11;
	v11 =	vld [tilespmem:s8+$0x20]  }
0x42a: {  	vm9 =	vlt.s32 v8, $0x0;
	vm10 =	vlt.s32 v15, $0x0;
	[tilespmem:s7+$0xFFFFFFC0] =	vst v9;
	v9 =	vld [tilespmem:s8+$0x30]  }
0x42b: {  	v8 =	vsel vm9, $0x4E20, v8;
	v13 =	vsel vm10, $0x4E20, v15;
	v14 =	vld [tilespmem:s8+$0xFFFFFFA0]  }
0x42c: {  	v8 =	vpack.i.b32.b16 v13, v8;
	v13 =	vld [tilespmem:s8+$0xFFFFFFB0]  }
0x42d: {  	v10 =	vld [tilespmem:s13+$0xFFFFFFD0]  }
0x42e: {  	v17 =	vld [tilespmem:s9+$0x10];
	[tilespmem:s6+$0x20] =	vst v8  }
0x42f: {  	v8 =	vld [tilespmem:s13+$0x60];
	vm11 =	vlt.s32 v11, $0x0;
	vm12 =	vlt.s32 v9, $0x0  }
0x430: {  	vm2 =	vlt.s32 v12, $0x0;
	v15 =	vld [tilespmem:s13+$0x70];
	v11 =	vsel vm11, $0x4E20, v11;
	v9 =	vsel vm12, $0x4E20, v9  }
0x431: {  	vm13 =	vlt.s32 v14, $0x0;
	vm14 =	vlt.s32 v13, $0x0;
	v9 =	vpack.i.b32.b16 v9, v11;
	v11 =	vld [tilespmem:s9+$0xFFFFFF90]  }
0x432: {  	vm15 =	vlt.s32 v10, $0x0;
	v14 =	vsel vm13, $0x4E20, v14;
	v13 =	vsel vm14, $0x4E20, v13;
	[tilespmem:s7+$0x10] =	vst v9;
	v9 =	vld [tilespmem:s9+$0xFFFFFF80]  }
0x433: {  	v12 =	vsel vm2, $0x4E20, v12;
	v10 =	vsel vm15, $0x4E20, v10;
	v13 =	vpack.i.b32.b16 v13, v14;
	v14 =	vld [tilespmem:s8+$0x40]  }
0x434: {  	vm6 =	vlt.s32 v17, $0x0;
	vm5 =	vlt.s32 v16, $0x0;
	v10 =	vpack.i.b32.b16 v10, v12;
	[tilespmem:s7+$0xFFFFFFD0] =	vst v13;
	v12 =	vld [tilespmem:s8+$0x50]  }
0x435: {  	[tilespmem:s6+$0xFFFFFFE0] =	vst v10;
	v10 =	vsel vm5, $0x4E20, v16;
	v16 =	vsel vm6, $0x4E20, v17;
	v13 =	vld [tilespmem:s8+$0xFFFFFFC0]  }
0x436: {  	v10 =	vpack.i.b32.b16 v16, v10;
	vm4 =	vlt.s32 v8, $0x0;
	v17 =	vld [tilespmem:s8+$0xFFFFFFD0]  }
0x437: {  	s12 =	simm.s32 $0x7020;
	v16 =	vld [tilespmem:s13+$0xFFFFFFE0];
	vm9 =	vlt.s32 v15, $0x0;
	vm7 =	vlt.s32 v11, $0x0;
	vm8 =	vlt.s32 v9, $0x0  }
0x438: {  	v18 =	vld [tilespmem:s13+$0xFFFFFFF0];
	[tilespmem:s12+$0x0] =	vst v10;
	v8 =	vsel vm4, $0x4E20, v8;
	v11 =	vsel vm7, $0x4E20, v11;
	v9 =	vsel vm8, $0x4E20, v9  }
0x439: {  	v10 =	vld [tilespmem:s9+$0x20];
	vm10 =	vlt.s32 v14, $0x0;
	vm11 =	vlt.s32 v12, $0x0;
	v9 =	vpack.i.b32.b16 v11, v9  }
0x43a: {  	v15 =	vsel vm9, $0x4E20, v15;
	v11 =	vld [tilespmem:s9+$0x30];
	v12 =	vsel vm11, $0x4E20, v12;
	[tilespmem:s12+$0xFFFFFFC0] =	vst v9;
	v9 =	vsel vm10, $0x4E20, v14  }
0x43b: {  	vm12 =	vlt.s32 v13, $0x0;
	vm13 =	vlt.s32 v17, $0x0;
	v9 =	vpack.i.b32.b16 v12, v9;
	v12 =	vld [tilespmem:s9+$0xFFFFFFA0]  }
0x43c: {  	v8 =	vpack.i.b32.b16 v15, v8;
	v14 =	vsel vm12, $0x4E20, v13;
	v13 =	vld [tilespmem:s9+$0xFFFFFFB0];
	[tilespmem:s7+$0x20] =	vst v9;
	v9 =	vsel vm13, $0x4E20, v17  }
0x43d: {  	vm14 =	vlt.s32 v16, $0x0;
	vm15 =	vlt.s32 v18, $0x0;
	[tilespmem:s6+$0x30] =	vst v8;
	v9 =	vpack.i.b32.b16 v9, v14;
	v8 =	vld [tilespmem:s8+$0x60]  }
0x43e: {  	s14 =	simm.s32 $0x3260;
	s13 =	simm.s32 $0x200;
	v15 =	vsel vm15, $0x4E20, v18;
	v14 =	vsel vm14, $0x4E20, v16;
	[tilespmem:s7+$0xFFFFFFE0] =	vst v9;
	v9 =	vld [tilespmem:s8+$0x70]  }
.LBB2_38:
0x43f: {  	v16 =	vld [tilespmem:s14+$0x0];
	vm0 =	vlt.s32 v10, $0x0;
	vm1 =	vlt.s32 v11, $0x0;
	v14 =	vpack.i.b32.b16 v15, v14  }
0x440: {  	v15 =	vld [tilespmem:s14+$0x10];
	vm2 =	vlt.s32 v12, $0x0;
	v10 =	vsel vm0, $0x4E20, v10;
	v11 =	vsel vm1, $0x4E20, v11;
	[tilespmem:s6+$0xFFFFFFF0] =	vst v14;
	s6 =	smov.u32 s7;
	s7 =	smov.u32 s12  }
0x441: {  	v14 =	vld [tilespmem:s14+$0xFFFFFF90];
	v12 =	vsel vm2, $0x4E20, v12;
	vm0 =	vlt.s32 v13, $0x0;
	v10 =	vpack.i.b32.b16 v11, v10  }
0x442: {  	v11 =	vld [tilespmem:s14+$0xFFFFFF80];
	v13 =	vsel vm0, $0x4E20, v13;
	[tilespmem:s12+$0x10] =	vst v10  }
0x443: {  	s13 =	sadd.s32 $0x100, s13;
	vm0 =	vlt.s32 v8, $0x0;
	v10 =	vpack.i.b32.b16 v13, v12;
	v12 =	vld [tilespmem:s9+$0x40];
	vm1 =	vlt.s32 v9, $0x0  }
0x444: {  	p1 =	slt.u32 s13, $0x3F00;
	v8 =	vsel vm0, $0x4E20, v8;
	[tilespmem:s12+$0xFFFFFFD0] =	vst v10;
	v13 =	vld [tilespmem:s9+$0x50];
	v9 =	vsel vm1, $0x4E20, v9  }
0x445: {  	vm0 =	vlt.s32 v16, $0x0;
	vm1 =	vlt.s32 v15, $0x0;
	v17 =	vld [tilespmem:s9+$0xFFFFFFC0];
	v8 =	vpack.i.b32.b16 v9, v8  }
0x446: {  	v9 =	vsel vm0, $0x4E20, v16;
	vm2 =	vlt.s32 v14, $0x0;
	v10 =	vsel vm1, $0x4E20, v15;
	v15 =	vld [tilespmem:s9+$0xFFFFFFD0];
	[tilespmem:s6+$0x30] =	vst v8  }
0x447: {  	s12 =	sadd.s32 $0x80, s12;
	vm0 =	vlt.s32 v11, $0x0;
	v8 =	vsel vm2, $0x4E20, v14;
	v9 =	vpack.i.b32.b16 v10, v9;
	v14 =	vld [tilespmem:s8+$0xFFFFFFE0]  }
0x448: {  	v10 =	vsel vm0, $0x4E20, v11;
	[tilespmem:s12+$0x0] =	vst v9;
	v16 =	vld [tilespmem:s8+$0xFFFFFFF0];
	s8 =	smov.u32 s9;
	s9 =	smov.u32 s14  }
0x449: {  	vm0 =	vlt.s32 v12, $0x0;
	v8 =	vpack.i.b32.b16 v8, v10;
	v10 =	vld [tilespmem:s14+$0x20];
	vm1 =	vlt.s32 v13, $0x0  }
.Ltmp30:
0x44a: {  	[tilespmem:s12+$0xFFFFFFC0] =	vst v8;
	v11 =	vld [tilespmem:s14+$0x30];
	vm2 =	vlt.s32 v17, $0x0;
	v8 =	vsel vm0, $0x4E20, v12;
	v9 =	vsel vm1, $0x4E20, v13;
	(pc) =	sbr.rel @p1 .LBB2_38-.Ltmp30, $4  }
0x44b: {  	v12 =	vld [tilespmem:s14+$0xFFFFFFA0];
	v17 =	vsel vm2, $0x4E20, v17;
	vm0 =	vlt.s32 v15, $0x0;
	v8 =	vpack.i.b32.b16 v9, v8  }
0x44c: {  	v13 =	vld [tilespmem:s14+$0xFFFFFFB0];
	v9 =	vsel vm0, $0x4E20, v15;
	[tilespmem:s7+$0x20] =	vst v8;
	vm0 =	vlt.s32 v14, $0x0  }
0x44d: {  	v9 =	vpack.i.b32.b16 v9, v17;
	v8 =	vld [tilespmem:s8+$0x60];
	v14 =	vsel vm0, $0x4E20, v14;
	vm0 =	vlt.s32 v16, $0x0  }
0x44e: {  	s14 =	sadd.s32 $0x100, s14;
	[tilespmem:s7+$0xFFFFFFE0] =	vst v9;
	v9 =	vld [tilespmem:s8+$0x70];
	v15 =	vsel vm0, $0x4E20, v16  }
0x44f: {  	vm0 =	vlt.s32 v10, $0x0;
	vm1 =	vlt.s32 v11, $0x0  }
0x450: {  	v10 =	vsel vm0, $0x4E20, v10;
	v11 =	vsel vm1, $0x4E20, v11  }
0x451: {  	vm14 =	vlt.s32 v12, $0x0;
	vm15 =	vlt.s32 v13, $0x0;
	v10 =	vpack.i.b32.b16 v11, v10  }
0x452: {  	v48 =	vsel vm14, $0x4E20, v12;
	v49 =	vsel vm15, $0x4E20, v13;
	[tilespmem:s12+$0x10] =	vst v10  }
0x453: {  	v50 =	vpack.i.b32.b16 v49, v48;
	v51 =	vld [tilespmem:s9+$0x40]  }
0x454: {  	v52 =	vld [tilespmem:s9+$0x50];
	[tilespmem:s12+$0xFFFFFFD0] =	vst v50  }
0x455: {  	v53 =	vld [tilespmem:s9+$0xFFFFFFC0]  }
0x456: {  	v54 =	vld [tilespmem:s9+$0xFFFFFFD0];
	_ =	sdelay $0x2  }
0x457: {  	vm4 =	vlt.s32 v51, $0x0;
	vm5 =	vlt.s32 v52, $0x0  }
0x458: {  	v11 =	vsel vm4, $0x4E20, v51;
	v10 =	vsel vm5, $0x4E20, v52  }
0x459: {  	v16 =	vld [tilespmem:s8+$0xFFFFFFE0];
	vm6 =	vlt.s32 v53, $0x0;
	vm7 =	vlt.s32 v54, $0x0;
	v10 =	vpack.i.b32.b16 v10, v11  }
0x45a: {  	v55 =	vld [tilespmem:s8+$0xFFFFFFF0];
	v12 =	vsel vm6, $0x4E20, v53;
	v13 =	vsel vm7, $0x4E20, v54;
	[tilespmem:s12+$0x20] =	vst v10  }
0x45b: {  	v56 =	vpack.i.b32.b16 v13, v12;
	v57 =	vld [tilespmem:s9+$0x60]  }
0x45c: {  	v58 =	vld [tilespmem:s9+$0x70];
	[tilespmem:s12+$0xFFFFFFE0] =	vst v56  }
0x45d: {  	v59 =	vld [tilespmem:s9+$0xFFFFFFE0]  }
0x45e: {  	vm8 =	vlt.s32 v8, $0x0;
	vm9 =	vlt.s32 v9, $0x0;
	v17 =	vld [tilespmem:s9+$0xFFFFFFF0]  }
0x45f: {  	v14 =	vpack.i.b32.b16 v15, v14;
	v8 =	vsel vm8, $0x4E20, v8;
	v9 =	vsel vm9, $0x4E20, v9  }
0x460: {  	vm10 =	vlt.s32 v16, $0x0;
	vm11 =	vlt.s32 v55, $0x0;
	v8 =	vpack.i.b32.b16 v9, v8  }
0x461: {  	v60 =	vsel vm10, $0x4E20, v16;
	v11 =	vsel vm11, $0x4E20, v55;
	vm12 =	vlt.s32 v57, $0x0  }
0x462: {  	[tilespmem:s6+$0xFFFFFFF0] =	vst v14;
	v9 =	vpack.i.b32.b16 v11, v60;
	vm13 =	vlt.s32 v58, $0x0;
	v61 =	vsel vm12, $0x4E20, v57  }
0x463: {  	[tilespmem:s7+$0x30] =	vst v8;
	v8 =	vsel vm13, $0x4E20, v58;
	vm14 =	vlt.s32 v59, $0x0;
	vm15 =	vlt.s32 v17, $0x0  }
0x464: {  	[tilespmem:s7+$0xFFFFFFF0] =	vst v9;
	v8 =	vpack.i.b32.b16 v8, v61;
	v62 =	vsel vm14, $0x4E20, v59;
	v63 =	vsel vm15, $0x4E20, v17  }
0x465: {  	[tilespmem:s12+$0x30] =	vst v8;
	v8 =	vpack.i.b32.b16 v63, v62  }
0x466: {  	s19 =	simm.s32 $0x6EE0;
	s24 =	simm.s32 $0x5;
	[tilespmem:s12+$0xFFFFFFF0] =	vst v8  }
0x467: {  	[spmem:s29] =	stream.linear.scatter [tilespmem:s19], [sflag:$0x5], $0x2000, $0x38;
	[tilespmem:$0x1F9D8] =	vst v63  }
0x468: {  	_ =	swait.ge [sflag:s24], $0x2000  }
0x469: {  	[sflag:s24] =	ssyncset.done $0x0  }
0x46a: {  	[sflag:s24] =	ssyncadd.s32 $0xFFFFE000  }
0x46b: {  	s25 =	simm.s32 $0x2;
	[bflag:$0x0] =	sbarrier.arrive $0xFFFF  }
0x46c: {  	_ =	swait.ge [sflag:s25], $0x4E28  }
0x46d: {  	[sflag:s25] =	ssyncset.done $0x0  }
0x46e: {  	[sflag:s25] =	ssyncadd.s32 $0xFFFFB1D8  }
0x46f: {  	_ =	swait.ge [sflag:s25], $0x4E28  }
0x470: {  	[sflag:s25] =	ssyncset.done $0x0  }
0x471: {  	s26 =	simm.s32 $0x12B30;
	s8 =	simm.s32 $0x0;
	[sflag:s25] =	ssyncadd.s32 $0xFFFFB1D8  }
0x472: {  	[tilespmem:s26], [sflag:$0x3] =	stream.linear.gather [spmem:s3], $0x1000, $0x38;
	[tilespmem:$0x1F9D8] =	vst v63  }
.LBB2_40:
0x473: {  	s12 =	sshll.u32 s8, $0xE  }
0x474: {  	_ =	swait.ge [sflag:s28], $0x1000;
	s6 =	sshrl.u32 s12, $0x1  }
0x475: {  	[sflag:s28] =	ssyncset.done $0x0;
	s6 =	sadd.s32 s6, s3  }
0x476: {  	s7 =	simm.s32 $0x13B30;
	[sflag:s28] =	ssyncadd.s32 $0xFFFFF000;
	s6 =	sadd.s32 $0x1000, s6  }
0x477: {  	[tilespmem:s7], [sflag:$0x3] =	stream.linear.gather [spmem:s6], $0x1000, $0x38;
	[tilespmem:$0x1F9D8] =	vst v63  }
0x478: {  	_ =	swait.ge [sflag:s23], $0x2000  }
0x479: {  	[sflag:s23] =	ssyncset.done $0x0  }
0x47a: {  	[sflag:s23] =	ssyncadd.s32 $0xFFFFE000  }
0x47b: {  	_ =	swait.ge [sflag:s23], $0x2000  }
0x47c: {  	[sflag:s23] =	ssyncset.done $0x0  }
0x47d: {  	s26 =	simm.s32 $0x12B70;
	[sflag:s23] =	ssyncadd.s32 $0xFFFFE000  }
0x47e: {  	v8 =	vld [tilespmem:s26+$0x0];
	_ =	sdelay $0x4  }
0x47f: {  	v9 =	vunpack.i.l.s16.s32 v8;
	_ =	sdelay $0x3  }
0x480: {  	v11 =	vld [tilespmem:s26+$0xFFFFFFC0]  }
0x481: {  	v10 =	vld.idx.msk [tilespmem:v9+s16+$0x0], $0xffff  }
0x482: {  	v8 =	vunpack.i.u.s16.s32 v8;
	_ =	sdelay $0x2  }
0x483: {  	s14 =	simm.s32 $0x16B30  }
0x484: {  	[tilespmem:s14+$0xFFFFE080] =	vst v10;
	v10 =	vunpack.i.l.s16.s32 v11  }
0x485: {  	v12 =	vld.idx.msk [tilespmem:v8+s16+$0x0], $0xffff;
	_ =	sdelay $0x3  }
0x486: {  	v13 =	vld.idx.msk [tilespmem:v10+s16+$0x0], $0xffff  }
0x487: {  	v11 =	vunpack.i.u.s16.s32 v11;
	[tilespmem:s14+$0xFFFFE090] =	vst v12  }
0x488: {  	v9 =	vld.idx.msk [tilespmem:v9+s17+$0x0], $0xffff;
	_ =	sdelay $0x2  }
0x489: {  	[tilespmem:s14+$0xFFFFE000] =	vst v13  }
0x48a: {  	v12 =	vld.idx.msk [tilespmem:v11+s16+$0x0], $0xffff  }
0x48b: {  	[tilespmem:s14+$0x80] =	vst v9  }
0x48c: {  	v8 =	vld.idx.msk [tilespmem:v8+s17+$0x0], $0xffff;
	_ =	sdelay $0x2  }
0x48d: {  	[tilespmem:s14+$0xFFFFE010] =	vst v12  }
0x48e: {  	s19 =	simm.s32 $0x12BF0;
	v9 =	vld.idx.msk [tilespmem:v10+s17+$0x0], $0xffff  }
0x48f: {  	v10 =	vld [tilespmem:s19+$0x0];
	[tilespmem:s14+$0x90] =	vst v8  }
0x490: {  	v8 =	vld [tilespmem:s26+$0x10];
	_ =	sdelay $0x3  }
0x491: {  	[tilespmem:s14+$0x0] =	vst v9;
	v12 =	vunpack.i.l.s16.s32 v10  }
0x492: {  	v9 =	vld.idx.msk [tilespmem:v11+s17+$0x0], $0xffff;
	v11 =	vunpack.i.l.s16.s32 v8;
	_ =	sdelay $0x2  }
0x493: {  	v13 =	vld [tilespmem:s19+$0xFFFFFFC0]  }
0x494: {  	v15 =	vld.idx.msk [tilespmem:v12+s16+$0x0], $0xffff  }
0x495: {  	[tilespmem:s14+$0x10] =	vst v9;
	v9 =	vld.idx.msk [tilespmem:v11+s16+$0x0], $0xffff  }
0x496: {  	v10 =	vunpack.i.u.s16.s32 v10;
	v14 =	vld [tilespmem:s26+$0xFFFFFFD0]  }
0x497: {  	v8 =	vunpack.i.u.s16.s32 v8;
	_ =	sdelay $0x1  }
0x498: {  	s13 =	simm.s32 $0x16C30;
	v16 =	vunpack.i.l.s16.s32 v13  }
0x499: {  	[tilespmem:s13+$0xFFFFE080] =	vst v15  }
0x49a: {  	v15 =	vld.idx.msk [tilespmem:v10+s16+$0x0], $0xffff;
	[tilespmem:s14+$0xFFFFE0A0] =	vst v9;
	v9 =	vunpack.i.l.s16.s32 v14  }
0x49b: {  	v17 =	vld.idx.msk [tilespmem:v8+s16+$0x0], $0xffff;
	_ =	sdelay $0x1  }
0x49c: {  	v18 =	vld.idx.msk [tilespmem:v16+s16+$0x0], $0xffff  }
0x49d: {  	v13 =	vunpack.i.u.s16.s32 v13  }
0x49e: {  	[tilespmem:s13+$0xFFFFE090] =	vst v15;
	v19 =	vld.idx.msk [tilespmem:v9+s16+$0x0], $0xffff  }
0x49f: {  	v14 =	vunpack.i.u.s16.s32 v14;
	v12 =	vld.idx.msk [tilespmem:v12+s17+$0x0], $0xffff;
	[tilespmem:s14+$0xFFFFE0B0] =	vst v17  }
0x4a0: {  	v11 =	vld.idx.msk [tilespmem:v11+s17+$0x0], $0xffff  }
0x4a1: {  	[tilespmem:s13+$0xFFFFE000] =	vst v18  }
0x4a2: {  	v15 =	vld.idx.msk [tilespmem:v13+s16+$0x0], $0xffff  }
0x4a3: {  	[tilespmem:s14+$0xFFFFE020] =	vst v19  }
0x4a4: {  	[tilespmem:s13+$0x80] =	vst v12;
	v17 =	vld.idx.msk [tilespmem:v14+s16+$0x0], $0xffff  }
0x4a5: {  	v10 =	vld.idx.msk [tilespmem:v10+s17+$0x0], $0xffff;
	[tilespmem:s14+$0xA0] =	vst v11  }
0x4a6: {  	v8 =	vld.idx.msk [tilespmem:v8+s17+$0x0], $0xffff  }
0x4a7: {  	[tilespmem:s13+$0xFFFFE010] =	vst v15  }
0x4a8: {  	v11 =	vld.idx.msk [tilespmem:v16+s17+$0x0], $0xffff  }
0x4a9: {  	[tilespmem:s14+$0xFFFFE030] =	vst v17  }
0x4aa: {  	[tilespmem:s13+$0x90] =	vst v10;
	v9 =	vld.idx.msk [tilespmem:v9+s17+$0x0], $0xffff  }
0x4ab: {  	v10 =	vld [tilespmem:s19+$0x10];
	[tilespmem:s14+$0xB0] =	vst v8  }
0x4ac: {  	v8 =	vld [tilespmem:s26+$0x20]  }
0x4ad: {  	[tilespmem:s13+$0x0] =	vst v11  }
0x4ae: {  	v11 =	vld.idx.msk [tilespmem:v13+s17+$0x0], $0xffff  }
0x4af: {  	s6 =	simm.s32 $0x12C70  }
0x4b0: {  	[tilespmem:s14+$0x20] =	vst v9;
	v9 =	vld [tilespmem:s6+$0x0];
	v15 =	vunpack.i.l.s16.s32 v10  }
0x4b1: {  	v12 =	vld.idx.msk [tilespmem:v14+s17+$0x0], $0xffff;
	v13 =	vunpack.i.l.s16.s32 v8  }
0x4b2: {  	v14 =	vld [tilespmem:s6+$0xFFFFFFC0]  }
0x4b3: {  	[tilespmem:s13+$0x10] =	vst v11  }
0x4b4: {  	v11 =	vld [tilespmem:s19+$0xFFFFFFD0]  }
0x4b5: {  	v16 =	vunpack.i.l.s16.s32 v9;
	v19 =	vld.idx.msk [tilespmem:v15+s16+$0x0], $0xffff  }
0x4b6: {  	[tilespmem:s14+$0x30] =	vst v12;
	v12 =	vld.idx.msk [tilespmem:v13+s16+$0x0], $0xffff  }
0x4b7: {  	v18 =	vunpack.i.l.s16.s32 v14;
	v17 =	vld [tilespmem:s26+$0xFFFFFFE0]  }
0x4b8: {  	v10 =	vunpack.i.u.s16.s32 v10  }
0x4b9: {  	v20 =	vunpack.i.l.s16.s32 v11  }
0x4ba: {  	v8 =	vunpack.i.u.s16.s32 v8;
	v21 =	vld.idx.msk [tilespmem:v16+s16+$0x0], $0xffff  }
0x4bb: {  	v9 =	vunpack.i.u.s16.s32 v9;
	[tilespmem:s13+$0xFFFFE0A0] =	vst v19  }
0x4bc: {  	v23 =	vld.idx.msk [tilespmem:v18+s16+$0x0], $0xffff;
	[tilespmem:s14+$0xFFFFE0C0] =	vst v12;
	v12 =	vunpack.i.l.s16.s32 v17  }
0x4bd: {  	v14 =	vunpack.i.u.s16.s32 v14;
	v19 =	vld.idx.msk [tilespmem:v10+s16+$0x0], $0xffff  }
0x4be: {  	s15 =	simm.s32 $0x16D30;
	v24 =	vld.idx.msk [tilespmem:v20+s16+$0x0], $0xffff  }
0x4bf: {  	v11 =	vunpack.i.u.s16.s32 v11;
	v22 =	vld.idx.msk [tilespmem:v8+s16+$0x0], $0xffff;
	[tilespmem:s15+$0xFFFFE080] =	vst v21  }
0x4c0: {  	v21 =	vld.idx.msk [tilespmem:v9+s16+$0x0], $0xffff  }
0x4c1: {  	[tilespmem:s15+$0xFFFFE000] =	vst v23;
	v25 =	vld.idx.msk [tilespmem:v12+s16+$0x0], $0xffff  }
0x4c2: {  	[tilespmem:s13+$0xFFFFE0B0] =	vst v19;
	v37 =	vld.idx.msk [tilespmem:v14+s16+$0x0], $0xffff  }
0x4c3: {  	v17 =	vunpack.i.u.s16.s32 v17;
	[tilespmem:s13+$0xFFFFE020] =	vst v24;
	v15 =	vld.idx.msk [tilespmem:v15+s17+$0x0], $0xffff  }
0x4c4: {  	[tilespmem:s14+$0xFFFFE0D0] =	vst v22;
	v19 =	vld.idx.msk [tilespmem:v11+s16+$0x0], $0xffff  }
0x4c5: {  	v13 =	vld.idx.msk [tilespmem:v13+s17+$0x0], $0xffff;
	[tilespmem:s15+$0xFFFFE090] =	vst v21  }
0x4c6: {  	[tilespmem:s14+$0xFFFFE040] =	vst v25  }
0x4c7: {  	v16 =	vld.idx.msk [tilespmem:v16+s17+$0x0], $0xffff;
	[tilespmem:s15+$0xFFFFE010] =	vst v37  }
0x4c8: {  	[tilespmem:s13+$0xA0] =	vst v15;
	v38 =	vld.idx.msk [tilespmem:v17+s16+$0x0], $0xffff  }
0x4c9: {  	[tilespmem:s13+$0xFFFFE030] =	vst v19;
	v10 =	vld.idx.msk [tilespmem:v10+s17+$0x0], $0xffff  }
0x4ca: {  	[tilespmem:s14+$0xC0] =	vst v13;
	v13 =	vld.idx.msk [tilespmem:v18+s17+$0x0], $0xffff  }
0x4cb: {  	v15 =	vld.idx.msk [tilespmem:v20+s17+$0x0], $0xffff  }
0x4cc: {  	s9 =	simm.s32 $0x12CF0;
	v8 =	vld.idx.msk [tilespmem:v8+s17+$0x0], $0xffff  }
0x4cd: {  	[tilespmem:s15+$0x80] =	vst v16;
	v16 =	vld [tilespmem:s9+$0xFFFFFFC0]  }
0x4ce: {  	[tilespmem:s14+$0xFFFFE050] =	vst v38;
	v9 =	vld.idx.msk [tilespmem:v9+s17+$0x0], $0xffff  }
0x4cf: {  	[tilespmem:s13+$0xB0] =	vst v10;
	v12 =	vld.idx.msk [tilespmem:v12+s17+$0x0], $0xffff  }
0x4d0: {  	[tilespmem:s15+$0x0] =	vst v13;
	v10 =	vld [tilespmem:s19+$0x20]  }
0x4d1: {  	[tilespmem:s14+$0xD0] =	vst v8;
	v13 =	vld.idx.msk [tilespmem:v14+s17+$0x0], $0xffff  }
0x4d2: {  	v8 =	vld [tilespmem:s26+$0x30]  }
0x4d3: {  	[tilespmem:s13+$0x20] =	vst v15;
	v14 =	vld [tilespmem:s9+$0x0]  }
0x4d4: {  	v11 =	vld.idx.msk [tilespmem:v11+s17+$0x0], $0xffff;
	[tilespmem:s15+$0x90] =	vst v9  }
0x4d5: {  	v9 =	vld [tilespmem:s6+$0x10];
	[tilespmem:s14+$0x40] =	vst v12  }
0x4d6: {  	v15 =	vld.idx.msk [tilespmem:v17+s17+$0x0], $0xffff;
	v17 =	vunpack.i.l.s16.s32 v10  }
0x4d7: {  	[tilespmem:s15+$0x10] =	vst v13;
	v12 =	vunpack.i.l.s16.s32 v8  }
0x4d8: {  	v19 =	vunpack.i.l.s16.s32 v14;
	v13 =	vld [tilespmem:s6+$0xFFFFFFD0]  }
0x4d9: {  	[tilespmem:s13+$0x30] =	vst v11  }
0x4da: {  	v39 =	vld [tilespmem:s19+$0xFFFFFFE0];
	v18 =	vunpack.i.l.s16.s32 v9  }
0x4db: {  	[tilespmem:s14+$0x50] =	vst v15;
	v15 =	vunpack.i.l.s16.s32 v16;
	v40 =	vld.idx.msk [tilespmem:v17+s16+$0x0], $0xffff  }
0x4dc: {  	v10 =	vunpack.i.u.s16.s32 v10;
	v11 =	vld.idx.msk [tilespmem:v12+s16+$0x0], $0xffff  }
0x4dd: {  	v44 =	vld.idx.msk [tilespmem:v19+s16+$0x0], $0xffff;
	v42 =	vunpack.i.l.s16.s32 v13  }
0x4de: {  	v8 =	vunpack.i.u.s16.s32 v8;
	v41 =	vld [tilespmem:s26+$0xFFFFFFF0]  }
0x4df: {  	v14 =	vunpack.i.u.s16.s32 v14;
	v43 =	vld.idx.msk [tilespmem:v18+s16+$0x0], $0xffff  }
0x4e0: {  	v9 =	vunpack.i.u.s16.s32 v9;
	v27 =	vld.idx.msk [tilespmem:v15+s16+$0x0], $0xffff;
	[tilespmem:s13+$0xFFFFE0C0] =	vst v40  }
0x4e1: {  	[tilespmem:s14+$0xFFFFE0E0] =	vst v11;
	v11 =	vunpack.i.l.s16.s32 v39;
	v21 =	vld.idx.msk [tilespmem:v10+s16+$0x0], $0xffff  }
0x4e2: {  	s7 =	simm.s32 $0x16E30;
	v16 =	vunpack.i.u.s16.s32 v16;
	v28 =	vld.idx.msk [tilespmem:v42+s16+$0x0], $0xffff  }
0x4e3: {  	[tilespmem:s7+$0xFFFFE080] =	vst v44;
	v26 =	vld.idx.msk [tilespmem:v8+s16+$0x0], $0xffff  }
0x4e4: {  	v29 =	vld.idx.msk [tilespmem:v14+s16+$0x0], $0xffff;
	[tilespmem:s15+$0xFFFFE0A0] =	vst v43  }
0x4e5: {  	v13 =	vunpack.i.u.s16.s32 v13;
	v24 =	vld.idx.msk [tilespmem:v9+s16+$0x0], $0xffff  }
0x4e6: {  	[tilespmem:s7+$0xFFFFE000] =	vst v27;
	v45 =	vld.idx.msk [tilespmem:v11+s16+$0x0], $0xffff  }
0x4e7: {  	v46 =	vld.idx.msk [tilespmem:v16+s16+$0x0], $0xffff;
	[tilespmem:s13+$0xFFFFE0D0] =	vst v21  }
0x4e8: {  	v20 =	vunpack.i.u.s16.s32 v39;
	[tilespmem:s14+$0xFFFFE0F0] =	vst v26;
	v17 =	vld.idx.msk [tilespmem:v17+s17+$0x0], $0xffff  }
0x4e9: {  	[tilespmem:s15+$0xFFFFE020] =	vst v28;
	v12 =	vld.idx.msk [tilespmem:v12+s17+$0x0], $0xffff  }
0x4ea: {  	[tilespmem:s7+$0xFFFFE090] =	vst v29;
	v47 =	vld.idx.msk [tilespmem:v13+s16+$0x0], $0xffff  }
0x4eb: {  	v19 =	vld.idx.msk [tilespmem:v19+s17+$0x0], $0xffff;
	[tilespmem:s15+$0xFFFFE0B0] =	vst v24  }
0x4ec: {  	v18 =	vld.idx.msk [tilespmem:v18+s17+$0x0], $0xffff;
	[tilespmem:s13+$0xFFFFE040] =	vst v45  }
0x4ed: {  	v48 =	vld.idx.msk [tilespmem:v20+s16+$0x0], $0xffff;
	[tilespmem:s13+$0xC0] =	vst v17  }
0x4ee: {  	[tilespmem:s14+$0xE0] =	vst v12;
	v10 =	vld.idx.msk [tilespmem:v10+s17+$0x0], $0xffff  }
0x4ef: {  	[tilespmem:s7+$0xFFFFE010] =	vst v46;
	v12 =	vld.idx.msk [tilespmem:v8+s17+$0x0], $0xffff  }
0x4f0: {  	[tilespmem:s15+$0xFFFFE030] =	vst v47;
	v8 =	vld.idx.msk [tilespmem:v15+s17+$0x0], $0xffff;
	v15 =	vunpack.i.l.s16.s32 v41  }
0x4f1: {  	[tilespmem:s7+$0x80] =	vst v19;
	v17 =	vld.idx.msk [tilespmem:v42+s17+$0x0], $0xffff  }
0x4f2: {  	v14 =	vld.idx.msk [tilespmem:v14+s17+$0x0], $0xffff;
	[tilespmem:s15+$0xA0] =	vst v18  }
0x4f3: {  	v9 =	vld.idx.msk [tilespmem:v9+s17+$0x0], $0xffff;
	[tilespmem:s13+$0xFFFFE050] =	vst v48  }
0x4f4: {  	v11 =	vld.idx.msk [tilespmem:v11+s17+$0x0], $0xffff  }
0x4f5: {  	[tilespmem:s13+$0xD0] =	vst v10;
	v18 =	vld.idx.msk [tilespmem:v15+s16+$0x0], $0xffff  }
0x4f6: {  	[tilespmem:s15+$0x20] =	vst v17;
	v10 =	vld [tilespmem:s19+$0x30]  }
0x4f7: {  	[tilespmem:s7+$0x90] =	vst v14;
	v13 =	vld.idx.msk [tilespmem:v13+s17+$0x0], $0xffff  }
0x4f8: {  	[tilespmem:s7+$0x0] =	vst v8;
	v8 =	vunpack.i.u.s16.s32 v41;
	v14 =	vld [tilespmem:s9+$0x10]  }
0x4f9: {  	v16 =	vld.idx.msk [tilespmem:v16+s17+$0x0], $0xffff;
	[tilespmem:s15+$0xB0] =	vst v9  }
0x4fa: {  	v9 =	vld [tilespmem:s6+$0x20];
	[tilespmem:s13+$0x40] =	vst v11  }
0x4fb: {  	s18 =	simm.s32 $0x12D70;
	v11 =	vld.idx.msk [tilespmem:v20+s17+$0x0], $0xffff  }
0x4fc: {  	[tilespmem:s14+$0xFFFFE060] =	vst v18;
	v17 =	vunpack.i.l.s16.s32 v10;
	v18 =	vld [tilespmem:s18+$0x0]  }
0x4fd: {  	v50 =	vunpack.i.l.s16.s32 v14;
	v19 =	vld.idx.msk [tilespmem:v8+s16+$0x0], $0xffff  }
0x4fe: {  	[tilespmem:s7+$0x10] =	vst v16;
	v16 =	vld [tilespmem:s18+$0xFFFFFFC0]  }
0x4ff: {  	[tilespmem:s15+$0x30] =	vst v13;
	v13 =	vld [tilespmem:s9+$0xFFFFFFD0]  }
0x500: {  	v51 =	vld [tilespmem:s6+$0xFFFFFFE0];
	v49 =	vunpack.i.l.s16.s32 v9  }
0x501: {  	[tilespmem:s13+$0x50] =	vst v11;
	v11 =	vld.idx.msk [tilespmem:v17+s16+$0x0], $0xffff;
	v52 =	vunpack.i.l.s16.s32 v18  }
0x502: {  	v10 =	vunpack.i.u.s16.s32 v10;
	v55 =	vld.idx.msk [tilespmem:v50+s16+$0x0], $0xffff  }
0x503: {  	v24 =	vld [tilespmem:s19+$0xFFFFFFF0];
	[tilespmem:s14+$0xFFFFE070] =	vst v19;
	v19 =	vunpack.i.l.s16.s32 v16  }
0x504: {  	v15 =	vld.idx.msk [tilespmem:v15+s17+$0x0], $0xffff;
	v54 =	vunpack.i.l.s16.s32 v13  }
0x505: {  	v14 =	vunpack.i.u.s16.s32 v14;
	v53 =	vld.idx.msk [tilespmem:v49+s16+$0x0], $0xffff  }
0x506: {  	v9 =	vunpack.i.u.s16.s32 v9;
	v56 =	vld.idx.msk [tilespmem:v52+s16+$0x0], $0xffff;
	[tilespmem:s13+$0xFFFFE0E0] =	vst v11  }
0x507: {  	v11 =	vunpack.i.l.s16.s32 v51;
	v57 =	vld.idx.msk [tilespmem:v10+s16+$0x0], $0xffff  }
0x508: {  	v18 =	vunpack.i.u.s16.s32 v18;
	[tilespmem:s7+$0xFFFFE0A0] =	vst v55;
	v30 =	vld.idx.msk [tilespmem:v19+s16+$0x0], $0xffff  }
0x509: {  	v58 =	vld.idx.msk [tilespmem:v54+s16+$0x0], $0xffff;
	[tilespmem:s14+$0x60] =	vst v15  }
0x50a: {  	v16 =	vunpack.i.u.s16.s32 v16;
	v15 =	vld.idx.msk [tilespmem:v14+s16+$0x0], $0xffff;
	[tilespmem:s15+$0xFFFFE0C0] =	vst v53  }
0x50b: {  	s24 =	simm.s32 $0x16F30;
	[tilespmem:s14+$0xF0] =	vst v12;
	v13 =	vunpack.i.u.s16.s32 v13;
	v12 =	vld.idx.msk [tilespmem:v9+s16+$0x0], $0xffff  }
0x50c: {  	[tilespmem:s24+$0xFFFFE080] =	vst v56;
	v59 =	vld.idx.msk [tilespmem:v11+s16+$0x0], $0xffff  }
0x50d: {  	v28 =	vld.idx.msk [tilespmem:v18+s16+$0x0], $0xffff;
	[tilespmem:s13+$0xFFFFE0F0] =	vst v57  }
0x50e: {  	v22 =	vunpack.i.u.s16.s32 v51;
	[tilespmem:s24+$0xFFFFE000] =	vst v30;
	v17 =	vld.idx.msk [tilespmem:v17+s17+$0x0], $0xffff  }
0x50f: {  	v60 =	vld.idx.msk [tilespmem:v16+s16+$0x0], $0xffff;
	[tilespmem:s7+$0xFFFFE020] =	vst v58  }
0x510: {  	[tilespmem:s7+$0xFFFFE0B0] =	vst v15;
	v61 =	vld.idx.msk [tilespmem:v13+s16+$0x0], $0xffff  }
0x511: {  	v15 =	vld.idx.msk [tilespmem:v50+s17+$0x0], $0xffff;
	[tilespmem:s15+$0xFFFFE0D0] =	vst v12  }
0x512: {  	[tilespmem:s15+$0xFFFFE040] =	vst v59;
	v12 =	vld.idx.msk [tilespmem:v49+s17+$0x0], $0xffff  }
0x513: {  	[tilespmem:s24+$0xFFFFE090] =	vst v28;
	v62 =	vld.idx.msk [tilespmem:v22+s16+$0x0], $0xffff  }
0x514: {  	v23 =	vld.idx.msk [tilespmem:v52+s17+$0x0], $0xffff;
	[tilespmem:s13+$0xE0] =	vst v17  }
0x515: {  	[tilespmem:s24+$0xFFFFE010] =	vst v60;
	v17 =	vld.idx.msk [tilespmem:v10+s17+$0x0], $0xffff  }
0x516: {  	v19 =	vld.idx.msk [tilespmem:v19+s17+$0x0], $0xffff;
	[tilespmem:s7+$0xA0] =	vst v15  }
0x517: {  	v10 =	vunpack.i.l.s16.s32 v24;
	v14 =	vld.idx.msk [tilespmem:v14+s17+$0x0], $0xffff;
	[tilespmem:s15+$0xC0] =	vst v12  }
0x518: {  	[tilespmem:s7+$0xFFFFE030] =	vst v61;
	v9 =	vld.idx.msk [tilespmem:v9+s17+$0x0], $0xffff  }
0x519: {  	v12 =	vld.idx.msk [tilespmem:v54+s17+$0x0], $0xffff;
	[tilespmem:s15+$0xFFFFE050] =	vst v62  }
0x51a: {  	[tilespmem:s24+$0x80] =	vst v23;
	v11 =	vld.idx.msk [tilespmem:v11+s17+$0x0], $0xffff  }
0x51b: {  	v18 =	vld.idx.msk [tilespmem:v18+s17+$0x0], $0xffff;
	[tilespmem:s24+$0x0] =	vst v19  }
0x51c: {  	v19 =	vld.idx.msk [tilespmem:v10+s16+$0x0], $0xffff;
	[tilespmem:s7+$0xB0] =	vst v14  }
0x51d: {  	v63 =	vld.idx.msk [tilespmem:v16+s17+$0x0], $0xffff;
	[tilespmem:s15+$0xD0] =	vst v9  }
0x51e: {  	[tilespmem:s7+$0x20] =	vst v12;
	v9 =	vunpack.i.u.s16.s32 v24;
	v12 =	vld [tilespmem:s6+$0x30]  }
0x51f: {  	[tilespmem:s13+$0xF0] =	vst v17;
	v15 =	vld [tilespmem:s9+$0x20]  }
0x520: {  	v17 =	vld.idx.msk [tilespmem:v13+s17+$0x0], $0xffff;
	[tilespmem:s15+$0x40] =	vst v11  }
0x521: {  	[tilespmem:s24+$0x90] =	vst v18;
	v14 =	vld.idx.msk [tilespmem:v22+s17+$0x0], $0xffff  }
0x522: {  	[tilespmem:s13+$0xFFFFE060] =	vst v19;
	v16 =	vld [tilespmem:s18+$0x10]  }
0x523: {  	s25 =	simm.s32 $0x400;
	s26 =	simm.s32 $0x12DF0;
	s19 =	simm.s32 $0x16F30;
	[tilespmem:s24+$0x10] =	vst v63;
	v13 =	vld.idx.msk [tilespmem:v9+s16+$0x0], $0xffff;
	v11 =	vunpack.i.l.s16.s32 v12  }
.LBB2_41:
0x524: {  	v18 =	vld [tilespmem:s26+$0x0];
	s25 =	sadd.s32 $0x100, s25  }
0x525: {  	v19 =	vld [tilespmem:s26+$0xFFFFFFC0];
	p1 =	slt.u32 s25, $0x1F00;
	[tilespmem:s7+$0x30] =	vst v17;
	v17 =	vunpack.i.l.s16.s32 v15  }
0x526: {  	v20 =	vld [tilespmem:s18+$0xFFFFFFD0]  }
0x527: {  	v21 =	vunpack.i.l.s16.s32 v16;
	v22 =	vld [tilespmem:s9+$0xFFFFFFE0];
	[tilespmem:s15+$0x50] =	vst v14  }
0x528: {  	v14 =	vld.idx.msk [tilespmem:v11+s16+$0x0], $0xffff  }
0x529: {  	v23 =	vunpack.i.l.s16.s32 v18;
	v24 =	vld [tilespmem:s6+$0xFFFFFFF0];
	[tilespmem:s13+$0xFFFFE070] =	vst v13;
	s6 =	smov.u32 s9;
	s9 =	smov.u32 s18;
	s18 =	smov.u32 s26  }
0x52a: {  	v12 =	vunpack.i.u.s16.s32 v12;
	v13 =	vunpack.i.u.s16.s32 v19;
	v19 =	vunpack.i.l.s16.s32 v19;
	v25 =	vld.idx.msk [tilespmem:v17+s16+$0x0], $0xffff  }
0x52b: {  	v26 =	vunpack.i.u.s16.s32 v20;
	v20 =	vunpack.i.l.s16.s32 v20;
	v27 =	vld.idx.msk [tilespmem:v10+s17+$0x0], $0xffff  }
0x52c: {  	v15 =	vunpack.i.u.s16.s32 v15;
	v28 =	vld.idx.msk [tilespmem:v21+s16+$0x0], $0xffff;
	v29 =	vunpack.i.u.s16.s32 v22;
	v22 =	vunpack.i.l.s16.s32 v22  }
0x52d: {  	v30 =	vld.idx.msk [tilespmem:v8+s17+$0x0], $0xffff;
	v8 =	vmov v9  }
0x52e: {  	v16 =	vunpack.i.u.s16.s32 v16;
	v31 =	vld.idx.msk [tilespmem:v23+s16+$0x0], $0xffff;
	v9 =	vunpack.i.u.s16.s32 v24;
	v10 =	vunpack.i.l.s16.s32 v24;
	[tilespmem:s15+$0xFFFFE0E0] =	vst v14  }
0x52f: {  	v14 =	vld.idx.msk [tilespmem:v12+s16+$0x0], $0xffff  }
0x530: {  	v18 =	vunpack.i.u.s16.s32 v18;
	v24 =	vld.idx.msk [tilespmem:v19+s16+$0x0], $0xffff;
	[tilespmem:s7+$0xFFFFE0C0] =	vst v25  }
0x531: {  	v25 =	vld.idx.msk [tilespmem:v15+s16+$0x0], $0xffff;
	[tilespmem:s13+$0x60] =	vst v27  }
0x532: {  	v27 =	vld.idx.msk [tilespmem:v20+s16+$0x0], $0xffff;
	[tilespmem:s24+$0xFFFFE0A0] =	vst v28  }
0x533: {  	s24 =	sadd.s32 $0x100, s24;
	v28 =	vld.idx.msk [tilespmem:v16+s16+$0x0], $0xffff;
	[tilespmem:s14+$0x70] =	vst v30;
	s14 =	smov.u32 s13;
	s13 =	smov.u32 s15  }
0x534: {  	s15 =	smov.u32 s7;
	s7 =	smov.u32 s19;
	s19 =	smov.u32 s24;
	[tilespmem:s24+$0xFFFFE080] =	vst v31;
	v30 =	vld.idx.msk [tilespmem:v22+s16+$0x0], $0xffff  }
0x535: {  	v31 =	vld.idx.msk [tilespmem:v18+s16+$0x0], $0xffff;
	[tilespmem:s13+$0xFFFFE0F0] =	vst v14  }
0x536: {  	[tilespmem:s24+$0xFFFFE000] =	vst v24;
	v11 =	vld.idx.msk [tilespmem:v11+s17+$0x0], $0xffff  }
0x537: {  	v14 =	vld.idx.msk [tilespmem:v13+s16+$0x0], $0xffff;
	[tilespmem:s15+$0xFFFFE0D0] =	vst v25  }
0x538: {  	[tilespmem:s7+$0xFFFFE020] =	vst v27;
	v17 =	vld.idx.msk [tilespmem:v17+s17+$0x0], $0xffff  }
0x539: {  	v24 =	vld.idx.msk [tilespmem:v26+s16+$0x0], $0xffff;
	[tilespmem:s7+$0xFFFFE0B0] =	vst v28  }
0x53a: {  	v21 =	vld.idx.msk [tilespmem:v21+s17+$0x0], $0xffff;
	[tilespmem:s15+$0xFFFFE040] =	vst v30  }
0x53b: {  	[tilespmem:s24+$0xFFFFE090] =	vst v31;
	v25 =	vld.idx.msk [tilespmem:v29+s16+$0x0], $0xffff  }
0x53c: {  	v23 =	vld.idx.msk [tilespmem:v23+s17+$0x0], $0xffff;
	[tilespmem:s13+$0xE0] =	vst v11  }
0x53d: {  	[tilespmem:s24+$0xFFFFE010] =	vst v14;
	v11 =	vld.idx.msk [tilespmem:v12+s17+$0x0], $0xffff  }
0x53e: {  	v12 =	vld.idx.msk [tilespmem:v19+s17+$0x0], $0xffff;
	[tilespmem:s15+$0xC0] =	vst v17  }
0x53f: {  	[tilespmem:s7+$0xFFFFE030] =	vst v24;
	v14 =	vld.idx.msk [tilespmem:v15+s17+$0x0], $0xffff  }
0x540: {  	v15 =	vld.idx.msk [tilespmem:v20+s17+$0x0], $0xffff;
	[tilespmem:s7+$0xA0] =	vst v21  }
0x541: {  	v16 =	vld.idx.msk [tilespmem:v16+s17+$0x0], $0xffff;
	[tilespmem:s15+$0xFFFFE050] =	vst v25  }
0x542: {  	[tilespmem:s24+$0x80] =	vst v23;
	v19 =	vld.idx.msk [tilespmem:v22+s17+$0x0], $0xffff  }
0x543: {  	v18 =	vld.idx.msk [tilespmem:v18+s17+$0x0], $0xffff;
	[tilespmem:s13+$0xF0] =	vst v11  }
0x544: {  	[tilespmem:s24+$0x0] =	vst v12;
	v11 =	vld.idx.msk [tilespmem:v10+s16+$0x0], $0xffff  }
0x545: {  	v13 =	vld.idx.msk [tilespmem:v13+s17+$0x0], $0xffff;
	[tilespmem:s15+$0xD0] =	vst v14  }
0x546: {  	[tilespmem:s7+$0x20] =	vst v15;
	v12 =	vld [tilespmem:s6+$0x30]  }
.Ltmp31:
0x547: {  	v17 =	vld.idx.msk [tilespmem:v26+s17+$0x0], $0xffff;
	[tilespmem:s7+$0xB0] =	vst v16;
	(pc) =	sbr.rel @p1 .LBB2_41-.Ltmp31, $4  }
0x548: {  	v15 =	vld [tilespmem:s9+$0x20];
	[tilespmem:s15+$0x40] =	vst v19  }
0x549: {  	[tilespmem:s24+$0x90] =	vst v18;
	v14 =	vld.idx.msk [tilespmem:v29+s17+$0x0], $0xffff  }
0x54a: {  	v16 =	vld [tilespmem:s26+$0x10];
	[tilespmem:s13+$0xFFFFE060] =	vst v11  }
0x54b: {  	s26 =	sadd.s32 $0x80, s26;
	[tilespmem:s24+$0x10] =	vst v13;
	v11 =	vunpack.i.l.s16.s32 v12;
	v13 =	vld.idx.msk [tilespmem:v9+s16+$0x0], $0xffff  }
0x54c: {  	v18 =	vld [tilespmem:s18+$0xFFFFFFD0];
	_ =	sdelay $0x3  }
0x54d: {  	v19 =	vunpack.i.l.s16.s32 v16  }
0x54e: {  	v20 =	vunpack.i.l.s16.s32 v18;
	_ =	sdelay $0x3  }
0x54f: {  	v21 =	vld.idx.msk [tilespmem:v19+s16+$0x0], $0xffff  }
0x550: {  	v16 =	vunpack.i.u.s16.s32 v16;
	v22 =	vld.idx.msk [tilespmem:v20+s16+$0x0], $0xffff  }
0x551: {  	v18 =	vunpack.i.u.s16.s32 v18;
	_ =	sdelay $0x2  }
0x552: {  	[tilespmem:s24+$0xFFFFE0A0] =	vst v21  }
0x553: {  	v21 =	vld.idx.msk [tilespmem:v16+s16+$0x0], $0xffff;
	[tilespmem:s19+$0xFFFFE020] =	vst v22  }
0x554: {  	v22 =	vld.idx.msk [tilespmem:v18+s16+$0x0], $0xffff;
	_ =	sdelay $0x3  }
0x555: {  	[tilespmem:s19+$0xFFFFE0B0] =	vst v21  }
0x556: {  	v19 =	vld.idx.msk [tilespmem:v19+s17+$0x0], $0xffff;
	[tilespmem:s19+$0xFFFFE030] =	vst v22  }
0x557: {  	v20 =	vld.idx.msk [tilespmem:v20+s17+$0x0], $0xffff;
	_ =	sdelay $0x3  }
0x558: {  	[tilespmem:s19+$0xA0] =	vst v19  }
0x559: {  	v16 =	vld.idx.msk [tilespmem:v16+s17+$0x0], $0xffff;
	[tilespmem:s19+$0x20] =	vst v20  }
0x55a: {  	[tilespmem:s7+$0x30] =	vst v17;
	v18 =	vld.idx.msk [tilespmem:v18+s17+$0x0], $0xffff  }
0x55b: {  	v17 =	vld [tilespmem:s9+$0xFFFFFFE0];
	_ =	sdelay $0x2  }
0x55c: {  	[tilespmem:s19+$0xB0] =	vst v16  }
0x55d: {  	v16 =	vld [tilespmem:s18+$0x20];
	[tilespmem:s19+$0x30] =	vst v18  }
0x55e: {  	v57 =	vunpack.i.l.s16.s32 v17;
	v18 =	vld [tilespmem:s18+$0xFFFFFFE0];
	_ =	sdelay $0x1  }
0x55f: {  	v19 =	vunpack.i.l.s16.s32 v15;
	_ =	sdelay $0x1  }
0x560: {  	v56 =	vunpack.i.l.s16.s32 v16  }
0x561: {  	v25 =	vld.idx.msk [tilespmem:v57+s16+$0x0], $0xffff;
	v58 =	vunpack.i.l.s16.s32 v18  }
0x562: {  	v17 =	vunpack.i.u.s16.s32 v17  }
0x563: {  	v23 =	vld.idx.msk [tilespmem:v19+s16+$0x0], $0xffff  }
0x564: {  	v15 =	vunpack.i.u.s16.s32 v15  }
0x565: {  	v24 =	vld.idx.msk [tilespmem:v56+s16+$0x0], $0xffff  }
0x566: {  	[tilespmem:s7+$0xFFFFE040] =	vst v25;
	v16 =	vunpack.i.u.s16.s32 v16;
	v26 =	vld.idx.msk [tilespmem:v58+s16+$0x0], $0xffff  }
0x567: {  	v25 =	vld.idx.msk [tilespmem:v17+s16+$0x0], $0xffff;
	v18 =	vunpack.i.u.s16.s32 v18  }
0x568: {  	[tilespmem:s7+$0xFFFFE0C0] =	vst v23  }
0x569: {  	v23 =	vld.idx.msk [tilespmem:v15+s16+$0x0], $0xffff  }
0x56a: {  	[tilespmem:s19+$0xFFFFE0C0] =	vst v24  }
0x56b: {  	v24 =	vld.idx.msk [tilespmem:v16+s16+$0x0], $0xffff;
	[tilespmem:s19+$0xFFFFE040] =	vst v26  }
0x56c: {  	[tilespmem:s7+$0xFFFFE050] =	vst v25;
	v26 =	vld.idx.msk [tilespmem:v18+s16+$0x0], $0xffff  }
0x56d: {  	v21 =	vld.idx.msk [tilespmem:v57+s17+$0x0], $0xffff  }
0x56e: {  	[tilespmem:s7+$0xFFFFE0D0] =	vst v23  }
0x56f: {  	v19 =	vld.idx.msk [tilespmem:v19+s17+$0x0], $0xffff  }
0x570: {  	[tilespmem:s19+$0xFFFFE0D0] =	vst v24  }
0x571: {  	v20 =	vld.idx.msk [tilespmem:v56+s17+$0x0], $0xffff;
	[tilespmem:s19+$0xFFFFE050] =	vst v26  }
0x572: {  	[tilespmem:s7+$0x40] =	vst v21;
	v22 =	vld.idx.msk [tilespmem:v58+s17+$0x0], $0xffff  }
0x573: {  	v17 =	vld.idx.msk [tilespmem:v17+s17+$0x0], $0xffff  }
0x574: {  	[tilespmem:s7+$0xC0] =	vst v19  }
0x575: {  	v15 =	vld.idx.msk [tilespmem:v15+s17+$0x0], $0xffff  }
0x576: {  	[tilespmem:s19+$0xC0] =	vst v20  }
0x577: {  	v16 =	vld.idx.msk [tilespmem:v16+s17+$0x0], $0xffff;
	[tilespmem:s19+$0x40] =	vst v22  }
0x578: {  	[tilespmem:s7+$0x50] =	vst v17;
	v18 =	vld.idx.msk [tilespmem:v18+s17+$0x0], $0xffff  }
0x579: {  	[tilespmem:s15+$0x50] =	vst v14;
	v17 =	vld [tilespmem:s9+$0xFFFFFFF0]  }
0x57a: {  	[tilespmem:s7+$0xD0] =	vst v15;
	v15 =	vld [tilespmem:s6+$0xFFFFFFF0]  }
0x57b: {  	v14 =	vld [tilespmem:s9+$0x30]  }
0x57c: {  	v19 =	vld.idx.msk [tilespmem:v11+s16+$0x0], $0xffff;
	[tilespmem:s19+$0xD0] =	vst v16  }
0x57d: {  	v16 =	vld [tilespmem:s18+$0x30];
	[tilespmem:s19+$0x50] =	vst v18  }
0x57e: {  	v12 =	vunpack.i.u.s16.s32 v12;
	v18 =	vld [tilespmem:s18+$0xFFFFFFF0]  }
0x57f: {  	[tilespmem:s13+$0xFFFFE070] =	vst v13;
	v13 =	vunpack.i.l.s16.s32 v15  }
0x580: {  	v59 =	vunpack.i.l.s16.s32 v14  }
0x581: {  	v8 =	vld.idx.msk [tilespmem:v8+s17+$0x0], $0xffff;
	[tilespmem:s15+$0xFFFFE0E0] =	vst v19;
	v19 =	vunpack.i.l.s16.s32 v17  }
0x582: {  	v10 =	vld.idx.msk [tilespmem:v10+s17+$0x0], $0xffff;
	v60 =	vunpack.i.l.s16.s32 v16  }
0x583: {  	v61 =	vld.idx.msk [tilespmem:v12+s16+$0x0], $0xffff;
	v62 =	vunpack.i.l.s16.s32 v18  }
0x584: {  	v28 =	vld.idx.msk [tilespmem:v13+s16+$0x0], $0xffff  }
0x585: {  	v15 =	vunpack.i.u.s16.s32 v15;
	v63 =	vld.idx.msk [tilespmem:v59+s16+$0x0], $0xffff  }
0x586: {  	[tilespmem:s14+$0x70] =	vst v8;
	v8 =	vld.idx.msk [tilespmem:v19+s16+$0x0], $0xffff;
	v14 =	vunpack.i.u.s16.s32 v14  }
0x587: {  	[tilespmem:s13+$0x60] =	vst v10;
	v17 =	vunpack.i.u.s16.s32 v17;
	v10 =	vld.idx.msk [tilespmem:v60+s16+$0x0], $0xffff  }
0x588: {  	[tilespmem:s15+$0xFFFFE0F0] =	vst v61;
	v16 =	vunpack.i.u.s16.s32 v16;
	v29 =	vld.idx.msk [tilespmem:v62+s16+$0x0], $0xffff  }
0x589: {  	v11 =	vld.idx.msk [tilespmem:v11+s17+$0x0], $0xffff;
	[tilespmem:s15+$0xFFFFE060] =	vst v28;
	v18 =	vunpack.i.u.s16.s32 v18  }
0x58a: {  	[tilespmem:s7+$0xFFFFE0E0] =	vst v63;
	v25 =	vld.idx.msk [tilespmem:v15+s16+$0x0], $0xffff  }
0x58b: {  	[tilespmem:s7+$0xFFFFE060] =	vst v8;
	v24 =	vld.idx.msk [tilespmem:v14+s16+$0x0], $0xffff  }
0x58c: {  	[tilespmem:s19+$0xFFFFE0E0] =	vst v10;
	v10 =	vld.idx.msk [tilespmem:v17+s16+$0x0], $0xffff  }
0x58d: {  	v8 =	vld.idx.msk [tilespmem:v16+s16+$0x0], $0xffff;
	[tilespmem:s19+$0xFFFFE060] =	vst v29  }
0x58e: {  	[tilespmem:s15+$0xE0] =	vst v11;
	v11 =	vld.idx.msk [tilespmem:v18+s16+$0x0], $0xffff  }
0x58f: {  	v12 =	vld.idx.msk [tilespmem:v12+s17+$0x0], $0xffff;
	[tilespmem:s15+$0xFFFFE070] =	vst v25  }
0x590: {  	[tilespmem:s7+$0xFFFFE0F0] =	vst v24;
	v13 =	vld.idx.msk [tilespmem:v13+s17+$0x0], $0xffff  }
0x591: {  	v20 =	vld.idx.msk [tilespmem:v59+s17+$0x0], $0xffff;
	[tilespmem:s7+$0xFFFFE070] =	vst v10  }
0x592: {  	[tilespmem:s19+$0xFFFFE0F0] =	vst v8;
	v10 =	vld.idx.msk [tilespmem:v19+s17+$0x0], $0xffff  }
0x593: {  	v8 =	vld.idx.msk [tilespmem:v60+s17+$0x0], $0xffff;
	[tilespmem:s19+$0xFFFFE070] =	vst v11  }
0x594: {  	[tilespmem:s15+$0xF0] =	vst v12;
	v11 =	vld.idx.msk [tilespmem:v62+s17+$0x0], $0xffff  }
0x595: {  	v9 =	vld.idx.msk [tilespmem:v9+s17+$0x0], $0xffff;
	[tilespmem:s15+$0x60] =	vst v13  }
0x596: {  	[tilespmem:s7+$0xE0] =	vst v20;
	v13 =	vld.idx.msk [tilespmem:v15+s17+$0x0], $0xffff  }
0x597: {  	v12 =	vld.idx.msk [tilespmem:v14+s17+$0x0], $0xffff;
	[tilespmem:s7+$0x60] =	vst v10  }
0x598: {  	[tilespmem:s19+$0xE0] =	vst v8;
	v10 =	vld.idx.msk [tilespmem:v17+s17+$0x0], $0xffff  }
0x599: {  	v8 =	vld.idx.msk [tilespmem:v16+s17+$0x0], $0xffff;
	[tilespmem:s19+$0x60] =	vst v11  }
0x59a: {  	[tilespmem:s13+$0x70] =	vst v9;
	v9 =	vld.idx.msk [tilespmem:v18+s17+$0x0], $0xffff  }
0x59b: {  	[tilespmem:s15+$0x70] =	vst v13  }
0x59c: {  	s18 =	sor.u32 s10, s12;
	[tilespmem:s7+$0xF0] =	vst v12  }
0x59d: {  	s6 =	sshrl.u32 s18, $0x3;
	[tilespmem:s7+$0x70] =	vst v10  }
0x59e: {  	s6 =	sor.u32 $0x200000, s6;
	[tilespmem:s19+$0xF0] =	vst v8  }
0x59f: {  	s6 =	sadd.s32 s5, s6;
	[tilespmem:s19+$0x70] =	vst v9;
	s19 =	sor.u32 s11, s12  }
0x5a0: {  	[hbm4b:s6+s4] =	stream.linear.scatter [tilespmem:s30], [sflag:$0x4], $0x2000, $0x38;
	[tilespmem:$0x1F9D8] =	vst v63  }
0x5a1: {  	s6 =	sshrl.u32 s19, $0x3  }
0x5a2: {  	s24 =	sshllo.u32 s8, $0x1;
	s6 =	sor.u32 $0x200000, s6  }
0x5a3: {  	p1 =	sgt.u32 s24, $0x1E;
	s12 =	sshll.u32 s24, $0xD;
	s6 =	sadd.s32 s5, s6  }
0x5a4: {  	[hbm4b:s6+s4] =	stream.linear.scatter [tilespmem:s31], [sflag:$0x4], $0x2000, $0x38;
	[tilespmem:$0x1F9D8] =	vst v63  }
0x5a5: {  	s6 =	sshrl.u32 @!p1 s12, $0x1;
	_ =	swait.ge [sflag:s28], $0x1000  }
0x5a6: {  	s6 =	sadd.s32 @!p1 s6, s3;
	[sflag:s28] =	ssyncset.done $0x0  }
0x5a7: {  	s7 =	simm.s32 @!p1 $0x12B30;
	s6 =	sadd.s32 @!p1 $0x1000, s6;
	[sflag:s28] =	ssyncadd.s32 $0xFFFFF000  }
0x5a8: {  	[tilespmem:s7], [sflag:$0x3] =	stream.linear.gather @!p1 [spmem:s6], $0x1000, $0x38;
	[tilespmem:$0x1F9D8] =	vst v63  }
0x5a9: {  	_ =	swait.ge [sflag:s23], $0x2000  }
0x5aa: {  	[sflag:s23] =	ssyncset.done $0x0  }
0x5ab: {  	[sflag:s23] =	ssyncadd.s32 $0xFFFFE000  }
0x5ac: {  	_ =	swait.ge [sflag:s23], $0x2000  }
0x5ad: {  	[sflag:s23] =	ssyncset.done $0x0  }
0x5ae: {  	s25 =	simm.s32 $0x13BA0;
	[sflag:s23] =	ssyncadd.s32 $0xFFFFE000  }
0x5af: {  	v8 =	vld [tilespmem:s25+$0xFFFFFFD0];
	_ =	sdelay $0x4  }
0x5b0: {  	v9 =	vunpack.i.l.s16.s32 v8;
	_ =	sdelay $0x3  }
0x5b1: {  	v11 =	vld [tilespmem:s25+$0xFFFFFF90]  }
0x5b2: {  	v10 =	vld.idx.msk [tilespmem:v9+s16+$0x0], $0xffff  }
0x5b3: {  	v8 =	vunpack.i.u.s16.s32 v8;
	_ =	sdelay $0x2  }
0x5b4: {  	s14 =	simm.s32 $0x1AC20  }
0x5b5: {  	[tilespmem:s14+$0xFFFFDF90] =	vst v10;
	v10 =	vunpack.i.l.s16.s32 v11  }
0x5b6: {  	v12 =	vld.idx.msk [tilespmem:v8+s16+$0x0], $0xffff;
	_ =	sdelay $0x3  }
0x5b7: {  	v13 =	vld.idx.msk [tilespmem:v10+s16+$0x0], $0xffff  }
0x5b8: {  	v11 =	vunpack.i.u.s16.s32 v11;
	[tilespmem:s14+$0xFFFFDFA0] =	vst v12  }
0x5b9: {  	v9 =	vld.idx.msk [tilespmem:v9+s17+$0x0], $0xffff;
	_ =	sdelay $0x2  }
0x5ba: {  	[tilespmem:s14+$0xFFFFDF10] =	vst v13  }
0x5bb: {  	v12 =	vld.idx.msk [tilespmem:v11+s16+$0x0], $0xffff  }
0x5bc: {  	[tilespmem:s14+$0xFFFFFF90] =	vst v9  }
0x5bd: {  	v8 =	vld.idx.msk [tilespmem:v8+s17+$0x0], $0xffff;
	_ =	sdelay $0x2  }
0x5be: {  	[tilespmem:s14+$0xFFFFDF20] =	vst v12  }
0x5bf: {  	s26 =	simm.s32 $0x13C20;
	v9 =	vld.idx.msk [tilespmem:v10+s17+$0x0], $0xffff  }
0x5c0: {  	v10 =	vld [tilespmem:s26+$0xFFFFFFD0];
	[tilespmem:s14+$0xFFFFFFA0] =	vst v8  }
0x5c1: {  	v8 =	vld [tilespmem:s25+$0xFFFFFFE0];
	_ =	sdelay $0x3  }
0x5c2: {  	[tilespmem:s14+$0xFFFFFF10] =	vst v9;
	v12 =	vunpack.i.l.s16.s32 v10  }
0x5c3: {  	v9 =	vld.idx.msk [tilespmem:v11+s17+$0x0], $0xffff;
	v11 =	vunpack.i.l.s16.s32 v8;
	_ =	sdelay $0x2  }
0x5c4: {  	v13 =	vld [tilespmem:s26+$0xFFFFFF90]  }
0x5c5: {  	v15 =	vld.idx.msk [tilespmem:v12+s16+$0x0], $0xffff  }
0x5c6: {  	[tilespmem:s14+$0xFFFFFF20] =	vst v9;
	v9 =	vld.idx.msk [tilespmem:v11+s16+$0x0], $0xffff  }
0x5c7: {  	v10 =	vunpack.i.u.s16.s32 v10;
	v14 =	vld [tilespmem:s25+$0xFFFFFFA0]  }
0x5c8: {  	v8 =	vunpack.i.u.s16.s32 v8;
	_ =	sdelay $0x1  }
0x5c9: {  	s13 =	simm.s32 $0x1AD20;
	v16 =	vunpack.i.l.s16.s32 v13  }
0x5ca: {  	[tilespmem:s13+$0xFFFFDF90] =	vst v15  }
0x5cb: {  	v15 =	vld.idx.msk [tilespmem:v10+s16+$0x0], $0xffff;
	[tilespmem:s14+$0xFFFFDFB0] =	vst v9;
	v9 =	vunpack.i.l.s16.s32 v14  }
0x5cc: {  	v17 =	vld.idx.msk [tilespmem:v8+s16+$0x0], $0xffff;
	_ =	sdelay $0x1  }
0x5cd: {  	v18 =	vld.idx.msk [tilespmem:v16+s16+$0x0], $0xffff  }
0x5ce: {  	v13 =	vunpack.i.u.s16.s32 v13  }
0x5cf: {  	[tilespmem:s13+$0xFFFFDFA0] =	vst v15;
	v19 =	vld.idx.msk [tilespmem:v9+s16+$0x0], $0xffff  }
0x5d0: {  	v14 =	vunpack.i.u.s16.s32 v14;
	v12 =	vld.idx.msk [tilespmem:v12+s17+$0x0], $0xffff;
	[tilespmem:s14+$0xFFFFDFC0] =	vst v17  }
0x5d1: {  	v11 =	vld.idx.msk [tilespmem:v11+s17+$0x0], $0xffff  }
0x5d2: {  	[tilespmem:s13+$0xFFFFDF10] =	vst v18  }
0x5d3: {  	v15 =	vld.idx.msk [tilespmem:v13+s16+$0x0], $0xffff  }
0x5d4: {  	[tilespmem:s14+$0xFFFFDF30] =	vst v19  }
0x5d5: {  	[tilespmem:s13+$0xFFFFFF90] =	vst v12;
	v17 =	vld.idx.msk [tilespmem:v14+s16+$0x0], $0xffff  }
0x5d6: {  	v10 =	vld.idx.msk [tilespmem:v10+s17+$0x0], $0xffff;
	[tilespmem:s14+$0xFFFFFFB0] =	vst v11  }
0x5d7: {  	v8 =	vld.idx.msk [tilespmem:v8+s17+$0x0], $0xffff  }
0x5d8: {  	[tilespmem:s13+$0xFFFFDF20] =	vst v15  }
0x5d9: {  	v11 =	vld.idx.msk [tilespmem:v16+s17+$0x0], $0xffff  }
0x5da: {  	[tilespmem:s14+$0xFFFFDF40] =	vst v17  }
0x5db: {  	[tilespmem:s13+$0xFFFFFFA0] =	vst v10;
	v9 =	vld.idx.msk [tilespmem:v9+s17+$0x0], $0xffff  }
0x5dc: {  	v10 =	vld [tilespmem:s26+$0xFFFFFFE0];
	[tilespmem:s14+$0xFFFFFFC0] =	vst v8  }
0x5dd: {  	v8 =	vld [tilespmem:s25+$0xFFFFFFF0]  }
0x5de: {  	[tilespmem:s13+$0xFFFFFF10] =	vst v11  }
0x5df: {  	v11 =	vld.idx.msk [tilespmem:v13+s17+$0x0], $0xffff  }
0x5e0: {  	s6 =	simm.s32 $0x13CA0  }
0x5e1: {  	[tilespmem:s14+$0xFFFFFF30] =	vst v9;
	v9 =	vld [tilespmem:s6+$0xFFFFFFD0];
	v15 =	vunpack.i.l.s16.s32 v10  }
0x5e2: {  	v12 =	vld.idx.msk [tilespmem:v14+s17+$0x0], $0xffff;
	v13 =	vunpack.i.l.s16.s32 v8  }
0x5e3: {  	v14 =	vld [tilespmem:s6+$0xFFFFFF90]  }
0x5e4: {  	[tilespmem:s13+$0xFFFFFF20] =	vst v11  }
0x5e5: {  	v11 =	vld [tilespmem:s26+$0xFFFFFFA0]  }
0x5e6: {  	v16 =	vunpack.i.l.s16.s32 v9;
	v19 =	vld.idx.msk [tilespmem:v15+s16+$0x0], $0xffff  }
0x5e7: {  	[tilespmem:s14+$0xFFFFFF40] =	vst v12;
	v12 =	vld.idx.msk [tilespmem:v13+s16+$0x0], $0xffff  }
0x5e8: {  	v18 =	vunpack.i.l.s16.s32 v14;
	v17 =	vld [tilespmem:s25+$0xFFFFFFB0]  }
0x5e9: {  	v10 =	vunpack.i.u.s16.s32 v10  }
0x5ea: {  	v30 =	vunpack.i.l.s16.s32 v11  }
0x5eb: {  	v8 =	vunpack.i.u.s16.s32 v8;
	v31 =	vld.idx.msk [tilespmem:v16+s16+$0x0], $0xffff  }
0x5ec: {  	v9 =	vunpack.i.u.s16.s32 v9;
	[tilespmem:s13+$0xFFFFDFB0] =	vst v19  }
0x5ed: {  	v33 =	vld.idx.msk [tilespmem:v18+s16+$0x0], $0xffff;
	[tilespmem:s14+$0xFFFFDFD0] =	vst v12;
	v12 =	vunpack.i.l.s16.s32 v17  }
0x5ee: {  	v14 =	vunpack.i.u.s16.s32 v14;
	v19 =	vld.idx.msk [tilespmem:v10+s16+$0x0], $0xffff  }
0x5ef: {  	s15 =	simm.s32 $0x1AE20;
	v34 =	vld.idx.msk [tilespmem:v30+s16+$0x0], $0xffff  }
0x5f0: {  	v11 =	vunpack.i.u.s16.s32 v11;
	v32 =	vld.idx.msk [tilespmem:v8+s16+$0x0], $0xffff;
	[tilespmem:s15+$0xFFFFDF90] =	vst v31  }
0x5f1: {  	v21 =	vld.idx.msk [tilespmem:v9+s16+$0x0], $0xffff  }
0x5f2: {  	[tilespmem:s15+$0xFFFFDF10] =	vst v33;
	v35 =	vld.idx.msk [tilespmem:v12+s16+$0x0], $0xffff  }
0x5f3: {  	[tilespmem:s13+$0xFFFFDFC0] =	vst v19;
	v36 =	vld.idx.msk [tilespmem:v14+s16+$0x0], $0xffff  }
0x5f4: {  	v17 =	vunpack.i.u.s16.s32 v17;
	[tilespmem:s13+$0xFFFFDF30] =	vst v34;
	v15 =	vld.idx.msk [tilespmem:v15+s17+$0x0], $0xffff  }
0x5f5: {  	[tilespmem:s14+$0xFFFFDFE0] =	vst v32;
	v19 =	vld.idx.msk [tilespmem:v11+s16+$0x0], $0xffff  }
0x5f6: {  	v13 =	vld.idx.msk [tilespmem:v13+s17+$0x0], $0xffff;
	[tilespmem:s15+$0xFFFFDFA0] =	vst v21  }
0x5f7: {  	[tilespmem:s14+$0xFFFFDF50] =	vst v35  }
0x5f8: {  	v16 =	vld.idx.msk [tilespmem:v16+s17+$0x0], $0xffff;
	[tilespmem:s15+$0xFFFFDF20] =	vst v36  }
0x5f9: {  	[tilespmem:s13+$0xFFFFFFB0] =	vst v15;
	v37 =	vld.idx.msk [tilespmem:v17+s16+$0x0], $0xffff  }
0x5fa: {  	[tilespmem:s13+$0xFFFFDF40] =	vst v19;
	v10 =	vld.idx.msk [tilespmem:v10+s17+$0x0], $0xffff  }
0x5fb: {  	[tilespmem:s14+$0xFFFFFFD0] =	vst v13;
	v13 =	vld.idx.msk [tilespmem:v18+s17+$0x0], $0xffff  }
0x5fc: {  	v15 =	vld.idx.msk [tilespmem:v30+s17+$0x0], $0xffff  }
0x5fd: {  	s9 =	simm.s32 $0x13D20;
	v8 =	vld.idx.msk [tilespmem:v8+s17+$0x0], $0xffff  }
0x5fe: {  	[tilespmem:s15+$0xFFFFFF90] =	vst v16;
	v16 =	vld [tilespmem:s9+$0xFFFFFF90]  }
0x5ff: {  	[tilespmem:s14+$0xFFFFDF60] =	vst v37;
	v9 =	vld.idx.msk [tilespmem:v9+s17+$0x0], $0xffff  }
0x600: {  	[tilespmem:s13+$0xFFFFFFC0] =	vst v10;
	v12 =	vld.idx.msk [tilespmem:v12+s17+$0x0], $0xffff  }
0x601: {  	[tilespmem:s15+$0xFFFFFF10] =	vst v13;
	v10 =	vld [tilespmem:s26+$0xFFFFFFF0]  }
0x602: {  	[tilespmem:s14+$0xFFFFFFE0] =	vst v8;
	v13 =	vld.idx.msk [tilespmem:v14+s17+$0x0], $0xffff  }
0x603: {  	v8 =	vld [tilespmem:s25+$0x0]  }
0x604: {  	[tilespmem:s13+$0xFFFFFF30] =	vst v15;
	v14 =	vld [tilespmem:s9+$0xFFFFFFD0]  }
0x605: {  	v11 =	vld.idx.msk [tilespmem:v11+s17+$0x0], $0xffff;
	[tilespmem:s15+$0xFFFFFFA0] =	vst v9  }
0x606: {  	v9 =	vld [tilespmem:s6+$0xFFFFFFE0];
	[tilespmem:s14+$0xFFFFFF50] =	vst v12  }
0x607: {  	v15 =	vld.idx.msk [tilespmem:v17+s17+$0x0], $0xffff;
	v17 =	vunpack.i.l.s16.s32 v10  }
0x608: {  	[tilespmem:s15+$0xFFFFFF20] =	vst v13;
	v12 =	vunpack.i.l.s16.s32 v8  }
0x609: {  	v19 =	vunpack.i.l.s16.s32 v14;
	v13 =	vld [tilespmem:s6+$0xFFFFFFA0]  }
0x60a: {  	[tilespmem:s13+$0xFFFFFF40] =	vst v11  }
0x60b: {  	v38 =	vld [tilespmem:s26+$0xFFFFFFB0];
	v18 =	vunpack.i.l.s16.s32 v9  }
0x60c: {  	[tilespmem:s14+$0xFFFFFF60] =	vst v15;
	v15 =	vunpack.i.l.s16.s32 v16;
	v39 =	vld.idx.msk [tilespmem:v17+s16+$0x0], $0xffff  }
0x60d: {  	v10 =	vunpack.i.u.s16.s32 v10;
	v11 =	vld.idx.msk [tilespmem:v12+s16+$0x0], $0xffff  }
0x60e: {  	v43 =	vld.idx.msk [tilespmem:v19+s16+$0x0], $0xffff;
	v41 =	vunpack.i.l.s16.s32 v13  }
0x60f: {  	v8 =	vunpack.i.u.s16.s32 v8;
	v40 =	vld [tilespmem:s25+$0xFFFFFFC0]  }
0x610: {  	v14 =	vunpack.i.u.s16.s32 v14;
	v42 =	vld.idx.msk [tilespmem:v18+s16+$0x0], $0xffff  }
0x611: {  	v9 =	vunpack.i.u.s16.s32 v9;
	v27 =	vld.idx.msk [tilespmem:v15+s16+$0x0], $0xffff;
	[tilespmem:s13+$0xFFFFDFD0] =	vst v39  }
0x612: {  	[tilespmem:s14+$0xFFFFDFF0] =	vst v11;
	v11 =	vunpack.i.l.s16.s32 v38;
	v21 =	vld.idx.msk [tilespmem:v10+s16+$0x0], $0xffff  }
0x613: {  	s7 =	simm.s32 $0x1AF20;
	v16 =	vunpack.i.u.s16.s32 v16;
	v28 =	vld.idx.msk [tilespmem:v41+s16+$0x0], $0xffff  }
0x614: {  	[tilespmem:s7+$0xFFFFDF90] =	vst v43;
	v44 =	vld.idx.msk [tilespmem:v8+s16+$0x0], $0xffff  }
0x615: {  	v29 =	vld.idx.msk [tilespmem:v14+s16+$0x0], $0xffff;
	[tilespmem:s15+$0xFFFFDFB0] =	vst v42  }
0x616: {  	v13 =	vunpack.i.u.s16.s32 v13;
	v24 =	vld.idx.msk [tilespmem:v9+s16+$0x0], $0xffff  }
0x617: {  	[tilespmem:s7+$0xFFFFDF10] =	vst v27;
	v45 =	vld.idx.msk [tilespmem:v11+s16+$0x0], $0xffff  }
0x618: {  	v46 =	vld.idx.msk [tilespmem:v16+s16+$0x0], $0xffff;
	[tilespmem:s13+$0xFFFFDFE0] =	vst v21  }
0x619: {  	v20 =	vunpack.i.u.s16.s32 v38;
	[tilespmem:s14+$0xFFFFE000] =	vst v44;
	v17 =	vld.idx.msk [tilespmem:v17+s17+$0x0], $0xffff  }
0x61a: {  	[tilespmem:s15+$0xFFFFDF30] =	vst v28;
	v12 =	vld.idx.msk [tilespmem:v12+s17+$0x0], $0xffff  }
0x61b: {  	[tilespmem:s7+$0xFFFFDFA0] =	vst v29;
	v47 =	vld.idx.msk [tilespmem:v13+s16+$0x0], $0xffff  }
0x61c: {  	v19 =	vld.idx.msk [tilespmem:v19+s17+$0x0], $0xffff;
	[tilespmem:s15+$0xFFFFDFC0] =	vst v24  }
0x61d: {  	v18 =	vld.idx.msk [tilespmem:v18+s17+$0x0], $0xffff;
	[tilespmem:s13+$0xFFFFDF50] =	vst v45  }
0x61e: {  	v48 =	vld.idx.msk [tilespmem:v20+s16+$0x0], $0xffff;
	[tilespmem:s13+$0xFFFFFFD0] =	vst v17  }
0x61f: {  	[tilespmem:s14+$0xFFFFFFF0] =	vst v12;
	v10 =	vld.idx.msk [tilespmem:v10+s17+$0x0], $0xffff  }
0x620: {  	[tilespmem:s7+$0xFFFFDF20] =	vst v46;
	v12 =	vld.idx.msk [tilespmem:v8+s17+$0x0], $0xffff  }
0x621: {  	[tilespmem:s15+$0xFFFFDF40] =	vst v47;
	v8 =	vld.idx.msk [tilespmem:v15+s17+$0x0], $0xffff;
	v15 =	vunpack.i.l.s16.s32 v40  }
0x622: {  	[tilespmem:s7+$0xFFFFFF90] =	vst v19;
	v17 =	vld.idx.msk [tilespmem:v41+s17+$0x0], $0xffff  }
0x623: {  	v14 =	vld.idx.msk [tilespmem:v14+s17+$0x0], $0xffff;
	[tilespmem:s15+$0xFFFFFFB0] =	vst v18  }
0x624: {  	v9 =	vld.idx.msk [tilespmem:v9+s17+$0x0], $0xffff;
	[tilespmem:s13+$0xFFFFDF60] =	vst v48  }
0x625: {  	v11 =	vld.idx.msk [tilespmem:v11+s17+$0x0], $0xffff  }
0x626: {  	[tilespmem:s13+$0xFFFFFFE0] =	vst v10;
	v18 =	vld.idx.msk [tilespmem:v15+s16+$0x0], $0xffff  }
0x627: {  	[tilespmem:s15+$0xFFFFFF30] =	vst v17;
	v10 =	vld [tilespmem:s26+$0x0]  }
0x628: {  	[tilespmem:s7+$0xFFFFFFA0] =	vst v14;
	v13 =	vld.idx.msk [tilespmem:v13+s17+$0x0], $0xffff  }
0x629: {  	[tilespmem:s7+$0xFFFFFF10] =	vst v8;
	v8 =	vunpack.i.u.s16.s32 v40;
	v14 =	vld [tilespmem:s9+$0xFFFFFFE0]  }
0x62a: {  	v16 =	vld.idx.msk [tilespmem:v16+s17+$0x0], $0xffff;
	[tilespmem:s15+$0xFFFFFFC0] =	vst v9  }
0x62b: {  	v9 =	vld [tilespmem:s6+$0xFFFFFFF0];
	[tilespmem:s13+$0xFFFFFF50] =	vst v11  }
0x62c: {  	s18 =	simm.s32 $0x13DA0;
	v11 =	vld.idx.msk [tilespmem:v20+s17+$0x0], $0xffff  }
0x62d: {  	[tilespmem:s14+$0xFFFFDF70] =	vst v18;
	v17 =	vunpack.i.l.s16.s32 v10;
	v18 =	vld [tilespmem:s18+$0xFFFFFFD0]  }
0x62e: {  	v50 =	vunpack.i.l.s16.s32 v14;
	v19 =	vld.idx.msk [tilespmem:v8+s16+$0x0], $0xffff  }
0x62f: {  	[tilespmem:s7+$0xFFFFFF20] =	vst v16;
	v16 =	vld [tilespmem:s18+$0xFFFFFF90]  }
0x630: {  	[tilespmem:s15+$0xFFFFFF40] =	vst v13;
	v13 =	vld [tilespmem:s9+$0xFFFFFFA0]  }
0x631: {  	v51 =	vld [tilespmem:s6+$0xFFFFFFB0];
	v49 =	vunpack.i.l.s16.s32 v9  }
0x632: {  	[tilespmem:s13+$0xFFFFFF60] =	vst v11;
	v11 =	vld.idx.msk [tilespmem:v17+s16+$0x0], $0xffff;
	v52 =	vunpack.i.l.s16.s32 v18  }
0x633: {  	v10 =	vunpack.i.u.s16.s32 v10;
	v55 =	vld.idx.msk [tilespmem:v50+s16+$0x0], $0xffff  }
0x634: {  	v24 =	vld [tilespmem:s26+$0xFFFFFFC0];
	[tilespmem:s14+$0xFFFFDF80] =	vst v19;
	v19 =	vunpack.i.l.s16.s32 v16  }
0x635: {  	v15 =	vld.idx.msk [tilespmem:v15+s17+$0x0], $0xffff;
	v54 =	vunpack.i.l.s16.s32 v13  }
0x636: {  	v14 =	vunpack.i.u.s16.s32 v14;
	v53 =	vld.idx.msk [tilespmem:v49+s16+$0x0], $0xffff  }
0x637: {  	v9 =	vunpack.i.u.s16.s32 v9;
	v56 =	vld.idx.msk [tilespmem:v52+s16+$0x0], $0xffff;
	[tilespmem:s13+$0xFFFFDFF0] =	vst v11  }
0x638: {  	v11 =	vunpack.i.l.s16.s32 v51;
	v57 =	vld.idx.msk [tilespmem:v10+s16+$0x0], $0xffff  }
0x639: {  	v18 =	vunpack.i.u.s16.s32 v18;
	[tilespmem:s7+$0xFFFFDFB0] =	vst v55;
	v30 =	vld.idx.msk [tilespmem:v19+s16+$0x0], $0xffff  }
0x63a: {  	v58 =	vld.idx.msk [tilespmem:v54+s16+$0x0], $0xffff;
	[tilespmem:s14+$0xFFFFFF70] =	vst v15  }
0x63b: {  	v16 =	vunpack.i.u.s16.s32 v16;
	v15 =	vld.idx.msk [tilespmem:v14+s16+$0x0], $0xffff;
	[tilespmem:s15+$0xFFFFDFD0] =	vst v53  }
0x63c: {  	s24 =	simm.s32 $0x1B020;
	[tilespmem:s14+$0x0] =	vst v12;
	v13 =	vunpack.i.u.s16.s32 v13;
	v12 =	vld.idx.msk [tilespmem:v9+s16+$0x0], $0xffff  }
0x63d: {  	[tilespmem:s24+$0xFFFFDF90] =	vst v56;
	v59 =	vld.idx.msk [tilespmem:v11+s16+$0x0], $0xffff  }
0x63e: {  	v28 =	vld.idx.msk [tilespmem:v18+s16+$0x0], $0xffff;
	[tilespmem:s13+$0xFFFFE000] =	vst v57  }
0x63f: {  	v22 =	vunpack.i.u.s16.s32 v51;
	[tilespmem:s24+$0xFFFFDF10] =	vst v30;
	v17 =	vld.idx.msk [tilespmem:v17+s17+$0x0], $0xffff  }
0x640: {  	v60 =	vld.idx.msk [tilespmem:v16+s16+$0x0], $0xffff;
	[tilespmem:s7+$0xFFFFDF30] =	vst v58  }
0x641: {  	[tilespmem:s7+$0xFFFFDFC0] =	vst v15;
	v61 =	vld.idx.msk [tilespmem:v13+s16+$0x0], $0xffff  }
0x642: {  	v15 =	vld.idx.msk [tilespmem:v50+s17+$0x0], $0xffff;
	[tilespmem:s15+$0xFFFFDFE0] =	vst v12  }
0x643: {  	[tilespmem:s15+$0xFFFFDF50] =	vst v59;
	v12 =	vld.idx.msk [tilespmem:v49+s17+$0x0], $0xffff  }
0x644: {  	[tilespmem:s24+$0xFFFFDFA0] =	vst v28;
	v62 =	vld.idx.msk [tilespmem:v22+s16+$0x0], $0xffff  }
0x645: {  	v23 =	vld.idx.msk [tilespmem:v52+s17+$0x0], $0xffff;
	[tilespmem:s13+$0xFFFFFFF0] =	vst v17  }
0x646: {  	[tilespmem:s24+$0xFFFFDF20] =	vst v60;
	v17 =	vld.idx.msk [tilespmem:v10+s17+$0x0], $0xffff  }
0x647: {  	v19 =	vld.idx.msk [tilespmem:v19+s17+$0x0], $0xffff;
	[tilespmem:s7+$0xFFFFFFB0] =	vst v15  }
0x648: {  	v10 =	vunpack.i.l.s16.s32 v24;
	v14 =	vld.idx.msk [tilespmem:v14+s17+$0x0], $0xffff;
	[tilespmem:s15+$0xFFFFFFD0] =	vst v12  }
0x649: {  	[tilespmem:s7+$0xFFFFDF40] =	vst v61;
	v9 =	vld.idx.msk [tilespmem:v9+s17+$0x0], $0xffff  }
0x64a: {  	v12 =	vld.idx.msk [tilespmem:v54+s17+$0x0], $0xffff;
	[tilespmem:s15+$0xFFFFDF60] =	vst v62  }
0x64b: {  	[tilespmem:s24+$0xFFFFFF90] =	vst v23;
	v11 =	vld.idx.msk [tilespmem:v11+s17+$0x0], $0xffff  }
0x64c: {  	v18 =	vld.idx.msk [tilespmem:v18+s17+$0x0], $0xffff;
	[tilespmem:s24+$0xFFFFFF10] =	vst v19  }
0x64d: {  	v19 =	vld.idx.msk [tilespmem:v10+s16+$0x0], $0xffff;
	[tilespmem:s7+$0xFFFFFFC0] =	vst v14  }
0x64e: {  	v63 =	vld.idx.msk [tilespmem:v16+s17+$0x0], $0xffff;
	[tilespmem:s15+$0xFFFFFFE0] =	vst v9  }
0x64f: {  	[tilespmem:s7+$0xFFFFFF30] =	vst v12;
	v9 =	vunpack.i.u.s16.s32 v24;
	v12 =	vld [tilespmem:s6+$0x0]  }
0x650: {  	[tilespmem:s13+$0x0] =	vst v17;
	v15 =	vld [tilespmem:s9+$0xFFFFFFF0]  }
0x651: {  	v17 =	vld.idx.msk [tilespmem:v13+s17+$0x0], $0xffff;
	[tilespmem:s15+$0xFFFFFF50] =	vst v11  }
0x652: {  	[tilespmem:s24+$0xFFFFFFA0] =	vst v18;
	v14 =	vld.idx.msk [tilespmem:v22+s17+$0x0], $0xffff  }
0x653: {  	[tilespmem:s13+$0xFFFFDF70] =	vst v19;
	v16 =	vld [tilespmem:s18+$0xFFFFFFE0]  }
0x654: {  	s19 =	simm.s32 $0x1B020;
	s25 =	simm.s32 $0x400;
	s26 =	simm.s32 $0x13E20;
	[tilespmem:s24+$0xFFFFFF20] =	vst v63;
	v13 =	vld.idx.msk [tilespmem:v9+s16+$0x0], $0xffff;
	v11 =	vunpack.i.l.s16.s32 v12  }
.LBB2_43:
0x655: {  	v18 =	vld [tilespmem:s26+$0xFFFFFFD0];
	s25 =	sadd.s32 $0x100, s25  }
0x656: {  	v19 =	vld [tilespmem:s26+$0xFFFFFF90];
	p1 =	slt.u32 s25, $0x1F00;
	[tilespmem:s7+$0xFFFFFF40] =	vst v17;
	v17 =	vunpack.i.l.s16.s32 v15  }
0x657: {  	v20 =	vld [tilespmem:s18+$0xFFFFFFA0]  }
0x658: {  	v21 =	vunpack.i.l.s16.s32 v16;
	v22 =	vld [tilespmem:s9+$0xFFFFFFB0];
	[tilespmem:s15+$0xFFFFFF60] =	vst v14  }
0x659: {  	v14 =	vld.idx.msk [tilespmem:v11+s16+$0x0], $0xffff  }
0x65a: {  	v23 =	vunpack.i.l.s16.s32 v18;
	v24 =	vld [tilespmem:s6+$0xFFFFFFC0];
	[tilespmem:s13+$0xFFFFDF80] =	vst v13;
	s6 =	smov.u32 s9;
	s9 =	smov.u32 s18;
	s18 =	smov.u32 s26  }
0x65b: {  	v12 =	vunpack.i.u.s16.s32 v12;
	v13 =	vunpack.i.u.s16.s32 v19;
	v19 =	vunpack.i.l.s16.s32 v19;
	v25 =	vld.idx.msk [tilespmem:v17+s16+$0x0], $0xffff  }
0x65c: {  	v26 =	vunpack.i.u.s16.s32 v20;
	v20 =	vunpack.i.l.s16.s32 v20;
	v27 =	vld.idx.msk [tilespmem:v10+s17+$0x0], $0xffff  }
0x65d: {  	v15 =	vunpack.i.u.s16.s32 v15;
	v28 =	vld.idx.msk [tilespmem:v21+s16+$0x0], $0xffff;
	v29 =	vunpack.i.u.s16.s32 v22;
	v22 =	vunpack.i.l.s16.s32 v22  }
0x65e: {  	v30 =	vld.idx.msk [tilespmem:v8+s17+$0x0], $0xffff;
	v8 =	vmov v9  }
0x65f: {  	v16 =	vunpack.i.u.s16.s32 v16;
	v31 =	vld.idx.msk [tilespmem:v23+s16+$0x0], $0xffff;
	v9 =	vunpack.i.u.s16.s32 v24;
	v10 =	vunpack.i.l.s16.s32 v24;
	[tilespmem:s15+$0xFFFFDFF0] =	vst v14  }
0x660: {  	v14 =	vld.idx.msk [tilespmem:v12+s16+$0x0], $0xffff  }
0x661: {  	v18 =	vunpack.i.u.s16.s32 v18;
	v24 =	vld.idx.msk [tilespmem:v19+s16+$0x0], $0xffff;
	[tilespmem:s7+$0xFFFFDFD0] =	vst v25  }
0x662: {  	v25 =	vld.idx.msk [tilespmem:v15+s16+$0x0], $0xffff;
	[tilespmem:s13+$0xFFFFFF70] =	vst v27  }
0x663: {  	v27 =	vld.idx.msk [tilespmem:v20+s16+$0x0], $0xffff;
	[tilespmem:s24+$0xFFFFDFB0] =	vst v28  }
0x664: {  	s24 =	sadd.s32 $0x100, s24;
	v28 =	vld.idx.msk [tilespmem:v16+s16+$0x0], $0xffff;
	[tilespmem:s14+$0xFFFFFF80] =	vst v30;
	s14 =	smov.u32 s13;
	s13 =	smov.u32 s15  }
0x665: {  	s15 =	smov.u32 s7;
	s7 =	smov.u32 s19;
	s19 =	smov.u32 s24;
	[tilespmem:s24+$0xFFFFDF90] =	vst v31;
	v30 =	vld.idx.msk [tilespmem:v22+s16+$0x0], $0xffff  }
0x666: {  	v31 =	vld.idx.msk [tilespmem:v18+s16+$0x0], $0xffff;
	[tilespmem:s13+$0xFFFFE000] =	vst v14  }
0x667: {  	[tilespmem:s24+$0xFFFFDF10] =	vst v24;
	v11 =	vld.idx.msk [tilespmem:v11+s17+$0x0], $0xffff  }
0x668: {  	v14 =	vld.idx.msk [tilespmem:v13+s16+$0x0], $0xffff;
	[tilespmem:s15+$0xFFFFDFE0] =	vst v25  }
0x669: {  	[tilespmem:s7+$0xFFFFDF30] =	vst v27;
	v17 =	vld.idx.msk [tilespmem:v17+s17+$0x0], $0xffff  }
0x66a: {  	v24 =	vld.idx.msk [tilespmem:v26+s16+$0x0], $0xffff;
	[tilespmem:s7+$0xFFFFDFC0] =	vst v28  }
0x66b: {  	v21 =	vld.idx.msk [tilespmem:v21+s17+$0x0], $0xffff;
	[tilespmem:s15+$0xFFFFDF50] =	vst v30  }
0x66c: {  	[tilespmem:s24+$0xFFFFDFA0] =	vst v31;
	v25 =	vld.idx.msk [tilespmem:v29+s16+$0x0], $0xffff  }
0x66d: {  	v23 =	vld.idx.msk [tilespmem:v23+s17+$0x0], $0xffff;
	[tilespmem:s13+$0xFFFFFFF0] =	vst v11  }
0x66e: {  	[tilespmem:s24+$0xFFFFDF20] =	vst v14;
	v11 =	vld.idx.msk [tilespmem:v12+s17+$0x0], $0xffff  }
0x66f: {  	v12 =	vld.idx.msk [tilespmem:v19+s17+$0x0], $0xffff;
	[tilespmem:s15+$0xFFFFFFD0] =	vst v17  }
0x670: {  	[tilespmem:s7+$0xFFFFDF40] =	vst v24;
	v14 =	vld.idx.msk [tilespmem:v15+s17+$0x0], $0xffff  }
0x671: {  	v15 =	vld.idx.msk [tilespmem:v20+s17+$0x0], $0xffff;
	[tilespmem:s7+$0xFFFFFFB0] =	vst v21  }
0x672: {  	v16 =	vld.idx.msk [tilespmem:v16+s17+$0x0], $0xffff;
	[tilespmem:s15+$0xFFFFDF60] =	vst v25  }
0x673: {  	[tilespmem:s24+$0xFFFFFF90] =	vst v23;
	v19 =	vld.idx.msk [tilespmem:v22+s17+$0x0], $0xffff  }
0x674: {  	v18 =	vld.idx.msk [tilespmem:v18+s17+$0x0], $0xffff;
	[tilespmem:s13+$0x0] =	vst v11  }
0x675: {  	[tilespmem:s24+$0xFFFFFF10] =	vst v12;
	v11 =	vld.idx.msk [tilespmem:v10+s16+$0x0], $0xffff  }
0x676: {  	v13 =	vld.idx.msk [tilespmem:v13+s17+$0x0], $0xffff;
	[tilespmem:s15+$0xFFFFFFE0] =	vst v14  }
0x677: {  	[tilespmem:s7+$0xFFFFFF30] =	vst v15;
	v12 =	vld [tilespmem:s6+$0x0]  }
.Ltmp32:
0x678: {  	v17 =	vld.idx.msk [tilespmem:v26+s17+$0x0], $0xffff;
	[tilespmem:s7+$0xFFFFFFC0] =	vst v16;
	(pc) =	sbr.rel @p1 .LBB2_43-.Ltmp32, $4  }
0x679: {  	v15 =	vld [tilespmem:s9+$0xFFFFFFF0];
	[tilespmem:s15+$0xFFFFFF50] =	vst v19  }
0x67a: {  	[tilespmem:s24+$0xFFFFFFA0] =	vst v18;
	v14 =	vld.idx.msk [tilespmem:v29+s17+$0x0], $0xffff  }
0x67b: {  	v16 =	vld [tilespmem:s26+$0xFFFFFFE0];
	[tilespmem:s13+$0xFFFFDF70] =	vst v11  }
0x67c: {  	s26 =	sadd.s32 $0x80, s26;
	[tilespmem:s24+$0xFFFFFF20] =	vst v13;
	v11 =	vunpack.i.l.s16.s32 v12;
	v13 =	vld.idx.msk [tilespmem:v9+s16+$0x0], $0xffff  }
0x67d: {  	v18 =	vld [tilespmem:s18+$0xFFFFFFA0];
	_ =	sdelay $0x3  }
0x67e: {  	v19 =	vunpack.i.l.s16.s32 v16  }
0x67f: {  	v20 =	vunpack.i.l.s16.s32 v18;
	_ =	sdelay $0x3  }
0x680: {  	v21 =	vld.idx.msk [tilespmem:v19+s16+$0x0], $0xffff  }
0x681: {  	v40 =	vunpack.i.u.s16.s32 v16;
	v22 =	vld.idx.msk [tilespmem:v20+s16+$0x0], $0xffff  }
0x682: {  	v18 =	vunpack.i.u.s16.s32 v18;
	_ =	sdelay $0x2  }
0x683: {  	[tilespmem:s24+$0xFFFFDFB0] =	vst v21  }
0x684: {  	v21 =	vld.idx.msk [tilespmem:v40+s16+$0x0], $0xffff;
	[tilespmem:s19+$0xFFFFDF30] =	vst v22  }
0x685: {  	v22 =	vld.idx.msk [tilespmem:v18+s16+$0x0], $0xffff;
	_ =	sdelay $0x3  }
0x686: {  	[tilespmem:s19+$0xFFFFDFC0] =	vst v21  }
0x687: {  	v19 =	vld.idx.msk [tilespmem:v19+s17+$0x0], $0xffff;
	[tilespmem:s19+$0xFFFFDF40] =	vst v22  }
0x688: {  	v20 =	vld.idx.msk [tilespmem:v20+s17+$0x0], $0xffff;
	_ =	sdelay $0x3  }
0x689: {  	[tilespmem:s19+$0xFFFFFFB0] =	vst v19  }
0x68a: {  	v16 =	vld.idx.msk [tilespmem:v40+s17+$0x0], $0xffff;
	[tilespmem:s19+$0xFFFFFF30] =	vst v20  }
0x68b: {  	v18 =	vld.idx.msk [tilespmem:v18+s17+$0x0], $0xffff;
	_ =	sdelay $0x1  }
0x68c: {  	[tilespmem:s7+$0xFFFFFF40] =	vst v17  }
0x68d: {  	v17 =	vld [tilespmem:s9+$0xFFFFFFB0]  }
0x68e: {  	[tilespmem:s19+$0xFFFFFFC0] =	vst v16  }
0x68f: {  	v16 =	vld [tilespmem:s18+$0xFFFFFFF0];
	[tilespmem:s19+$0xFFFFFF40] =	vst v18  }
0x690: {  	v18 =	vld [tilespmem:s18+$0xFFFFFFB0];
	_ =	sdelay $0x1  }
0x691: {  	v43 =	vunpack.i.l.s16.s32 v17  }
0x692: {  	v41 =	vunpack.i.l.s16.s32 v15  }
0x693: {  	v42 =	vunpack.i.l.s16.s32 v16  }
0x694: {  	v44 =	vunpack.i.l.s16.s32 v18;
	_ =	sdelay $0x1  }
0x695: {  	v25 =	vld.idx.msk [tilespmem:v43+s16+$0x0], $0xffff  }
0x696: {  	v23 =	vld.idx.msk [tilespmem:v41+s16+$0x0], $0xffff;
	v17 =	vunpack.i.u.s16.s32 v17  }
0x697: {  	v45 =	vunpack.i.u.s16.s32 v15;
	v24 =	vld.idx.msk [tilespmem:v42+s16+$0x0], $0xffff  }
0x698: {  	v16 =	vunpack.i.u.s16.s32 v16;
	v26 =	vld.idx.msk [tilespmem:v44+s16+$0x0], $0xffff  }
0x699: {  	v18 =	vunpack.i.u.s16.s32 v18  }
0x69a: {  	[tilespmem:s7+$0xFFFFDF50] =	vst v25  }
0x69b: {  	[tilespmem:s7+$0xFFFFDFD0] =	vst v23;
	v25 =	vld.idx.msk [tilespmem:v17+s16+$0x0], $0xffff  }
0x69c: {  	v23 =	vld.idx.msk [tilespmem:v45+s16+$0x0], $0xffff;
	[tilespmem:s19+$0xFFFFDFD0] =	vst v24  }
0x69d: {  	v24 =	vld.idx.msk [tilespmem:v16+s16+$0x0], $0xffff;
	[tilespmem:s19+$0xFFFFDF50] =	vst v26  }
0x69e: {  	v26 =	vld.idx.msk [tilespmem:v18+s16+$0x0], $0xffff;
	_ =	sdelay $0x1  }
0x69f: {  	[tilespmem:s7+$0xFFFFDF60] =	vst v25  }
0x6a0: {  	[tilespmem:s7+$0xFFFFDFE0] =	vst v23;
	v21 =	vld.idx.msk [tilespmem:v43+s17+$0x0], $0xffff  }
0x6a1: {  	v19 =	vld.idx.msk [tilespmem:v41+s17+$0x0], $0xffff;
	[tilespmem:s19+$0xFFFFDFE0] =	vst v24  }
0x6a2: {  	v20 =	vld.idx.msk [tilespmem:v42+s17+$0x0], $0xffff;
	[tilespmem:s19+$0xFFFFDF60] =	vst v26  }
0x6a3: {  	v22 =	vld.idx.msk [tilespmem:v44+s17+$0x0], $0xffff;
	_ =	sdelay $0x1  }
0x6a4: {  	[tilespmem:s7+$0xFFFFFF50] =	vst v21  }
0x6a5: {  	v17 =	vld.idx.msk [tilespmem:v17+s17+$0x0], $0xffff;
	[tilespmem:s7+$0xFFFFFFD0] =	vst v19  }
0x6a6: {  	v15 =	vld.idx.msk [tilespmem:v45+s17+$0x0], $0xffff;
	[tilespmem:s19+$0xFFFFFFD0] =	vst v20  }
0x6a7: {  	v16 =	vld.idx.msk [tilespmem:v16+s17+$0x0], $0xffff;
	[tilespmem:s19+$0xFFFFFF50] =	vst v22  }
0x6a8: {  	v18 =	vld.idx.msk [tilespmem:v18+s17+$0x0], $0xffff  }
0x6a9: {  	v46 =	vld.idx.msk [tilespmem:v11+s16+$0x0], $0xffff;
	[tilespmem:s15+$0xFFFFFF60] =	vst v14  }
0x6aa: {  	v48 =	vld [tilespmem:s6+$0xFFFFFFC0];
	[tilespmem:s7+$0xFFFFFF60] =	vst v17  }
0x6ab: {  	v17 =	vld [tilespmem:s9+$0xFFFFFFC0];
	[tilespmem:s7+$0xFFFFFFE0] =	vst v15  }
0x6ac: {  	v47 =	vld [tilespmem:s9+$0x0];
	[tilespmem:s19+$0xFFFFFFE0] =	vst v16  }
0x6ad: {  	v16 =	vld [tilespmem:s18+$0x0];
	[tilespmem:s19+$0xFFFFFF60] =	vst v18  }
0x6ae: {  	v12 =	vunpack.i.u.s16.s32 v12;
	v18 =	vld [tilespmem:s18+$0xFFFFFFC0]  }
0x6af: {  	v50 =	vunpack.i.l.s16.s32 v48  }
0x6b0: {  	v8 =	vld.idx.msk [tilespmem:v8+s17+$0x0], $0xffff;
	v52 =	vunpack.i.l.s16.s32 v17  }
0x6b1: {  	[tilespmem:s13+$0xFFFFDF80] =	vst v13;
	v49 =	vunpack.i.l.s16.s32 v47  }
0x6b2: {  	v10 =	vld.idx.msk [tilespmem:v10+s17+$0x0], $0xffff;
	[tilespmem:s15+$0xFFFFDFF0] =	vst v46;
	v51 =	vunpack.i.l.s16.s32 v16  }
0x6b3: {  	v53 =	vld.idx.msk [tilespmem:v12+s16+$0x0], $0xffff;
	v54 =	vunpack.i.l.s16.s32 v18  }
0x6b4: {  	v56 =	vld.idx.msk [tilespmem:v50+s16+$0x0], $0xffff  }
0x6b5: {  	[tilespmem:s14+$0xFFFFFF80] =	vst v8;
	v15 =	vunpack.i.u.s16.s32 v48;
	v8 =	vld.idx.msk [tilespmem:v52+s16+$0x0], $0xffff  }
0x6b6: {  	v17 =	vunpack.i.u.s16.s32 v17;
	v55 =	vld.idx.msk [tilespmem:v49+s16+$0x0], $0xffff  }
0x6b7: {  	[tilespmem:s13+$0xFFFFFF70] =	vst v10;
	v14 =	vunpack.i.u.s16.s32 v47;
	v57 =	vld.idx.msk [tilespmem:v51+s16+$0x0], $0xffff  }
0x6b8: {  	[tilespmem:s15+$0xFFFFE000] =	vst v53;
	v16 =	vunpack.i.u.s16.s32 v16;
	v58 =	vld.idx.msk [tilespmem:v54+s16+$0x0], $0xffff  }
0x6b9: {  	v9 =	vld.idx.msk [tilespmem:v9+s17+$0x0], $0xffff;
	[tilespmem:s15+$0xFFFFDF70] =	vst v56;
	v18 =	vunpack.i.u.s16.s32 v18  }
0x6ba: {  	v25 =	vld.idx.msk [tilespmem:v15+s16+$0x0], $0xffff;
	[tilespmem:s7+$0xFFFFDF70] =	vst v8  }
0x6bb: {  	v60 =	vld.idx.msk [tilespmem:v17+s16+$0x0], $0xffff;
	[tilespmem:s7+$0xFFFFDFF0] =	vst v55  }
0x6bc: {  	v24 =	vld.idx.msk [tilespmem:v14+s16+$0x0], $0xffff;
	[tilespmem:s19+$0xFFFFDFF0] =	vst v57  }
0x6bd: {  	v8 =	vld.idx.msk [tilespmem:v16+s16+$0x0], $0xffff;
	[tilespmem:s19+$0xFFFFDF70] =	vst v58  }
0x6be: {  	[tilespmem:s13+$0xFFFFFF80] =	vst v9;
	v61 =	vld.idx.msk [tilespmem:v18+s16+$0x0], $0xffff  }
0x6bf: {  	v59 =	vld.idx.msk [tilespmem:v11+s17+$0x0], $0xffff;
	[tilespmem:s15+$0xFFFFDF80] =	vst v25  }
0x6c0: {  	v13 =	vld.idx.msk [tilespmem:v50+s17+$0x0], $0xffff;
	[tilespmem:s7+$0xFFFFDF80] =	vst v60  }
0x6c1: {  	v10 =	vld.idx.msk [tilespmem:v52+s17+$0x0], $0xffff;
	[tilespmem:s7+$0xFFFFE000] =	vst v24  }
0x6c2: {  	v20 =	vld.idx.msk [tilespmem:v49+s17+$0x0], $0xffff;
	[tilespmem:s19+$0xFFFFE000] =	vst v8  }
0x6c3: {  	v8 =	vld.idx.msk [tilespmem:v51+s17+$0x0], $0xffff;
	[tilespmem:s19+$0xFFFFDF80] =	vst v61  }
0x6c4: {  	[tilespmem:s15+$0xFFFFFFF0] =	vst v59;
	v11 =	vld.idx.msk [tilespmem:v54+s17+$0x0], $0xffff  }
0x6c5: {  	v12 =	vld.idx.msk [tilespmem:v12+s17+$0x0], $0xffff;
	[tilespmem:s15+$0xFFFFFF70] =	vst v13  }
0x6c6: {  	v13 =	vld.idx.msk [tilespmem:v15+s17+$0x0], $0xffff;
	[tilespmem:s7+$0xFFFFFF70] =	vst v10  }
0x6c7: {  	v10 =	vld.idx.msk [tilespmem:v17+s17+$0x0], $0xffff;
	[tilespmem:s7+$0xFFFFFFF0] =	vst v20  }
0x6c8: {  	v62 =	vld.idx.msk [tilespmem:v14+s17+$0x0], $0xffff;
	[tilespmem:s19+$0xFFFFFFF0] =	vst v8  }
0x6c9: {  	v8 =	vld.idx.msk [tilespmem:v16+s17+$0x0], $0xffff;
	[tilespmem:s19+$0xFFFFFF70] =	vst v11  }
0x6ca: {  	[tilespmem:s15+$0x0] =	vst v12;
	v63 =	vld.idx.msk [tilespmem:v18+s17+$0x0], $0xffff  }
0x6cb: {  	[tilespmem:s15+$0xFFFFFF80] =	vst v13  }
0x6cc: {  	s25 =	sor.u32 s10, s12;
	[tilespmem:s7+$0xFFFFFF80] =	vst v10  }
0x6cd: {  	s6 =	sshrl.u32 s25, $0x3;
	[tilespmem:s7+$0x0] =	vst v62  }
0x6ce: {  	s8 =	sadd.s32 $0x1, s8;
	s6 =	sor.u32 $0x200000, s6;
	[tilespmem:s19+$0x0] =	vst v8  }
0x6cf: {  	p1 =	sne.s32 s8, $0x10;
	s6 =	sadd.s32 s5, s6;
	[tilespmem:s19+$0xFFFFFF80] =	vst v63  }
0x6d0: {  	[hbm4b:s6+s4] =	stream.linear.scatter [tilespmem:s0], [sflag:$0x4], $0x2000, $0x38;
	[tilespmem:$0x1F9D8] =	vst v63  }
.Ltmp33:
0x6d1: {  	s26 =	sor.u32 s11, s12;
	(pc) =	sbr.rel @p1 .LBB2_40-.Ltmp33, $4  }
0x6d2: {  	s6 =	sshrl.u32 s26, $0x3  }
0x6d3: {  	s6 =	sor.u32 $0x200000, s6  }
0x6d4: {  	s6 =	sadd.s32 s5, s6  }
0x6d5: {  	[hbm4b:s6+s4] =	stream.linear.scatter [tilespmem:s2], [sflag:$0x4], $0x2000, $0x38;
	[tilespmem:$0x1F9D8] =	vst v63  }
0x6d6: {  	_ =	swait.ge [sflag:s23], $0x2000  }
0x6d7: {  	[sflag:s23] =	ssyncset.done $0x0  }
0x6d8: {  	[sflag:s23] =	ssyncadd.s32 $0xFFFFE000  }
0x6d9: {  	_ =	swait.ge [sflag:s23], $0x2000  }
0x6da: {  	[sflag:s23] =	ssyncset.done $0x0  }
0x6db: {  	[sflag:s23] =	ssyncadd.s32 $0xFFFFE000  }
0x6dc: {  	_ =	swait.ge [sflag:s23], $0x2000  }
0x6dd: {  	[sflag:s23] =	ssyncset.done $0x0  }
0x6de: {  	[sflag:s23] =	ssyncadd.s32 $0xFFFFE000  }
0x6df: {  	_ =	swait.ge [sflag:s23], $0x2000  }
0x6e0: {  	s7 =	rddreg [dreg:$0xf]  }
0x6e1: {  	s6 =	rddreg [dreg:$0xc];
	s7 =	sadd.s32 $0x1, s7  }
0x6e2: {  	p1 =	sne.s32 s7, s6  }
.Ltmp34:
0x6e3: {  	_ = 	snop;
	(pc) =	sbr.rel @p1 .LBB2_1-.Ltmp34, $3  }
0x6e4: {  	_ =	sdelay $0x1  }
0x6e5: {  	[sflag:s23] =	ssyncset.done $0x0  }
0x6e6: {  	[sflag:s23] =	ssyncadd.s32 $0xFFFFE000  }
0x6e7: {  	_ =	sfence.sel $0x180000  }
0x6e8: {  	[bflag:$0x0] =	sbarrier.arrive $0xFFFF  }
0x6e9: {  	_ =	strace $0x90000047  }
0x6ea: {  	s0 =	stileid.u32;
	[bflag:$0x2] =	sbarrier.arrive $0xFFFF  }
0x6eb: {  	p0 =	sne.s32 s0, $0x0;
	s0 =	rddreg [dreg:$0x4]  }
0x6ec: {  	s0 =	sadd.s32 @!p0 $0x100000, s0  }
0x6ed: {  	[sflag:s0] =	ssyncadd.tile.s32 @!p0 $0x1;
	_ =	shalt  }
.Lfunc_end2:
_tile_overlayer_lowered:
.L_overlay_start_2:
0x6ee: {  	(tag) =	ssettag $0x2  }
0x6ef: {  	s0 =	rddreg [dreg:$0x0];
	s2 =	stileid.u32  }
0x6f0: {  	s1 =	rddreg [dreg:$0x1];
	p0 =	sne.s32 s2, $0x0  }
0x6f1: {  	s3 =	rddreg [dreg:$0x2];
	[bflag:$0x3] =	sbarrier.arrive $0xFFFF;
	s2 =	simm.s32 @!p0 $0x1C05  }
0x6f2: {  	[timem:s3], [sflag:s2] =	dma.local @!p0 [hbm:s0], s1  }
0x6f3: {  	s0 =	simm.s32 @!p0 $0x5  }
0x6f4: {  	_ =	swait.ge @!p0 [sflag:s0], s1  }
0x6f5: {  	s1 =	ssub.s32 @!p0 $0x0, s1;
	[sflag:s0] =	ssyncset.done @!p0 $0x0  }
0x6f6: {  	[sflag:s0] =	ssyncadd.s32 @!p0 s1  }
0x6f7: {  	[bflag:$0x3] =	sbarrier.arrive $0xFFFF  }
0x6f8: {  	_ =	shalt  }

</sc_bundles>
